<compile_context>
chip_gen: v7x
topology: tpu7x:2x2x1
jax: 0.10.2.dev20260603
libtpu: 0.0.44.dev20260713+nightly
codegen_flags: <defaults>
</compile_context>

<pallas_src>
import functools

import jax
import jax.numpy as jnp
from jax import lax
from jax.experimental import pallas as pl
from jax.experimental.pallas import tpu as pltpu
from jax.experimental.pallas import tpu_sc as plsc

_EMBED_DIM = 64
_BATCH = 16384
_GRP = 8

_INFO = plsc.get_sparse_core_info()
_NC, _NS, _L = _INFO.num_cores, _INFO.num_subcores, _INFO.num_lanes
_NW = _NC * _NS
_BPW = _BATCH // _NW
_PHASE = _L
_NPH = _BPW // _PHASE
_NIT = _NPH // 2


def _rsqrt_vec(x):
    i = plsc.bitcast(x, jnp.int32)
    i = jnp.int32(0x5F3759DF) - (i >> 1)
    y = plsc.bitcast(i, jnp.float32)
    hx = x * jnp.float32(-0.5)
    c = jnp.float32(1.5)
    y = y * (c + hx * y * y)
    y = y * (c + hx * y * y)
    y = y * (c + hx * y * y)
    return y


def _sc_body(s_hbm, r_hbm, o_hbm, e_hbm, rt_hbm, out_hbm,
             idx_s, idx_r, idx_o,
             sa_v, ra_v, oa_v, sb_v, rb_v, ob_v,
             out_v, sem_a, sem_b):
    wid = lax.axis_index("s") * _NC + lax.axis_index("c")
    base = wid * _BPW

    eps = jnp.float32(1e-24)
    iota = lax.iota(jnp.int32, _L)
    zero = jnp.zeros((_L,), jnp.float32)
    seven = jnp.full((_L,), _GRP - 1, jnp.int32)

    pltpu.sync_copy(s_hbm.at[pl.ds(base, _BPW)], idx_s)
    pltpu.sync_copy(r_hbm.at[pl.ds(base, _BPW)], idx_r)
    pltpu.sync_copy(o_hbm.at[pl.ds(base, _BPW)], idx_o)

    def stage_and_fetch(ph, bufs, sem):
        se_v, re_v, oe_v = bufs
        psl = pl.ds(ph * _PHASE, _L)
        v_s = idx_s[psl]
        v_r = idx_r[psl]
        v_o = idx_o[psl]
        for t in range(_L):
            dst = pl.ds(pl.multiple_of(t * _GRP, _GRP), _GRP)
            pltpu.async_copy(e_hbm.at[v_s[t] >> 3], se_v.at[dst, :], sem)
            pltpu.async_copy(rt_hbm.at[v_r[t] >> 3], re_v.at[dst, :], sem)
            pltpu.async_copy(e_hbm.at[v_o[t] >> 3], oe_v.at[dst, :], sem)

    def drain(sem, se_v):
        def body(k, carry):
            for _ in range(3):
                pltpu.make_async_copy(
                    e_hbm.at[0], se_v.at[pl.ds(0, _GRP), :], sem).wait()
            return carry
        lax.fori_loop(0, _L, body, 0)

    def compute(ph, bufs):
        pbase = base + ph * _PHASE
        se_v, re_v, oe_v = bufs
        sl = pl.ds(0, _L)
        psl = pl.ds(ph * _PHASE, _L)
        slot16 = iota * _GRP
        rl_s = slot16 + (idx_s[psl] & seven)
        rl_r = slot16 + (idx_r[psl] & seven)
        rl_o = slot16 + (idx_o[psl] & seven)

        def norm_body(j, c):
            ss, rs, os_ = c
            cj = (iota + j) & (_EMBED_DIM - 1)
            vs = plsc.load_gather(se_v, [rl_s, cj])
            vr = plsc.load_gather(re_v, [rl_r, cj])
            vo = plsc.load_gather(oe_v, [rl_o, cj])
            return (ss + vs * vs, rs + vr * vr, os_ + vo * vo)

        ss, rs, os_ = lax.fori_loop(0, _EMBED_DIM, norm_body,
                                    (zero, zero, zero), unroll=8)

        inv_s = _rsqrt_vec(jnp.maximum(ss, eps))
        inv_r = _rsqrt_vec(jnp.maximum(rs, eps))
        inv_o = _rsqrt_vec(jnp.maximum(os_, eps))

        def score_body(j, acc):
            cj = (iota + j) & (_EMBED_DIM - 1)
            vs = plsc.load_gather(se_v, [rl_s, cj])
            vr = plsc.load_gather(re_v, [rl_r, cj])
            vo = plsc.load_gather(oe_v, [rl_o, cj])
            return acc + jnp.abs(vs * inv_s + vr * inv_r - vo * inv_o)

        acc = lax.fori_loop(0, _EMBED_DIM, score_body, zero, unroll=8)
        out_v[sl] = acc
        pltpu.sync_copy(out_v, out_hbm.at[pl.ds(pbase, _PHASE)])

    bufs_a = (sa_v, ra_v, oa_v)
    bufs_b = (sb_v, rb_v, ob_v)

    stage_and_fetch(0, bufs_a, sem_a)

    def it_body(i, carry):
        ph = i * 2
        stage_and_fetch(ph + 1, bufs_b, sem_b)
        drain(sem_a, sa_v)
        compute(ph, bufs_a)

        @pl.when(i < _NIT - 1)
        def _():
            stage_and_fetch(ph + 2, bufs_a, sem_a)

        drain(sem_b, sb_v)
        compute(ph + 1, bufs_b)
        return carry

    lax.fori_loop(0, _NIT, it_body, 0)


@jax.jit
def kernel(s, r, o, e_table, r_table):
    e3 = e_table.reshape(e_table.shape[0] // _GRP, _GRP, _EMBED_DIM)
    rt3 = r_table.reshape(r_table.shape[0] // _GRP, _GRP, _EMBED_DIM)
    s1 = s.astype(jnp.int32)
    r1 = r.astype(jnp.int32)
    o1 = o.astype(jnp.int32)

    mesh = plsc.VectorSubcoreMesh(core_axis_name="c", subcore_axis_name="s")
    rowbuf = pltpu.VMEM((_PHASE * _GRP, _EMBED_DIM), jnp.float32)
    idxbuf = pltpu.VMEM((_BPW,), jnp.int32)
    run = functools.partial(
        pl.kernel,
        mesh=mesh,
        compiler_params=pltpu.CompilerParams(needs_layout_passes=False),
        out_type=jax.ShapeDtypeStruct((_BATCH,), jnp.float32),
        scratch_types=[
            idxbuf, idxbuf, idxbuf,
            rowbuf, rowbuf, rowbuf, rowbuf, rowbuf, rowbuf,
            pltpu.VMEM((_PHASE,), jnp.float32),
            pltpu.SemaphoreType.DMA,
            pltpu.SemaphoreType.DMA,
        ],
    )(_sc_body)
    return run(s1, r1, o1, e3, rt3)

# --- scband reference (transcript-rebuilt; emitter-appended) ---
"""Pipeline reference for scband-trans-emodel-16123307229654 (READ-ONLY COPY).

The authoritative reference and input builder live on the scoring server;
editing this copy changes nothing except your own understanding.
"""

import jax, jax.numpy as jnp
import numpy as np

NUM_ENTITIES = 1000000
NUM_RELATIONS = 1000
EMBED_DIM = 64
BATCH = 16384

def _l2_normalize(x, eps=1e-12):
    n = jnp.sqrt(jnp.sum(x * x, axis=-1, keepdims=True))
    return x / jnp.maximum(n, eps)

def setup_inputs(seed: int = 0) -> dict:
    key = jax.random.key(seed)
    k1, k2, k3, k4, k5 = jax.random.split(key, 5)
    s = jax.random.randint(k1, (BATCH,), 0, NUM_ENTITIES, dtype=jnp.int64 if jax.config.jax_enable_x64 else jnp.int32)
    o = jax.random.randint(k2, (BATCH,), 0, NUM_ENTITIES, dtype=jnp.int64 if jax.config.jax_enable_x64 else jnp.int32)
    r = jax.random.randint(k3, (BATCH,), 0, NUM_RELATIONS, dtype=jnp.int64 if jax.config.jax_enable_x64 else jnp.int32)
    # xavier_uniform for [num, dim]: bound = sqrt(6/(num+dim))
    eb = float(np.sqrt(6.0 / (NUM_ENTITIES + EMBED_DIM)))
    rb = float(np.sqrt(6.0 / (NUM_RELATIONS + EMBED_DIM)))
    e_table = jax.random.uniform(k4, (NUM_ENTITIES, EMBED_DIM), minval=-eb, maxval=eb, dtype=jnp.float32)
    r_table = jax.random.uniform(k5, (NUM_RELATIONS, EMBED_DIM), minval=-rb, maxval=rb, dtype=jnp.float32)
    return {"s": s, "r": r, "o": o, "e_table": e_table, "r_table": r_table}

def reference(s, r, o, e_table, r_table):
    se = jnp.take(e_table, s, axis=0)
    oe = jnp.take(e_table, o, axis=0)
    re = jnp.take(r_table, r, axis=0)
    se = _l2_normalize(se)
    re = _l2_normalize(re)
    oe = _l2_normalize(oe)
    return jnp.sum(jnp.abs(se + re - oe), axis=-1)

if __name__ == "__main__":
    import jax
    _d = setup_inputs()
    print(jax.jit(kernel)(*tuple(_d.values())))

</pallas_src>

<mosaic_0001>
#map = affine_map<(d0, d1) -> (0)>
#map1 = affine_map<(d0, d1) -> (0, 0, 0)>
module attributes {stable_mosaic.version = 14 : i64} {
  func.func @_sc_body(%arg0: i32, %arg1: i32, %arg2: memref<16384xi32, #tpu.memory_space<hbm>>, %arg3: memref<16384xi32, #tpu.memory_space<hbm>>, %arg4: memref<16384xi32, #tpu.memory_space<hbm>>, %arg5: memref<125000x8x64xf32, #tpu.memory_space<hbm>>, %arg6: memref<125x8x64xf32, #tpu.memory_space<hbm>>, %arg7: memref<16384xf32, #tpu.memory_space<hbm>>, %arg8: memref<512xi32, #tpu.memory_space<vmem>>, %arg9: memref<512xi32, #tpu.memory_space<vmem>>, %arg10: memref<512xi32, #tpu.memory_space<vmem>>, %arg11: memref<128x64xf32, #tpu.memory_space<vmem>>, %arg12: memref<128x64xf32, #tpu.memory_space<vmem>>, %arg13: memref<128x64xf32, #tpu.memory_space<vmem>>, %arg14: memref<128x64xf32, #tpu.memory_space<vmem>>, %arg15: memref<128x64xf32, #tpu.memory_space<vmem>>, %arg16: memref<128x64xf32, #tpu.memory_space<vmem>>, %arg17: memref<16xf32, #tpu.memory_space<vmem>>, %arg18: memref<!tpu.dma_semaphore, #tpu.memory_space<semaphore_mem>>, %arg19: memref<!tpu.dma_semaphore, #tpu.memory_space<semaphore_mem>>) attributes {dimension_semantics = [#tpu.dimension_semantics<core_parallel>, #tpu.dimension_semantics<subcore_parallel>], iteration_bounds = array<i64: 2, 16>, scalar_prefetch = 0 : i64, scratch_operands = 12 : i64, tpu.core_type = #tpu.core_type<sc_vector_subcore>, window_params = [{transform_indices = #map}, {transform_indices = #map}, {transform_indices = #map}, {transform_indices = #map1}, {transform_indices = #map1}, {transform_indices = #map}]} {
    %mul3A = arith.constant 2 : i32
    %mul3A_0 = arith.muli %arg1, %mul3A : i32
    %add3A = arith.addi %mul3A_0, %arg0 : i32
    %mul3A_1 = arith.constant 512 : i32
    %mul3A_2 = arith.muli %add3A, %mul3A_1 : i32
    %iota3A = tpu.iota {dimensions = array<i32: 0>} : vector<16xi32>
    %broadcast_in_dim3A = arith.constant 0.000000e+00 : f32
    %broadcast_in_dim3A_3 = vector.broadcast %broadcast_in_dim3A : f32 to vector<16xf32>
    %broadcast_in_dim3A_4 = arith.constant 7 : i32
    %broadcast_in_dim3A_5 = vector.broadcast %broadcast_in_dim3A_4 : i32 to vector<16xi32>
    "tpu.region"() ({
      %run_scoped3A = tpu.sem_alloc : memref<!tpu.dma_semaphore, #tpu.memory_space<semaphore_mem>>
      %dma_start3A_812 = tpu.memref_slice %arg2[%mul3A_2] : memref<16384xi32, #tpu.memory_space<hbm>> -> memref<512xi32, #tpu.memory_space<hbm>>
      %dma_start3A_813 = tpu.memref_slice %arg2[%mul3A_2] : memref<16384xi32, #tpu.memory_space<hbm>> -> memref<512xi32, #tpu.memory_space<hbm>>
      tpu.enqueue_dma source(%dma_start3A_813 : memref<512xi32, #tpu.memory_space<hbm>>) target(%arg8 : memref<512xi32, #tpu.memory_space<vmem>>) target_semaphore(%run_scoped3A : memref<!tpu.dma_semaphore, #tpu.memory_space<semaphore_mem>>)
      %dma_wait3A = tpu.memref_slice %arg2[%mul3A_2] : memref<16384xi32, #tpu.memory_space<hbm>> -> memref<512xi32, #tpu.memory_space<hbm>>
      %dma_wait3A_814 = tpu.memref_slice %arg2[%mul3A_2] : memref<16384xi32, #tpu.memory_space<hbm>> -> memref<512xi32, #tpu.memory_space<hbm>>
      tpu.wait_dma2 semaphore(%run_scoped3A : memref<!tpu.dma_semaphore, #tpu.memory_space<semaphore_mem>>) src(%dma_wait3A_814 : memref<512xi32, #tpu.memory_space<hbm>>) dst(%arg8 : memref<512xi32, #tpu.memory_space<vmem>>)
      tpu.yield
    }) : () -> ()
    "tpu.region"() ({
      %run_scoped3A = tpu.sem_alloc : memref<!tpu.dma_semaphore, #tpu.memory_space<semaphore_mem>>
      %dma_start3A_812 = tpu.memref_slice %arg3[%mul3A_2] : memref<16384xi32, #tpu.memory_space<hbm>> -> memref<512xi32, #tpu.memory_space<hbm>>
      %dma_start3A_813 = tpu.memref_slice %arg3[%mul3A_2] : memref<16384xi32, #tpu.memory_space<hbm>> -> memref<512xi32, #tpu.memory_space<hbm>>
      tpu.enqueue_dma source(%dma_start3A_813 : memref<512xi32, #tpu.memory_space<hbm>>) target(%arg9 : memref<512xi32, #tpu.memory_space<vmem>>) target_semaphore(%run_scoped3A : memref<!tpu.dma_semaphore, #tpu.memory_space<semaphore_mem>>)
      %dma_wait3A = tpu.memref_slice %arg3[%mul3A_2] : memref<16384xi32, #tpu.memory_space<hbm>> -> memref<512xi32, #tpu.memory_space<hbm>>
      %dma_wait3A_814 = tpu.memref_slice %arg3[%mul3A_2] : memref<16384xi32, #tpu.memory_space<hbm>> -> memref<512xi32, #tpu.memory_space<hbm>>
      tpu.wait_dma2 semaphore(%run_scoped3A : memref<!tpu.dma_semaphore, #tpu.memory_space<semaphore_mem>>) src(%dma_wait3A_814 : memref<512xi32, #tpu.memory_space<hbm>>) dst(%arg9 : memref<512xi32, #tpu.memory_space<vmem>>)
      tpu.yield
    }) : () -> ()
    "tpu.region"() ({
      %run_scoped3A = tpu.sem_alloc : memref<!tpu.dma_semaphore, #tpu.memory_space<semaphore_mem>>
      %dma_start3A_812 = tpu.memref_slice %arg4[%mul3A_2] : memref<16384xi32, #tpu.memory_space<hbm>> -> memref<512xi32, #tpu.memory_space<hbm>>
      %dma_start3A_813 = tpu.memref_slice %arg4[%mul3A_2] : memref<16384xi32, #tpu.memory_space<hbm>> -> memref<512xi32, #tpu.memory_space<hbm>>
      tpu.enqueue_dma source(%dma_start3A_813 : memref<512xi32, #tpu.memory_space<hbm>>) target(%arg10 : memref<512xi32, #tpu.memory_space<vmem>>) target_semaphore(%run_scoped3A : memref<!tpu.dma_semaphore, #tpu.memory_space<semaphore_mem>>)
      %dma_wait3A = tpu.memref_slice %arg4[%mul3A_2] : memref<16384xi32, #tpu.memory_space<hbm>> -> memref<512xi32, #tpu.memory_space<hbm>>
      %dma_wait3A_814 = tpu.memref_slice %arg4[%mul3A_2] : memref<16384xi32, #tpu.memory_space<hbm>> -> memref<512xi32, #tpu.memory_space<hbm>>
      tpu.wait_dma2 semaphore(%run_scoped3A : memref<!tpu.dma_semaphore, #tpu.memory_space<semaphore_mem>>) src(%dma_wait3A_814 : memref<512xi32, #tpu.memory_space<hbm>>) dst(%arg10 : memref<512xi32, #tpu.memory_space<vmem>>)
      tpu.yield
    }) : () -> ()
    %get3A = arith.constant 0 : index
    %get3A_6 = tpu.vector_load %arg8[%get3A] {strides = array<i32>} : memref<512xi32, #tpu.memory_space<vmem>>, vector<16xi32>,
    %get3A_7 = arith.constant 0 : index
    %get3A_8 = tpu.vector_load %arg9[%get3A_7] {strides = array<i32>} : memref<512xi32, #tpu.memory_space<vmem>>, vector<16xi32>,
    %get3A_9 = arith.constant 0 : index
    %get3A_10 = tpu.vector_load %arg10[%get3A_9] {strides = array<i32>} : memref<512xi32, #tpu.memory_space<vmem>>, vector<16xi32>,
    %multiple_of3A = arith.constant 0 : i32
    %multiple_of3A_11 = tpu.assume_multiple %multiple_of3A, 8 : i32
    %slice3A = vector.extract_strided_slice %get3A_6 {offsets = [0], sizes = [1], strides = [1]} : vector<16xi32> to vector<1xi32>
    %squeeze3A = vector.extract %slice3A[0] : i32 from vector<1xi32>
    %shift_right_arithmetic3A = arith.constant 3 : i32
    %shift_right_arithmetic3A_12 = arith.shrsi %squeeze3A, %shift_right_arithmetic3A : i32
    %dma_start3A = arith.constant 0 : i32
    %dma_start3A_13 = tpu.memref_slice %arg11[%multiple_of3A_11, %dma_start3A] : memref<128x64xf32, #tpu.memory_space<vmem>> -> memref<8x64xf32, #tpu.memory_space<vmem>>
    %dma_start3A_14 = arith.constant 0 : i32
    %dma_start3A_15 = arith.constant 0 : i32
    %dma_start3A_16 = tpu.memref_slice %arg5[%shift_right_arithmetic3A_12, %dma_start3A_14, %dma_start3A_15] : memref<125000x8x64xf32, #tpu.memory_space<hbm>> -> memref<1x8x64xf32, #tpu.memory_space<hbm>>
    %dma_start3A_17 = tpu.memref_squeeze %dma_start3A_16 : memref<1x8x64xf32, #tpu.memory_space<hbm>> -> memref<8x64xf32, #tpu.memory_space<hbm>>
    %dma_start3A_18 = arith.constant 0 : i32
    %dma_start3A_19 = tpu.memref_slice %arg11[%multiple_of3A_11, %dma_start3A_18] : memref<128x64xf32, #tpu.memory_space<vmem>> -> memref<8x64xf32, #tpu.memory_space<vmem>>
    %dma_start3A_20 = arith.constant 0 : i32
    %dma_start3A_21 = arith.constant 0 : i32
    %dma_start3A_22 = tpu.memref_slice %arg5[%shift_right_arithmetic3A_12, %dma_start3A_20, %dma_start3A_21] : memref<125000x8x64xf32, #tpu.memory_space<hbm>> -> memref<1x8x64xf32, #tpu.memory_space<hbm>>
    %dma_start3A_23 = tpu.memref_squeeze %dma_start3A_22 : memref<1x8x64xf32, #tpu.memory_space<hbm>> -> memref<8x64xf32, #tpu.memory_space<hbm>>
    tpu.enqueue_dma source(%dma_start3A_23 : memref<8x64xf32, #tpu.memory_space<hbm>>) target(%dma_start3A_19 : memref<8x64xf32, #tpu.memory_space<vmem>>) target_semaphore(%arg18 : memref<!tpu.dma_semaphore, #tpu.memory_space<semaphore_mem>>)
    %slice3A_24 = vector.extract_strided_slice %get3A_8 {offsets = [0], sizes = [1], strides = [1]} : vector<16xi32> to vector<1xi32>
    %squeeze3A_25 = vector.extract %slice3A_24[0] : i32 from vector<1xi32>
    %shift_right_arithmetic3A_26 = arith.constant 3 : i32
    %shift_right_arithmetic3A_27 = arith.shrsi %squeeze3A_25, %shift_right_arithmetic3A_26 : i32
    %dma_start3A_28 = arith.constant 0 : i32
    %dma_start3A_29 = tpu.memref_slice %arg12[%multiple_of3A_11, %dma_start3A_28] : memref<128x64xf32, #tpu.memory_space<vmem>> -> memref<8x64xf32, #tpu.memory_space<vmem>>
    %dma_start3A_30 = arith.constant 0 : i32
    %dma_start3A_31 = arith.constant 0 : i32
    %dma_start3A_32 = tpu.memref_slice %arg6[%shift_right_arithmetic3A_27, %dma_start3A_30, %dma_start3A_31] : memref<125x8x64xf32, #tpu.memory_space<hbm>> -> memref<1x8x64xf32, #tpu.memory_space<hbm>>
    %dma_start3A_33 = tpu.memref_squeeze %dma_start3A_32 : memref<1x8x64xf32, #tpu.memory_space<hbm>> -> memref<8x64xf32, #tpu.memory_space<hbm>>
    %dma_start3A_34 = arith.constant 0 : i32
    %dma_start3A_35 = tpu.memref_slice %arg12[%multiple_of3A_11, %dma_start3A_34] : memref<128x64xf32, #tpu.memory_space<vmem>> -> memref<8x64xf32, #tpu.memory_space<vmem>>
    %dma_start3A_36 = arith.constant 0 : i32
    %dma_start3A_37 = arith.constant 0 : i32
    %dma_start3A_38 = tpu.memref_slice %arg6[%shift_right_arithmetic3A_27, %dma_start3A_36, %dma_start3A_37] : memref<125x8x64xf32, #tpu.memory_space<hbm>> -> memref<1x8x64xf32, #tpu.memory_space<hbm>>
    %dma_start3A_39 = tpu.memref_squeeze %dma_start3A_38 : memref<1x8x64xf32, #tpu.memory_space<hbm>> -> memref<8x64xf32, #tpu.memory_space<hbm>>
    tpu.enqueue_dma source(%dma_start3A_39 : memref<8x64xf32, #tpu.memory_space<hbm>>) target(%dma_start3A_35 : memref<8x64xf32, #tpu.memory_space<vmem>>) target_semaphore(%arg18 : memref<!tpu.dma_semaphore, #tpu.memory_space<semaphore_mem>>)
    %slice3A_40 = vector.extract_strided_slice %get3A_10 {offsets = [0], sizes = [1], strides = [1]} : vector<16xi32> to vector<1xi32>
    %squeeze3A_41 = vector.extract %slice3A_40[0] : i32 from vector<1xi32>
    %shift_right_arithmetic3A_42 = arith.constant 3 : i32
    %shift_right_arithmetic3A_43 = arith.shrsi %squeeze3A_41, %shift_right_arithmetic3A_42 : i32
    %dma_start3A_44 = arith.constant 0 : i32
    %dma_start3A_45 = tpu.memref_slice %arg13[%multiple_of3A_11, %dma_start3A_44] : memref<128x64xf32, #tpu.memory_space<vmem>> -> memref<8x64xf32, #tpu.memory_space<vmem>>
    %dma_start3A_46 = arith.constant 0 : i32
    %dma_start3A_47 = arith.constant 0 : i32
    %dma_start3A_48 = tpu.memref_slice %arg5[%shift_right_arithmetic3A_43, %dma_start3A_46, %dma_start3A_47] : memref<125000x8x64xf32, #tpu.memory_space<hbm>> -> memref<1x8x64xf32, #tpu.memory_space<hbm>>
    %dma_start3A_49 = tpu.memref_squeeze %dma_start3A_48 : memref<1x8x64xf32, #tpu.memory_space<hbm>> -> memref<8x64xf32, #tpu.memory_space<hbm>>
    %dma_start3A_50 = arith.constant 0 : i32
    %dma_start3A_51 = tpu.memref_slice %arg13[%multiple_of3A_11, %dma_start3A_50] : memref<128x64xf32, #tpu.memory_space<vmem>> -> memref<8x64xf32, #tpu.memory_space<vmem>>
    %dma_start3A_52 = arith.constant 0 : i32
    %dma_start3A_53 = arith.constant 0 : i32
    %dma_start3A_54 = tpu.memref_slice %arg5[%shift_right_arithmetic3A_43, %dma_start3A_52, %dma_start3A_53] : memref<125000x8x64xf32, #tpu.memory_space<hbm>> -> memref<1x8x64xf32, #tpu.memory_space<hbm>>
    %dma_start3A_55 = tpu.memref_squeeze %dma_start3A_54 : memref<1x8x64xf32, #tpu.memory_space<hbm>> -> memref<8x64xf32, #tpu.memory_space<hbm>>
    tpu.enqueue_dma source(%dma_start3A_55 : memref<8x64xf32, #tpu.memory_space<hbm>>) target(%dma_start3A_51 : memref<8x64xf32, #tpu.memory_space<vmem>>) target_semaphore(%arg18 : memref<!tpu.dma_semaphore, #tpu.memory_space<semaphore_mem>>)
    %multiple_of3A_56 = arith.constant 8 : i32
    %multiple_of3A_57 = tpu.assume_multiple %multiple_of3A_56, 8 : i32
    %slice3A_58 = vector.extract_strided_slice %get3A_6 {offsets = [1], sizes = [1], strides = [1]} : vector<16xi32> to vector<1xi32>
    %squeeze3A_59 = vector.extract %slice3A_58[0] : i32 from vector<1xi32>
    %shift_right_arithmetic3A_60 = arith.constant 3 : i32
    %shift_right_arithmetic3A_61 = arith.shrsi %squeeze3A_59, %shift_right_arithmetic3A_60 : i32
    %dma_start3A_62 = arith.constant 0 : i32
    %dma_start3A_63 = tpu.memref_slice %arg11[%multiple_of3A_57, %dma_start3A_62] : memref<128x64xf32, #tpu.memory_space<vmem>> -> memref<8x64xf32, #tpu.memory_space<vmem>>
    %dma_start3A_64 = arith.constant 0 : i32
    %dma_start3A_65 = arith.constant 0 : i32
    %dma_start3A_66 = tpu.memref_slice %arg5[%shift_right_arithmetic3A_61, %dma_start3A_64, %dma_start3A_65] : memref<125000x8x64xf32, #tpu.memory_space<hbm>> -> memref<1x8x64xf32, #tpu.memory_space<hbm>>
    %dma_start3A_67 = tpu.memref_squeeze %dma_start3A_66 : memref<1x8x64xf32, #tpu.memory_space<hbm>> -> memref<8x64xf32, #tpu.memory_space<hbm>>
    %dma_start3A_68 = arith.constant 0 : i32
    %dma_start3A_69 = tpu.memref_slice %arg11[%multiple_of3A_57, %dma_start3A_68] : memref<128x64xf32, #tpu.memory_space<vmem>> -> memref<8x64xf32, #tpu.memory_space<vmem>>
    %dma_start3A_70 = arith.constant 0 : i32
    %dma_start3A_71 = arith.constant 0 : i32
    %dma_start3A_72 = tpu.memref_slice %arg5[%shift_right_arithmetic3A_61, %dma_start3A_70, %dma_start3A_71] : memref<125000x8x64xf32, #tpu.memory_space<hbm>> -> memref<1x8x64xf32, #tpu.memory_space<hbm>>
    %dma_start3A_73 = tpu.memref_squeeze %dma_start3A_72 : memref<1x8x64xf32, #tpu.memory_space<hbm>> -> memref<8x64xf32, #tpu.memory_space<hbm>>
    tpu.enqueue_dma source(%dma_start3A_73 : memref<8x64xf32, #tpu.memory_space<hbm>>) target(%dma_start3A_69 : memref<8x64xf32, #tpu.memory_space<vmem>>) target_semaphore(%arg18 : memref<!tpu.dma_semaphore, #tpu.memory_space<semaphore_mem>>)
    %slice3A_74 = vector.extract_strided_slice %get3A_8 {offsets = [1], sizes = [1], strides = [1]} : vector<16xi32> to vector<1xi32>
    %squeeze3A_75 = vector.extract %slice3A_74[0] : i32 from vector<1xi32>
    %shift_right_arithmetic3A_76 = arith.constant 3 : i32
    %shift_right_arithmetic3A_77 = arith.shrsi %squeeze3A_75, %shift_right_arithmetic3A_76 : i32
    %dma_start3A_78 = arith.constant 0 : i32
    %dma_start3A_79 = tpu.memref_slice %arg12[%multiple_of3A_57, %dma_start3A_78] : memref<128x64xf32, #tpu.memory_space<vmem>> -> memref<8x64xf32, #tpu.memory_space<vmem>>
    %dma_start3A_80 = arith.constant 0 : i32
    %dma_start3A_81 = arith.constant 0 : i32
    %dma_start3A_82 = tpu.memref_slice %arg6[%shift_right_arithmetic3A_77, %dma_start3A_80, %dma_start3A_81] : memref<125x8x64xf32, #tpu.memory_space<hbm>> -> memref<1x8x64xf32, #tpu.memory_space<hbm>>
    %dma_start3A_83 = tpu.memref_squeeze %dma_start3A_82 : memref<1x8x64xf32, #tpu.memory_space<hbm>> -> memref<8x64xf32, #tpu.memory_space<hbm>>
    %dma_start3A_84 = arith.constant 0 : i32
    %dma_start3A_85 = tpu.memref_slice %arg12[%multiple_of3A_57, %dma_start3A_84] : memref<128x64xf32, #tpu.memory_space<vmem>> -> memref<8x64xf32, #tpu.memory_space<vmem>>
    %dma_start3A_86 = arith.constant 0 : i32
    %dma_start3A_87 = arith.constant 0 : i32
    %dma_start3A_88 = tpu.memref_slice %arg6[%shift_right_arithmetic3A_77, %dma_start3A_86, %dma_start3A_87] : memref<125x8x64xf32, #tpu.memory_space<hbm>> -> memref<1x8x64xf32, #tpu.memory_space<hbm>>
    %dma_start3A_89 = tpu.memref_squeeze %dma_start3A_88 : memref<1x8x64xf32, #tpu.memory_space<hbm>> -> memref<8x64xf32, #tpu.memory_space<hbm>>
    tpu.enqueue_dma source(%dma_start3A_89 : memref<8x64xf32, #tpu.memory_space<hbm>>) target(%dma_start3A_85 : memref<8x64xf32, #tpu.memory_space<vmem>>) target_semaphore(%arg18 : memref<!tpu.dma_semaphore, #tpu.memory_space<semaphore_mem>>)
    %slice3A_90 = vector.extract_strided_slice %get3A_10 {offsets = [1], sizes = [1], strides = [1]} : vector<16xi32> to vector<1xi32>
    %squeeze3A_91 = vector.extract %slice3A_90[0] : i32 from vector<1xi32>
    %shift_right_arithmetic3A_92 = arith.constant 3 : i32
    %shift_right_arithmetic3A_93 = arith.shrsi %squeeze3A_91, %shift_right_arithmetic3A_92 : i32
    %dma_start3A_94 = arith.constant 0 : i32
    %dma_start3A_95 = tpu.memref_slice %arg13[%multiple_of3A_57, %dma_start3A_94] : memref<128x64xf32, #tpu.memory_space<vmem>> -> memref<8x64xf32, #tpu.memory_space<vmem>>
    %dma_start3A_96 = arith.constant 0 : i32
    %dma_start3A_97 = arith.constant 0 : i32
    %dma_start3A_98 = tpu.memref_slice %arg5[%shift_right_arithmetic3A_93, %dma_start3A_96, %dma_start3A_97] : memref<125000x8x64xf32, #tpu.memory_space<hbm>> -> memref<1x8x64xf32, #tpu.memory_space<hbm>>
    %dma_start3A_99 = tpu.memref_squeeze %dma_start3A_98 : memref<1x8x64xf32, #tpu.memory_space<hbm>> -> memref<8x64xf32, #tpu.memory_space<hbm>>
    %dma_start3A_100 = arith.constant 0 : i32
    %dma_start3A_101 = tpu.memref_slice %arg13[%multiple_of3A_57, %dma_start3A_100] : memref<128x64xf32, #tpu.memory_space<vmem>> -> memref<8x64xf32, #tpu.memory_space<vmem>>
    %dma_start3A_102 = arith.constant 0 : i32
    %dma_start3A_103 = arith.constant 0 : i32
    %dma_start3A_104 = tpu.memref_slice %arg5[%shift_right_arithmetic3A_93, %dma_start3A_102, %dma_start3A_103] : memref<125000x8x64xf32, #tpu.memory_space<hbm>> -> memref<1x8x64xf32, #tpu.memory_space<hbm>>
    %dma_start3A_105 = tpu.memref_squeeze %dma_start3A_104 : memref<1x8x64xf32, #tpu.memory_space<hbm>> -> memref<8x64xf32, #tpu.memory_space<hbm>>
    tpu.enqueue_dma source(%dma_start3A_105 : memref<8x64xf32, #tpu.memory_space<hbm>>) target(%dma_start3A_101 : memref<8x64xf32, #tpu.memory_space<vmem>>) target_semaphore(%arg18 : memref<!tpu.dma_semaphore, #tpu.memory_space<semaphore_mem>>)
    %multiple_of3A_106 = arith.constant 16 : i32
    %multiple_of3A_107 = tpu.assume_multiple %multiple_of3A_106, 8 : i32
    %slice3A_108 = vector.extract_strided_slice %get3A_6 {offsets = [2], sizes = [1], strides = [1]} : vector<16xi32> to vector<1xi32>
    %squeeze3A_109 = vector.extract %slice3A_108[0] : i32 from vector<1xi32>
    %shift_right_arithmetic3A_110 = arith.constant 3 : i32
    %shift_right_arithmetic3A_111 = arith.shrsi %squeeze3A_109, %shift_right_arithmetic3A_110 : i32
    %dma_start3A_112 = arith.constant 0 : i32
    %dma_start3A_113 = tpu.memref_slice %arg11[%multiple_of3A_107, %dma_start3A_112] : memref<128x64xf32, #tpu.memory_space<vmem>> -> memref<8x64xf32, #tpu.memory_space<vmem>>
    %dma_start3A_114 = arith.constant 0 : i32
    %dma_start3A_115 = arith.constant 0 : i32
    %dma_start3A_116 = tpu.memref_slice %arg5[%shift_right_arithmetic3A_111, %dma_start3A_114, %dma_start3A_115] : memref<125000x8x64xf32, #tpu.memory_space<hbm>> -> memref<1x8x64xf32, #tpu.memory_space<hbm>>
    %dma_start3A_117 = tpu.memref_squeeze %dma_start3A_116 : memref<1x8x64xf32, #tpu.memory_space<hbm>> -> memref<8x64xf32, #tpu.memory_space<hbm>>
    %dma_start3A_118 = arith.constant 0 : i32
    %dma_start3A_119 = tpu.memref_slice %arg11[%multiple_of3A_107, %dma_start3A_118] : memref<128x64xf32, #tpu.memory_space<vmem>> -> memref<8x64xf32, #tpu.memory_space<vmem>>
    %dma_start3A_120 = arith.constant 0 : i32
    %dma_start3A_121 = arith.constant 0 : i32
    %dma_start3A_122 = tpu.memref_slice %arg5[%shift_right_arithmetic3A_111, %dma_start3A_120, %dma_start3A_121] : memref<125000x8x64xf32, #tpu.memory_space<hbm>> -> memref<1x8x64xf32, #tpu.memory_space<hbm>>
    %dma_start3A_123 = tpu.memref_squeeze %dma_start3A_122 : memref<1x8x64xf32, #tpu.memory_space<hbm>> -> memref<8x64xf32, #tpu.memory_space<hbm>>
    tpu.enqueue_dma source(%dma_start3A_123 : memref<8x64xf32, #tpu.memory_space<hbm>>) target(%dma_start3A_119 : memref<8x64xf32, #tpu.memory_space<vmem>>) target_semaphore(%arg18 : memref<!tpu.dma_semaphore, #tpu.memory_space<semaphore_mem>>)
    %slice3A_124 = vector.extract_strided_slice %get3A_8 {offsets = [2], sizes = [1], strides = [1]} : vector<16xi32> to vector<1xi32>
    %squeeze3A_125 = vector.extract %slice3A_124[0] : i32 from vector<1xi32>
    %shift_right_arithmetic3A_126 = arith.constant 3 : i32
    %shift_right_arithmetic3A_127 = arith.shrsi %squeeze3A_125, %shift_right_arithmetic3A_126 : i32
    %dma_start3A_128 = arith.constant 0 : i32
    %dma_start3A_129 = tpu.memref_slice %arg12[%multiple_of3A_107, %dma_start3A_128] : memref<128x64xf32, #tpu.memory_space<vmem>> -> memref<8x64xf32, #tpu.memory_space<vmem>>
    %dma_start3A_130 = arith.constant 0 : i32
    %dma_start3A_131 = arith.constant 0 : i32
    %dma_start3A_132 = tpu.memref_slice %arg6[%shift_right_arithmetic3A_127, %dma_start3A_130, %dma_start3A_131] : memref<125x8x64xf32, #tpu.memory_space<hbm>> -> memref<1x8x64xf32, #tpu.memory_space<hbm>>
    %dma_start3A_133 = tpu.memref_squeeze %dma_start3A_132 : memref<1x8x64xf32, #tpu.memory_space<hbm>> -> memref<8x64xf32, #tpu.memory_space<hbm>>
    %dma_start3A_134 = arith.constant 0 : i32
    %dma_start3A_135 = tpu.memref_slice %arg12[%multiple_of3A_107, %dma_start3A_134] : memref<128x64xf32, #tpu.memory_space<vmem>> -> memref<8x64xf32, #tpu.memory_space<vmem>>
    %dma_start3A_136 = arith.constant 0 : i32
    %dma_start3A_137 = arith.constant 0 : i32
    %dma_start3A_138 = tpu.memref_slice %arg6[%shift_right_arithmetic3A_127, %dma_start3A_136, %dma_start3A_137] : memref<125x8x64xf32, #tpu.memory_space<hbm>> -> memref<1x8x64xf32, #tpu.memory_space<hbm>>
    %dma_start3A_139 = tpu.memref_squeeze %dma_start3A_138 : memref<1x8x64xf32, #tpu.memory_space<hbm>> -> memref<8x64xf32, #tpu.memory_space<hbm>>
    tpu.enqueue_dma source(%dma_start3A_139 : memref<8x64xf32, #tpu.memory_space<hbm>>) target(%dma_start3A_135 : memref<8x64xf32, #tpu.memory_space<vmem>>) target_semaphore(%arg18 : memref<!tpu.dma_semaphore, #tpu.memory_space<semaphore_mem>>)
    %slice3A_140 = vector.extract_strided_slice %get3A_10 {offsets = [2], sizes = [1], strides = [1]} : vector<16xi32> to vector<1xi32>
    %squeeze3A_141 = vector.extract %slice3A_140[0] : i32 from vector<1xi32>
    %shift_right_arithmetic3A_142 = arith.constant 3 : i32
    %shift_right_arithmetic3A_143 = arith.shrsi %squeeze3A_141, %shift_right_arithmetic3A_142 : i32
    %dma_start3A_144 = arith.constant 0 : i32
    %dma_start3A_145 = tpu.memref_slice %arg13[%multiple_of3A_107, %dma_start3A_144] : memref<128x64xf32, #tpu.memory_space<vmem>> -> memref<8x64xf32, #tpu.memory_space<vmem>>
    %dma_start3A_146 = arith.constant 0 : i32
    %dma_start3A_147 = arith.constant 0 : i32
    %dma_start3A_148 = tpu.memref_slice %arg5[%shift_right_arithmetic3A_143, %dma_start3A_146, %dma_start3A_147] : memref<125000x8x64xf32, #tpu.memory_space<hbm>> -> memref<1x8x64xf32, #tpu.memory_space<hbm>>
    %dma_start3A_149 = tpu.memref_squeeze %dma_start3A_148 : memref<1x8x64xf32, #tpu.memory_space<hbm>> -> memref<8x64xf32, #tpu.memory_space<hbm>>
    %dma_start3A_150 = arith.constant 0 : i32
    %dma_start3A_151 = tpu.memref_slice %arg13[%multiple_of3A_107, %dma_start3A_150] : memref<128x64xf32, #tpu.memory_space<vmem>> -> memref<8x64xf32, #tpu.memory_space<vmem>>
    %dma_start3A_152 = arith.constant 0 : i32
    %dma_start3A_153 = arith.constant 0 : i32
    %dma_start3A_154 = tpu.memref_slice %arg5[%shift_right_arithmetic3A_143, %dma_start3A_152, %dma_start3A_153] : memref<125000x8x64xf32, #tpu.memory_space<hbm>> -> memref<1x8x64xf32, #tpu.memory_space<hbm>>
    %dma_start3A_155 = tpu.memref_squeeze %dma_start3A_154 : memref<1x8x64xf32, #tpu.memory_space<hbm>> -> memref<8x64xf32, #tpu.memory_space<hbm>>
    tpu.enqueue_dma source(%dma_start3A_155 : memref<8x64xf32, #tpu.memory_space<hbm>>) target(%dma_start3A_151 : memref<8x64xf32, #tpu.memory_space<vmem>>) target_semaphore(%arg18 : memref<!tpu.dma_semaphore, #tpu.memory_space<semaphore_mem>>)
    %multiple_of3A_156 = arith.constant 24 : i32
    %multiple_of3A_157 = tpu.assume_multiple %multiple_of3A_156, 8 : i32
    %slice3A_158 = vector.extract_strided_slice %get3A_6 {offsets = [3], sizes = [1], strides = [1]} : vector<16xi32> to vector<1xi32>
    %squeeze3A_159 = vector.extract %slice3A_158[0] : i32 from vector<1xi32>
    %shift_right_arithmetic3A_160 = arith.constant 3 : i32
    %shift_right_arithmetic3A_161 = arith.shrsi %squeeze3A_159, %shift_right_arithmetic3A_160 : i32
    %dma_start3A_162 = arith.constant 0 : i32
    %dma_start3A_163 = tpu.memref_slice %arg11[%multiple_of3A_157, %dma_start3A_162] : memref<128x64xf32, #tpu.memory_space<vmem>> -> memref<8x64xf32, #tpu.memory_space<vmem>>
    %dma_start3A_164 = arith.constant 0 : i32
    %dma_start3A_165 = arith.constant 0 : i32
    %dma_start3A_166 = tpu.memref_slice %arg5[%shift_right_arithmetic3A_161, %dma_start3A_164, %dma_start3A_165] : memref<125000x8x64xf32, #tpu.memory_space<hbm>> -> memref<1x8x64xf32, #tpu.memory_space<hbm>>
    %dma_start3A_167 = tpu.memref_squeeze %dma_start3A_166 : memref<1x8x64xf32, #tpu.memory_space<hbm>> -> memref<8x64xf32, #tpu.memory_space<hbm>>
    %dma_start3A_168 = arith.constant 0 : i32
    %dma_start3A_169 = tpu.memref_slice %arg11[%multiple_of3A_157, %dma_start3A_168] : memref<128x64xf32, #tpu.memory_space<vmem>> -> memref<8x64xf32, #tpu.memory_space<vmem>>
    %dma_start3A_170 = arith.constant 0 : i32
    %dma_start3A_171 = arith.constant 0 : i32
    %dma_start3A_172 = tpu.memref_slice %arg5[%shift_right_arithmetic3A_161, %dma_start3A_170, %dma_start3A_171] : memref<125000x8x64xf32, #tpu.memory_space<hbm>> -> memref<1x8x64xf32, #tpu.memory_space<hbm>>
    %dma_start3A_173 = tpu.memref_squeeze %dma_start3A_172 : memref<1x8x64xf32, #tpu.memory_space<hbm>> -> memref<8x64xf32, #tpu.memory_space<hbm>>
    tpu.enqueue_dma source(%dma_start3A_173 : memref<8x64xf32, #tpu.memory_space<hbm>>) target(%dma_start3A_169 : memref<8x64xf32, #tpu.memory_space<vmem>>) target_semaphore(%arg18 : memref<!tpu.dma_semaphore, #tpu.memory_space<semaphore_mem>>)
    %slice3A_174 = vector.extract_strided_slice %get3A_8 {offsets = [3], sizes = [1], strides = [1]} : vector<16xi32> to vector<1xi32>
    %squeeze3A_175 = vector.extract %slice3A_174[0] : i32 from vector<1xi32>
    %shift_right_arithmetic3A_176 = arith.constant 3 : i32
    %shift_right_arithmetic3A_177 = arith.shrsi %squeeze3A_175, %shift_right_arithmetic3A_176 : i32
    %dma_start3A_178 = arith.constant 0 : i32
    %dma_start3A_179 = tpu.memref_slice %arg12[%multiple_of3A_157, %dma_start3A_178] : memref<128x64xf32, #tpu.memory_space<vmem>> -> memref<8x64xf32, #tpu.memory_space<vmem>>
    %dma_start3A_180 = arith.constant 0 : i32
    %dma_start3A_181 = arith.constant 0 : i32
    %dma_start3A_182 = tpu.memref_slice %arg6[%shift_right_arithmetic3A_177, %dma_start3A_180, %dma_start3A_181] : memref<125x8x64xf32, #tpu.memory_space<hbm>> -> memref<1x8x64xf32, #tpu.memory_space<hbm>>
    %dma_start3A_183 = tpu.memref_squeeze %dma_start3A_182 : memref<1x8x64xf32, #tpu.memory_space<hbm>> -> memref<8x64xf32, #tpu.memory_space<hbm>>
    %dma_start3A_184 = arith.constant 0 : i32
    %dma_start3A_185 = tpu.memref_slice %arg12[%multiple_of3A_157, %dma_start3A_184] : memref<128x64xf32, #tpu.memory_space<vmem>> -> memref<8x64xf32, #tpu.memory_space<vmem>>
    %dma_start3A_186 = arith.constant 0 : i32
    %dma_start3A_187 = arith.constant 0 : i32
    %dma_start3A_188 = tpu.memref_slice %arg6[%shift_right_arithmetic3A_177, %dma_start3A_186, %dma_start3A_187] : memref<125x8x64xf32, #tpu.memory_space<hbm>> -> memref<1x8x64xf32, #tpu.memory_space<hbm>>
    %dma_start3A_189 = tpu.memref_squeeze %dma_start3A_188 : memref<1x8x64xf32, #tpu.memory_space<hbm>> -> memref<8x64xf32, #tpu.memory_space<hbm>>
    tpu.enqueue_dma source(%dma_start3A_189 : memref<8x64xf32, #tpu.memory_space<hbm>>) target(%dma_start3A_185 : memref<8x64xf32, #tpu.memory_space<vmem>>) target_semaphore(%arg18 : memref<!tpu.dma_semaphore, #tpu.memory_space<semaphore_mem>>)
    %slice3A_190 = vector.extract_strided_slice %get3A_10 {offsets = [3], sizes = [1], strides = [1]} : vector<16xi32> to vector<1xi32>
    %squeeze3A_191 = vector.extract %slice3A_190[0] : i32 from vector<1xi32>
    %shift_right_arithmetic3A_192 = arith.constant 3 : i32
    %shift_right_arithmetic3A_193 = arith.shrsi %squeeze3A_191, %shift_right_arithmetic3A_192 : i32
    %dma_start3A_194 = arith.constant 0 : i32
    %dma_start3A_195 = tpu.memref_slice %arg13[%multiple_of3A_157, %dma_start3A_194] : memref<128x64xf32, #tpu.memory_space<vmem>> -> memref<8x64xf32, #tpu.memory_space<vmem>>
    %dma_start3A_196 = arith.constant 0 : i32
    %dma_start3A_197 = arith.constant 0 : i32
    %dma_start3A_198 = tpu.memref_slice %arg5[%shift_right_arithmetic3A_193, %dma_start3A_196, %dma_start3A_197] : memref<125000x8x64xf32, #tpu.memory_space<hbm>> -> memref<1x8x64xf32, #tpu.memory_space<hbm>>
    %dma_start3A_199 = tpu.memref_squeeze %dma_start3A_198 : memref<1x8x64xf32, #tpu.memory_space<hbm>> -> memref<8x64xf32, #tpu.memory_space<hbm>>
    %dma_start3A_200 = arith.constant 0 : i32
    %dma_start3A_201 = tpu.memref_slice %arg13[%multiple_of3A_157, %dma_start3A_200] : memref<128x64xf32, #tpu.memory_space<vmem>> -> memref<8x64xf32, #tpu.memory_space<vmem>>
    %dma_start3A_202 = arith.constant 0 : i32
    %dma_start3A_203 = arith.constant 0 : i32
    %dma_start3A_204 = tpu.memref_slice %arg5[%shift_right_arithmetic3A_193, %dma_start3A_202, %dma_start3A_203] : memref<125000x8x64xf32, #tpu.memory_space<hbm>> -> memref<1x8x64xf32, #tpu.memory_space<hbm>>
    %dma_start3A_205 = tpu.memref_squeeze %dma_start3A_204 : memref<1x8x64xf32, #tpu.memory_space<hbm>> -> memref<8x64xf32, #tpu.memory_space<hbm>>
    tpu.enqueue_dma source(%dma_start3A_205 : memref<8x64xf32, #tpu.memory_space<hbm>>) target(%dma_start3A_201 : memref<8x64xf32, #tpu.memory_space<vmem>>) target_semaphore(%arg18 : memref<!tpu.dma_semaphore, #tpu.memory_space<semaphore_mem>>)
    %multiple_of3A_206 = arith.constant 32 : i32
    %multiple_of3A_207 = tpu.assume_multiple %multiple_of3A_206, 8 : i32
    %slice3A_208 = vector.extract_strided_slice %get3A_6 {offsets = [4], sizes = [1], strides = [1]} : vector<16xi32> to vector<1xi32>
    %squeeze3A_209 = vector.extract %slice3A_208[0] : i32 from vector<1xi32>
    %shift_right_arithmetic3A_210 = arith.constant 3 : i32
    %shift_right_arithmetic3A_211 = arith.shrsi %squeeze3A_209, %shift_right_arithmetic3A_210 : i32
    %dma_start3A_212 = arith.constant 0 : i32
    %dma_start3A_213 = tpu.memref_slice %arg11[%multiple_of3A_207, %dma_start3A_212] : memref<128x64xf32, #tpu.memory_space<vmem>> -> memref<8x64xf32, #tpu.memory_space<vmem>>
    %dma_start3A_214 = arith.constant 0 : i32
    %dma_start3A_215 = arith.constant 0 : i32
    %dma_start3A_216 = tpu.memref_slice %arg5[%shift_right_arithmetic3A_211, %dma_start3A_214, %dma_start3A_215] : memref<125000x8x64xf32, #tpu.memory_space<hbm>> -> memref<1x8x64xf32, #tpu.memory_space<hbm>>
    %dma_start3A_217 = tpu.memref_squeeze %dma_start3A_216 : memref<1x8x64xf32, #tpu.memory_space<hbm>> -> memref<8x64xf32, #tpu.memory_space<hbm>>
    %dma_start3A_218 = arith.constant 0 : i32
    %dma_start3A_219 = tpu.memref_slice %arg11[%multiple_of3A_207, %dma_start3A_218] : memref<128x64xf32, #tpu.memory_space<vmem>> -> memref<8x64xf32, #tpu.memory_space<vmem>>
    %dma_start3A_220 = arith.constant 0 : i32
    %dma_start3A_221 = arith.constant 0 : i32
    %dma_start3A_222 = tpu.memref_slice %arg5[%shift_right_arithmetic3A_211, %dma_start3A_220, %dma_start3A_221] : memref<125000x8x64xf32, #tpu.memory_space<hbm>> -> memref<1x8x64xf32, #tpu.memory_space<hbm>>
    %dma_start3A_223 = tpu.memref_squeeze %dma_start3A_222 : memref<1x8x64xf32, #tpu.memory_space<hbm>> -> memref<8x64xf32, #tpu.memory_space<hbm>>
    tpu.enqueue_dma source(%dma_start3A_223 : memref<8x64xf32, #tpu.memory_space<hbm>>) target(%dma_start3A_219 : memref<8x64xf32, #tpu.memory_space<vmem>>) target_semaphore(%arg18 : memref<!tpu.dma_semaphore, #tpu.memory_space<semaphore_mem>>)
    %slice3A_224 = vector.extract_strided_slice %get3A_8 {offsets = [4], sizes = [1], strides = [1]} : vector<16xi32> to vector<1xi32>
    %squeeze3A_225 = vector.extract %slice3A_224[0] : i32 from vector<1xi32>
    %shift_right_arithmetic3A_226 = arith.constant 3 : i32
    %shift_right_arithmetic3A_227 = arith.shrsi %squeeze3A_225, %shift_right_arithmetic3A_226 : i32
    %dma_start3A_228 = arith.constant 0 : i32
    %dma_start3A_229 = tpu.memref_slice %arg12[%multiple_of3A_207, %dma_start3A_228] : memref<128x64xf32, #tpu.memory_space<vmem>> -> memref<8x64xf32, #tpu.memory_space<vmem>>
    %dma_start3A_230 = arith.constant 0 : i32
    %dma_start3A_231 = arith.constant 0 : i32
    %dma_start3A_232 = tpu.memref_slice %arg6[%shift_right_arithmetic3A_227, %dma_start3A_230, %dma_start3A_231] : memref<125x8x64xf32, #tpu.memory_space<hbm>> -> memref<1x8x64xf32, #tpu.memory_space<hbm>>
    %dma_start3A_233 = tpu.memref_squeeze %dma_start3A_232 : memref<1x8x64xf32, #tpu.memory_space<hbm>> -> memref<8x64xf32, #tpu.memory_space<hbm>>
    %dma_start3A_234 = arith.constant 0 : i32
    %dma_start3A_235 = tpu.memref_slice %arg12[%multiple_of3A_207, %dma_start3A_234] : memref<128x64xf32, #tpu.memory_space<vmem>> -> memref<8x64xf32, #tpu.memory_space<vmem>>
    %dma_start3A_236 = arith.constant 0 : i32
    %dma_start3A_237 = arith.constant 0 : i32
    %dma_start3A_238 = tpu.memref_slice %arg6[%shift_right_arithmetic3A_227, %dma_start3A_236, %dma_start3A_237] : memref<125x8x64xf32, #tpu.memory_space<hbm>> -> memref<1x8x64xf32, #tpu.memory_space<hbm>>
    %dma_start3A_239 = tpu.memref_squeeze %dma_start3A_238 : memref<1x8x64xf32, #tpu.memory_space<hbm>> -> memref<8x64xf32, #tpu.memory_space<hbm>>
    tpu.enqueue_dma source(%dma_start3A_239 : memref<8x64xf32, #tpu.memory_space<hbm>>) target(%dma_start3A_235 : memref<8x64xf32, #tpu.memory_space<vmem>>) target_semaphore(%arg18 : memref<!tpu.dma_semaphore, #tpu.memory_space<semaphore_mem>>)
    %slice3A_240 = vector.extract_strided_slice %get3A_10 {offsets = [4], sizes = [1], strides = [1]} : vector<16xi32> to vector<1xi32>
    %squeeze3A_241 = vector.extract %slice3A_240[0] : i32 from vector<1xi32>
    %shift_right_arithmetic3A_242 = arith.constant 3 : i32
    %shift_right_arithmetic3A_243 = arith.shrsi %squeeze3A_241, %shift_right_arithmetic3A_242 : i32
    %dma_start3A_244 = arith.constant 0 : i32
    %dma_start3A_245 = tpu.memref_slice %arg13[%multiple_of3A_207, %dma_start3A_244] : memref<128x64xf32, #tpu.memory_space<vmem>> -> memref<8x64xf32, #tpu.memory_space<vmem>>
    %dma_start3A_246 = arith.constant 0 : i32
    %dma_start3A_247 = arith.constant 0 : i32
    %dma_start3A_248 = tpu.memref_slice %arg5[%shift_right_arithmetic3A_243, %dma_start3A_246, %dma_start3A_247] : memref<125000x8x64xf32, #tpu.memory_space<hbm>> -> memref<1x8x64xf32, #tpu.memory_space<hbm>>
    %dma_start3A_249 = tpu.memref_squeeze %dma_start3A_248 : memref<1x8x64xf32, #tpu.memory_space<hbm>> -> memref<8x64xf32, #tpu.memory_space<hbm>>
    %dma_start3A_250 = arith.constant 0 : i32
    %dma_start3A_251 = tpu.memref_slice %arg13[%multiple_of3A_207, %dma_start3A_250] : memref<128x64xf32, #tpu.memory_space<vmem>> -> memref<8x64xf32, #tpu.memory_space<vmem>>
    %dma_start3A_252 = arith.constant 0 : i32
    %dma_start3A_253 = arith.constant 0 : i32
    %dma_start3A_254 = tpu.memref_slice %arg5[%shift_right_arithmetic3A_243, %dma_start3A_252, %dma_start3A_253] : memref<125000x8x64xf32, #tpu.memory_space<hbm>> -> memref<1x8x64xf32, #tpu.memory_space<hbm>>
    %dma_start3A_255 = tpu.memref_squeeze %dma_start3A_254 : memref<1x8x64xf32, #tpu.memory_space<hbm>> -> memref<8x64xf32, #tpu.memory_space<hbm>>
    tpu.enqueue_dma source(%dma_start3A_255 : memref<8x64xf32, #tpu.memory_space<hbm>>) target(%dma_start3A_251 : memref<8x64xf32, #tpu.memory_space<vmem>>) target_semaphore(%arg18 : memref<!tpu.dma_semaphore, #tpu.memory_space<semaphore_mem>>)
    %multiple_of3A_256 = arith.constant 40 : i32
    %multiple_of3A_257 = tpu.assume_multiple %multiple_of3A_256, 8 : i32
    %slice3A_258 = vector.extract_strided_slice %get3A_6 {offsets = [5], sizes = [1], strides = [1]} : vector<16xi32> to vector<1xi32>
    %squeeze3A_259 = vector.extract %slice3A_258[0] : i32 from vector<1xi32>
    %shift_right_arithmetic3A_260 = arith.constant 3 : i32
    %shift_right_arithmetic3A_261 = arith.shrsi %squeeze3A_259, %shift_right_arithmetic3A_260 : i32
    %dma_start3A_262 = arith.constant 0 : i32
    %dma_start3A_263 = tpu.memref_slice %arg11[%multiple_of3A_257, %dma_start3A_262] : memref<128x64xf32, #tpu.memory_space<vmem>> -> memref<8x64xf32, #tpu.memory_space<vmem>>
    %dma_start3A_264 = arith.constant 0 : i32
    %dma_start3A_265 = arith.constant 0 : i32
    %dma_start3A_266 = tpu.memref_slice %arg5[%shift_right_arithmetic3A_261, %dma_start3A_264, %dma_start3A_265] : memref<125000x8x64xf32, #tpu.memory_space<hbm>> -> memref<1x8x64xf32, #tpu.memory_space<hbm>>
    %dma_start3A_267 = tpu.memref_squeeze %dma_start3A_266 : memref<1x8x64xf32, #tpu.memory_space<hbm>> -> memref<8x64xf32, #tpu.memory_space<hbm>>
    %dma_start3A_268 = arith.constant 0 : i32
    %dma_start3A_269 = tpu.memref_slice %arg11[%multiple_of3A_257, %dma_start3A_268] : memref<128x64xf32, #tpu.memory_space<vmem>> -> memref<8x64xf32, #tpu.memory_space<vmem>>
    %dma_start3A_270 = arith.constant 0 : i32
    %dma_start3A_271 = arith.constant 0 : i32
    %dma_start3A_272 = tpu.memref_slice %arg5[%shift_right_arithmetic3A_261, %dma_start3A_270, %dma_start3A_271] : memref<125000x8x64xf32, #tpu.memory_space<hbm>> -> memref<1x8x64xf32, #tpu.memory_space<hbm>>
    %dma_start3A_273 = tpu.memref_squeeze %dma_start3A_272 : memref<1x8x64xf32, #tpu.memory_space<hbm>> -> memref<8x64xf32, #tpu.memory_space<hbm>>
    tpu.enqueue_dma source(%dma_start3A_273 : memref<8x64xf32, #tpu.memory_space<hbm>>) target(%dma_start3A_269 : memref<8x64xf32, #tpu.memory_space<vmem>>) target_semaphore(%arg18 : memref<!tpu.dma_semaphore, #tpu.memory_space<semaphore_mem>>)
    %slice3A_274 = vector.extract_strided_slice %get3A_8 {offsets = [5], sizes = [1], strides = [1]} : vector<16xi32> to vector<1xi32>
    %squeeze3A_275 = vector.extract %slice3A_274[0] : i32 from vector<1xi32>
    %shift_right_arithmetic3A_276 = arith.constant 3 : i32
    %shift_right_arithmetic3A_277 = arith.shrsi %squeeze3A_275, %shift_right_arithmetic3A_276 : i32
    %dma_start3A_278 = arith.constant 0 : i32
    %dma_start3A_279 = tpu.memref_slice %arg12[%multiple_of3A_257, %dma_start3A_278] : memref<128x64xf32, #tpu.memory_space<vmem>> -> memref<8x64xf32, #tpu.memory_space<vmem>>
    %dma_start3A_280 = arith.constant 0 : i32
    %dma_start3A_281 = arith.constant 0 : i32
    %dma_start3A_282 = tpu.memref_slice %arg6[%shift_right_arithmetic3A_277, %dma_start3A_280, %dma_start3A_281] : memref<125x8x64xf32, #tpu.memory_space<hbm>> -> memref<1x8x64xf32, #tpu.memory_space<hbm>>
    %dma_start3A_283 = tpu.memref_squeeze %dma_start3A_282 : memref<1x8x64xf32, #tpu.memory_space<hbm>> -> memref<8x64xf32, #tpu.memory_space<hbm>>
    %dma_start3A_284 = arith.constant 0 : i32
    %dma_start3A_285 = tpu.memref_slice %arg12[%multiple_of3A_257, %dma_start3A_284] : memref<128x64xf32, #tpu.memory_space<vmem>> -> memref<8x64xf32, #tpu.memory_space<vmem>>
    %dma_start3A_286 = arith.constant 0 : i32
    %dma_start3A_287 = arith.constant 0 : i32
    %dma_start3A_288 = tpu.memref_slice %arg6[%shift_right_arithmetic3A_277, %dma_start3A_286, %dma_start3A_287] : memref<125x8x64xf32, #tpu.memory_space<hbm>> -> memref<1x8x64xf32, #tpu.memory_space<hbm>>
    %dma_start3A_289 = tpu.memref_squeeze %dma_start3A_288 : memref<1x8x64xf32, #tpu.memory_space<hbm>> -> memref<8x64xf32, #tpu.memory_space<hbm>>
    tpu.enqueue_dma source(%dma_start3A_289 : memref<8x64xf32, #tpu.memory_space<hbm>>) target(%dma_start3A_285 : memref<8x64xf32, #tpu.memory_space<vmem>>) target_semaphore(%arg18 : memref<!tpu.dma_semaphore, #tpu.memory_space<semaphore_mem>>)
    %slice3A_290 = vector.extract_strided_slice %get3A_10 {offsets = [5], sizes = [1], strides = [1]} : vector<16xi32> to vector<1xi32>
    %squeeze3A_291 = vector.extract %slice3A_290[0] : i32 from vector<1xi32>
    %shift_right_arithmetic3A_292 = arith.constant 3 : i32
    %shift_right_arithmetic3A_293 = arith.shrsi %squeeze3A_291, %shift_right_arithmetic3A_292 : i32
    %dma_start3A_294 = arith.constant 0 : i32
    %dma_start3A_295 = tpu.memref_slice %arg13[%multiple_of3A_257, %dma_start3A_294] : memref<128x64xf32, #tpu.memory_space<vmem>> -> memref<8x64xf32, #tpu.memory_space<vmem>>
    %dma_start3A_296 = arith.constant 0 : i32
    %dma_start3A_297 = arith.constant 0 : i32
    %dma_start3A_298 = tpu.memref_slice %arg5[%shift_right_arithmetic3A_293, %dma_start3A_296, %dma_start3A_297] : memref<125000x8x64xf32, #tpu.memory_space<hbm>> -> memref<1x8x64xf32, #tpu.memory_space<hbm>>
    %dma_start3A_299 = tpu.memref_squeeze %dma_start3A_298 : memref<1x8x64xf32, #tpu.memory_space<hbm>> -> memref<8x64xf32, #tpu.memory_space<hbm>>
    %dma_start3A_300 = arith.constant 0 : i32
    %dma_start3A_301 = tpu.memref_slice %arg13[%multiple_of3A_257, %dma_start3A_300] : memref<128x64xf32, #tpu.memory_space<vmem>> -> memref<8x64xf32, #tpu.memory_space<vmem>>
    %dma_start3A_302 = arith.constant 0 : i32
    %dma_start3A_303 = arith.constant 0 : i32
    %dma_start3A_304 = tpu.memref_slice %arg5[%shift_right_arithmetic3A_293, %dma_start3A_302, %dma_start3A_303] : memref<125000x8x64xf32, #tpu.memory_space<hbm>> -> memref<1x8x64xf32, #tpu.memory_space<hbm>>
    %dma_start3A_305 = tpu.memref_squeeze %dma_start3A_304 : memref<1x8x64xf32, #tpu.memory_space<hbm>> -> memref<8x64xf32, #tpu.memory_space<hbm>>
    tpu.enqueue_dma source(%dma_start3A_305 : memref<8x64xf32, #tpu.memory_space<hbm>>) target(%dma_start3A_301 : memref<8x64xf32, #tpu.memory_space<vmem>>) target_semaphore(%arg18 : memref<!tpu.dma_semaphore, #tpu.memory_space<semaphore_mem>>)
    %multiple_of3A_306 = arith.constant 48 : i32
    %multiple_of3A_307 = tpu.assume_multiple %multiple_of3A_306, 8 : i32
    %slice3A_308 = vector.extract_strided_slice %get3A_6 {offsets = [6], sizes = [1], strides = [1]} : vector<16xi32> to vector<1xi32>
    %squeeze3A_309 = vector.extract %slice3A_308[0] : i32 from vector<1xi32>
    %shift_right_arithmetic3A_310 = arith.constant 3 : i32
    %shift_right_arithmetic3A_311 = arith.shrsi %squeeze3A_309, %shift_right_arithmetic3A_310 : i32
    %dma_start3A_312 = arith.constant 0 : i32
    %dma_start3A_313 = tpu.memref_slice %arg11[%multiple_of3A_307, %dma_start3A_312] : memref<128x64xf32, #tpu.memory_space<vmem>> -> memref<8x64xf32, #tpu.memory_space<vmem>>
    %dma_start3A_314 = arith.constant 0 : i32
    %dma_start3A_315 = arith.constant 0 : i32
    %dma_start3A_316 = tpu.memref_slice %arg5[%shift_right_arithmetic3A_311, %dma_start3A_314, %dma_start3A_315] : memref<125000x8x64xf32, #tpu.memory_space<hbm>> -> memref<1x8x64xf32, #tpu.memory_space<hbm>>
    %dma_start3A_317 = tpu.memref_squeeze %dma_start3A_316 : memref<1x8x64xf32, #tpu.memory_space<hbm>> -> memref<8x64xf32, #tpu.memory_space<hbm>>
    %dma_start3A_318 = arith.constant 0 : i32
    %dma_start3A_319 = tpu.memref_slice %arg11[%multiple_of3A_307, %dma_start3A_318] : memref<128x64xf32, #tpu.memory_space<vmem>> -> memref<8x64xf32, #tpu.memory_space<vmem>>
    %dma_start3A_320 = arith.constant 0 : i32
    %dma_start3A_321 = arith.constant 0 : i32
    %dma_start3A_322 = tpu.memref_slice %arg5[%shift_right_arithmetic3A_311, %dma_start3A_320, %dma_start3A_321] : memref<125000x8x64xf32, #tpu.memory_space<hbm>> -> memref<1x8x64xf32, #tpu.memory_space<hbm>>
    %dma_start3A_323 = tpu.memref_squeeze %dma_start3A_322 : memref<1x8x64xf32, #tpu.memory_space<hbm>> -> memref<8x64xf32, #tpu.memory_space<hbm>>
    tpu.enqueue_dma source(%dma_start3A_323 : memref<8x64xf32, #tpu.memory_space<hbm>>) target(%dma_start3A_319 : memref<8x64xf32, #tpu.memory_space<vmem>>) target_semaphore(%arg18 : memref<!tpu.dma_semaphore, #tpu.memory_space<semaphore_mem>>)
    %slice3A_324 = vector.extract_strided_slice %get3A_8 {offsets = [6], sizes = [1], strides = [1]} : vector<16xi32> to vector<1xi32>
    %squeeze3A_325 = vector.extract %slice3A_324[0] : i32 from vector<1xi32>
    %shift_right_arithmetic3A_326 = arith.constant 3 : i32
    %shift_right_arithmetic3A_327 = arith.shrsi %squeeze3A_325, %shift_right_arithmetic3A_326 : i32
    %dma_start3A_328 = arith.constant 0 : i32
    %dma_start3A_329 = tpu.memref_slice %arg12[%multiple_of3A_307, %dma_start3A_328] : memref<128x64xf32, #tpu.memory_space<vmem>> -> memref<8x64xf32, #tpu.memory_space<vmem>>
    %dma_start3A_330 = arith.constant 0 : i32
    %dma_start3A_331 = arith.constant 0 : i32
    %dma_start3A_332 = tpu.memref_slice %arg6[%shift_right_arithmetic3A_327, %dma_start3A_330, %dma_start3A_331] : memref<125x8x64xf32, #tpu.memory_space<hbm>> -> memref<1x8x64xf32, #tpu.memory_space<hbm>>
    %dma_start3A_333 = tpu.memref_squeeze %dma_start3A_332 : memref<1x8x64xf32, #tpu.memory_space<hbm>> -> memref<8x64xf32, #tpu.memory_space<hbm>>
    %dma_start3A_334 = arith.constant 0 : i32
    %dma_start3A_335 = tpu.memref_slice %arg12[%multiple_of3A_307, %dma_start3A_334] : memref<128x64xf32, #tpu.memory_space<vmem>> -> memref<8x64xf32, #tpu.memory_space<vmem>>
    %dma_start3A_336 = arith.constant 0 : i32
    %dma_start3A_337 = arith.constant 0 : i32
    %dma_start3A_338 = tpu.memref_slice %arg6[%shift_right_arithmetic3A_327, %dma_start3A_336, %dma_start3A_337] : memref<125x8x64xf32, #tpu.memory_space<hbm>> -> memref<1x8x64xf32, #tpu.memory_space<hbm>>
    %dma_start3A_339 = tpu.memref_squeeze %dma_start3A_338 : memref<1x8x64xf32, #tpu.memory_space<hbm>> -> memref<8x64xf32, #tpu.memory_space<hbm>>
    tpu.enqueue_dma source(%dma_start3A_339 : memref<8x64xf32, #tpu.memory_space<hbm>>) target(%dma_start3A_335 : memref<8x64xf32, #tpu.memory_space<vmem>>) target_semaphore(%arg18 : memref<!tpu.dma_semaphore, #tpu.memory_space<semaphore_mem>>)
    %slice3A_340 = vector.extract_strided_slice %get3A_10 {offsets = [6], sizes = [1], strides = [1]} : vector<16xi32> to vector<1xi32>
    %squeeze3A_341 = vector.extract %slice3A_340[0] : i32 from vector<1xi32>
    %shift_right_arithmetic3A_342 = arith.constant 3 : i32
    %shift_right_arithmetic3A_343 = arith.shrsi %squeeze3A_341, %shift_right_arithmetic3A_342 : i32
    %dma_start3A_344 = arith.constant 0 : i32
    %dma_start3A_345 = tpu.memref_slice %arg13[%multiple_of3A_307, %dma_start3A_344] : memref<128x64xf32, #tpu.memory_space<vmem>> -> memref<8x64xf32, #tpu.memory_space<vmem>>
    %dma_start3A_346 = arith.constant 0 : i32
    %dma_start3A_347 = arith.constant 0 : i32
    %dma_start3A_348 = tpu.memref_slice %arg5[%shift_right_arithmetic3A_343, %dma_start3A_346, %dma_start3A_347] : memref<125000x8x64xf32, #tpu.memory_space<hbm>> -> memref<1x8x64xf32, #tpu.memory_space<hbm>>
    %dma_start3A_349 = tpu.memref_squeeze %dma_start3A_348 : memref<1x8x64xf32, #tpu.memory_space<hbm>> -> memref<8x64xf32, #tpu.memory_space<hbm>>
    %dma_start3A_350 = arith.constant 0 : i32
    %dma_start3A_351 = tpu.memref_slice %arg13[%multiple_of3A_307, %dma_start3A_350] : memref<128x64xf32, #tpu.memory_space<vmem>> -> memref<8x64xf32, #tpu.memory_space<vmem>>
    %dma_start3A_352 = arith.constant 0 : i32
    %dma_start3A_353 = arith.constant 0 : i32
    %dma_start3A_354 = tpu.memref_slice %arg5[%shift_right_arithmetic3A_343, %dma_start3A_352, %dma_start3A_353] : memref<125000x8x64xf32, #tpu.memory_space<hbm>> -> memref<1x8x64xf32, #tpu.memory_space<hbm>>
    %dma_start3A_355 = tpu.memref_squeeze %dma_start3A_354 : memref<1x8x64xf32, #tpu.memory_space<hbm>> -> memref<8x64xf32, #tpu.memory_space<hbm>>
    tpu.enqueue_dma source(%dma_start3A_355 : memref<8x64xf32, #tpu.memory_space<hbm>>) target(%dma_start3A_351 : memref<8x64xf32, #tpu.memory_space<vmem>>) target_semaphore(%arg18 : memref<!tpu.dma_semaphore, #tpu.memory_space<semaphore_mem>>)
    %multiple_of3A_356 = arith.constant 56 : i32
    %multiple_of3A_357 = tpu.assume_multiple %multiple_of3A_356, 8 : i32
    %slice3A_358 = vector.extract_strided_slice %get3A_6 {offsets = [7], sizes = [1], strides = [1]} : vector<16xi32> to vector<1xi32>
    %squeeze3A_359 = vector.extract %slice3A_358[0] : i32 from vector<1xi32>
    %shift_right_arithmetic3A_360 = arith.constant 3 : i32
    %shift_right_arithmetic3A_361 = arith.shrsi %squeeze3A_359, %shift_right_arithmetic3A_360 : i32
    %dma_start3A_362 = arith.constant 0 : i32
    %dma_start3A_363 = tpu.memref_slice %arg11[%multiple_of3A_357, %dma_start3A_362] : memref<128x64xf32, #tpu.memory_space<vmem>> -> memref<8x64xf32, #tpu.memory_space<vmem>>
    %dma_start3A_364 = arith.constant 0 : i32
    %dma_start3A_365 = arith.constant 0 : i32
    %dma_start3A_366 = tpu.memref_slice %arg5[%shift_right_arithmetic3A_361, %dma_start3A_364, %dma_start3A_365] : memref<125000x8x64xf32, #tpu.memory_space<hbm>> -> memref<1x8x64xf32, #tpu.memory_space<hbm>>
    %dma_start3A_367 = tpu.memref_squeeze %dma_start3A_366 : memref<1x8x64xf32, #tpu.memory_space<hbm>> -> memref<8x64xf32, #tpu.memory_space<hbm>>
    %dma_start3A_368 = arith.constant 0 : i32
    %dma_start3A_369 = tpu.memref_slice %arg11[%multiple_of3A_357, %dma_start3A_368] : memref<128x64xf32, #tpu.memory_space<vmem>> -> memref<8x64xf32, #tpu.memory_space<vmem>>
    %dma_start3A_370 = arith.constant 0 : i32
    %dma_start3A_371 = arith.constant 0 : i32
    %dma_start3A_372 = tpu.memref_slice %arg5[%shift_right_arithmetic3A_361, %dma_start3A_370, %dma_start3A_371] : memref<125000x8x64xf32, #tpu.memory_space<hbm>> -> memref<1x8x64xf32, #tpu.memory_space<hbm>>
    %dma_start3A_373 = tpu.memref_squeeze %dma_start3A_372 : memref<1x8x64xf32, #tpu.memory_space<hbm>> -> memref<8x64xf32, #tpu.memory_space<hbm>>
    tpu.enqueue_dma source(%dma_start3A_373 : memref<8x64xf32, #tpu.memory_space<hbm>>) target(%dma_start3A_369 : memref<8x64xf32, #tpu.memory_space<vmem>>) target_semaphore(%arg18 : memref<!tpu.dma_semaphore, #tpu.memory_space<semaphore_mem>>)
    %slice3A_374 = vector.extract_strided_slice %get3A_8 {offsets = [7], sizes = [1], strides = [1]} : vector<16xi32> to vector<1xi32>
    %squeeze3A_375 = vector.extract %slice3A_374[0] : i32 from vector<1xi32>
    %shift_right_arithmetic3A_376 = arith.constant 3 : i32
    %shift_right_arithmetic3A_377 = arith.shrsi %squeeze3A_375, %shift_right_arithmetic3A_376 : i32
    %dma_start3A_378 = arith.constant 0 : i32
    %dma_start3A_379 = tpu.memref_slice %arg12[%multiple_of3A_357, %dma_start3A_378] : memref<128x64xf32, #tpu.memory_space<vmem>> -> memref<8x64xf32, #tpu.memory_space<vmem>>
    %dma_start3A_380 = arith.constant 0 : i32
    %dma_start3A_381 = arith.constant 0 : i32
    %dma_start3A_382 = tpu.memref_slice %arg6[%shift_right_arithmetic3A_377, %dma_start3A_380, %dma_start3A_381] : memref<125x8x64xf32, #tpu.memory_space<hbm>> -> memref<1x8x64xf32, #tpu.memory_space<hbm>>
    %dma_start3A_383 = tpu.memref_squeeze %dma_start3A_382 : memref<1x8x64xf32, #tpu.memory_space<hbm>> -> memref<8x64xf32, #tpu.memory_space<hbm>>
    %dma_start3A_384 = arith.constant 0 : i32
    %dma_start3A_385 = tpu.memref_slice %arg12[%multiple_of3A_357, %dma_start3A_384] : memref<128x64xf32, #tpu.memory_space<vmem>> -> memref<8x64xf32, #tpu.memory_space<vmem>>
    %dma_start3A_386 = arith.constant 0 : i32
    %dma_start3A_387 = arith.constant 0 : i32
    %dma_start3A_388 = tpu.memref_slice %arg6[%shift_right_arithmetic3A_377, %dma_start3A_386, %dma_start3A_387] : memref<125x8x64xf32, #tpu.memory_space<hbm>> -> memref<1x8x64xf32, #tpu.memory_space<hbm>>
    %dma_start3A_389 = tpu.memref_squeeze %dma_start3A_388 : memref<1x8x64xf32, #tpu.memory_space<hbm>> -> memref<8x64xf32, #tpu.memory_space<hbm>>
    tpu.enqueue_dma source(%dma_start3A_389 : memref<8x64xf32, #tpu.memory_space<hbm>>) target(%dma_start3A_385 : memref<8x64xf32, #tpu.memory_space<vmem>>) target_semaphore(%arg18 : memref<!tpu.dma_semaphore, #tpu.memory_space<semaphore_mem>>)
    %slice3A_390 = vector.extract_strided_slice %get3A_10 {offsets = [7], sizes = [1], strides = [1]} : vector<16xi32> to vector<1xi32>
    %squeeze3A_391 = vector.extract %slice3A_390[0] : i32 from vector<1xi32>
    %shift_right_arithmetic3A_392 = arith.constant 3 : i32
    %shift_right_arithmetic3A_393 = arith.shrsi %squeeze3A_391, %shift_right_arithmetic3A_392 : i32
    %dma_start3A_394 = arith.constant 0 : i32
    %dma_start3A_395 = tpu.memref_slice %arg13[%multiple_of3A_357, %dma_start3A_394] : memref<128x64xf32, #tpu.memory_space<vmem>> -> memref<8x64xf32, #tpu.memory_space<vmem>>
    %dma_start3A_396 = arith.constant 0 : i32
    %dma_start3A_397 = arith.constant 0 : i32
    %dma_start3A_398 = tpu.memref_slice %arg5[%shift_right_arithmetic3A_393, %dma_start3A_396, %dma_start3A_397] : memref<125000x8x64xf32, #tpu.memory_space<hbm>> -> memref<1x8x64xf32, #tpu.memory_space<hbm>>
    %dma_start3A_399 = tpu.memref_squeeze %dma_start3A_398 : memref<1x8x64xf32, #tpu.memory_space<hbm>> -> memref<8x64xf32, #tpu.memory_space<hbm>>
    %dma_start3A_400 = arith.constant 0 : i32
    %dma_start3A_401 = tpu.memref_slice %arg13[%multiple_of3A_357, %dma_start3A_400] : memref<128x64xf32, #tpu.memory_space<vmem>> -> memref<8x64xf32, #tpu.memory_space<vmem>>
    %dma_start3A_402 = arith.constant 0 : i32
    %dma_start3A_403 = arith.constant 0 : i32
    %dma_start3A_404 = tpu.memref_slice %arg5[%shift_right_arithmetic3A_393, %dma_start3A_402, %dma_start3A_403] : memref<125000x8x64xf32, #tpu.memory_space<hbm>> -> memref<1x8x64xf32, #tpu.memory_space<hbm>>
    %dma_start3A_405 = tpu.memref_squeeze %dma_start3A_404 : memref<1x8x64xf32, #tpu.memory_space<hbm>> -> memref<8x64xf32, #tpu.memory_space<hbm>>
    tpu.enqueue_dma source(%dma_start3A_405 : memref<8x64xf32, #tpu.memory_space<hbm>>) target(%dma_start3A_401 : memref<8x64xf32, #tpu.memory_space<vmem>>) target_semaphore(%arg18 : memref<!tpu.dma_semaphore, #tpu.memory_space<semaphore_mem>>)
    %multiple_of3A_406 = arith.constant 64 : i32
    %multiple_of3A_407 = tpu.assume_multiple %multiple_of3A_406, 8 : i32
    %slice3A_408 = vector.extract_strided_slice %get3A_6 {offsets = [8], sizes = [1], strides = [1]} : vector<16xi32> to vector<1xi32>
    %squeeze3A_409 = vector.extract %slice3A_408[0] : i32 from vector<1xi32>
    %shift_right_arithmetic3A_410 = arith.constant 3 : i32
    %shift_right_arithmetic3A_411 = arith.shrsi %squeeze3A_409, %shift_right_arithmetic3A_410 : i32
    %dma_start3A_412 = arith.constant 0 : i32
    %dma_start3A_413 = tpu.memref_slice %arg11[%multiple_of3A_407, %dma_start3A_412] : memref<128x64xf32, #tpu.memory_space<vmem>> -> memref<8x64xf32, #tpu.memory_space<vmem>>
    %dma_start3A_414 = arith.constant 0 : i32
    %dma_start3A_415 = arith.constant 0 : i32
    %dma_start3A_416 = tpu.memref_slice %arg5[%shift_right_arithmetic3A_411, %dma_start3A_414, %dma_start3A_415] : memref<125000x8x64xf32, #tpu.memory_space<hbm>> -> memref<1x8x64xf32, #tpu.memory_space<hbm>>
    %dma_start3A_417 = tpu.memref_squeeze %dma_start3A_416 : memref<1x8x64xf32, #tpu.memory_space<hbm>> -> memref<8x64xf32, #tpu.memory_space<hbm>>
    %dma_start3A_418 = arith.constant 0 : i32
    %dma_start3A_419 = tpu.memref_slice %arg11[%multiple_of3A_407, %dma_start3A_418] : memref<128x64xf32, #tpu.memory_space<vmem>> -> memref<8x64xf32, #tpu.memory_space<vmem>>
    %dma_start3A_420 = arith.constant 0 : i32
    %dma_start3A_421 = arith.constant 0 : i32
    %dma_start3A_422 = tpu.memref_slice %arg5[%shift_right_arithmetic3A_411, %dma_start3A_420, %dma_start3A_421] : memref<125000x8x64xf32, #tpu.memory_space<hbm>> -> memref<1x8x64xf32, #tpu.memory_space<hbm>>
    %dma_start3A_423 = tpu.memref_squeeze %dma_start3A_422 : memref<1x8x64xf32, #tpu.memory_space<hbm>> -> memref<8x64xf32, #tpu.memory_space<hbm>>
    tpu.enqueue_dma source(%dma_start3A_423 : memref<8x64xf32, #tpu.memory_space<hbm>>) target(%dma_start3A_419 : memref<8x64xf32, #tpu.memory_space<vmem>>) target_semaphore(%arg18 : memref<!tpu.dma_semaphore, #tpu.memory_space<semaphore_mem>>)
    %slice3A_424 = vector.extract_strided_slice %get3A_8 {offsets = [8], sizes = [1], strides = [1]} : vector<16xi32> to vector<1xi32>
    %squeeze3A_425 = vector.extract %slice3A_424[0] : i32 from vector<1xi32>
    %shift_right_arithmetic3A_426 = arith.constant 3 : i32
    %shift_right_arithmetic3A_427 = arith.shrsi %squeeze3A_425, %shift_right_arithmetic3A_426 : i32
    %dma_start3A_428 = arith.constant 0 : i32
    %dma_start3A_429 = tpu.memref_slice %arg12[%multiple_of3A_407, %dma_start3A_428] : memref<128x64xf32, #tpu.memory_space<vmem>> -> memref<8x64xf32, #tpu.memory_space<vmem>>
    %dma_start3A_430 = arith.constant 0 : i32
    %dma_start3A_431 = arith.constant 0 : i32
    %dma_start3A_432 = tpu.memref_slice %arg6[%shift_right_arithmetic3A_427, %dma_start3A_430, %dma_start3A_431] : memref<125x8x64xf32, #tpu.memory_space<hbm>> -> memref<1x8x64xf32, #tpu.memory_space<hbm>>
    %dma_start3A_433 = tpu.memref_squeeze %dma_start3A_432 : memref<1x8x64xf32, #tpu.memory_space<hbm>> -> memref<8x64xf32, #tpu.memory_space<hbm>>
    %dma_start3A_434 = arith.constant 0 : i32
    %dma_start3A_435 = tpu.memref_slice %arg12[%multiple_of3A_407, %dma_start3A_434] : memref<128x64xf32, #tpu.memory_space<vmem>> -> memref<8x64xf32, #tpu.memory_space<vmem>>
    %dma_start3A_436 = arith.constant 0 : i32
    %dma_start3A_437 = arith.constant 0 : i32
    %dma_start3A_438 = tpu.memref_slice %arg6[%shift_right_arithmetic3A_427, %dma_start3A_436, %dma_start3A_437] : memref<125x8x64xf32, #tpu.memory_space<hbm>> -> memref<1x8x64xf32, #tpu.memory_space<hbm>>
    %dma_start3A_439 = tpu.memref_squeeze %dma_start3A_438 : memref<1x8x64xf32, #tpu.memory_space<hbm>> -> memref<8x64xf32, #tpu.memory_space<hbm>>
    tpu.enqueue_dma source(%dma_start3A_439 : memref<8x64xf32, #tpu.memory_space<hbm>>) target(%dma_start3A_435 : memref<8x64xf32, #tpu.memory_space<vmem>>) target_semaphore(%arg18 : memref<!tpu.dma_semaphore, #tpu.memory_space<semaphore_mem>>)
    %slice3A_440 = vector.extract_strided_slice %get3A_10 {offsets = [8], sizes = [1], strides = [1]} : vector<16xi32> to vector<1xi32>
    %squeeze3A_441 = vector.extract %slice3A_440[0] : i32 from vector<1xi32>
    %shift_right_arithmetic3A_442 = arith.constant 3 : i32
    %shift_right_arithmetic3A_443 = arith.shrsi %squeeze3A_441, %shift_right_arithmetic3A_442 : i32
    %dma_start3A_444 = arith.constant 0 : i32
    %dma_start3A_445 = tpu.memref_slice %arg13[%multiple_of3A_407, %dma_start3A_444] : memref<128x64xf32, #tpu.memory_space<vmem>> -> memref<8x64xf32, #tpu.memory_space<vmem>>
    %dma_start3A_446 = arith.constant 0 : i32
    %dma_start3A_447 = arith.constant 0 : i32
    %dma_start3A_448 = tpu.memref_slice %arg5[%shift_right_arithmetic3A_443, %dma_start3A_446, %dma_start3A_447] : memref<125000x8x64xf32, #tpu.memory_space<hbm>> -> memref<1x8x64xf32, #tpu.memory_space<hbm>>
    %dma_start3A_449 = tpu.memref_squeeze %dma_start3A_448 : memref<1x8x64xf32, #tpu.memory_space<hbm>> -> memref<8x64xf32, #tpu.memory_space<hbm>>
    %dma_start3A_450 = arith.constant 0 : i32
    %dma_start3A_451 = tpu.memref_slice %arg13[%multiple_of3A_407, %dma_start3A_450] : memref<128x64xf32, #tpu.memory_space<vmem>> -> memref<8x64xf32, #tpu.memory_space<vmem>>
    %dma_start3A_452 = arith.constant 0 : i32
    %dma_start3A_453 = arith.constant 0 : i32
    %dma_start3A_454 = tpu.memref_slice %arg5[%shift_right_arithmetic3A_443, %dma_start3A_452, %dma_start3A_453] : memref<125000x8x64xf32, #tpu.memory_space<hbm>> -> memref<1x8x64xf32, #tpu.memory_space<hbm>>
    %dma_start3A_455 = tpu.memref_squeeze %dma_start3A_454 : memref<1x8x64xf32, #tpu.memory_space<hbm>> -> memref<8x64xf32, #tpu.memory_space<hbm>>
    tpu.enqueue_dma source(%dma_start3A_455 : memref<8x64xf32, #tpu.memory_space<hbm>>) target(%dma_start3A_451 : memref<8x64xf32, #tpu.memory_space<vmem>>) target_semaphore(%arg18 : memref<!tpu.dma_semaphore, #tpu.memory_space<semaphore_mem>>)
    %multiple_of3A_456 = arith.constant 72 : i32
    %multiple_of3A_457 = tpu.assume_multiple %multiple_of3A_456, 8 : i32
    %slice3A_458 = vector.extract_strided_slice %get3A_6 {offsets = [9], sizes = [1], strides = [1]} : vector<16xi32> to vector<1xi32>
    %squeeze3A_459 = vector.extract %slice3A_458[0] : i32 from vector<1xi32>
    %shift_right_arithmetic3A_460 = arith.constant 3 : i32
    %shift_right_arithmetic3A_461 = arith.shrsi %squeeze3A_459, %shift_right_arithmetic3A_460 : i32
    %dma_start3A_462 = arith.constant 0 : i32
    %dma_start3A_463 = tpu.memref_slice %arg11[%multiple_of3A_457, %dma_start3A_462] : memref<128x64xf32, #tpu.memory_space<vmem>> -> memref<8x64xf32, #tpu.memory_space<vmem>>
    %dma_start3A_464 = arith.constant 0 : i32
    %dma_start3A_465 = arith.constant 0 : i32
    %dma_start3A_466 = tpu.memref_slice %arg5[%shift_right_arithmetic3A_461, %dma_start3A_464, %dma_start3A_465] : memref<125000x8x64xf32, #tpu.memory_space<hbm>> -> memref<1x8x64xf32, #tpu.memory_space<hbm>>
    %dma_start3A_467 = tpu.memref_squeeze %dma_start3A_466 : memref<1x8x64xf32, #tpu.memory_space<hbm>> -> memref<8x64xf32, #tpu.memory_space<hbm>>
    %dma_start3A_468 = arith.constant 0 : i32
    %dma_start3A_469 = tpu.memref_slice %arg11[%multiple_of3A_457, %dma_start3A_468] : memref<128x64xf32, #tpu.memory_space<vmem>> -> memref<8x64xf32, #tpu.memory_space<vmem>>
    %dma_start3A_470 = arith.constant 0 : i32
    %dma_start3A_471 = arith.constant 0 : i32
    %dma_start3A_472 = tpu.memref_slice %arg5[%shift_right_arithmetic3A_461, %dma_start3A_470, %dma_start3A_471] : memref<125000x8x64xf32, #tpu.memory_space<hbm>> -> memref<1x8x64xf32, #tpu.memory_space<hbm>>
    %dma_start3A_473 = tpu.memref_squeeze %dma_start3A_472 : memref<1x8x64xf32, #tpu.memory_space<hbm>> -> memref<8x64xf32, #tpu.memory_space<hbm>>
    tpu.enqueue_dma source(%dma_start3A_473 : memref<8x64xf32, #tpu.memory_space<hbm>>) target(%dma_start3A_469 : memref<8x64xf32, #tpu.memory_space<vmem>>) target_semaphore(%arg18 : memref<!tpu.dma_semaphore, #tpu.memory_space<semaphore_mem>>)
    %slice3A_474 = vector.extract_strided_slice %get3A_8 {offsets = [9], sizes = [1], strides = [1]} : vector<16xi32> to vector<1xi32>
    %squeeze3A_475 = vector.extract %slice3A_474[0] : i32 from vector<1xi32>
    %shift_right_arithmetic3A_476 = arith.constant 3 : i32
    %shift_right_arithmetic3A_477 = arith.shrsi %squeeze3A_475, %shift_right_arithmetic3A_476 : i32
    %dma_start3A_478 = arith.constant 0 : i32
    %dma_start3A_479 = tpu.memref_slice %arg12[%multiple_of3A_457, %dma_start3A_478] : memref<128x64xf32, #tpu.memory_space<vmem>> -> memref<8x64xf32, #tpu.memory_space<vmem>>
    %dma_start3A_480 = arith.constant 0 : i32
    %dma_start3A_481 = arith.constant 0 : i32
    %dma_start3A_482 = tpu.memref_slice %arg6[%shift_right_arithmetic3A_477, %dma_start3A_480, %dma_start3A_481] : memref<125x8x64xf32, #tpu.memory_space<hbm>> -> memref<1x8x64xf32, #tpu.memory_space<hbm>>
    %dma_start3A_483 = tpu.memref_squeeze %dma_start3A_482 : memref<1x8x64xf32, #tpu.memory_space<hbm>> -> memref<8x64xf32, #tpu.memory_space<hbm>>
    %dma_start3A_484 = arith.constant 0 : i32
    %dma_start3A_485 = tpu.memref_slice %arg12[%multiple_of3A_457, %dma_start3A_484] : memref<128x64xf32, #tpu.memory_space<vmem>> -> memref<8x64xf32, #tpu.memory_space<vmem>>
    %dma_start3A_486 = arith.constant 0 : i32
    %dma_start3A_487 = arith.constant 0 : i32
    %dma_start3A_488 = tpu.memref_slice %arg6[%shift_right_arithmetic3A_477, %dma_start3A_486, %dma_start3A_487] : memref<125x8x64xf32, #tpu.memory_space<hbm>> -> memref<1x8x64xf32, #tpu.memory_space<hbm>>
    %dma_start3A_489 = tpu.memref_squeeze %dma_start3A_488 : memref<1x8x64xf32, #tpu.memory_space<hbm>> -> memref<8x64xf32, #tpu.memory_space<hbm>>
    tpu.enqueue_dma source(%dma_start3A_489 : memref<8x64xf32, #tpu.memory_space<hbm>>) target(%dma_start3A_485 : memref<8x64xf32, #tpu.memory_space<vmem>>) target_semaphore(%arg18 : memref<!tpu.dma_semaphore, #tpu.memory_space<semaphore_mem>>)
    %slice3A_490 = vector.extract_strided_slice %get3A_10 {offsets = [9], sizes = [1], strides = [1]} : vector<16xi32> to vector<1xi32>
    %squeeze3A_491 = vector.extract %slice3A_490[0] : i32 from vector<1xi32>
    %shift_right_arithmetic3A_492 = arith.constant 3 : i32
    %shift_right_arithmetic3A_493 = arith.shrsi %squeeze3A_491, %shift_right_arithmetic3A_492 : i32
    %dma_start3A_494 = arith.constant 0 : i32
    %dma_start3A_495 = tpu.memref_slice %arg13[%multiple_of3A_457, %dma_start3A_494] : memref<128x64xf32, #tpu.memory_space<vmem>> -> memref<8x64xf32, #tpu.memory_space<vmem>>
    %dma_start3A_496 = arith.constant 0 : i32
    %dma_start3A_497 = arith.constant 0 : i32
    %dma_start3A_498 = tpu.memref_slice %arg5[%shift_right_arithmetic3A_493, %dma_start3A_496, %dma_start3A_497] : memref<125000x8x64xf32, #tpu.memory_space<hbm>> -> memref<1x8x64xf32, #tpu.memory_space<hbm>>
    %dma_start3A_499 = tpu.memref_squeeze %dma_start3A_498 : memref<1x8x64xf32, #tpu.memory_space<hbm>> -> memref<8x64xf32, #tpu.memory_space<hbm>>
    %dma_start3A_500 = arith.constant 0 : i32
    %dma_start3A_501 = tpu.memref_slice %arg13[%multiple_of3A_457, %dma_start3A_500] : memref<128x64xf32, #tpu.memory_space<vmem>> -> memref<8x64xf32, #tpu.memory_space<vmem>>
    %dma_start3A_502 = arith.constant 0 : i32
    %dma_start3A_503 = arith.constant 0 : i32
    %dma_start3A_504 = tpu.memref_slice %arg5[%shift_right_arithmetic3A_493, %dma_start3A_502, %dma_start3A_503] : memref<125000x8x64xf32, #tpu.memory_space<hbm>> -> memref<1x8x64xf32, #tpu.memory_space<hbm>>
    %dma_start3A_505 = tpu.memref_squeeze %dma_start3A_504 : memref<1x8x64xf32, #tpu.memory_space<hbm>> -> memref<8x64xf32, #tpu.memory_space<hbm>>
    tpu.enqueue_dma source(%dma_start3A_505 : memref<8x64xf32, #tpu.memory_space<hbm>>) target(%dma_start3A_501 : memref<8x64xf32, #tpu.memory_space<vmem>>) target_semaphore(%arg18 : memref<!tpu.dma_semaphore, #tpu.memory_space<semaphore_mem>>)
    %multiple_of3A_506 = arith.constant 80 : i32
    %multiple_of3A_507 = tpu.assume_multiple %multiple_of3A_506, 8 : i32
    %slice3A_508 = vector.extract_strided_slice %get3A_6 {offsets = [10], sizes = [1], strides = [1]} : vector<16xi32> to vector<1xi32>
    %squeeze3A_509 = vector.extract %slice3A_508[0] : i32 from vector<1xi32>
    %shift_right_arithmetic3A_510 = arith.constant 3 : i32
    %shift_right_arithmetic3A_511 = arith.shrsi %squeeze3A_509, %shift_right_arithmetic3A_510 : i32
    %dma_start3A_512 = arith.constant 0 : i32
    %dma_start3A_513 = tpu.memref_slice %arg11[%multiple_of3A_507, %dma_start3A_512] : memref<128x64xf32, #tpu.memory_space<vmem>> -> memref<8x64xf32, #tpu.memory_space<vmem>>
    %dma_start3A_514 = arith.constant 0 : i32
    %dma_start3A_515 = arith.constant 0 : i32
    %dma_start3A_516 = tpu.memref_slice %arg5[%shift_right_arithmetic3A_511, %dma_start3A_514, %dma_start3A_515] : memref<125000x8x64xf32, #tpu.memory_space<hbm>> -> memref<1x8x64xf32, #tpu.memory_space<hbm>>
    %dma_start3A_517 = tpu.memref_squeeze %dma_start3A_516 : memref<1x8x64xf32, #tpu.memory_space<hbm>> -> memref<8x64xf32, #tpu.memory_space<hbm>>
    %dma_start3A_518 = arith.constant 0 : i32
    %dma_start3A_519 = tpu.memref_slice %arg11[%multiple_of3A_507, %dma_start3A_518] : memref<128x64xf32, #tpu.memory_space<vmem>> -> memref<8x64xf32, #tpu.memory_space<vmem>>
    %dma_start3A_520 = arith.constant 0 : i32
    %dma_start3A_521 = arith.constant 0 : i32
    %dma_start3A_522 = tpu.memref_slice %arg5[%shift_right_arithmetic3A_511, %dma_start3A_520, %dma_start3A_521] : memref<125000x8x64xf32, #tpu.memory_space<hbm>> -> memref<1x8x64xf32, #tpu.memory_space<hbm>>
    %dma_start3A_523 = tpu.memref_squeeze %dma_start3A_522 : memref<1x8x64xf32, #tpu.memory_space<hbm>> -> memref<8x64xf32, #tpu.memory_space<hbm>>
    tpu.enqueue_dma source(%dma_start3A_523 : memref<8x64xf32, #tpu.memory_space<hbm>>) target(%dma_start3A_519 : memref<8x64xf32, #tpu.memory_space<vmem>>) target_semaphore(%arg18 : memref<!tpu.dma_semaphore, #tpu.memory_space<semaphore_mem>>)
    %slice3A_524 = vector.extract_strided_slice %get3A_8 {offsets = [10], sizes = [1], strides = [1]} : vector<16xi32> to vector<1xi32>
    %squeeze3A_525 = vector.extract %slice3A_524[0] : i32 from vector<1xi32>
    %shift_right_arithmetic3A_526 = arith.constant 3 : i32
    %shift_right_arithmetic3A_527 = arith.shrsi %squeeze3A_525, %shift_right_arithmetic3A_526 : i32
    %dma_start3A_528 = arith.constant 0 : i32
    %dma_start3A_529 = tpu.memref_slice %arg12[%multiple_of3A_507, %dma_start3A_528] : memref<128x64xf32, #tpu.memory_space<vmem>> -> memref<8x64xf32, #tpu.memory_space<vmem>>
    %dma_start3A_530 = arith.constant 0 : i32
    %dma_start3A_531 = arith.constant 0 : i32
    %dma_start3A_532 = tpu.memref_slice %arg6[%shift_right_arithmetic3A_527, %dma_start3A_530, %dma_start3A_531] : memref<125x8x64xf32, #tpu.memory_space<hbm>> -> memref<1x8x64xf32, #tpu.memory_space<hbm>>
    %dma_start3A_533 = tpu.memref_squeeze %dma_start3A_532 : memref<1x8x64xf32, #tpu.memory_space<hbm>> -> memref<8x64xf32, #tpu.memory_space<hbm>>
    %dma_start3A_534 = arith.constant 0 : i32
    %dma_start3A_535 = tpu.memref_slice %arg12[%multiple_of3A_507, %dma_start3A_534] : memref<128x64xf32, #tpu.memory_space<vmem>> -> memref<8x64xf32, #tpu.memory_space<vmem>>
    %dma_start3A_536 = arith.constant 0 : i32
    %dma_start3A_537 = arith.constant 0 : i32
    %dma_start3A_538 = tpu.memref_slice %arg6[%shift_right_arithmetic3A_527, %dma_start3A_536, %dma_start3A_537] : memref<125x8x64xf32, #tpu.memory_space<hbm>> -> memref<1x8x64xf32, #tpu.memory_space<hbm>>
    %dma_start3A_539 = tpu.memref_squeeze %dma_start3A_538 : memref<1x8x64xf32, #tpu.memory_space<hbm>> -> memref<8x64xf32, #tpu.memory_space<hbm>>
    tpu.enqueue_dma source(%dma_start3A_539 : memref<8x64xf32, #tpu.memory_space<hbm>>) target(%dma_start3A_535 : memref<8x64xf32, #tpu.memory_space<vmem>>) target_semaphore(%arg18 : memref<!tpu.dma_semaphore, #tpu.memory_space<semaphore_mem>>)
    %slice3A_540 = vector.extract_strided_slice %get3A_10 {offsets = [10], sizes = [1], strides = [1]} : vector<16xi32> to vector<1xi32>
    %squeeze3A_541 = vector.extract %slice3A_540[0] : i32 from vector<1xi32>
    %shift_right_arithmetic3A_542 = arith.constant 3 : i32
    %shift_right_arithmetic3A_543 = arith.shrsi %squeeze3A_541, %shift_right_arithmetic3A_542 : i32
    %dma_start3A_544 = arith.constant 0 : i32
    %dma_start3A_545 = tpu.memref_slice %arg13[%multiple_of3A_507, %dma_start3A_544] : memref<128x64xf32, #tpu.memory_space<vmem>> -> memref<8x64xf32, #tpu.memory_space<vmem>>
    %dma_start3A_546 = arith.constant 0 : i32
    %dma_start3A_547 = arith.constant 0 : i32
    %dma_start3A_548 = tpu.memref_slice %arg5[%shift_right_arithmetic3A_543, %dma_start3A_546, %dma_start3A_547] : memref<125000x8x64xf32, #tpu.memory_space<hbm>> -> memref<1x8x64xf32, #tpu.memory_space<hbm>>
    %dma_start3A_549 = tpu.memref_squeeze %dma_start3A_548 : memref<1x8x64xf32, #tpu.memory_space<hbm>> -> memref<8x64xf32, #tpu.memory_space<hbm>>
    %dma_start3A_550 = arith.constant 0 : i32
    %dma_start3A_551 = tpu.memref_slice %arg13[%multiple_of3A_507, %dma_start3A_550] : memref<128x64xf32, #tpu.memory_space<vmem>> -> memref<8x64xf32, #tpu.memory_space<vmem>>
    %dma_start3A_552 = arith.constant 0 : i32
    %dma_start3A_553 = arith.constant 0 : i32
    %dma_start3A_554 = tpu.memref_slice %arg5[%shift_right_arithmetic3A_543, %dma_start3A_552, %dma_start3A_553] : memref<125000x8x64xf32, #tpu.memory_space<hbm>> -> memref<1x8x64xf32, #tpu.memory_space<hbm>>
    %dma_start3A_555 = tpu.memref_squeeze %dma_start3A_554 : memref<1x8x64xf32, #tpu.memory_space<hbm>> -> memref<8x64xf32, #tpu.memory_space<hbm>>
    tpu.enqueue_dma source(%dma_start3A_555 : memref<8x64xf32, #tpu.memory_space<hbm>>) target(%dma_start3A_551 : memref<8x64xf32, #tpu.memory_space<vmem>>) target_semaphore(%arg18 : memref<!tpu.dma_semaphore, #tpu.memory_space<semaphore_mem>>)
    %multiple_of3A_556 = arith.constant 88 : i32
    %multiple_of3A_557 = tpu.assume_multiple %multiple_of3A_556, 8 : i32
    %slice3A_558 = vector.extract_strided_slice %get3A_6 {offsets = [11], sizes = [1], strides = [1]} : vector<16xi32> to vector<1xi32>
    %squeeze3A_559 = vector.extract %slice3A_558[0] : i32 from vector<1xi32>
    %shift_right_arithmetic3A_560 = arith.constant 3 : i32
    %shift_right_arithmetic3A_561 = arith.shrsi %squeeze3A_559, %shift_right_arithmetic3A_560 : i32
    %dma_start3A_562 = arith.constant 0 : i32
    %dma_start3A_563 = tpu.memref_slice %arg11[%multiple_of3A_557, %dma_start3A_562] : memref<128x64xf32, #tpu.memory_space<vmem>> -> memref<8x64xf32, #tpu.memory_space<vmem>>
    %dma_start3A_564 = arith.constant 0 : i32
    %dma_start3A_565 = arith.constant 0 : i32
    %dma_start3A_566 = tpu.memref_slice %arg5[%shift_right_arithmetic3A_561, %dma_start3A_564, %dma_start3A_565] : memref<125000x8x64xf32, #tpu.memory_space<hbm>> -> memref<1x8x64xf32, #tpu.memory_space<hbm>>
    %dma_start3A_567 = tpu.memref_squeeze %dma_start3A_566 : memref<1x8x64xf32, #tpu.memory_space<hbm>> -> memref<8x64xf32, #tpu.memory_space<hbm>>
    %dma_start3A_568 = arith.constant 0 : i32
    %dma_start3A_569 = tpu.memref_slice %arg11[%multiple_of3A_557, %dma_start3A_568] : memref<128x64xf32, #tpu.memory_space<vmem>> -> memref<8x64xf32, #tpu.memory_space<vmem>>
    %dma_start3A_570 = arith.constant 0 : i32
    %dma_start3A_571 = arith.constant 0 : i32
    %dma_start3A_572 = tpu.memref_slice %arg5[%shift_right_arithmetic3A_561, %dma_start3A_570, %dma_start3A_571] : memref<125000x8x64xf32, #tpu.memory_space<hbm>> -> memref<1x8x64xf32, #tpu.memory_space<hbm>>
    %dma_start3A_573 = tpu.memref_squeeze %dma_start3A_572 : memref<1x8x64xf32, #tpu.memory_space<hbm>> -> memref<8x64xf32, #tpu.memory_space<hbm>>
    tpu.enqueue_dma source(%dma_start3A_573 : memref<8x64xf32, #tpu.memory_space<hbm>>) target(%dma_start3A_569 : memref<8x64xf32, #tpu.memory_space<vmem>>) target_semaphore(%arg18 : memref<!tpu.dma_semaphore, #tpu.memory_space<semaphore_mem>>)
    %slice3A_574 = vector.extract_strided_slice %get3A_8 {offsets = [11], sizes = [1], strides = [1]} : vector<16xi32> to vector<1xi32>
    %squeeze3A_575 = vector.extract %slice3A_574[0] : i32 from vector<1xi32>
    %shift_right_arithmetic3A_576 = arith.constant 3 : i32
    %shift_right_arithmetic3A_577 = arith.shrsi %squeeze3A_575, %shift_right_arithmetic3A_576 : i32
    %dma_start3A_578 = arith.constant 0 : i32
    %dma_start3A_579 = tpu.memref_slice %arg12[%multiple_of3A_557, %dma_start3A_578] : memref<128x64xf32, #tpu.memory_space<vmem>> -> memref<8x64xf32, #tpu.memory_space<vmem>>
    %dma_start3A_580 = arith.constant 0 : i32
    %dma_start3A_581 = arith.constant 0 : i32
    %dma_start3A_582 = tpu.memref_slice %arg6[%shift_right_arithmetic3A_577, %dma_start3A_580, %dma_start3A_581] : memref<125x8x64xf32, #tpu.memory_space<hbm>> -> memref<1x8x64xf32, #tpu.memory_space<hbm>>
    %dma_start3A_583 = tpu.memref_squeeze %dma_start3A_582 : memref<1x8x64xf32, #tpu.memory_space<hbm>> -> memref<8x64xf32, #tpu.memory_space<hbm>>
    %dma_start3A_584 = arith.constant 0 : i32
    %dma_start3A_585 = tpu.memref_slice %arg12[%multiple_of3A_557, %dma_start3A_584] : memref<128x64xf32, #tpu.memory_space<vmem>> -> memref<8x64xf32, #tpu.memory_space<vmem>>
    %dma_start3A_586 = arith.constant 0 : i32
    %dma_start3A_587 = arith.constant 0 : i32
    %dma_start3A_588 = tpu.memref_slice %arg6[%shift_right_arithmetic3A_577, %dma_start3A_586, %dma_start3A_587] : memref<125x8x64xf32, #tpu.memory_space<hbm>> -> memref<1x8x64xf32, #tpu.memory_space<hbm>>
    %dma_start3A_589 = tpu.memref_squeeze %dma_start3A_588 : memref<1x8x64xf32, #tpu.memory_space<hbm>> -> memref<8x64xf32, #tpu.memory_space<hbm>>
    tpu.enqueue_dma source(%dma_start3A_589 : memref<8x64xf32, #tpu.memory_space<hbm>>) target(%dma_start3A_585 : memref<8x64xf32, #tpu.memory_space<vmem>>) target_semaphore(%arg18 : memref<!tpu.dma_semaphore, #tpu.memory_space<semaphore_mem>>)
    %slice3A_590 = vector.extract_strided_slice %get3A_10 {offsets = [11], sizes = [1], strides = [1]} : vector<16xi32> to vector<1xi32>
    %squeeze3A_591 = vector.extract %slice3A_590[0] : i32 from vector<1xi32>
    %shift_right_arithmetic3A_592 = arith.constant 3 : i32
    %shift_right_arithmetic3A_593 = arith.shrsi %squeeze3A_591, %shift_right_arithmetic3A_592 : i32
    %dma_start3A_594 = arith.constant 0 : i32
    %dma_start3A_595 = tpu.memref_slice %arg13[%multiple_of3A_557, %dma_start3A_594] : memref<128x64xf32, #tpu.memory_space<vmem>> -> memref<8x64xf32, #tpu.memory_space<vmem>>
    %dma_start3A_596 = arith.constant 0 : i32
    %dma_start3A_597 = arith.constant 0 : i32
    %dma_start3A_598 = tpu.memref_slice %arg5[%shift_right_arithmetic3A_593, %dma_start3A_596, %dma_start3A_597] : memref<125000x8x64xf32, #tpu.memory_space<hbm>> -> memref<1x8x64xf32, #tpu.memory_space<hbm>>
    %dma_start3A_599 = tpu.memref_squeeze %dma_start3A_598 : memref<1x8x64xf32, #tpu.memory_space<hbm>> -> memref<8x64xf32, #tpu.memory_space<hbm>>
    %dma_start3A_600 = arith.constant 0 : i32
    %dma_start3A_601 = tpu.memref_slice %arg13[%multiple_of3A_557, %dma_start3A_600] : memref<128x64xf32, #tpu.memory_space<vmem>> -> memref<8x64xf32, #tpu.memory_space<vmem>>
    %dma_start3A_602 = arith.constant 0 : i32
    %dma_start3A_603 = arith.constant 0 : i32
    %dma_start3A_604 = tpu.memref_slice %arg5[%shift_right_arithmetic3A_593, %dma_start3A_602, %dma_start3A_603] : memref<125000x8x64xf32, #tpu.memory_space<hbm>> -> memref<1x8x64xf32, #tpu.memory_space<hbm>>
    %dma_start3A_605 = tpu.memref_squeeze %dma_start3A_604 : memref<1x8x64xf32, #tpu.memory_space<hbm>> -> memref<8x64xf32, #tpu.memory_space<hbm>>
    tpu.enqueue_dma source(%dma_start3A_605 : memref<8x64xf32, #tpu.memory_space<hbm>>) target(%dma_start3A_601 : memref<8x64xf32, #tpu.memory_space<vmem>>) target_semaphore(%arg18 : memref<!tpu.dma_semaphore, #tpu.memory_space<semaphore_mem>>)
    %multiple_of3A_606 = arith.constant 96 : i32
    %multiple_of3A_607 = tpu.assume_multiple %multiple_of3A_606, 8 : i32
    %slice3A_608 = vector.extract_strided_slice %get3A_6 {offsets = [12], sizes = [1], strides = [1]} : vector<16xi32> to vector<1xi32>
    %squeeze3A_609 = vector.extract %slice3A_608[0] : i32 from vector<1xi32>
    %shift_right_arithmetic3A_610 = arith.constant 3 : i32
    %shift_right_arithmetic3A_611 = arith.shrsi %squeeze3A_609, %shift_right_arithmetic3A_610 : i32
    %dma_start3A_612 = arith.constant 0 : i32
    %dma_start3A_613 = tpu.memref_slice %arg11[%multiple_of3A_607, %dma_start3A_612] : memref<128x64xf32, #tpu.memory_space<vmem>> -> memref<8x64xf32, #tpu.memory_space<vmem>>
    %dma_start3A_614 = arith.constant 0 : i32
    %dma_start3A_615 = arith.constant 0 : i32
    %dma_start3A_616 = tpu.memref_slice %arg5[%shift_right_arithmetic3A_611, %dma_start3A_614, %dma_start3A_615] : memref<125000x8x64xf32, #tpu.memory_space<hbm>> -> memref<1x8x64xf32, #tpu.memory_space<hbm>>
    %dma_start3A_617 = tpu.memref_squeeze %dma_start3A_616 : memref<1x8x64xf32, #tpu.memory_space<hbm>> -> memref<8x64xf32, #tpu.memory_space<hbm>>
    %dma_start3A_618 = arith.constant 0 : i32
    %dma_start3A_619 = tpu.memref_slice %arg11[%multiple_of3A_607, %dma_start3A_618] : memref<128x64xf32, #tpu.memory_space<vmem>> -> memref<8x64xf32, #tpu.memory_space<vmem>>
    %dma_start3A_620 = arith.constant 0 : i32
    %dma_start3A_621 = arith.constant 0 : i32
    %dma_start3A_622 = tpu.memref_slice %arg5[%shift_right_arithmetic3A_611, %dma_start3A_620, %dma_start3A_621] : memref<125000x8x64xf32, #tpu.memory_space<hbm>> -> memref<1x8x64xf32, #tpu.memory_space<hbm>>
    %dma_start3A_623 = tpu.memref_squeeze %dma_start3A_622 : memref<1x8x64xf32, #tpu.memory_space<hbm>> -> memref<8x64xf32, #tpu.memory_space<hbm>>
    tpu.enqueue_dma source(%dma_start3A_623 : memref<8x64xf32, #tpu.memory_space<hbm>>) target(%dma_start3A_619 : memref<8x64xf32, #tpu.memory_space<vmem>>) target_semaphore(%arg18 : memref<!tpu.dma_semaphore, #tpu.memory_space<semaphore_mem>>)
    %slice3A_624 = vector.extract_strided_slice %get3A_8 {offsets = [12], sizes = [1], strides = [1]} : vector<16xi32> to vector<1xi32>
    %squeeze3A_625 = vector.extract %slice3A_624[0] : i32 from vector<1xi32>
    %shift_right_arithmetic3A_626 = arith.constant 3 : i32
    %shift_right_arithmetic3A_627 = arith.shrsi %squeeze3A_625, %shift_right_arithmetic3A_626 : i32
    %dma_start3A_628 = arith.constant 0 : i32
    %dma_start3A_629 = tpu.memref_slice %arg12[%multiple_of3A_607, %dma_start3A_628] : memref<128x64xf32, #tpu.memory_space<vmem>> -> memref<8x64xf32, #tpu.memory_space<vmem>>
    %dma_start3A_630 = arith.constant 0 : i32
    %dma_start3A_631 = arith.constant 0 : i32
    %dma_start3A_632 = tpu.memref_slice %arg6[%shift_right_arithmetic3A_627, %dma_start3A_630, %dma_start3A_631] : memref<125x8x64xf32, #tpu.memory_space<hbm>> -> memref<1x8x64xf32, #tpu.memory_space<hbm>>
    %dma_start3A_633 = tpu.memref_squeeze %dma_start3A_632 : memref<1x8x64xf32, #tpu.memory_space<hbm>> -> memref<8x64xf32, #tpu.memory_space<hbm>>
    %dma_start3A_634 = arith.constant 0 : i32
    %dma_start3A_635 = tpu.memref_slice %arg12[%multiple_of3A_607, %dma_start3A_634] : memref<128x64xf32, #tpu.memory_space<vmem>> -> memref<8x64xf32, #tpu.memory_space<vmem>>
    %dma_start3A_636 = arith.constant 0 : i32
    %dma_start3A_637 = arith.constant 0 : i32
    %dma_start3A_638 = tpu.memref_slice %arg6[%shift_right_arithmetic3A_627, %dma_start3A_636, %dma_start3A_637] : memref<125x8x64xf32, #tpu.memory_space<hbm>> -> memref<1x8x64xf32, #tpu.memory_space<hbm>>
    %dma_start3A_639 = tpu.memref_squeeze %dma_start3A_638 : memref<1x8x64xf32, #tpu.memory_space<hbm>> -> memref<8x64xf32, #tpu.memory_space<hbm>>
    tpu.enqueue_dma source(%dma_start3A_639 : memref<8x64xf32, #tpu.memory_space<hbm>>) target(%dma_start3A_635 : memref<8x64xf32, #tpu.memory_space<vmem>>) target_semaphore(%arg18 : memref<!tpu.dma_semaphore, #tpu.memory_space<semaphore_mem>>)
    %slice3A_640 = vector.extract_strided_slice %get3A_10 {offsets = [12], sizes = [1], strides = [1]} : vector<16xi32> to vector<1xi32>
    %squeeze3A_641 = vector.extract %slice3A_640[0] : i32 from vector<1xi32>
    %shift_right_arithmetic3A_642 = arith.constant 3 : i32
    %shift_right_arithmetic3A_643 = arith.shrsi %squeeze3A_641, %shift_right_arithmetic3A_642 : i32
    %dma_start3A_644 = arith.constant 0 : i32
    %dma_start3A_645 = tpu.memref_slice %arg13[%multiple_of3A_607, %dma_start3A_644] : memref<128x64xf32, #tpu.memory_space<vmem>> -> memref<8x64xf32, #tpu.memory_space<vmem>>
    %dma_start3A_646 = arith.constant 0 : i32
    %dma_start3A_647 = arith.constant 0 : i32
    %dma_start3A_648 = tpu.memref_slice %arg5[%shift_right_arithmetic3A_643, %dma_start3A_646, %dma_start3A_647] : memref<125000x8x64xf32, #tpu.memory_space<hbm>> -> memref<1x8x64xf32, #tpu.memory_space<hbm>>
    %dma_start3A_649 = tpu.memref_squeeze %dma_start3A_648 : memref<1x8x64xf32, #tpu.memory_space<hbm>> -> memref<8x64xf32, #tpu.memory_space<hbm>>
    %dma_start3A_650 = arith.constant 0 : i32
    %dma_start3A_651 = tpu.memref_slice %arg13[%multiple_of3A_607, %dma_start3A_650] : memref<128x64xf32, #tpu.memory_space<vmem>> -> memref<8x64xf32, #tpu.memory_space<vmem>>
    %dma_start3A_652 = arith.constant 0 : i32
    %dma_start3A_653 = arith.constant 0 : i32
    %dma_start3A_654 = tpu.memref_slice %arg5[%shift_right_arithmetic3A_643, %dma_start3A_652, %dma_start3A_653] : memref<125000x8x64xf32, #tpu.memory_space<hbm>> -> memref<1x8x64xf32, #tpu.memory_space<hbm>>
    %dma_start3A_655 = tpu.memref_squeeze %dma_start3A_654 : memref<1x8x64xf32, #tpu.memory_space<hbm>> -> memref<8x64xf32, #tpu.memory_space<hbm>>
    tpu.enqueue_dma source(%dma_start3A_655 : memref<8x64xf32, #tpu.memory_space<hbm>>) target(%dma_start3A_651 : memref<8x64xf32, #tpu.memory_space<vmem>>) target_semaphore(%arg18 : memref<!tpu.dma_semaphore, #tpu.memory_space<semaphore_mem>>)
    %multiple_of3A_656 = arith.constant 104 : i32
    %multiple_of3A_657 = tpu.assume_multiple %multiple_of3A_656, 8 : i32
    %slice3A_658 = vector.extract_strided_slice %get3A_6 {offsets = [13], sizes = [1], strides = [1]} : vector<16xi32> to vector<1xi32>
    %squeeze3A_659 = vector.extract %slice3A_658[0] : i32 from vector<1xi32>
    %shift_right_arithmetic3A_660 = arith.constant 3 : i32
    %shift_right_arithmetic3A_661 = arith.shrsi %squeeze3A_659, %shift_right_arithmetic3A_660 : i32
    %dma_start3A_662 = arith.constant 0 : i32
    %dma_start3A_663 = tpu.memref_slice %arg11[%multiple_of3A_657, %dma_start3A_662] : memref<128x64xf32, #tpu.memory_space<vmem>> -> memref<8x64xf32, #tpu.memory_space<vmem>>
    %dma_start3A_664 = arith.constant 0 : i32
    %dma_start3A_665 = arith.constant 0 : i32
    %dma_start3A_666 = tpu.memref_slice %arg5[%shift_right_arithmetic3A_661, %dma_start3A_664, %dma_start3A_665] : memref<125000x8x64xf32, #tpu.memory_space<hbm>> -> memref<1x8x64xf32, #tpu.memory_space<hbm>>
    %dma_start3A_667 = tpu.memref_squeeze %dma_start3A_666 : memref<1x8x64xf32, #tpu.memory_space<hbm>> -> memref<8x64xf32, #tpu.memory_space<hbm>>
    %dma_start3A_668 = arith.constant 0 : i32
    %dma_start3A_669 = tpu.memref_slice %arg11[%multiple_of3A_657, %dma_start3A_668] : memref<128x64xf32, #tpu.memory_space<vmem>> -> memref<8x64xf32, #tpu.memory_space<vmem>>
    %dma_start3A_670 = arith.constant 0 : i32
    %dma_start3A_671 = arith.constant 0 : i32
    %dma_start3A_672 = tpu.memref_slice %arg5[%shift_right_arithmetic3A_661, %dma_start3A_670, %dma_start3A_671] : memref<125000x8x64xf32, #tpu.memory_space<hbm>> -> memref<1x8x64xf32, #tpu.memory_space<hbm>>
    %dma_start3A_673 = tpu.memref_squeeze %dma_start3A_672 : memref<1x8x64xf32, #tpu.memory_space<hbm>> -> memref<8x64xf32, #tpu.memory_space<hbm>>
    tpu.enqueue_dma source(%dma_start3A_673 : memref<8x64xf32, #tpu.memory_space<hbm>>) target(%dma_start3A_669 : memref<8x64xf32, #tpu.memory_space<vmem>>) target_semaphore(%arg18 : memref<!tpu.dma_semaphore, #tpu.memory_space<semaphore_mem>>)
    %slice3A_674 = vector.extract_strided_slice %get3A_8 {offsets = [13], sizes = [1], strides = [1]} : vector<16xi32> to vector<1xi32>
    %squeeze3A_675 = vector.extract %slice3A_674[0] : i32 from vector<1xi32>
    %shift_right_arithmetic3A_676 = arith.constant 3 : i32
    %shift_right_arithmetic3A_677 = arith.shrsi %squeeze3A_675, %shift_right_arithmetic3A_676 : i32
    %dma_start3A_678 = arith.constant 0 : i32
    %dma_start3A_679 = tpu.memref_slice %arg12[%multiple_of3A_657, %dma_start3A_678] : memref<128x64xf32, #tpu.memory_space<vmem>> -> memref<8x64xf32, #tpu.memory_space<vmem>>
    %dma_start3A_680 = arith.constant 0 : i32
    %dma_start3A_681 = arith.constant 0 : i32
    %dma_start3A_682 = tpu.memref_slice %arg6[%shift_right_arithmetic3A_677, %dma_start3A_680, %dma_start3A_681] : memref<125x8x64xf32, #tpu.memory_space<hbm>> -> memref<1x8x64xf32, #tpu.memory_space<hbm>>
    %dma_start3A_683 = tpu.memref_squeeze %dma_start3A_682 : memref<1x8x64xf32, #tpu.memory_space<hbm>> -> memref<8x64xf32, #tpu.memory_space<hbm>>
    %dma_start3A_684 = arith.constant 0 : i32
    %dma_start3A_685 = tpu.memref_slice %arg12[%multiple_of3A_657, %dma_start3A_684] : memref<128x64xf32, #tpu.memory_space<vmem>> -> memref<8x64xf32, #tpu.memory_space<vmem>>
    %dma_start3A_686 = arith.constant 0 : i32
    %dma_start3A_687 = arith.constant 0 : i32
    %dma_start3A_688 = tpu.memref_slice %arg6[%shift_right_arithmetic3A_677, %dma_start3A_686, %dma_start3A_687] : memref<125x8x64xf32, #tpu.memory_space<hbm>> -> memref<1x8x64xf32, #tpu.memory_space<hbm>>
    %dma_start3A_689 = tpu.memref_squeeze %dma_start3A_688 : memref<1x8x64xf32, #tpu.memory_space<hbm>> -> memref<8x64xf32, #tpu.memory_space<hbm>>
    tpu.enqueue_dma source(%dma_start3A_689 : memref<8x64xf32, #tpu.memory_space<hbm>>) target(%dma_start3A_685 : memref<8x64xf32, #tpu.memory_space<vmem>>) target_semaphore(%arg18 : memref<!tpu.dma_semaphore, #tpu.memory_space<semaphore_mem>>)
    %slice3A_690 = vector.extract_strided_slice %get3A_10 {offsets = [13], sizes = [1], strides = [1]} : vector<16xi32> to vector<1xi32>
    %squeeze3A_691 = vector.extract %slice3A_690[0] : i32 from vector<1xi32>
    %shift_right_arithmetic3A_692 = arith.constant 3 : i32
    %shift_right_arithmetic3A_693 = arith.shrsi %squeeze3A_691, %shift_right_arithmetic3A_692 : i32
    %dma_start3A_694 = arith.constant 0 : i32
    %dma_start3A_695 = tpu.memref_slice %arg13[%multiple_of3A_657, %dma_start3A_694] : memref<128x64xf32, #tpu.memory_space<vmem>> -> memref<8x64xf32, #tpu.memory_space<vmem>>
    %dma_start3A_696 = arith.constant 0 : i32
    %dma_start3A_697 = arith.constant 0 : i32
    %dma_start3A_698 = tpu.memref_slice %arg5[%shift_right_arithmetic3A_693, %dma_start3A_696, %dma_start3A_697] : memref<125000x8x64xf32, #tpu.memory_space<hbm>> -> memref<1x8x64xf32, #tpu.memory_space<hbm>>
    %dma_start3A_699 = tpu.memref_squeeze %dma_start3A_698 : memref<1x8x64xf32, #tpu.memory_space<hbm>> -> memref<8x64xf32, #tpu.memory_space<hbm>>
    %dma_start3A_700 = arith.constant 0 : i32
    %dma_start3A_701 = tpu.memref_slice %arg13[%multiple_of3A_657, %dma_start3A_700] : memref<128x64xf32, #tpu.memory_space<vmem>> -> memref<8x64xf32, #tpu.memory_space<vmem>>
    %dma_start3A_702 = arith.constant 0 : i32
    %dma_start3A_703 = arith.constant 0 : i32
    %dma_start3A_704 = tpu.memref_slice %arg5[%shift_right_arithmetic3A_693, %dma_start3A_702, %dma_start3A_703] : memref<125000x8x64xf32, #tpu.memory_space<hbm>> -> memref<1x8x64xf32, #tpu.memory_space<hbm>>
    %dma_start3A_705 = tpu.memref_squeeze %dma_start3A_704 : memref<1x8x64xf32, #tpu.memory_space<hbm>> -> memref<8x64xf32, #tpu.memory_space<hbm>>
    tpu.enqueue_dma source(%dma_start3A_705 : memref<8x64xf32, #tpu.memory_space<hbm>>) target(%dma_start3A_701 : memref<8x64xf32, #tpu.memory_space<vmem>>) target_semaphore(%arg18 : memref<!tpu.dma_semaphore, #tpu.memory_space<semaphore_mem>>)
    %multiple_of3A_706 = arith.constant 112 : i32
    %multiple_of3A_707 = tpu.assume_multiple %multiple_of3A_706, 8 : i32
    %slice3A_708 = vector.extract_strided_slice %get3A_6 {offsets = [14], sizes = [1], strides = [1]} : vector<16xi32> to vector<1xi32>
    %squeeze3A_709 = vector.extract %slice3A_708[0] : i32 from vector<1xi32>
    %shift_right_arithmetic3A_710 = arith.constant 3 : i32
    %shift_right_arithmetic3A_711 = arith.shrsi %squeeze3A_709, %shift_right_arithmetic3A_710 : i32
    %dma_start3A_712 = arith.constant 0 : i32
    %dma_start3A_713 = tpu.memref_slice %arg11[%multiple_of3A_707, %dma_start3A_712] : memref<128x64xf32, #tpu.memory_space<vmem>> -> memref<8x64xf32, #tpu.memory_space<vmem>>
    %dma_start3A_714 = arith.constant 0 : i32
    %dma_start3A_715 = arith.constant 0 : i32
    %dma_start3A_716 = tpu.memref_slice %arg5[%shift_right_arithmetic3A_711, %dma_start3A_714, %dma_start3A_715] : memref<125000x8x64xf32, #tpu.memory_space<hbm>> -> memref<1x8x64xf32, #tpu.memory_space<hbm>>
    %dma_start3A_717 = tpu.memref_squeeze %dma_start3A_716 : memref<1x8x64xf32, #tpu.memory_space<hbm>> -> memref<8x64xf32, #tpu.memory_space<hbm>>
    %dma_start3A_718 = arith.constant 0 : i32
    %dma_start3A_719 = tpu.memref_slice %arg11[%multiple_of3A_707, %dma_start3A_718] : memref<128x64xf32, #tpu.memory_space<vmem>> -> memref<8x64xf32, #tpu.memory_space<vmem>>
    %dma_start3A_720 = arith.constant 0 : i32
    %dma_start3A_721 = arith.constant 0 : i32
    %dma_start3A_722 = tpu.memref_slice %arg5[%shift_right_arithmetic3A_711, %dma_start3A_720, %dma_start3A_721] : memref<125000x8x64xf32, #tpu.memory_space<hbm>> -> memref<1x8x64xf32, #tpu.memory_space<hbm>>
    %dma_start3A_723 = tpu.memref_squeeze %dma_start3A_722 : memref<1x8x64xf32, #tpu.memory_space<hbm>> -> memref<8x64xf32, #tpu.memory_space<hbm>>
    tpu.enqueue_dma source(%dma_start3A_723 : memref<8x64xf32, #tpu.memory_space<hbm>>) target(%dma_start3A_719 : memref<8x64xf32, #tpu.memory_space<vmem>>) target_semaphore(%arg18 : memref<!tpu.dma_semaphore, #tpu.memory_space<semaphore_mem>>)
    %slice3A_724 = vector.extract_strided_slice %get3A_8 {offsets = [14], sizes = [1], strides = [1]} : vector<16xi32> to vector<1xi32>
    %squeeze3A_725 = vector.extract %slice3A_724[0] : i32 from vector<1xi32>
    %shift_right_arithmetic3A_726 = arith.constant 3 : i32
    %shift_right_arithmetic3A_727 = arith.shrsi %squeeze3A_725, %shift_right_arithmetic3A_726 : i32
    %dma_start3A_728 = arith.constant 0 : i32
    %dma_start3A_729 = tpu.memref_slice %arg12[%multiple_of3A_707, %dma_start3A_728] : memref<128x64xf32, #tpu.memory_space<vmem>> -> memref<8x64xf32, #tpu.memory_space<vmem>>
    %dma_start3A_730 = arith.constant 0 : i32
    %dma_start3A_731 = arith.constant 0 : i32
    %dma_start3A_732 = tpu.memref_slice %arg6[%shift_right_arithmetic3A_727, %dma_start3A_730, %dma_start3A_731] : memref<125x8x64xf32, #tpu.memory_space<hbm>> -> memref<1x8x64xf32, #tpu.memory_space<hbm>>
    %dma_start3A_733 = tpu.memref_squeeze %dma_start3A_732 : memref<1x8x64xf32, #tpu.memory_space<hbm>> -> memref<8x64xf32, #tpu.memory_space<hbm>>
    %dma_start3A_734 = arith.constant 0 : i32
    %dma_start3A_735 = tpu.memref_slice %arg12[%multiple_of3A_707, %dma_start3A_734] : memref<128x64xf32, #tpu.memory_space<vmem>> -> memref<8x64xf32, #tpu.memory_space<vmem>>
    %dma_start3A_736 = arith.constant 0 : i32
    %dma_start3A_737 = arith.constant 0 : i32
    %dma_start3A_738 = tpu.memref_slice %arg6[%shift_right_arithmetic3A_727, %dma_start3A_736, %dma_start3A_737] : memref<125x8x64xf32, #tpu.memory_space<hbm>> -> memref<1x8x64xf32, #tpu.memory_space<hbm>>
    %dma_start3A_739 = tpu.memref_squeeze %dma_start3A_738 : memref<1x8x64xf32, #tpu.memory_space<hbm>> -> memref<8x64xf32, #tpu.memory_space<hbm>>
    tpu.enqueue_dma source(%dma_start3A_739 : memref<8x64xf32, #tpu.memory_space<hbm>>) target(%dma_start3A_735 : memref<8x64xf32, #tpu.memory_space<vmem>>) target_semaphore(%arg18 : memref<!tpu.dma_semaphore, #tpu.memory_space<semaphore_mem>>)
    %slice3A_740 = vector.extract_strided_slice %get3A_10 {offsets = [14], sizes = [1], strides = [1]} : vector<16xi32> to vector<1xi32>
    %squeeze3A_741 = vector.extract %slice3A_740[0] : i32 from vector<1xi32>
    %shift_right_arithmetic3A_742 = arith.constant 3 : i32
    %shift_right_arithmetic3A_743 = arith.shrsi %squeeze3A_741, %shift_right_arithmetic3A_742 : i32
    %dma_start3A_744 = arith.constant 0 : i32
    %dma_start3A_745 = tpu.memref_slice %arg13[%multiple_of3A_707, %dma_start3A_744] : memref<128x64xf32, #tpu.memory_space<vmem>> -> memref<8x64xf32, #tpu.memory_space<vmem>>
    %dma_start3A_746 = arith.constant 0 : i32
    %dma_start3A_747 = arith.constant 0 : i32
    %dma_start3A_748 = tpu.memref_slice %arg5[%shift_right_arithmetic3A_743, %dma_start3A_746, %dma_start3A_747] : memref<125000x8x64xf32, #tpu.memory_space<hbm>> -> memref<1x8x64xf32, #tpu.memory_space<hbm>>
    %dma_start3A_749 = tpu.memref_squeeze %dma_start3A_748 : memref<1x8x64xf32, #tpu.memory_space<hbm>> -> memref<8x64xf32, #tpu.memory_space<hbm>>
    %dma_start3A_750 = arith.constant 0 : i32
    %dma_start3A_751 = tpu.memref_slice %arg13[%multiple_of3A_707, %dma_start3A_750] : memref<128x64xf32, #tpu.memory_space<vmem>> -> memref<8x64xf32, #tpu.memory_space<vmem>>
    %dma_start3A_752 = arith.constant 0 : i32
    %dma_start3A_753 = arith.constant 0 : i32
    %dma_start3A_754 = tpu.memref_slice %arg5[%shift_right_arithmetic3A_743, %dma_start3A_752, %dma_start3A_753] : memref<125000x8x64xf32, #tpu.memory_space<hbm>> -> memref<1x8x64xf32, #tpu.memory_space<hbm>>
    %dma_start3A_755 = tpu.memref_squeeze %dma_start3A_754 : memref<1x8x64xf32, #tpu.memory_space<hbm>> -> memref<8x64xf32, #tpu.memory_space<hbm>>
    tpu.enqueue_dma source(%dma_start3A_755 : memref<8x64xf32, #tpu.memory_space<hbm>>) target(%dma_start3A_751 : memref<8x64xf32, #tpu.memory_space<vmem>>) target_semaphore(%arg18 : memref<!tpu.dma_semaphore, #tpu.memory_space<semaphore_mem>>)
    %multiple_of3A_756 = arith.constant 120 : i32
    %multiple_of3A_757 = tpu.assume_multiple %multiple_of3A_756, 8 : i32
    %slice3A_758 = vector.extract_strided_slice %get3A_6 {offsets = [15], sizes = [1], strides = [1]} : vector<16xi32> to vector<1xi32>
    %squeeze3A_759 = vector.extract %slice3A_758[0] : i32 from vector<1xi32>
    %shift_right_arithmetic3A_760 = arith.constant 3 : i32
    %shift_right_arithmetic3A_761 = arith.shrsi %squeeze3A_759, %shift_right_arithmetic3A_760 : i32
    %dma_start3A_762 = arith.constant 0 : i32
    %dma_start3A_763 = tpu.memref_slice %arg11[%multiple_of3A_757, %dma_start3A_762] : memref<128x64xf32, #tpu.memory_space<vmem>> -> memref<8x64xf32, #tpu.memory_space<vmem>>
    %dma_start3A_764 = arith.constant 0 : i32
    %dma_start3A_765 = arith.constant 0 : i32
    %dma_start3A_766 = tpu.memref_slice %arg5[%shift_right_arithmetic3A_761, %dma_start3A_764, %dma_start3A_765] : memref<125000x8x64xf32, #tpu.memory_space<hbm>> -> memref<1x8x64xf32, #tpu.memory_space<hbm>>
    %dma_start3A_767 = tpu.memref_squeeze %dma_start3A_766 : memref<1x8x64xf32, #tpu.memory_space<hbm>> -> memref<8x64xf32, #tpu.memory_space<hbm>>
    %dma_start3A_768 = arith.constant 0 : i32
    %dma_start3A_769 = tpu.memref_slice %arg11[%multiple_of3A_757, %dma_start3A_768] : memref<128x64xf32, #tpu.memory_space<vmem>> -> memref<8x64xf32, #tpu.memory_space<vmem>>
    %dma_start3A_770 = arith.constant 0 : i32
    %dma_start3A_771 = arith.constant 0 : i32
    %dma_start3A_772 = tpu.memref_slice %arg5[%shift_right_arithmetic3A_761, %dma_start3A_770, %dma_start3A_771] : memref<125000x8x64xf32, #tpu.memory_space<hbm>> -> memref<1x8x64xf32, #tpu.memory_space<hbm>>
    %dma_start3A_773 = tpu.memref_squeeze %dma_start3A_772 : memref<1x8x64xf32, #tpu.memory_space<hbm>> -> memref<8x64xf32, #tpu.memory_space<hbm>>
    tpu.enqueue_dma source(%dma_start3A_773 : memref<8x64xf32, #tpu.memory_space<hbm>>) target(%dma_start3A_769 : memref<8x64xf32, #tpu.memory_space<vmem>>) target_semaphore(%arg18 : memref<!tpu.dma_semaphore, #tpu.memory_space<semaphore_mem>>)
    %slice3A_774 = vector.extract_strided_slice %get3A_8 {offsets = [15], sizes = [1], strides = [1]} : vector<16xi32> to vector<1xi32>
    %squeeze3A_775 = vector.extract %slice3A_774[0] : i32 from vector<1xi32>
    %shift_right_arithmetic3A_776 = arith.constant 3 : i32
    %shift_right_arithmetic3A_777 = arith.shrsi %squeeze3A_775, %shift_right_arithmetic3A_776 : i32
    %dma_start3A_778 = arith.constant 0 : i32
    %dma_start3A_779 = tpu.memref_slice %arg12[%multiple_of3A_757, %dma_start3A_778] : memref<128x64xf32, #tpu.memory_space<vmem>> -> memref<8x64xf32, #tpu.memory_space<vmem>>
    %dma_start3A_780 = arith.constant 0 : i32
    %dma_start3A_781 = arith.constant 0 : i32
    %dma_start3A_782 = tpu.memref_slice %arg6[%shift_right_arithmetic3A_777, %dma_start3A_780, %dma_start3A_781] : memref<125x8x64xf32, #tpu.memory_space<hbm>> -> memref<1x8x64xf32, #tpu.memory_space<hbm>>
    %dma_start3A_783 = tpu.memref_squeeze %dma_start3A_782 : memref<1x8x64xf32, #tpu.memory_space<hbm>> -> memref<8x64xf32, #tpu.memory_space<hbm>>
    %dma_start3A_784 = arith.constant 0 : i32
    %dma_start3A_785 = tpu.memref_slice %arg12[%multiple_of3A_757, %dma_start3A_784] : memref<128x64xf32, #tpu.memory_space<vmem>> -> memref<8x64xf32, #tpu.memory_space<vmem>>
    %dma_start3A_786 = arith.constant 0 : i32
    %dma_start3A_787 = arith.constant 0 : i32
    %dma_start3A_788 = tpu.memref_slice %arg6[%shift_right_arithmetic3A_777, %dma_start3A_786, %dma_start3A_787] : memref<125x8x64xf32, #tpu.memory_space<hbm>> -> memref<1x8x64xf32, #tpu.memory_space<hbm>>
    %dma_start3A_789 = tpu.memref_squeeze %dma_start3A_788 : memref<1x8x64xf32, #tpu.memory_space<hbm>> -> memref<8x64xf32, #tpu.memory_space<hbm>>
    tpu.enqueue_dma source(%dma_start3A_789 : memref<8x64xf32, #tpu.memory_space<hbm>>) target(%dma_start3A_785 : memref<8x64xf32, #tpu.memory_space<vmem>>) target_semaphore(%arg18 : memref<!tpu.dma_semaphore, #tpu.memory_space<semaphore_mem>>)
    %slice3A_790 = vector.extract_strided_slice %get3A_10 {offsets = [15], sizes = [1], strides = [1]} : vector<16xi32> to vector<1xi32>
    %squeeze3A_791 = vector.extract %slice3A_790[0] : i32 from vector<1xi32>
    %shift_right_arithmetic3A_792 = arith.constant 3 : i32
    %shift_right_arithmetic3A_793 = arith.shrsi %squeeze3A_791, %shift_right_arithmetic3A_792 : i32
    %dma_start3A_794 = arith.constant 0 : i32
    %dma_start3A_795 = tpu.memref_slice %arg13[%multiple_of3A_757, %dma_start3A_794] : memref<128x64xf32, #tpu.memory_space<vmem>> -> memref<8x64xf32, #tpu.memory_space<vmem>>
    %dma_start3A_796 = arith.constant 0 : i32
    %dma_start3A_797 = arith.constant 0 : i32
    %dma_start3A_798 = tpu.memref_slice %arg5[%shift_right_arithmetic3A_793, %dma_start3A_796, %dma_start3A_797] : memref<125000x8x64xf32, #tpu.memory_space<hbm>> -> memref<1x8x64xf32, #tpu.memory_space<hbm>>
    %dma_start3A_799 = tpu.memref_squeeze %dma_start3A_798 : memref<1x8x64xf32, #tpu.memory_space<hbm>> -> memref<8x64xf32, #tpu.memory_space<hbm>>
    %dma_start3A_800 = arith.constant 0 : i32
    %dma_start3A_801 = tpu.memref_slice %arg13[%multiple_of3A_757, %dma_start3A_800] : memref<128x64xf32, #tpu.memory_space<vmem>> -> memref<8x64xf32, #tpu.memory_space<vmem>>
    %dma_start3A_802 = arith.constant 0 : i32
    %dma_start3A_803 = arith.constant 0 : i32
    %dma_start3A_804 = tpu.memref_slice %arg5[%shift_right_arithmetic3A_793, %dma_start3A_802, %dma_start3A_803] : memref<125000x8x64xf32, #tpu.memory_space<hbm>> -> memref<1x8x64xf32, #tpu.memory_space<hbm>>
    %dma_start3A_805 = tpu.memref_squeeze %dma_start3A_804 : memref<1x8x64xf32, #tpu.memory_space<hbm>> -> memref<8x64xf32, #tpu.memory_space<hbm>>
    tpu.enqueue_dma source(%dma_start3A_805 : memref<8x64xf32, #tpu.memory_space<hbm>>) target(%dma_start3A_801 : memref<8x64xf32, #tpu.memory_space<vmem>>) target_semaphore(%arg18 : memref<!tpu.dma_semaphore, #tpu.memory_space<semaphore_mem>>)
    %scan3A = arith.constant 0 : i32
    %scan3A_806 = arith.constant 1.000000e-24 : f32
    %scan3A_807 = arith.constant 0 : i32
    %scan3A_808 = arith.constant 16 : i32
    %scan3A_809 = arith.addi %scan3A_807, %scan3A_808 : i32
    %scan3A_810 = arith.constant 1 : i32
    scf.for %scan3A_812 = %scan3A_807 to %scan3A_809 step %scan3A_810  : i32 {
      %mul3A_813 = arith.constant 2 : i32
      %mul3A_814 = arith.muli %scan3A_812, %mul3A_813 : i32
      %add3A_815 = arith.constant 1 : i32
      %add3A_816 = arith.addi %mul3A_814, %add3A_815 : i32
      %mul3A_817 = arith.constant 16 : i32
      %mul3A_818 = arith.muli %add3A_816, %mul3A_817 : i32
      %get3A_819 = arith.index_cast %mul3A_818 : i32 to index
      %get3A_820 = tpu.vector_load %arg8[%get3A_819] {strides = array<i32>} : memref<512xi32, #tpu.memory_space<vmem>>, vector<16xi32>,
      %get3A_821 = arith.index_cast %mul3A_818 : i32 to index
      %get3A_822 = tpu.vector_load %arg9[%get3A_821] {strides = array<i32>} : memref<512xi32, #tpu.memory_space<vmem>>, vector<16xi32>,
      %get3A_823 = arith.index_cast %mul3A_818 : i32 to index
      %get3A_824 = tpu.vector_load %arg10[%get3A_823] {strides = array<i32>} : memref<512xi32, #tpu.memory_space<vmem>>, vector<16xi32>,
      %multiple_of3A_825 = arith.constant 0 : i32
      %multiple_of3A_826 = tpu.assume_multiple %multiple_of3A_825, 8 : i32
      %slice3A_827 = vector.extract_strided_slice %get3A_820 {offsets = [0], sizes = [1], strides = [1]} : vector<16xi32> to vector<1xi32>
      %squeeze3A_828 = vector.extract %slice3A_827[0] : i32 from vector<1xi32>
      %shift_right_arithmetic3A_829 = arith.constant 3 : i32
      %shift_right_arithmetic3A_830 = arith.shrsi %squeeze3A_828, %shift_right_arithmetic3A_829 : i32
      %dma_start3A_831 = arith.constant 0 : i32
      %dma_start3A_832 = tpu.memref_slice %arg14[%multiple_of3A_826, %dma_start3A_831] : memref<128x64xf32, #tpu.memory_space<vmem>> -> memref<8x64xf32, #tpu.memory_space<vmem>>
      %dma_start3A_833 = arith.constant 0 : i32
      %dma_start3A_834 = arith.constant 0 : i32
      %dma_start3A_835 = tpu.memref_slice %arg5[%shift_right_arithmetic3A_830, %dma_start3A_833, %dma_start3A_834] : memref<125000x8x64xf32, #tpu.memory_space<hbm>> -> memref<1x8x64xf32, #tpu.memory_space<hbm>>
      %dma_start3A_836 = tpu.memref_squeeze %dma_start3A_835 : memref<1x8x64xf32, #tpu.memory_space<hbm>> -> memref<8x64xf32, #tpu.memory_space<hbm>>
      %dma_start3A_837 = arith.constant 0 : i32
      %dma_start3A_838 = tpu.memref_slice %arg14[%multiple_of3A_826, %dma_start3A_837] : memref<128x64xf32, #tpu.memory_space<vmem>> -> memref<8x64xf32, #tpu.memory_space<vmem>>
      %dma_start3A_839 = arith.constant 0 : i32
      %dma_start3A_840 = arith.constant 0 : i32
      %dma_start3A_841 = tpu.memref_slice %arg5[%shift_right_arithmetic3A_830, %dma_start3A_839, %dma_start3A_840] : memref<125000x8x64xf32, #tpu.memory_space<hbm>> -> memref<1x8x64xf32, #tpu.memory_space<hbm>>
      %dma_start3A_842 = tpu.memref_squeeze %dma_start3A_841 : memref<1x8x64xf32, #tpu.memory_space<hbm>> -> memref<8x64xf32, #tpu.memory_space<hbm>>
      tpu.enqueue_dma source(%dma_start3A_842 : memref<8x64xf32, #tpu.memory_space<hbm>>) target(%dma_start3A_838 : memref<8x64xf32, #tpu.memory_space<vmem>>) target_semaphore(%arg19 : memref<!tpu.dma_semaphore, #tpu.memory_space<semaphore_mem>>)
      %slice3A_843 = vector.extract_strided_slice %get3A_822 {offsets = [0], sizes = [1], strides = [1]} : vector<16xi32> to vector<1xi32>
      %squeeze3A_844 = vector.extract %slice3A_843[0] : i32 from vector<1xi32>
      %shift_right_arithmetic3A_845 = arith.constant 3 : i32
      %shift_right_arithmetic3A_846 = arith.shrsi %squeeze3A_844, %shift_right_arithmetic3A_845 : i32
      %dma_start3A_847 = arith.constant 0 : i32
      %dma_start3A_848 = tpu.memref_slice %arg15[%multiple_of3A_826, %dma_start3A_847] : memref<128x64xf32, #tpu.memory_space<vmem>> -> memref<8x64xf32, #tpu.memory_space<vmem>>
      %dma_start3A_849 = arith.constant 0 : i32
      %dma_start3A_850 = arith.constant 0 : i32
      %dma_start3A_851 = tpu.memref_slice %arg6[%shift_right_arithmetic3A_846, %dma_start3A_849, %dma_start3A_850] : memref<125x8x64xf32, #tpu.memory_space<hbm>> -> memref<1x8x64xf32, #tpu.memory_space<hbm>>
      %dma_start3A_852 = tpu.memref_squeeze %dma_start3A_851 : memref<1x8x64xf32, #tpu.memory_space<hbm>> -> memref<8x64xf32, #tpu.memory_space<hbm>>
      %dma_start3A_853 = arith.constant 0 : i32
      %dma_start3A_854 = tpu.memref_slice %arg15[%multiple_of3A_826, %dma_start3A_853] : memref<128x64xf32, #tpu.memory_space<vmem>> -> memref<8x64xf32, #tpu.memory_space<vmem>>
      %dma_start3A_855 = arith.constant 0 : i32
      %dma_start3A_856 = arith.constant 0 : i32
      %dma_start3A_857 = tpu.memref_slice %arg6[%shift_right_arithmetic3A_846, %dma_start3A_855, %dma_start3A_856] : memref<125x8x64xf32, #tpu.memory_space<hbm>> -> memref<1x8x64xf32, #tpu.memory_space<hbm>>
      %dma_start3A_858 = tpu.memref_squeeze %dma_start3A_857 : memref<1x8x64xf32, #tpu.memory_space<hbm>> -> memref<8x64xf32, #tpu.memory_space<hbm>>
      tpu.enqueue_dma source(%dma_start3A_858 : memref<8x64xf32, #tpu.memory_space<hbm>>) target(%dma_start3A_854 : memref<8x64xf32, #tpu.memory_space<vmem>>) target_semaphore(%arg19 : memref<!tpu.dma_semaphore, #tpu.memory_space<semaphore_mem>>)
      %slice3A_859 = vector.extract_strided_slice %get3A_824 {offsets = [0], sizes = [1], strides = [1]} : vector<16xi32> to vector<1xi32>
      %squeeze3A_860 = vector.extract %slice3A_859[0] : i32 from vector<1xi32>
      %shift_right_arithmetic3A_861 = arith.constant 3 : i32
      %shift_right_arithmetic3A_862 = arith.shrsi %squeeze3A_860, %shift_right_arithmetic3A_861 : i32
      %dma_start3A_863 = arith.constant 0 : i32
      %dma_start3A_864 = tpu.memref_slice %arg16[%multiple_of3A_826, %dma_start3A_863] : memref<128x64xf32, #tpu.memory_space<vmem>> -> memref<8x64xf32, #tpu.memory_space<vmem>>
      %dma_start3A_865 = arith.constant 0 : i32
      %dma_start3A_866 = arith.constant 0 : i32
      %dma_start3A_867 = tpu.memref_slice %arg5[%shift_right_arithmetic3A_862, %dma_start3A_865, %dma_start3A_866] : memref<125000x8x64xf32, #tpu.memory_space<hbm>> -> memref<1x8x64xf32, #tpu.memory_space<hbm>>
      %dma_start3A_868 = tpu.memref_squeeze %dma_start3A_867 : memref<1x8x64xf32, #tpu.memory_space<hbm>> -> memref<8x64xf32, #tpu.memory_space<hbm>>
      %dma_start3A_869 = arith.constant 0 : i32
      %dma_start3A_870 = tpu.memref_slice %arg16[%multiple_of3A_826, %dma_start3A_869] : memref<128x64xf32, #tpu.memory_space<vmem>> -> memref<8x64xf32, #tpu.memory_space<vmem>>
      %dma_start3A_871 = arith.constant 0 : i32
      %dma_start3A_872 = arith.constant 0 : i32
      %dma_start3A_873 = tpu.memref_slice %arg5[%shift_right_arithmetic3A_862, %dma_start3A_871, %dma_start3A_872] : memref<125000x8x64xf32, #tpu.memory_space<hbm>> -> memref<1x8x64xf32, #tpu.memory_space<hbm>>
      %dma_start3A_874 = tpu.memref_squeeze %dma_start3A_873 : memref<1x8x64xf32, #tpu.memory_space<hbm>> -> memref<8x64xf32, #tpu.memory_space<hbm>>
      tpu.enqueue_dma source(%dma_start3A_874 : memref<8x64xf32, #tpu.memory_space<hbm>>) target(%dma_start3A_870 : memref<8x64xf32, #tpu.memory_space<vmem>>) target_semaphore(%arg19 : memref<!tpu.dma_semaphore, #tpu.memory_space<semaphore_mem>>)
      %multiple_of3A_875 = arith.constant 8 : i32
      %multiple_of3A_876 = tpu.assume_multiple %multiple_of3A_875, 8 : i32
      %slice3A_877 = vector.extract_strided_slice %get3A_820 {offsets = [1], sizes = [1], strides = [1]} : vector<16xi32> to vector<1xi32>
      %squeeze3A_878 = vector.extract %slice3A_877[0] : i32 from vector<1xi32>
      %shift_right_arithmetic3A_879 = arith.constant 3 : i32
      %shift_right_arithmetic3A_880 = arith.shrsi %squeeze3A_878, %shift_right_arithmetic3A_879 : i32
      %dma_start3A_881 = arith.constant 0 : i32
      %dma_start3A_882 = tpu.memref_slice %arg14[%multiple_of3A_876, %dma_start3A_881] : memref<128x64xf32, #tpu.memory_space<vmem>> -> memref<8x64xf32, #tpu.memory_space<vmem>>
      %dma_start3A_883 = arith.constant 0 : i32
      %dma_start3A_884 = arith.constant 0 : i32
      %dma_start3A_885 = tpu.memref_slice %arg5[%shift_right_arithmetic3A_880, %dma_start3A_883, %dma_start3A_884] : memref<125000x8x64xf32, #tpu.memory_space<hbm>> -> memref<1x8x64xf32, #tpu.memory_space<hbm>>
      %dma_start3A_886 = tpu.memref_squeeze %dma_start3A_885 : memref<1x8x64xf32, #tpu.memory_space<hbm>> -> memref<8x64xf32, #tpu.memory_space<hbm>>
      %dma_start3A_887 = arith.constant 0 : i32
      %dma_start3A_888 = tpu.memref_slice %arg14[%multiple_of3A_876, %dma_start3A_887] : memref<128x64xf32, #tpu.memory_space<vmem>> -> memref<8x64xf32, #tpu.memory_space<vmem>>
      %dma_start3A_889 = arith.constant 0 : i32
      %dma_start3A_890 = arith.constant 0 : i32
      %dma_start3A_891 = tpu.memref_slice %arg5[%shift_right_arithmetic3A_880, %dma_start3A_889, %dma_start3A_890] : memref<125000x8x64xf32, #tpu.memory_space<hbm>> -> memref<1x8x64xf32, #tpu.memory_space<hbm>>
      %dma_start3A_892 = tpu.memref_squeeze %dma_start3A_891 : memref<1x8x64xf32, #tpu.memory_space<hbm>> -> memref<8x64xf32, #tpu.memory_space<hbm>>
      tpu.enqueue_dma source(%dma_start3A_892 : memref<8x64xf32, #tpu.memory_space<hbm>>) target(%dma_start3A_888 : memref<8x64xf32, #tpu.memory_space<vmem>>) target_semaphore(%arg19 : memref<!tpu.dma_semaphore, #tpu.memory_space<semaphore_mem>>)
      %slice3A_893 = vector.extract_strided_slice %get3A_822 {offsets = [1], sizes = [1], strides = [1]} : vector<16xi32> to vector<1xi32>
      %squeeze3A_894 = vector.extract %slice3A_893[0] : i32 from vector<1xi32>
      %shift_right_arithmetic3A_895 = arith.constant 3 : i32
      %shift_right_arithmetic3A_896 = arith.shrsi %squeeze3A_894, %shift_right_arithmetic3A_895 : i32
      %dma_start3A_897 = arith.constant 0 : i32
      %dma_start3A_898 = tpu.memref_slice %arg15[%multiple_of3A_876, %dma_start3A_897] : memref<128x64xf32, #tpu.memory_space<vmem>> -> memref<8x64xf32, #tpu.memory_space<vmem>>
      %dma_start3A_899 = arith.constant 0 : i32
      %dma_start3A_900 = arith.constant 0 : i32
      %dma_start3A_901 = tpu.memref_slice %arg6[%shift_right_arithmetic3A_896, %dma_start3A_899, %dma_start3A_900] : memref<125x8x64xf32, #tpu.memory_space<hbm>> -> memref<1x8x64xf32, #tpu.memory_space<hbm>>
      %dma_start3A_902 = tpu.memref_squeeze %dma_start3A_901 : memref<1x8x64xf32, #tpu.memory_space<hbm>> -> memref<8x64xf32, #tpu.memory_space<hbm>>
      %dma_start3A_903 = arith.constant 0 : i32
      %dma_start3A_904 = tpu.memref_slice %arg15[%multiple_of3A_876, %dma_start3A_903] : memref<128x64xf32, #tpu.memory_space<vmem>> -> memref<8x64xf32, #tpu.memory_space<vmem>>
      %dma_start3A_905 = arith.constant 0 : i32
      %dma_start3A_906 = arith.constant 0 : i32
      %dma_start3A_907 = tpu.memref_slice %arg6[%shift_right_arithmetic3A_896, %dma_start3A_905, %dma_start3A_906] : memref<125x8x64xf32, #tpu.memory_space<hbm>> -> memref<1x8x64xf32, #tpu.memory_space<hbm>>
      %dma_start3A_908 = tpu.memref_squeeze %dma_start3A_907 : memref<1x8x64xf32, #tpu.memory_space<hbm>> -> memref<8x64xf32, #tpu.memory_space<hbm>>
      tpu.enqueue_dma source(%dma_start3A_908 : memref<8x64xf32, #tpu.memory_space<hbm>>) target(%dma_start3A_904 : memref<8x64xf32, #tpu.memory_space<vmem>>) target_semaphore(%arg19 : memref<!tpu.dma_semaphore, #tpu.memory_space<semaphore_mem>>)
      %slice3A_909 = vector.extract_strided_slice %get3A_824 {offsets = [1], sizes = [1], strides = [1]} : vector<16xi32> to vector<1xi32>
      %squeeze3A_910 = vector.extract %slice3A_909[0] : i32 from vector<1xi32>
      %shift_right_arithmetic3A_911 = arith.constant 3 : i32
      %shift_right_arithmetic3A_912 = arith.shrsi %squeeze3A_910, %shift_right_arithmetic3A_911 : i32
      %dma_start3A_913 = arith.constant 0 : i32
      %dma_start3A_914 = tpu.memref_slice %arg16[%multiple_of3A_876, %dma_start3A_913] : memref<128x64xf32, #tpu.memory_space<vmem>> -> memref<8x64xf32, #tpu.memory_space<vmem>>
      %dma_start3A_915 = arith.constant 0 : i32
      %dma_start3A_916 = arith.constant 0 : i32
      %dma_start3A_917 = tpu.memref_slice %arg5[%shift_right_arithmetic3A_912, %dma_start3A_915, %dma_start3A_916] : memref<125000x8x64xf32, #tpu.memory_space<hbm>> -> memref<1x8x64xf32, #tpu.memory_space<hbm>>
      %dma_start3A_918 = tpu.memref_squeeze %dma_start3A_917 : memref<1x8x64xf32, #tpu.memory_space<hbm>> -> memref<8x64xf32, #tpu.memory_space<hbm>>
      %dma_start3A_919 = arith.constant 0 : i32
      %dma_start3A_920 = tpu.memref_slice %arg16[%multiple_of3A_876, %dma_start3A_919] : memref<128x64xf32, #tpu.memory_space<vmem>> -> memref<8x64xf32, #tpu.memory_space<vmem>>
      %dma_start3A_921 = arith.constant 0 : i32
      %dma_start3A_922 = arith.constant 0 : i32
      %dma_start3A_923 = tpu.memref_slice %arg5[%shift_right_arithmetic3A_912, %dma_start3A_921, %dma_start3A_922] : memref<125000x8x64xf32, #tpu.memory_space<hbm>> -> memref<1x8x64xf32, #tpu.memory_space<hbm>>
      %dma_start3A_924 = tpu.memref_squeeze %dma_start3A_923 : memref<1x8x64xf32, #tpu.memory_space<hbm>> -> memref<8x64xf32, #tpu.memory_space<hbm>>
      tpu.enqueue_dma source(%dma_start3A_924 : memref<8x64xf32, #tpu.memory_space<hbm>>) target(%dma_start3A_920 : memref<8x64xf32, #tpu.memory_space<vmem>>) target_semaphore(%arg19 : memref<!tpu.dma_semaphore, #tpu.memory_space<semaphore_mem>>)
      %multiple_of3A_925 = arith.constant 16 : i32
      %multiple_of3A_926 = tpu.assume_multiple %multiple_of3A_925, 8 : i32
      %slice3A_927 = vector.extract_strided_slice %get3A_820 {offsets = [2], sizes = [1], strides = [1]} : vector<16xi32> to vector<1xi32>
      %squeeze3A_928 = vector.extract %slice3A_927[0] : i32 from vector<1xi32>
      %shift_right_arithmetic3A_929 = arith.constant 3 : i32
      %shift_right_arithmetic3A_930 = arith.shrsi %squeeze3A_928, %shift_right_arithmetic3A_929 : i32
      %dma_start3A_931 = arith.constant 0 : i32
      %dma_start3A_932 = tpu.memref_slice %arg14[%multiple_of3A_926, %dma_start3A_931] : memref<128x64xf32, #tpu.memory_space<vmem>> -> memref<8x64xf32, #tpu.memory_space<vmem>>
      %dma_start3A_933 = arith.constant 0 : i32
      %dma_start3A_934 = arith.constant 0 : i32
      %dma_start3A_935 = tpu.memref_slice %arg5[%shift_right_arithmetic3A_930, %dma_start3A_933, %dma_start3A_934] : memref<125000x8x64xf32, #tpu.memory_space<hbm>> -> memref<1x8x64xf32, #tpu.memory_space<hbm>>
      %dma_start3A_936 = tpu.memref_squeeze %dma_start3A_935 : memref<1x8x64xf32, #tpu.memory_space<hbm>> -> memref<8x64xf32, #tpu.memory_space<hbm>>
      %dma_start3A_937 = arith.constant 0 : i32
      %dma_start3A_938 = tpu.memref_slice %arg14[%multiple_of3A_926, %dma_start3A_937] : memref<128x64xf32, #tpu.memory_space<vmem>> -> memref<8x64xf32, #tpu.memory_space<vmem>>
      %dma_start3A_939 = arith.constant 0 : i32
      %dma_start3A_940 = arith.constant 0 : i32
      %dma_start3A_941 = tpu.memref_slice %arg5[%shift_right_arithmetic3A_930, %dma_start3A_939, %dma_start3A_940] : memref<125000x8x64xf32, #tpu.memory_space<hbm>> -> memref<1x8x64xf32, #tpu.memory_space<hbm>>
      %dma_start3A_942 = tpu.memref_squeeze %dma_start3A_941 : memref<1x8x64xf32, #tpu.memory_space<hbm>> -> memref<8x64xf32, #tpu.memory_space<hbm>>
      tpu.enqueue_dma source(%dma_start3A_942 : memref<8x64xf32, #tpu.memory_space<hbm>>) target(%dma_start3A_938 : memref<8x64xf32, #tpu.memory_space<vmem>>) target_semaphore(%arg19 : memref<!tpu.dma_semaphore, #tpu.memory_space<semaphore_mem>>)
      %slice3A_943 = vector.extract_strided_slice %get3A_822 {offsets = [2], sizes = [1], strides = [1]} : vector<16xi32> to vector<1xi32>
      %squeeze3A_944 = vector.extract %slice3A_943[0] : i32 from vector<1xi32>
      %shift_right_arithmetic3A_945 = arith.constant 3 : i32
      %shift_right_arithmetic3A_946 = arith.shrsi %squeeze3A_944, %shift_right_arithmetic3A_945 : i32
      %dma_start3A_947 = arith.constant 0 : i32
      %dma_start3A_948 = tpu.memref_slice %arg15[%multiple_of3A_926, %dma_start3A_947] : memref<128x64xf32, #tpu.memory_space<vmem>> -> memref<8x64xf32, #tpu.memory_space<vmem>>
      %dma_start3A_949 = arith.constant 0 : i32
      %dma_start3A_950 = arith.constant 0 : i32
      %dma_start3A_951 = tpu.memref_slice %arg6[%shift_right_arithmetic3A_946, %dma_start3A_949, %dma_start3A_950] : memref<125x8x64xf32, #tpu.memory_space<hbm>> -> memref<1x8x64xf32, #tpu.memory_space<hbm>>
      %dma_start3A_952 = tpu.memref_squeeze %dma_start3A_951 : memref<1x8x64xf32, #tpu.memory_space<hbm>> -> memref<8x64xf32, #tpu.memory_space<hbm>>
      %dma_start3A_953 = arith.constant 0 : i32
      %dma_start3A_954 = tpu.memref_slice %arg15[%multiple_of3A_926, %dma_start3A_953] : memref<128x64xf32, #tpu.memory_space<vmem>> -> memref<8x64xf32, #tpu.memory_space<vmem>>
      %dma_start3A_955 = arith.constant 0 : i32
      %dma_start3A_956 = arith.constant 0 : i32
      %dma_start3A_957 = tpu.memref_slice %arg6[%shift_right_arithmetic3A_946, %dma_start3A_955, %dma_start3A_956] : memref<125x8x64xf32, #tpu.memory_space<hbm>> -> memref<1x8x64xf32, #tpu.memory_space<hbm>>
      %dma_start3A_958 = tpu.memref_squeeze %dma_start3A_957 : memref<1x8x64xf32, #tpu.memory_space<hbm>> -> memref<8x64xf32, #tpu.memory_space<hbm>>
      tpu.enqueue_dma source(%dma_start3A_958 : memref<8x64xf32, #tpu.memory_space<hbm>>) target(%dma_start3A_954 : memref<8x64xf32, #tpu.memory_space<vmem>>) target_semaphore(%arg19 : memref<!tpu.dma_semaphore, #tpu.memory_space<semaphore_mem>>)
      %slice3A_959 = vector.extract_strided_slice %get3A_824 {offsets = [2], sizes = [1], strides = [1]} : vector<16xi32> to vector<1xi32>
      %squeeze3A_960 = vector.extract %slice3A_959[0] : i32 from vector<1xi32>
      %shift_right_arithmetic3A_961 = arith.constant 3 : i32
      %shift_right_arithmetic3A_962 = arith.shrsi %squeeze3A_960, %shift_right_arithmetic3A_961 : i32
      %dma_start3A_963 = arith.constant 0 : i32
      %dma_start3A_964 = tpu.memref_slice %arg16[%multiple_of3A_926, %dma_start3A_963] : memref<128x64xf32, #tpu.memory_space<vmem>> -> memref<8x64xf32, #tpu.memory_space<vmem>>
      %dma_start3A_965 = arith.constant 0 : i32
      %dma_start3A_966 = arith.constant 0 : i32
      %dma_start3A_967 = tpu.memref_slice %arg5[%shift_right_arithmetic3A_962, %dma_start3A_965, %dma_start3A_966] : memref<125000x8x64xf32, #tpu.memory_space<hbm>> -> memref<1x8x64xf32, #tpu.memory_space<hbm>>
      %dma_start3A_968 = tpu.memref_squeeze %dma_start3A_967 : memref<1x8x64xf32, #tpu.memory_space<hbm>> -> memref<8x64xf32, #tpu.memory_space<hbm>>
      %dma_start3A_969 = arith.constant 0 : i32
      %dma_start3A_970 = tpu.memref_slice %arg16[%multiple_of3A_926, %dma_start3A_969] : memref<128x64xf32, #tpu.memory_space<vmem>> -> memref<8x64xf32, #tpu.memory_space<vmem>>
      %dma_start3A_971 = arith.constant 0 : i32
      %dma_start3A_972 = arith.constant 0 : i32
      %dma_start3A_973 = tpu.memref_slice %arg5[%shift_right_arithmetic3A_962, %dma_start3A_971, %dma_start3A_972] : memref<125000x8x64xf32, #tpu.memory_space<hbm>> -> memref<1x8x64xf32, #tpu.memory_space<hbm>>
      %dma_start3A_974 = tpu.memref_squeeze %dma_start3A_973 : memref<1x8x64xf32, #tpu.memory_space<hbm>> -> memref<8x64xf32, #tpu.memory_space<hbm>>
      tpu.enqueue_dma source(%dma_start3A_974 : memref<8x64xf32, #tpu.memory_space<hbm>>) target(%dma_start3A_970 : memref<8x64xf32, #tpu.memory_space<vmem>>) target_semaphore(%arg19 : memref<!tpu.dma_semaphore, #tpu.memory_space<semaphore_mem>>)
      %multiple_of3A_975 = arith.constant 24 : i32
      %multiple_of3A_976 = tpu.assume_multiple %multiple_of3A_975, 8 : i32
      %slice3A_977 = vector.extract_strided_slice %get3A_820 {offsets = [3], sizes = [1], strides = [1]} : vector<16xi32> to vector<1xi32>
      %squeeze3A_978 = vector.extract %slice3A_977[0] : i32 from vector<1xi32>
      %shift_right_arithmetic3A_979 = arith.constant 3 : i32
      %shift_right_arithmetic3A_980 = arith.shrsi %squeeze3A_978, %shift_right_arithmetic3A_979 : i32
      %dma_start3A_981 = arith.constant 0 : i32
      %dma_start3A_982 = tpu.memref_slice %arg14[%multiple_of3A_976, %dma_start3A_981] : memref<128x64xf32, #tpu.memory_space<vmem>> -> memref<8x64xf32, #tpu.memory_space<vmem>>
      %dma_start3A_983 = arith.constant 0 : i32
      %dma_start3A_984 = arith.constant 0 : i32
      %dma_start3A_985 = tpu.memref_slice %arg5[%shift_right_arithmetic3A_980, %dma_start3A_983, %dma_start3A_984] : memref<125000x8x64xf32, #tpu.memory_space<hbm>> -> memref<1x8x64xf32, #tpu.memory_space<hbm>>
      %dma_start3A_986 = tpu.memref_squeeze %dma_start3A_985 : memref<1x8x64xf32, #tpu.memory_space<hbm>> -> memref<8x64xf32, #tpu.memory_space<hbm>>
      %dma_start3A_987 = arith.constant 0 : i32
      %dma_start3A_988 = tpu.memref_slice %arg14[%multiple_of3A_976, %dma_start3A_987] : memref<128x64xf32, #tpu.memory_space<vmem>> -> memref<8x64xf32, #tpu.memory_space<vmem>>
      %dma_start3A_989 = arith.constant 0 : i32
      %dma_start3A_990 = arith.constant 0 : i32
      %dma_start3A_991 = tpu.memref_slice %arg5[%shift_right_arithmetic3A_980, %dma_start3A_989, %dma_start3A_990] : memref<125000x8x64xf32, #tpu.memory_space<hbm>> -> memref<1x8x64xf32, #tpu.memory_space<hbm>>
      %dma_start3A_992 = tpu.memref_squeeze %dma_start3A_991 : memref<1x8x64xf32, #tpu.memory_space<hbm>> -> memref<8x64xf32, #tpu.memory_space<hbm>>
      tpu.enqueue_dma source(%dma_start3A_992 : memref<8x64xf32, #tpu.memory_space<hbm>>) target(%dma_start3A_988 : memref<8x64xf32, #tpu.memory_space<vmem>>) target_semaphore(%arg19 : memref<!tpu.dma_semaphore, #tpu.memory_space<semaphore_mem>>)
      %slice3A_993 = vector.extract_strided_slice %get3A_822 {offsets = [3], sizes = [1], strides = [1]} : vector<16xi32> to vector<1xi32>
      %squeeze3A_994 = vector.extract %slice3A_993[0] : i32 from vector<1xi32>
      %shift_right_arithmetic3A_995 = arith.constant 3 : i32
      %shift_right_arithmetic3A_996 = arith.shrsi %squeeze3A_994, %shift_right_arithmetic3A_995 : i32
      %dma_start3A_997 = arith.constant 0 : i32
      %dma_start3A_998 = tpu.memref_slice %arg15[%multiple_of3A_976, %dma_start3A_997] : memref<128x64xf32, #tpu.memory_space<vmem>> -> memref<8x64xf32, #tpu.memory_space<vmem>>
      %dma_start3A_999 = arith.constant 0 : i32
      %dma_start3A_1000 = arith.constant 0 : i32
      %dma_start3A_1001 = tpu.memref_slice %arg6[%shift_right_arithmetic3A_996, %dma_start3A_999, %dma_start3A_1000] : memref<125x8x64xf32, #tpu.memory_space<hbm>> -> memref<1x8x64xf32, #tpu.memory_space<hbm>>
      %dma_start3A_1002 = tpu.memref_squeeze %dma_start3A_1001 : memref<1x8x64xf32, #tpu.memory_space<hbm>> -> memref<8x64xf32, #tpu.memory_space<hbm>>
      %dma_start3A_1003 = arith.constant 0 : i32
      %dma_start3A_1004 = tpu.memref_slice %arg15[%multiple_of3A_976, %dma_start3A_1003] : memref<128x64xf32, #tpu.memory_space<vmem>> -> memref<8x64xf32, #tpu.memory_space<vmem>>
      %dma_start3A_1005 = arith.constant 0 : i32
      %dma_start3A_1006 = arith.constant 0 : i32
      %dma_start3A_1007 = tpu.memref_slice %arg6[%shift_right_arithmetic3A_996, %dma_start3A_1005, %dma_start3A_1006] : memref<125x8x64xf32, #tpu.memory_space<hbm>> -> memref<1x8x64xf32, #tpu.memory_space<hbm>>
      %dma_start3A_1008 = tpu.memref_squeeze %dma_start3A_1007 : memref<1x8x64xf32, #tpu.memory_space<hbm>> -> memref<8x64xf32, #tpu.memory_space<hbm>>
      tpu.enqueue_dma source(%dma_start3A_1008 : memref<8x64xf32, #tpu.memory_space<hbm>>) target(%dma_start3A_1004 : memref<8x64xf32, #tpu.memory_space<vmem>>) target_semaphore(%arg19 : memref<!tpu.dma_semaphore, #tpu.memory_space<semaphore_mem>>)
      %slice3A_1009 = vector.extract_strided_slice %get3A_824 {offsets = [3], sizes = [1], strides = [1]} : vector<16xi32> to vector<1xi32>
      %squeeze3A_1010 = vector.extract %slice3A_1009[0] : i32 from vector<1xi32>
      %shift_right_arithmetic3A_1011 = arith.constant 3 : i32
      %shift_right_arithmetic3A_1012 = arith.shrsi %squeeze3A_1010, %shift_right_arithmetic3A_1011 : i32
      %dma_start3A_1013 = arith.constant 0 : i32
      %dma_start3A_1014 = tpu.memref_slice %arg16[%multiple_of3A_976, %dma_start3A_1013] : memref<128x64xf32, #tpu.memory_space<vmem>> -> memref<8x64xf32, #tpu.memory_space<vmem>>
      %dma_start3A_1015 = arith.constant 0 : i32
      %dma_start3A_1016 = arith.constant 0 : i32
      %dma_start3A_1017 = tpu.memref_slice %arg5[%shift_right_arithmetic3A_1012, %dma_start3A_1015, %dma_start3A_1016] : memref<125000x8x64xf32, #tpu.memory_space<hbm>> -> memref<1x8x64xf32, #tpu.memory_space<hbm>>
      %dma_start3A_1018 = tpu.memref_squeeze %dma_start3A_1017 : memref<1x8x64xf32, #tpu.memory_space<hbm>> -> memref<8x64xf32, #tpu.memory_space<hbm>>
      %dma_start3A_1019 = arith.constant 0 : i32
      %dma_start3A_1020 = tpu.memref_slice %arg16[%multiple_of3A_976, %dma_start3A_1019] : memref<128x64xf32, #tpu.memory_space<vmem>> -> memref<8x64xf32, #tpu.memory_space<vmem>>
      %dma_start3A_1021 = arith.constant 0 : i32
      %dma_start3A_1022 = arith.constant 0 : i32
      %dma_start3A_1023 = tpu.memref_slice %arg5[%shift_right_arithmetic3A_1012, %dma_start3A_1021, %dma_start3A_1022] : memref<125000x8x64xf32, #tpu.memory_space<hbm>> -> memref<1x8x64xf32, #tpu.memory_space<hbm>>
      %dma_start3A_1024 = tpu.memref_squeeze %dma_start3A_1023 : memref<1x8x64xf32, #tpu.memory_space<hbm>> -> memref<8x64xf32, #tpu.memory_space<hbm>>
      tpu.enqueue_dma source(%dma_start3A_1024 : memref<8x64xf32, #tpu.memory_space<hbm>>) target(%dma_start3A_1020 : memref<8x64xf32, #tpu.memory_space<vmem>>) target_semaphore(%arg19 : memref<!tpu.dma_semaphore, #tpu.memory_space<semaphore_mem>>)
      %multiple_of3A_1025 = arith.constant 32 : i32
      %multiple_of3A_1026 = tpu.assume_multiple %multiple_of3A_1025, 8 : i32
      %slice3A_1027 = vector.extract_strided_slice %get3A_820 {offsets = [4], sizes = [1], strides = [1]} : vector<16xi32> to vector<1xi32>
      %squeeze3A_1028 = vector.extract %slice3A_1027[0] : i32 from vector<1xi32>
      %shift_right_arithmetic3A_1029 = arith.constant 3 : i32
      %shift_right_arithmetic3A_1030 = arith.shrsi %squeeze3A_1028, %shift_right_arithmetic3A_1029 : i32
      %dma_start3A_1031 = arith.constant 0 : i32
      %dma_start3A_1032 = tpu.memref_slice %arg14[%multiple_of3A_1026, %dma_start3A_1031] : memref<128x64xf32, #tpu.memory_space<vmem>> -> memref<8x64xf32, #tpu.memory_space<vmem>>
      %dma_start3A_1033 = arith.constant 0 : i32
      %dma_start3A_1034 = arith.constant 0 : i32
      %dma_start3A_1035 = tpu.memref_slice %arg5[%shift_right_arithmetic3A_1030, %dma_start3A_1033, %dma_start3A_1034] : memref<125000x8x64xf32, #tpu.memory_space<hbm>> -> memref<1x8x64xf32, #tpu.memory_space<hbm>>
      %dma_start3A_1036 = tpu.memref_squeeze %dma_start3A_1035 : memref<1x8x64xf32, #tpu.memory_space<hbm>> -> memref<8x64xf32, #tpu.memory_space<hbm>>
      %dma_start3A_1037 = arith.constant 0 : i32
      %dma_start3A_1038 = tpu.memref_slice %arg14[%multiple_of3A_1026, %dma_start3A_1037] : memref<128x64xf32, #tpu.memory_space<vmem>> -> memref<8x64xf32, #tpu.memory_space<vmem>>
      %dma_start3A_1039 = arith.constant 0 : i32
      %dma_start3A_1040 = arith.constant 0 : i32
      %dma_start3A_1041 = tpu.memref_slice %arg5[%shift_right_arithmetic3A_1030, %dma_start3A_1039, %dma_start3A_1040] : memref<125000x8x64xf32, #tpu.memory_space<hbm>> -> memref<1x8x64xf32, #tpu.memory_space<hbm>>
      %dma_start3A_1042 = tpu.memref_squeeze %dma_start3A_1041 : memref<1x8x64xf32, #tpu.memory_space<hbm>> -> memref<8x64xf32, #tpu.memory_space<hbm>>
      tpu.enqueue_dma source(%dma_start3A_1042 : memref<8x64xf32, #tpu.memory_space<hbm>>) target(%dma_start3A_1038 : memref<8x64xf32, #tpu.memory_space<vmem>>) target_semaphore(%arg19 : memref<!tpu.dma_semaphore, #tpu.memory_space<semaphore_mem>>)
      %slice3A_1043 = vector.extract_strided_slice %get3A_822 {offsets = [4], sizes = [1], strides = [1]} : vector<16xi32> to vector<1xi32>
      %squeeze3A_1044 = vector.extract %slice3A_1043[0] : i32 from vector<1xi32>
      %shift_right_arithmetic3A_1045 = arith.constant 3 : i32
      %shift_right_arithmetic3A_1046 = arith.shrsi %squeeze3A_1044, %shift_right_arithmetic3A_1045 : i32
      %dma_start3A_1047 = arith.constant 0 : i32
      %dma_start3A_1048 = tpu.memref_slice %arg15[%multiple_of3A_1026, %dma_start3A_1047] : memref<128x64xf32, #tpu.memory_space<vmem>> -> memref<8x64xf32, #tpu.memory_space<vmem>>
      %dma_start3A_1049 = arith.constant 0 : i32
      %dma_start3A_1050 = arith.constant 0 : i32
      %dma_start3A_1051 = tpu.memref_slice %arg6[%shift_right_arithmetic3A_1046, %dma_start3A_1049, %dma_start3A_1050] : memref<125x8x64xf32, #tpu.memory_space<hbm>> -> memref<1x8x64xf32, #tpu.memory_space<hbm>>
      %dma_start3A_1052 = tpu.memref_squeeze %dma_start3A_1051 : memref<1x8x64xf32, #tpu.memory_space<hbm>> -> memref<8x64xf32, #tpu.memory_space<hbm>>
      %dma_start3A_1053 = arith.constant 0 : i32
      %dma_start3A_1054 = tpu.memref_slice %arg15[%multiple_of3A_1026, %dma_start3A_1053] : memref<128x64xf32, #tpu.memory_space<vmem>> -> memref<8x64xf32, #tpu.memory_space<vmem>>
      %dma_start3A_1055 = arith.constant 0 : i32
      %dma_start3A_1056 = arith.constant 0 : i32
      %dma_start3A_1057 = tpu.memref_slice %arg6[%shift_right_arithmetic3A_1046, %dma_start3A_1055, %dma_start3A_1056] : memref<125x8x64xf32, #tpu.memory_space<hbm>> -> memref<1x8x64xf32, #tpu.memory_space<hbm>>
      %dma_start3A_1058 = tpu.memref_squeeze %dma_start3A_1057 : memref<1x8x64xf32, #tpu.memory_space<hbm>> -> memref<8x64xf32, #tpu.memory_space<hbm>>
      tpu.enqueue_dma source(%dma_start3A_1058 : memref<8x64xf32, #tpu.memory_space<hbm>>) target(%dma_start3A_1054 : memref<8x64xf32, #tpu.memory_space<vmem>>) target_semaphore(%arg19 : memref<!tpu.dma_semaphore, #tpu.memory_space<semaphore_mem>>)
      %slice3A_1059 = vector.extract_strided_slice %get3A_824 {offsets = [4], sizes = [1], strides = [1]} : vector<16xi32> to vector<1xi32>
      %squeeze3A_1060 = vector.extract %slice3A_1059[0] : i32 from vector<1xi32>
      %shift_right_arithmetic3A_1061 = arith.constant 3 : i32
      %shift_right_arithmetic3A_1062 = arith.shrsi %squeeze3A_1060, %shift_right_arithmetic3A_1061 : i32
      %dma_start3A_1063 = arith.constant 0 : i32
      %dma_start3A_1064 = tpu.memref_slice %arg16[%multiple_of3A_1026, %dma_start3A_1063] : memref<128x64xf32, #tpu.memory_space<vmem>> -> memref<8x64xf32, #tpu.memory_space<vmem>>
      %dma_start3A_1065 = arith.constant 0 : i32
      %dma_start3A_1066 = arith.constant 0 : i32
      %dma_start3A_1067 = tpu.memref_slice %arg5[%shift_right_arithmetic3A_1062, %dma_start3A_1065, %dma_start3A_1066] : memref<125000x8x64xf32, #tpu.memory_space<hbm>> -> memref<1x8x64xf32, #tpu.memory_space<hbm>>
      %dma_start3A_1068 = tpu.memref_squeeze %dma_start3A_1067 : memref<1x8x64xf32, #tpu.memory_space<hbm>> -> memref<8x64xf32, #tpu.memory_space<hbm>>
      %dma_start3A_1069 = arith.constant 0 : i32
      %dma_start3A_1070 = tpu.memref_slice %arg16[%multiple_of3A_1026, %dma_start3A_1069] : memref<128x64xf32, #tpu.memory_space<vmem>> -> memref<8x64xf32, #tpu.memory_space<vmem>>
      %dma_start3A_1071 = arith.constant 0 : i32
      %dma_start3A_1072 = arith.constant 0 : i32
      %dma_start3A_1073 = tpu.memref_slice %arg5[%shift_right_arithmetic3A_1062, %dma_start3A_1071, %dma_start3A_1072] : memref<125000x8x64xf32, #tpu.memory_space<hbm>> -> memref<1x8x64xf32, #tpu.memory_space<hbm>>
      %dma_start3A_1074 = tpu.memref_squeeze %dma_start3A_1073 : memref<1x8x64xf32, #tpu.memory_space<hbm>> -> memref<8x64xf32, #tpu.memory_space<hbm>>
      tpu.enqueue_dma source(%dma_start3A_1074 : memref<8x64xf32, #tpu.memory_space<hbm>>) target(%dma_start3A_1070 : memref<8x64xf32, #tpu.memory_space<vmem>>) target_semaphore(%arg19 : memref<!tpu.dma_semaphore, #tpu.memory_space<semaphore_mem>>)
      %multiple_of3A_1075 = arith.constant 40 : i32
      %multiple_of3A_1076 = tpu.assume_multiple %multiple_of3A_1075, 8 : i32
      %slice3A_1077 = vector.extract_strided_slice %get3A_820 {offsets = [5], sizes = [1], strides = [1]} : vector<16xi32> to vector<1xi32>
      %squeeze3A_1078 = vector.extract %slice3A_1077[0] : i32 from vector<1xi32>
      %shift_right_arithmetic3A_1079 = arith.constant 3 : i32
      %shift_right_arithmetic3A_1080 = arith.shrsi %squeeze3A_1078, %shift_right_arithmetic3A_1079 : i32
      %dma_start3A_1081 = arith.constant 0 : i32
      %dma_start3A_1082 = tpu.memref_slice %arg14[%multiple_of3A_1076, %dma_start3A_1081] : memref<128x64xf32, #tpu.memory_space<vmem>> -> memref<8x64xf32, #tpu.memory_space<vmem>>
      %dma_start3A_1083 = arith.constant 0 : i32
      %dma_start3A_1084 = arith.constant 0 : i32
      %dma_start3A_1085 = tpu.memref_slice %arg5[%shift_right_arithmetic3A_1080, %dma_start3A_1083, %dma_start3A_1084] : memref<125000x8x64xf32, #tpu.memory_space<hbm>> -> memref<1x8x64xf32, #tpu.memory_space<hbm>>
      %dma_start3A_1086 = tpu.memref_squeeze %dma_start3A_1085 : memref<1x8x64xf32, #tpu.memory_space<hbm>> -> memref<8x64xf32, #tpu.memory_space<hbm>>
      %dma_start3A_1087 = arith.constant 0 : i32
      %dma_start3A_1088 = tpu.memref_slice %arg14[%multiple_of3A_1076, %dma_start3A_1087] : memref<128x64xf32, #tpu.memory_space<vmem>> -> memref<8x64xf32, #tpu.memory_space<vmem>>
      %dma_start3A_1089 = arith.constant 0 : i32
      %dma_start3A_1090 = arith.constant 0 : i32
      %dma_start3A_1091 = tpu.memref_slice %arg5[%shift_right_arithmetic3A_1080, %dma_start3A_1089, %dma_start3A_1090] : memref<125000x8x64xf32, #tpu.memory_space<hbm>> -> memref<1x8x64xf32, #tpu.memory_space<hbm>>
      %dma_start3A_1092 = tpu.memref_squeeze %dma_start3A_1091 : memref<1x8x64xf32, #tpu.memory_space<hbm>> -> memref<8x64xf32, #tpu.memory_space<hbm>>
      tpu.enqueue_dma source(%dma_start3A_1092 : memref<8x64xf32, #tpu.memory_space<hbm>>) target(%dma_start3A_1088 : memref<8x64xf32, #tpu.memory_space<vmem>>) target_semaphore(%arg19 : memref<!tpu.dma_semaphore, #tpu.memory_space<semaphore_mem>>)
      %slice3A_1093 = vector.extract_strided_slice %get3A_822 {offsets = [5], sizes = [1], strides = [1]} : vector<16xi32> to vector<1xi32>
      %squeeze3A_1094 = vector.extract %slice3A_1093[0] : i32 from vector<1xi32>
      %shift_right_arithmetic3A_1095 = arith.constant 3 : i32
      %shift_right_arithmetic3A_1096 = arith.shrsi %squeeze3A_1094, %shift_right_arithmetic3A_1095 : i32
      %dma_start3A_1097 = arith.constant 0 : i32
      %dma_start3A_1098 = tpu.memref_slice %arg15[%multiple_of3A_1076, %dma_start3A_1097] : memref<128x64xf32, #tpu.memory_space<vmem>> -> memref<8x64xf32, #tpu.memory_space<vmem>>
      %dma_start3A_1099 = arith.constant 0 : i32
      %dma_start3A_1100 = arith.constant 0 : i32
      %dma_start3A_1101 = tpu.memref_slice %arg6[%shift_right_arithmetic3A_1096, %dma_start3A_1099, %dma_start3A_1100] : memref<125x8x64xf32, #tpu.memory_space<hbm>> -> memref<1x8x64xf32, #tpu.memory_space<hbm>>
      %dma_start3A_1102 = tpu.memref_squeeze %dma_start3A_1101 : memref<1x8x64xf32, #tpu.memory_space<hbm>> -> memref<8x64xf32, #tpu.memory_space<hbm>>
      %dma_start3A_1103 = arith.constant 0 : i32
      %dma_start3A_1104 = tpu.memref_slice %arg15[%multiple_of3A_1076, %dma_start3A_1103] : memref<128x64xf32, #tpu.memory_space<vmem>> -> memref<8x64xf32, #tpu.memory_space<vmem>>
      %dma_start3A_1105 = arith.constant 0 : i32
      %dma_start3A_1106 = arith.constant 0 : i32
      %dma_start3A_1107 = tpu.memref_slice %arg6[%shift_right_arithmetic3A_1096, %dma_start3A_1105, %dma_start3A_1106] : memref<125x8x64xf32, #tpu.memory_space<hbm>> -> memref<1x8x64xf32, #tpu.memory_space<hbm>>
      %dma_start3A_1108 = tpu.memref_squeeze %dma_start3A_1107 : memref<1x8x64xf32, #tpu.memory_space<hbm>> -> memref<8x64xf32, #tpu.memory_space<hbm>>
      tpu.enqueue_dma source(%dma_start3A_1108 : memref<8x64xf32, #tpu.memory_space<hbm>>) target(%dma_start3A_1104 : memref<8x64xf32, #tpu.memory_space<vmem>>) target_semaphore(%arg19 : memref<!tpu.dma_semaphore, #tpu.memory_space<semaphore_mem>>)
      %slice3A_1109 = vector.extract_strided_slice %get3A_824 {offsets = [5], sizes = [1], strides = [1]} : vector<16xi32> to vector<1xi32>
      %squeeze3A_1110 = vector.extract %slice3A_1109[0] : i32 from vector<1xi32>
      %shift_right_arithmetic3A_1111 = arith.constant 3 : i32
      %shift_right_arithmetic3A_1112 = arith.shrsi %squeeze3A_1110, %shift_right_arithmetic3A_1111 : i32
      %dma_start3A_1113 = arith.constant 0 : i32
      %dma_start3A_1114 = tpu.memref_slice %arg16[%multiple_of3A_1076, %dma_start3A_1113] : memref<128x64xf32, #tpu.memory_space<vmem>> -> memref<8x64xf32, #tpu.memory_space<vmem>>
      %dma_start3A_1115 = arith.constant 0 : i32
      %dma_start3A_1116 = arith.constant 0 : i32
      %dma_start3A_1117 = tpu.memref_slice %arg5[%shift_right_arithmetic3A_1112, %dma_start3A_1115, %dma_start3A_1116] : memref<125000x8x64xf32, #tpu.memory_space<hbm>> -> memref<1x8x64xf32, #tpu.memory_space<hbm>>
      %dma_start3A_1118 = tpu.memref_squeeze %dma_start3A_1117 : memref<1x8x64xf32, #tpu.memory_space<hbm>> -> memref<8x64xf32, #tpu.memory_space<hbm>>
      %dma_start3A_1119 = arith.constant 0 : i32
      %dma_start3A_1120 = tpu.memref_slice %arg16[%multiple_of3A_1076, %dma_start3A_1119] : memref<128x64xf32, #tpu.memory_space<vmem>> -> memref<8x64xf32, #tpu.memory_space<vmem>>
      %dma_start3A_1121 = arith.constant 0 : i32
      %dma_start3A_1122 = arith.constant 0 : i32
      %dma_start3A_1123 = tpu.memref_slice %arg5[%shift_right_arithmetic3A_1112, %dma_start3A_1121, %dma_start3A_1122] : memref<125000x8x64xf32, #tpu.memory_space<hbm>> -> memref<1x8x64xf32, #tpu.memory_space<hbm>>
      %dma_start3A_1124 = tpu.memref_squeeze %dma_start3A_1123 : memref<1x8x64xf32, #tpu.memory_space<hbm>> -> memref<8x64xf32, #tpu.memory_space<hbm>>
      tpu.enqueue_dma source(%dma_start3A_1124 : memref<8x64xf32, #tpu.memory_space<hbm>>) target(%dma_start3A_1120 : memref<8x64xf32, #tpu.memory_space<vmem>>) target_semaphore(%arg19 : memref<!tpu.dma_semaphore, #tpu.memory_space<semaphore_mem>>)
      %multiple_of3A_1125 = arith.constant 48 : i32
      %multiple_of3A_1126 = tpu.assume_multiple %multiple_of3A_1125, 8 : i32
      %slice3A_1127 = vector.extract_strided_slice %get3A_820 {offsets = [6], sizes = [1], strides = [1]} : vector<16xi32> to vector<1xi32>
      %squeeze3A_1128 = vector.extract %slice3A_1127[0] : i32 from vector<1xi32>
      %shift_right_arithmetic3A_1129 = arith.constant 3 : i32
      %shift_right_arithmetic3A_1130 = arith.shrsi %squeeze3A_1128, %shift_right_arithmetic3A_1129 : i32
      %dma_start3A_1131 = arith.constant 0 : i32
      %dma_start3A_1132 = tpu.memref_slice %arg14[%multiple_of3A_1126, %dma_start3A_1131] : memref<128x64xf32, #tpu.memory_space<vmem>> -> memref<8x64xf32, #tpu.memory_space<vmem>>
      %dma_start3A_1133 = arith.constant 0 : i32
      %dma_start3A_1134 = arith.constant 0 : i32
      %dma_start3A_1135 = tpu.memref_slice %arg5[%shift_right_arithmetic3A_1130, %dma_start3A_1133, %dma_start3A_1134] : memref<125000x8x64xf32, #tpu.memory_space<hbm>> -> memref<1x8x64xf32, #tpu.memory_space<hbm>>
      %dma_start3A_1136 = tpu.memref_squeeze %dma_start3A_1135 : memref<1x8x64xf32, #tpu.memory_space<hbm>> -> memref<8x64xf32, #tpu.memory_space<hbm>>
      %dma_start3A_1137 = arith.constant 0 : i32
      %dma_start3A_1138 = tpu.memref_slice %arg14[%multiple_of3A_1126, %dma_start3A_1137] : memref<128x64xf32, #tpu.memory_space<vmem>> -> memref<8x64xf32, #tpu.memory_space<vmem>>
      %dma_start3A_1139 = arith.constant 0 : i32
      %dma_start3A_1140 = arith.constant 0 : i32
      %dma_start3A_1141 = tpu.memref_slice %arg5[%shift_right_arithmetic3A_1130, %dma_start3A_1139, %dma_start3A_1140] : memref<125000x8x64xf32, #tpu.memory_space<hbm>> -> memref<1x8x64xf32, #tpu.memory_space<hbm>>
      %dma_start3A_1142 = tpu.memref_squeeze %dma_start3A_1141 : memref<1x8x64xf32, #tpu.memory_space<hbm>> -> memref<8x64xf32, #tpu.memory_space<hbm>>
      tpu.enqueue_dma source(%dma_start3A_1142 : memref<8x64xf32, #tpu.memory_space<hbm>>) target(%dma_start3A_1138 : memref<8x64xf32, #tpu.memory_space<vmem>>) target_semaphore(%arg19 : memref<!tpu.dma_semaphore, #tpu.memory_space<semaphore_mem>>)
      %slice3A_1143 = vector.extract_strided_slice %get3A_822 {offsets = [6], sizes = [1], strides = [1]} : vector<16xi32> to vector<1xi32>
      %squeeze3A_1144 = vector.extract %slice3A_1143[0] : i32 from vector<1xi32>
      %shift_right_arithmetic3A_1145 = arith.constant 3 : i32
      %shift_right_arithmetic3A_1146 = arith.shrsi %squeeze3A_1144, %shift_right_arithmetic3A_1145 : i32
      %dma_start3A_1147 = arith.constant 0 : i32
      %dma_start3A_1148 = tpu.memref_slice %arg15[%multiple_of3A_1126, %dma_start3A_1147] : memref<128x64xf32, #tpu.memory_space<vmem>> -> memref<8x64xf32, #tpu.memory_space<vmem>>
      %dma_start3A_1149 = arith.constant 0 : i32
      %dma_start3A_1150 = arith.constant 0 : i32
      %dma_start3A_1151 = tpu.memref_slice %arg6[%shift_right_arithmetic3A_1146, %dma_start3A_1149, %dma_start3A_1150] : memref<125x8x64xf32, #tpu.memory_space<hbm>> -> memref<1x8x64xf32, #tpu.memory_space<hbm>>
      %dma_start3A_1152 = tpu.memref_squeeze %dma_start3A_1151 : memref<1x8x64xf32, #tpu.memory_space<hbm>> -> memref<8x64xf32, #tpu.memory_space<hbm>>
      %dma_start3A_1153 = arith.constant 0 : i32
      %dma_start3A_1154 = tpu.memref_slice %arg15[%multiple_of3A_1126, %dma_start3A_1153] : memref<128x64xf32, #tpu.memory_space<vmem>> -> memref<8x64xf32, #tpu.memory_space<vmem>>
      %dma_start3A_1155 = arith.constant 0 : i32
      %dma_start3A_1156 = arith.constant 0 : i32
      %dma_start3A_1157 = tpu.memref_slice %arg6[%shift_right_arithmetic3A_1146, %dma_start3A_1155, %dma_start3A_1156] : memref<125x8x64xf32, #tpu.memory_space<hbm>> -> memref<1x8x64xf32, #tpu.memory_space<hbm>>
      %dma_start3A_1158 = tpu.memref_squeeze %dma_start3A_1157 : memref<1x8x64xf32, #tpu.memory_space<hbm>> -> memref<8x64xf32, #tpu.memory_space<hbm>>
      tpu.enqueue_dma source(%dma_start3A_1158 : memref<8x64xf32, #tpu.memory_space<hbm>>) target(%dma_start3A_1154 : memref<8x64xf32, #tpu.memory_space<vmem>>) target_semaphore(%arg19 : memref<!tpu.dma_semaphore, #tpu.memory_space<semaphore_mem>>)
      %slice3A_1159 = vector.extract_strided_slice %get3A_824 {offsets = [6], sizes = [1], strides = [1]} : vector<16xi32> to vector<1xi32>
      %squeeze3A_1160 = vector.extract %slice3A_1159[0] : i32 from vector<1xi32>
      %shift_right_arithmetic3A_1161 = arith.constant 3 : i32
      %shift_right_arithmetic3A_1162 = arith.shrsi %squeeze3A_1160, %shift_right_arithmetic3A_1161 : i32
      %dma_start3A_1163 = arith.constant 0 : i32
      %dma_start3A_1164 = tpu.memref_slice %arg16[%multiple_of3A_1126, %dma_start3A_1163] : memref<128x64xf32, #tpu.memory_space<vmem>> -> memref<8x64xf32, #tpu.memory_space<vmem>>
      %dma_start3A_1165 = arith.constant 0 : i32
      %dma_start3A_1166 = arith.constant 0 : i32
      %dma_start3A_1167 = tpu.memref_slice %arg5[%shift_right_arithmetic3A_1162, %dma_start3A_1165, %dma_start3A_1166] : memref<125000x8x64xf32, #tpu.memory_space<hbm>> -> memref<1x8x64xf32, #tpu.memory_space<hbm>>
      %dma_start3A_1168 = tpu.memref_squeeze %dma_start3A_1167 : memref<1x8x64xf32, #tpu.memory_space<hbm>> -> memref<8x64xf32, #tpu.memory_space<hbm>>
      %dma_start3A_1169 = arith.constant 0 : i32
      %dma_start3A_1170 = tpu.memref_slice %arg16[%multiple_of3A_1126, %dma_start3A_1169] : memref<128x64xf32, #tpu.memory_space<vmem>> -> memref<8x64xf32, #tpu.memory_space<vmem>>
      %dma_start3A_1171 = arith.constant 0 : i32
      %dma_start3A_1172 = arith.constant 0 : i32
      %dma_start3A_1173 = tpu.memref_slice %arg5[%shift_right_arithmetic3A_1162, %dma_start3A_1171, %dma_start3A_1172] : memref<125000x8x64xf32, #tpu.memory_space<hbm>> -> memref<1x8x64xf32, #tpu.memory_space<hbm>>
      %dma_start3A_1174 = tpu.memref_squeeze %dma_start3A_1173 : memref<1x8x64xf32, #tpu.memory_space<hbm>> -> memref<8x64xf32, #tpu.memory_space<hbm>>
      tpu.enqueue_dma source(%dma_start3A_1174 : memref<8x64xf32, #tpu.memory_space<hbm>>) target(%dma_start3A_1170 : memref<8x64xf32, #tpu.memory_space<vmem>>) target_semaphore(%arg19 : memref<!tpu.dma_semaphore, #tpu.memory_space<semaphore_mem>>)
      %multiple_of3A_1175 = arith.constant 56 : i32
      %multiple_of3A_1176 = tpu.assume_multiple %multiple_of3A_1175, 8 : i32
      %slice3A_1177 = vector.extract_strided_slice %get3A_820 {offsets = [7], sizes = [1], strides = [1]} : vector<16xi32> to vector<1xi32>
      %squeeze3A_1178 = vector.extract %slice3A_1177[0] : i32 from vector<1xi32>
      %shift_right_arithmetic3A_1179 = arith.constant 3 : i32
      %shift_right_arithmetic3A_1180 = arith.shrsi %squeeze3A_1178, %shift_right_arithmetic3A_1179 : i32
      %dma_start3A_1181 = arith.constant 0 : i32
      %dma_start3A_1182 = tpu.memref_slice %arg14[%multiple_of3A_1176, %dma_start3A_1181] : memref<128x64xf32, #tpu.memory_space<vmem>> -> memref<8x64xf32, #tpu.memory_space<vmem>>
      %dma_start3A_1183 = arith.constant 0 : i32
      %dma_start3A_1184 = arith.constant 0 : i32
      %dma_start3A_1185 = tpu.memref_slice %arg5[%shift_right_arithmetic3A_1180, %dma_start3A_1183, %dma_start3A_1184] : memref<125000x8x64xf32, #tpu.memory_space<hbm>> -> memref<1x8x64xf32, #tpu.memory_space<hbm>>
      %dma_start3A_1186 = tpu.memref_squeeze %dma_start3A_1185 : memref<1x8x64xf32, #tpu.memory_space<hbm>> -> memref<8x64xf32, #tpu.memory_space<hbm>>
      %dma_start3A_1187 = arith.constant 0 : i32
      %dma_start3A_1188 = tpu.memref_slice %arg14[%multiple_of3A_1176, %dma_start3A_1187] : memref<128x64xf32, #tpu.memory_space<vmem>> -> memref<8x64xf32, #tpu.memory_space<vmem>>
      %dma_start3A_1189 = arith.constant 0 : i32
      %dma_start3A_1190 = arith.constant 0 : i32
      %dma_start3A_1191 = tpu.memref_slice %arg5[%shift_right_arithmetic3A_1180, %dma_start3A_1189, %dma_start3A_1190] : memref<125000x8x64xf32, #tpu.memory_space<hbm>> -> memref<1x8x64xf32, #tpu.memory_space<hbm>>
      %dma_start3A_1192 = tpu.memref_squeeze %dma_start3A_1191 : memref<1x8x64xf32, #tpu.memory_space<hbm>> -> memref<8x64xf32, #tpu.memory_space<hbm>>
      tpu.enqueue_dma source(%dma_start3A_1192 : memref<8x64xf32, #tpu.memory_space<hbm>>) target(%dma_start3A_1188 : memref<8x64xf32, #tpu.memory_space<vmem>>) target_semaphore(%arg19 : memref<!tpu.dma_semaphore, #tpu.memory_space<semaphore_mem>>)
      %slice3A_1193 = vector.extract_strided_slice %get3A_822 {offsets = [7], sizes = [1], strides = [1]} : vector<16xi32> to vector<1xi32>
      %squeeze3A_1194 = vector.extract %slice3A_1193[0] : i32 from vector<1xi32>
      %shift_right_arithmetic3A_1195 = arith.constant 3 : i32
      %shift_right_arithmetic3A_1196 = arith.shrsi %squeeze3A_1194, %shift_right_arithmetic3A_1195 : i32
      %dma_start3A_1197 = arith.constant 0 : i32
      %dma_start3A_1198 = tpu.memref_slice %arg15[%multiple_of3A_1176, %dma_start3A_1197] : memref<128x64xf32, #tpu.memory_space<vmem>> -> memref<8x64xf32, #tpu.memory_space<vmem>>
      %dma_start3A_1199 = arith.constant 0 : i32
      %dma_start3A_1200 = arith.constant 0 : i32
      %dma_start3A_1201 = tpu.memref_slice %arg6[%shift_right_arithmetic3A_1196, %dma_start3A_1199, %dma_start3A_1200] : memref<125x8x64xf32, #tpu.memory_space<hbm>> -> memref<1x8x64xf32, #tpu.memory_space<hbm>>
      %dma_start3A_1202 = tpu.memref_squeeze %dma_start3A_1201 : memref<1x8x64xf32, #tpu.memory_space<hbm>> -> memref<8x64xf32, #tpu.memory_space<hbm>>
      %dma_start3A_1203 = arith.constant 0 : i32
      %dma_start3A_1204 = tpu.memref_slice %arg15[%multiple_of3A_1176, %dma_start3A_1203] : memref<128x64xf32, #tpu.memory_space<vmem>> -> memref<8x64xf32, #tpu.memory_space<vmem>>
      %dma_start3A_1205 = arith.constant 0 : i32
      %dma_start3A_1206 = arith.constant 0 : i32
      %dma_start3A_1207 = tpu.memref_slice %arg6[%shift_right_arithmetic3A_1196, %dma_start3A_1205, %dma_start3A_1206] : memref<125x8x64xf32, #tpu.memory_space<hbm>> -> memref<1x8x64xf32, #tpu.memory_space<hbm>>
      %dma_start3A_1208 = tpu.memref_squeeze %dma_start3A_1207 : memref<1x8x64xf32, #tpu.memory_space<hbm>> -> memref<8x64xf32, #tpu.memory_space<hbm>>
      tpu.enqueue_dma source(%dma_start3A_1208 : memref<8x64xf32, #tpu.memory_space<hbm>>) target(%dma_start3A_1204 : memref<8x64xf32, #tpu.memory_space<vmem>>) target_semaphore(%arg19 : memref<!tpu.dma_semaphore, #tpu.memory_space<semaphore_mem>>)
      %slice3A_1209 = vector.extract_strided_slice %get3A_824 {offsets = [7], sizes = [1], strides = [1]} : vector<16xi32> to vector<1xi32>
      %squeeze3A_1210 = vector.extract %slice3A_1209[0] : i32 from vector<1xi32>
      %shift_right_arithmetic3A_1211 = arith.constant 3 : i32
      %shift_right_arithmetic3A_1212 = arith.shrsi %squeeze3A_1210, %shift_right_arithmetic3A_1211 : i32
      %dma_start3A_1213 = arith.constant 0 : i32
      %dma_start3A_1214 = tpu.memref_slice %arg16[%multiple_of3A_1176, %dma_start3A_1213] : memref<128x64xf32, #tpu.memory_space<vmem>> -> memref<8x64xf32, #tpu.memory_space<vmem>>
      %dma_start3A_1215 = arith.constant 0 : i32
      %dma_start3A_1216 = arith.constant 0 : i32
      %dma_start3A_1217 = tpu.memref_slice %arg5[%shift_right_arithmetic3A_1212, %dma_start3A_1215, %dma_start3A_1216] : memref<125000x8x64xf32, #tpu.memory_space<hbm>> -> memref<1x8x64xf32, #tpu.memory_space<hbm>>
      %dma_start3A_1218 = tpu.memref_squeeze %dma_start3A_1217 : memref<1x8x64xf32, #tpu.memory_space<hbm>> -> memref<8x64xf32, #tpu.memory_space<hbm>>
      %dma_start3A_1219 = arith.constant 0 : i32
      %dma_start3A_1220 = tpu.memref_slice %arg16[%multiple_of3A_1176, %dma_start3A_1219] : memref<128x64xf32, #tpu.memory_space<vmem>> -> memref<8x64xf32, #tpu.memory_space<vmem>>
      %dma_start3A_1221 = arith.constant 0 : i32
      %dma_start3A_1222 = arith.constant 0 : i32
      %dma_start3A_1223 = tpu.memref_slice %arg5[%shift_right_arithmetic3A_1212, %dma_start3A_1221, %dma_start3A_1222] : memref<125000x8x64xf32, #tpu.memory_space<hbm>> -> memref<1x8x64xf32, #tpu.memory_space<hbm>>
      %dma_start3A_1224 = tpu.memref_squeeze %dma_start3A_1223 : memref<1x8x64xf32, #tpu.memory_space<hbm>> -> memref<8x64xf32, #tpu.memory_space<hbm>>
      tpu.enqueue_dma source(%dma_start3A_1224 : memref<8x64xf32, #tpu.memory_space<hbm>>) target(%dma_start3A_1220 : memref<8x64xf32, #tpu.memory_space<vmem>>) target_semaphore(%arg19 : memref<!tpu.dma_semaphore, #tpu.memory_space<semaphore_mem>>)
      %multiple_of3A_1225 = arith.constant 64 : i32
      %multiple_of3A_1226 = tpu.assume_multiple %multiple_of3A_1225, 8 : i32
      %slice3A_1227 = vector.extract_strided_slice %get3A_820 {offsets = [8], sizes = [1], strides = [1]} : vector<16xi32> to vector<1xi32>
      %squeeze3A_1228 = vector.extract %slice3A_1227[0] : i32 from vector<1xi32>
      %shift_right_arithmetic3A_1229 = arith.constant 3 : i32
      %shift_right_arithmetic3A_1230 = arith.shrsi %squeeze3A_1228, %shift_right_arithmetic3A_1229 : i32
      %dma_start3A_1231 = arith.constant 0 : i32
      %dma_start3A_1232 = tpu.memref_slice %arg14[%multiple_of3A_1226, %dma_start3A_1231] : memref<128x64xf32, #tpu.memory_space<vmem>> -> memref<8x64xf32, #tpu.memory_space<vmem>>
      %dma_start3A_1233 = arith.constant 0 : i32
      %dma_start3A_1234 = arith.constant 0 : i32
      %dma_start3A_1235 = tpu.memref_slice %arg5[%shift_right_arithmetic3A_1230, %dma_start3A_1233, %dma_start3A_1234] : memref<125000x8x64xf32, #tpu.memory_space<hbm>> -> memref<1x8x64xf32, #tpu.memory_space<hbm>>
      %dma_start3A_1236 = tpu.memref_squeeze %dma_start3A_1235 : memref<1x8x64xf32, #tpu.memory_space<hbm>> -> memref<8x64xf32, #tpu.memory_space<hbm>>
      %dma_start3A_1237 = arith.constant 0 : i32
      %dma_start3A_1238 = tpu.memref_slice %arg14[%multiple_of3A_1226, %dma_start3A_1237] : memref<128x64xf32, #tpu.memory_space<vmem>> -> memref<8x64xf32, #tpu.memory_space<vmem>>
      %dma_start3A_1239 = arith.constant 0 : i32
      %dma_start3A_1240 = arith.constant 0 : i32
      %dma_start3A_1241 = tpu.memref_slice %arg5[%shift_right_arithmetic3A_1230, %dma_start3A_1239, %dma_start3A_1240] : memref<125000x8x64xf32, #tpu.memory_space<hbm>> -> memref<1x8x64xf32, #tpu.memory_space<hbm>>
      %dma_start3A_1242 = tpu.memref_squeeze %dma_start3A_1241 : memref<1x8x64xf32, #tpu.memory_space<hbm>> -> memref<8x64xf32, #tpu.memory_space<hbm>>
      tpu.enqueue_dma source(%dma_start3A_1242 : memref<8x64xf32, #tpu.memory_space<hbm>>) target(%dma_start3A_1238 : memref<8x64xf32, #tpu.memory_space<vmem>>) target_semaphore(%arg19 : memref<!tpu.dma_semaphore, #tpu.memory_space<semaphore_mem>>)
      %slice3A_1243 = vector.extract_strided_slice %get3A_822 {offsets = [8], sizes = [1], strides = [1]} : vector<16xi32> to vector<1xi32>
      %squeeze3A_1244 = vector.extract %slice3A_1243[0] : i32 from vector<1xi32>
      %shift_right_arithmetic3A_1245 = arith.constant 3 : i32
      %shift_right_arithmetic3A_1246 = arith.shrsi %squeeze3A_1244, %shift_right_arithmetic3A_1245 : i32
      %dma_start3A_1247 = arith.constant 0 : i32
      %dma_start3A_1248 = tpu.memref_slice %arg15[%multiple_of3A_1226, %dma_start3A_1247] : memref<128x64xf32, #tpu.memory_space<vmem>> -> memref<8x64xf32, #tpu.memory_space<vmem>>
      %dma_start3A_1249 = arith.constant 0 : i32
      %dma_start3A_1250 = arith.constant 0 : i32
      %dma_start3A_1251 = tpu.memref_slice %arg6[%shift_right_arithmetic3A_1246, %dma_start3A_1249, %dma_start3A_1250] : memref<125x8x64xf32, #tpu.memory_space<hbm>> -> memref<1x8x64xf32, #tpu.memory_space<hbm>>
      %dma_start3A_1252 = tpu.memref_squeeze %dma_start3A_1251 : memref<1x8x64xf32, #tpu.memory_space<hbm>> -> memref<8x64xf32, #tpu.memory_space<hbm>>
      %dma_start3A_1253 = arith.constant 0 : i32
      %dma_start3A_1254 = tpu.memref_slice %arg15[%multiple_of3A_1226, %dma_start3A_1253] : memref<128x64xf32, #tpu.memory_space<vmem>> -> memref<8x64xf32, #tpu.memory_space<vmem>>
      %dma_start3A_1255 = arith.constant 0 : i32
      %dma_start3A_1256 = arith.constant 0 : i32
      %dma_start3A_1257 = tpu.memref_slice %arg6[%shift_right_arithmetic3A_1246, %dma_start3A_1255, %dma_start3A_1256] : memref<125x8x64xf32, #tpu.memory_space<hbm>> -> memref<1x8x64xf32, #tpu.memory_space<hbm>>
      %dma_start3A_1258 = tpu.memref_squeeze %dma_start3A_1257 : memref<1x8x64xf32, #tpu.memory_space<hbm>> -> memref<8x64xf32, #tpu.memory_space<hbm>>
      tpu.enqueue_dma source(%dma_start3A_1258 : memref<8x64xf32, #tpu.memory_space<hbm>>) target(%dma_start3A_1254 : memref<8x64xf32, #tpu.memory_space<vmem>>) target_semaphore(%arg19 : memref<!tpu.dma_semaphore, #tpu.memory_space<semaphore_mem>>)
      %slice3A_1259 = vector.extract_strided_slice %get3A_824 {offsets = [8], sizes = [1], strides = [1]} : vector<16xi32> to vector<1xi32>
      %squeeze3A_1260 = vector.extract %slice3A_1259[0] : i32 from vector<1xi32>
      %shift_right_arithmetic3A_1261 = arith.constant 3 : i32
      %shift_right_arithmetic3A_1262 = arith.shrsi %squeeze3A_1260, %shift_right_arithmetic3A_1261 : i32
      %dma_start3A_1263 = arith.constant 0 : i32
      %dma_start3A_1264 = tpu.memref_slice %arg16[%multiple_of3A_1226, %dma_start3A_1263] : memref<128x64xf32, #tpu.memory_space<vmem>> -> memref<8x64xf32, #tpu.memory_space<vmem>>
      %dma_start3A_1265 = arith.constant 0 : i32
      %dma_start3A_1266 = arith.constant 0 : i32
      %dma_start3A_1267 = tpu.memref_slice %arg5[%shift_right_arithmetic3A_1262, %dma_start3A_1265, %dma_start3A_1266] : memref<125000x8x64xf32, #tpu.memory_space<hbm>> -> memref<1x8x64xf32, #tpu.memory_space<hbm>>
      %dma_start3A_1268 = tpu.memref_squeeze %dma_start3A_1267 : memref<1x8x64xf32, #tpu.memory_space<hbm>> -> memref<8x64xf32, #tpu.memory_space<hbm>>
      %dma_start3A_1269 = arith.constant 0 : i32
      %dma_start3A_1270 = tpu.memref_slice %arg16[%multiple_of3A_1226, %dma_start3A_1269] : memref<128x64xf32, #tpu.memory_space<vmem>> -> memref<8x64xf32, #tpu.memory_space<vmem>>
      %dma_start3A_1271 = arith.constant 0 : i32
      %dma_start3A_1272 = arith.constant 0 : i32
      %dma_start3A_1273 = tpu.memref_slice %arg5[%shift_right_arithmetic3A_1262, %dma_start3A_1271, %dma_start3A_1272] : memref<125000x8x64xf32, #tpu.memory_space<hbm>> -> memref<1x8x64xf32, #tpu.memory_space<hbm>>
      %dma_start3A_1274 = tpu.memref_squeeze %dma_start3A_1273 : memref<1x8x64xf32, #tpu.memory_space<hbm>> -> memref<8x64xf32, #tpu.memory_space<hbm>>
      tpu.enqueue_dma source(%dma_start3A_1274 : memref<8x64xf32, #tpu.memory_space<hbm>>) target(%dma_start3A_1270 : memref<8x64xf32, #tpu.memory_space<vmem>>) target_semaphore(%arg19 : memref<!tpu.dma_semaphore, #tpu.memory_space<semaphore_mem>>)
      %multiple_of3A_1275 = arith.constant 72 : i32
      %multiple_of3A_1276 = tpu.assume_multiple %multiple_of3A_1275, 8 : i32
      %slice3A_1277 = vector.extract_strided_slice %get3A_820 {offsets = [9], sizes = [1], strides = [1]} : vector<16xi32> to vector<1xi32>
      %squeeze3A_1278 = vector.extract %slice3A_1277[0] : i32 from vector<1xi32>
      %shift_right_arithmetic3A_1279 = arith.constant 3 : i32
      %shift_right_arithmetic3A_1280 = arith.shrsi %squeeze3A_1278, %shift_right_arithmetic3A_1279 : i32
      %dma_start3A_1281 = arith.constant 0 : i32
      %dma_start3A_1282 = tpu.memref_slice %arg14[%multiple_of3A_1276, %dma_start3A_1281] : memref<128x64xf32, #tpu.memory_space<vmem>> -> memref<8x64xf32, #tpu.memory_space<vmem>>
      %dma_start3A_1283 = arith.constant 0 : i32
      %dma_start3A_1284 = arith.constant 0 : i32
      %dma_start3A_1285 = tpu.memref_slice %arg5[%shift_right_arithmetic3A_1280, %dma_start3A_1283, %dma_start3A_1284] : memref<125000x8x64xf32, #tpu.memory_space<hbm>> -> memref<1x8x64xf32, #tpu.memory_space<hbm>>
      %dma_start3A_1286 = tpu.memref_squeeze %dma_start3A_1285 : memref<1x8x64xf32, #tpu.memory_space<hbm>> -> memref<8x64xf32, #tpu.memory_space<hbm>>
      %dma_start3A_1287 = arith.constant 0 : i32
      %dma_start3A_1288 = tpu.memref_slice %arg14[%multiple_of3A_1276, %dma_start3A_1287] : memref<128x64xf32, #tpu.memory_space<vmem>> -> memref<8x64xf32, #tpu.memory_space<vmem>>
      %dma_start3A_1289 = arith.constant 0 : i32
      %dma_start3A_1290 = arith.constant 0 : i32
      %dma_start3A_1291 = tpu.memref_slice %arg5[%shift_right_arithmetic3A_1280, %dma_start3A_1289, %dma_start3A_1290] : memref<125000x8x64xf32, #tpu.memory_space<hbm>> -> memref<1x8x64xf32, #tpu.memory_space<hbm>>
      %dma_start3A_1292 = tpu.memref_squeeze %dma_start3A_1291 : memref<1x8x64xf32, #tpu.memory_space<hbm>> -> memref<8x64xf32, #tpu.memory_space<hbm>>
      tpu.enqueue_dma source(%dma_start3A_1292 : memref<8x64xf32, #tpu.memory_space<hbm>>) target(%dma_start3A_1288 : memref<8x64xf32, #tpu.memory_space<vmem>>) target_semaphore(%arg19 : memref<!tpu.dma_semaphore, #tpu.memory_space<semaphore_mem>>)
      %slice3A_1293 = vector.extract_strided_slice %get3A_822 {offsets = [9], sizes = [1], strides = [1]} : vector<16xi32> to vector<1xi32>
      %squeeze3A_1294 = vector.extract %slice3A_1293[0] : i32 from vector<1xi32>
      %shift_right_arithmetic3A_1295 = arith.constant 3 : i32
      %shift_right_arithmetic3A_1296 = arith.shrsi %squeeze3A_1294, %shift_right_arithmetic3A_1295 : i32
      %dma_start3A_1297 = arith.constant 0 : i32
      %dma_start3A_1298 = tpu.memref_slice %arg15[%multiple_of3A_1276, %dma_start3A_1297] : memref<128x64xf32, #tpu.memory_space<vmem>> -> memref<8x64xf32, #tpu.memory_space<vmem>>
      %dma_start3A_1299 = arith.constant 0 : i32
      %dma_start3A_1300 = arith.constant 0 : i32
      %dma_start3A_1301 = tpu.memref_slice %arg6[%shift_right_arithmetic3A_1296, %dma_start3A_1299, %dma_start3A_1300] : memref<125x8x64xf32, #tpu.memory_space<hbm>> -> memref<1x8x64xf32, #tpu.memory_space<hbm>>
      %dma_start3A_1302 = tpu.memref_squeeze %dma_start3A_1301 : memref<1x8x64xf32, #tpu.memory_space<hbm>> -> memref<8x64xf32, #tpu.memory_space<hbm>>
      %dma_start3A_1303 = arith.constant 0 : i32
      %dma_start3A_1304 = tpu.memref_slice %arg15[%multiple_of3A_1276, %dma_start3A_1303] : memref<128x64xf32, #tpu.memory_space<vmem>> -> memref<8x64xf32, #tpu.memory_space<vmem>>
      %dma_start3A_1305 = arith.constant 0 : i32
      %dma_start3A_1306 = arith.constant 0 : i32
      %dma_start3A_1307 = tpu.memref_slice %arg6[%shift_right_arithmetic3A_1296, %dma_start3A_1305, %dma_start3A_1306] : memref<125x8x64xf32, #tpu.memory_space<hbm>> -> memref<1x8x64xf32, #tpu.memory_space<hbm>>
      %dma_start3A_1308 = tpu.memref_squeeze %dma_start3A_1307 : memref<1x8x64xf32, #tpu.memory_space<hbm>> -> memref<8x64xf32, #tpu.memory_space<hbm>>
      tpu.enqueue_dma source(%dma_start3A_1308 : memref<8x64xf32, #tpu.memory_space<hbm>>) target(%dma_start3A_1304 : memref<8x64xf32, #tpu.memory_space<vmem>>) target_semaphore(%arg19 : memref<!tpu.dma_semaphore, #tpu.memory_space<semaphore_mem>>)
      %slice3A_1309 = vector.extract_strided_slice %get3A_824 {offsets = [9], sizes = [1], strides = [1]} : vector<16xi32> to vector<1xi32>
      %squeeze3A_1310 = vector.extract %slice3A_1309[0] : i32 from vector<1xi32>
      %shift_right_arithmetic3A_1311 = arith.constant 3 : i32
      %shift_right_arithmetic3A_1312 = arith.shrsi %squeeze3A_1310, %shift_right_arithmetic3A_1311 : i32
      %dma_start3A_1313 = arith.constant 0 : i32
      %dma_start3A_1314 = tpu.memref_slice %arg16[%multiple_of3A_1276, %dma_start3A_1313] : memref<128x64xf32, #tpu.memory_space<vmem>> -> memref<8x64xf32, #tpu.memory_space<vmem>>
      %dma_start3A_1315 = arith.constant 0 : i32
      %dma_start3A_1316 = arith.constant 0 : i32
      %dma_start3A_1317 = tpu.memref_slice %arg5[%shift_right_arithmetic3A_1312, %dma_start3A_1315, %dma_start3A_1316] : memref<125000x8x64xf32, #tpu.memory_space<hbm>> -> memref<1x8x64xf32, #tpu.memory_space<hbm>>
      %dma_start3A_1318 = tpu.memref_squeeze %dma_start3A_1317 : memref<1x8x64xf32, #tpu.memory_space<hbm>> -> memref<8x64xf32, #tpu.memory_space<hbm>>
      %dma_start3A_1319 = arith.constant 0 : i32
      %dma_start3A_1320 = tpu.memref_slice %arg16[%multiple_of3A_1276, %dma_start3A_1319] : memref<128x64xf32, #tpu.memory_space<vmem>> -> memref<8x64xf32, #tpu.memory_space<vmem>>
      %dma_start3A_1321 = arith.constant 0 : i32
      %dma_start3A_1322 = arith.constant 0 : i32
      %dma_start3A_1323 = tpu.memref_slice %arg5[%shift_right_arithmetic3A_1312, %dma_start3A_1321, %dma_start3A_1322] : memref<125000x8x64xf32, #tpu.memory_space<hbm>> -> memref<1x8x64xf32, #tpu.memory_space<hbm>>
      %dma_start3A_1324 = tpu.memref_squeeze %dma_start3A_1323 : memref<1x8x64xf32, #tpu.memory_space<hbm>> -> memref<8x64xf32, #tpu.memory_space<hbm>>
      tpu.enqueue_dma source(%dma_start3A_1324 : memref<8x64xf32, #tpu.memory_space<hbm>>) target(%dma_start3A_1320 : memref<8x64xf32, #tpu.memory_space<vmem>>) target_semaphore(%arg19 : memref<!tpu.dma_semaphore, #tpu.memory_space<semaphore_mem>>)
      %multiple_of3A_1325 = arith.constant 80 : i32
      %multiple_of3A_1326 = tpu.assume_multiple %multiple_of3A_1325, 8 : i32
      %slice3A_1327 = vector.extract_strided_slice %get3A_820 {offsets = [10], sizes = [1], strides = [1]} : vector<16xi32> to vector<1xi32>
      %squeeze3A_1328 = vector.extract %slice3A_1327[0] : i32 from vector<1xi32>
      %shift_right_arithmetic3A_1329 = arith.constant 3 : i32
      %shift_right_arithmetic3A_1330 = arith.shrsi %squeeze3A_1328, %shift_right_arithmetic3A_1329 : i32
      %dma_start3A_1331 = arith.constant 0 : i32
      %dma_start3A_1332 = tpu.memref_slice %arg14[%multiple_of3A_1326, %dma_start3A_1331] : memref<128x64xf32, #tpu.memory_space<vmem>> -> memref<8x64xf32, #tpu.memory_space<vmem>>
      %dma_start3A_1333 = arith.constant 0 : i32
      %dma_start3A_1334 = arith.constant 0 : i32
      %dma_start3A_1335 = tpu.memref_slice %arg5[%shift_right_arithmetic3A_1330, %dma_start3A_1333, %dma_start3A_1334] : memref<125000x8x64xf32, #tpu.memory_space<hbm>> -> memref<1x8x64xf32, #tpu.memory_space<hbm>>
      %dma_start3A_1336 = tpu.memref_squeeze %dma_start3A_1335 : memref<1x8x64xf32, #tpu.memory_space<hbm>> -> memref<8x64xf32, #tpu.memory_space<hbm>>
      %dma_start3A_1337 = arith.constant 0 : i32
      %dma_start3A_1338 = tpu.memref_slice %arg14[%multiple_of3A_1326, %dma_start3A_1337] : memref<128x64xf32, #tpu.memory_space<vmem>> -> memref<8x64xf32, #tpu.memory_space<vmem>>
      %dma_start3A_1339 = arith.constant 0 : i32
      %dma_start3A_1340 = arith.constant 0 : i32
      %dma_start3A_1341 = tpu.memref_slice %arg5[%shift_right_arithmetic3A_1330, %dma_start3A_1339, %dma_start3A_1340] : memref<125000x8x64xf32, #tpu.memory_space<hbm>> -> memref<1x8x64xf32, #tpu.memory_space<hbm>>
      %dma_start3A_1342 = tpu.memref_squeeze %dma_start3A_1341 : memref<1x8x64xf32, #tpu.memory_space<hbm>> -> memref<8x64xf32, #tpu.memory_space<hbm>>
      tpu.enqueue_dma source(%dma_start3A_1342 : memref<8x64xf32, #tpu.memory_space<hbm>>) target(%dma_start3A_1338 : memref<8x64xf32, #tpu.memory_space<vmem>>) target_semaphore(%arg19 : memref<!tpu.dma_semaphore, #tpu.memory_space<semaphore_mem>>)
      %slice3A_1343 = vector.extract_strided_slice %get3A_822 {offsets = [10], sizes = [1], strides = [1]} : vector<16xi32> to vector<1xi32>
      %squeeze3A_1344 = vector.extract %slice3A_1343[0] : i32 from vector<1xi32>
      %shift_right_arithmetic3A_1345 = arith.constant 3 : i32
      %shift_right_arithmetic3A_1346 = arith.shrsi %squeeze3A_1344, %shift_right_arithmetic3A_1345 : i32
      %dma_start3A_1347 = arith.constant 0 : i32
      %dma_start3A_1348 = tpu.memref_slice %arg15[%multiple_of3A_1326, %dma_start3A_1347] : memref<128x64xf32, #tpu.memory_space<vmem>> -> memref<8x64xf32, #tpu.memory_space<vmem>>
      %dma_start3A_1349 = arith.constant 0 : i32
      %dma_start3A_1350 = arith.constant 0 : i32
      %dma_start3A_1351 = tpu.memref_slice %arg6[%shift_right_arithmetic3A_1346, %dma_start3A_1349, %dma_start3A_1350] : memref<125x8x64xf32, #tpu.memory_space<hbm>> -> memref<1x8x64xf32, #tpu.memory_space<hbm>>
      %dma_start3A_1352 = tpu.memref_squeeze %dma_start3A_1351 : memref<1x8x64xf32, #tpu.memory_space<hbm>> -> memref<8x64xf32, #tpu.memory_space<hbm>>
      %dma_start3A_1353 = arith.constant 0 : i32
      %dma_start3A_1354 = tpu.memref_slice %arg15[%multiple_of3A_1326, %dma_start3A_1353] : memref<128x64xf32, #tpu.memory_space<vmem>> -> memref<8x64xf32, #tpu.memory_space<vmem>>
      %dma_start3A_1355 = arith.constant 0 : i32
      %dma_start3A_1356 = arith.constant 0 : i32
      %dma_start3A_1357 = tpu.memref_slice %arg6[%shift_right_arithmetic3A_1346, %dma_start3A_1355, %dma_start3A_1356] : memref<125x8x64xf32, #tpu.memory_space<hbm>> -> memref<1x8x64xf32, #tpu.memory_space<hbm>>
      %dma_start3A_1358 = tpu.memref_squeeze %dma_start3A_1357 : memref<1x8x64xf32, #tpu.memory_space<hbm>> -> memref<8x64xf32, #tpu.memory_space<hbm>>
      tpu.enqueue_dma source(%dma_start3A_1358 : memref<8x64xf32, #tpu.memory_space<hbm>>) target(%dma_start3A_1354 : memref<8x64xf32, #tpu.memory_space<vmem>>) target_semaphore(%arg19 : memref<!tpu.dma_semaphore, #tpu.memory_space<semaphore_mem>>)
      %slice3A_1359 = vector.extract_strided_slice %get3A_824 {offsets = [10], sizes = [1], strides = [1]} : vector<16xi32> to vector<1xi32>
      %squeeze3A_1360 = vector.extract %slice3A_1359[0] : i32 from vector<1xi32>
      %shift_right_arithmetic3A_1361 = arith.constant 3 : i32
      %shift_right_arithmetic3A_1362 = arith.shrsi %squeeze3A_1360, %shift_right_arithmetic3A_1361 : i32
      %dma_start3A_1363 = arith.constant 0 : i32
      %dma_start3A_1364 = tpu.memref_slice %arg16[%multiple_of3A_1326, %dma_start3A_1363] : memref<128x64xf32, #tpu.memory_space<vmem>> -> memref<8x64xf32, #tpu.memory_space<vmem>>
      %dma_start3A_1365 = arith.constant 0 : i32
      %dma_start3A_1366 = arith.constant 0 : i32
      %dma_start3A_1367 = tpu.memref_slice %arg5[%shift_right_arithmetic3A_1362, %dma_start3A_1365, %dma_start3A_1366] : memref<125000x8x64xf32, #tpu.memory_space<hbm>> -> memref<1x8x64xf32, #tpu.memory_space<hbm>>
      %dma_start3A_1368 = tpu.memref_squeeze %dma_start3A_1367 : memref<1x8x64xf32, #tpu.memory_space<hbm>> -> memref<8x64xf32, #tpu.memory_space<hbm>>
      %dma_start3A_1369 = arith.constant 0 : i32
      %dma_start3A_1370 = tpu.memref_slice %arg16[%multiple_of3A_1326, %dma_start3A_1369] : memref<128x64xf32, #tpu.memory_space<vmem>> -> memref<8x64xf32, #tpu.memory_space<vmem>>
      %dma_start3A_1371 = arith.constant 0 : i32
      %dma_start3A_1372 = arith.constant 0 : i32
      %dma_start3A_1373 = tpu.memref_slice %arg5[%shift_right_arithmetic3A_1362, %dma_start3A_1371, %dma_start3A_1372] : memref<125000x8x64xf32, #tpu.memory_space<hbm>> -> memref<1x8x64xf32, #tpu.memory_space<hbm>>
      %dma_start3A_1374 = tpu.memref_squeeze %dma_start3A_1373 : memref<1x8x64xf32, #tpu.memory_space<hbm>> -> memref<8x64xf32, #tpu.memory_space<hbm>>
      tpu.enqueue_dma source(%dma_start3A_1374 : memref<8x64xf32, #tpu.memory_space<hbm>>) target(%dma_start3A_1370 : memref<8x64xf32, #tpu.memory_space<vmem>>) target_semaphore(%arg19 : memref<!tpu.dma_semaphore, #tpu.memory_space<semaphore_mem>>)
      %multiple_of3A_1375 = arith.constant 88 : i32
      %multiple_of3A_1376 = tpu.assume_multiple %multiple_of3A_1375, 8 : i32
      %slice3A_1377 = vector.extract_strided_slice %get3A_820 {offsets = [11], sizes = [1], strides = [1]} : vector<16xi32> to vector<1xi32>
      %squeeze3A_1378 = vector.extract %slice3A_1377[0] : i32 from vector<1xi32>
      %shift_right_arithmetic3A_1379 = arith.constant 3 : i32
      %shift_right_arithmetic3A_1380 = arith.shrsi %squeeze3A_1378, %shift_right_arithmetic3A_1379 : i32
      %dma_start3A_1381 = arith.constant 0 : i32
      %dma_start3A_1382 = tpu.memref_slice %arg14[%multiple_of3A_1376, %dma_start3A_1381] : memref<128x64xf32, #tpu.memory_space<vmem>> -> memref<8x64xf32, #tpu.memory_space<vmem>>
      %dma_start3A_1383 = arith.constant 0 : i32
      %dma_start3A_1384 = arith.constant 0 : i32
      %dma_start3A_1385 = tpu.memref_slice %arg5[%shift_right_arithmetic3A_1380, %dma_start3A_1383, %dma_start3A_1384] : memref<125000x8x64xf32, #tpu.memory_space<hbm>> -> memref<1x8x64xf32, #tpu.memory_space<hbm>>
      %dma_start3A_1386 = tpu.memref_squeeze %dma_start3A_1385 : memref<1x8x64xf32, #tpu.memory_space<hbm>> -> memref<8x64xf32, #tpu.memory_space<hbm>>
      %dma_start3A_1387 = arith.constant 0 : i32
      %dma_start3A_1388 = tpu.memref_slice %arg14[%multiple_of3A_1376, %dma_start3A_1387] : memref<128x64xf32, #tpu.memory_space<vmem>> -> memref<8x64xf32, #tpu.memory_space<vmem>>
      %dma_start3A_1389 = arith.constant 0 : i32
      %dma_start3A_1390 = arith.constant 0 : i32
      %dma_start3A_1391 = tpu.memref_slice %arg5[%shift_right_arithmetic3A_1380, %dma_start3A_1389, %dma_start3A_1390] : memref<125000x8x64xf32, #tpu.memory_space<hbm>> -> memref<1x8x64xf32, #tpu.memory_space<hbm>>
      %dma_start3A_1392 = tpu.memref_squeeze %dma_start3A_1391 : memref<1x8x64xf32, #tpu.memory_space<hbm>> -> memref<8x64xf32, #tpu.memory_space<hbm>>
      tpu.enqueue_dma source(%dma_start3A_1392 : memref<8x64xf32, #tpu.memory_space<hbm>>) target(%dma_start3A_1388 : memref<8x64xf32, #tpu.memory_space<vmem>>) target_semaphore(%arg19 : memref<!tpu.dma_semaphore, #tpu.memory_space<semaphore_mem>>)
      %slice3A_1393 = vector.extract_strided_slice %get3A_822 {offsets = [11], sizes = [1], strides = [1]} : vector<16xi32> to vector<1xi32>
      %squeeze3A_1394 = vector.extract %slice3A_1393[0] : i32 from vector<1xi32>
      %shift_right_arithmetic3A_1395 = arith.constant 3 : i32
      %shift_right_arithmetic3A_1396 = arith.shrsi %squeeze3A_1394, %shift_right_arithmetic3A_1395 : i32
      %dma_start3A_1397 = arith.constant 0 : i32
      %dma_start3A_1398 = tpu.memref_slice %arg15[%multiple_of3A_1376, %dma_start3A_1397] : memref<128x64xf32, #tpu.memory_space<vmem>> -> memref<8x64xf32, #tpu.memory_space<vmem>>
      %dma_start3A_1399 = arith.constant 0 : i32
      %dma_start3A_1400 = arith.constant 0 : i32
      %dma_start3A_1401 = tpu.memref_slice %arg6[%shift_right_arithmetic3A_1396, %dma_start3A_1399, %dma_start3A_1400] : memref<125x8x64xf32, #tpu.memory_space<hbm>> -> memref<1x8x64xf32, #tpu.memory_space<hbm>>
      %dma_start3A_1402 = tpu.memref_squeeze %dma_start3A_1401 : memref<1x8x64xf32, #tpu.memory_space<hbm>> -> memref<8x64xf32, #tpu.memory_space<hbm>>
      %dma_start3A_1403 = arith.constant 0 : i32
      %dma_start3A_1404 = tpu.memref_slice %arg15[%multiple_of3A_1376, %dma_start3A_1403] : memref<128x64xf32, #tpu.memory_space<vmem>> -> memref<8x64xf32, #tpu.memory_space<vmem>>
      %dma_start3A_1405 = arith.constant 0 : i32
      %dma_start3A_1406 = arith.constant 0 : i32
      %dma_start3A_1407 = tpu.memref_slice %arg6[%shift_right_arithmetic3A_1396, %dma_start3A_1405, %dma_start3A_1406] : memref<125x8x64xf32, #tpu.memory_space<hbm>> -> memref<1x8x64xf32, #tpu.memory_space<hbm>>
      %dma_start3A_1408 = tpu.memref_squeeze %dma_start3A_1407 : memref<1x8x64xf32, #tpu.memory_space<hbm>> -> memref<8x64xf32, #tpu.memory_space<hbm>>
      tpu.enqueue_dma source(%dma_start3A_1408 : memref<8x64xf32, #tpu.memory_space<hbm>>) target(%dma_start3A_1404 : memref<8x64xf32, #tpu.memory_space<vmem>>) target_semaphore(%arg19 : memref<!tpu.dma_semaphore, #tpu.memory_space<semaphore_mem>>)
      %slice3A_1409 = vector.extract_strided_slice %get3A_824 {offsets = [11], sizes = [1], strides = [1]} : vector<16xi32> to vector<1xi32>
      %squeeze3A_1410 = vector.extract %slice3A_1409[0] : i32 from vector<1xi32>
      %shift_right_arithmetic3A_1411 = arith.constant 3 : i32
      %shift_right_arithmetic3A_1412 = arith.shrsi %squeeze3A_1410, %shift_right_arithmetic3A_1411 : i32
      %dma_start3A_1413 = arith.constant 0 : i32
      %dma_start3A_1414 = tpu.memref_slice %arg16[%multiple_of3A_1376, %dma_start3A_1413] : memref<128x64xf32, #tpu.memory_space<vmem>> -> memref<8x64xf32, #tpu.memory_space<vmem>>
      %dma_start3A_1415 = arith.constant 0 : i32
      %dma_start3A_1416 = arith.constant 0 : i32
      %dma_start3A_1417 = tpu.memref_slice %arg5[%shift_right_arithmetic3A_1412, %dma_start3A_1415, %dma_start3A_1416] : memref<125000x8x64xf32, #tpu.memory_space<hbm>> -> memref<1x8x64xf32, #tpu.memory_space<hbm>>
      %dma_start3A_1418 = tpu.memref_squeeze %dma_start3A_1417 : memref<1x8x64xf32, #tpu.memory_space<hbm>> -> memref<8x64xf32, #tpu.memory_space<hbm>>
      %dma_start3A_1419 = arith.constant 0 : i32
      %dma_start3A_1420 = tpu.memref_slice %arg16[%multiple_of3A_1376, %dma_start3A_1419] : memref<128x64xf32, #tpu.memory_space<vmem>> -> memref<8x64xf32, #tpu.memory_space<vmem>>
      %dma_start3A_1421 = arith.constant 0 : i32
      %dma_start3A_1422 = arith.constant 0 : i32
      %dma_start3A_1423 = tpu.memref_slice %arg5[%shift_right_arithmetic3A_1412, %dma_start3A_1421, %dma_start3A_1422] : memref<125000x8x64xf32, #tpu.memory_space<hbm>> -> memref<1x8x64xf32, #tpu.memory_space<hbm>>
      %dma_start3A_1424 = tpu.memref_squeeze %dma_start3A_1423 : memref<1x8x64xf32, #tpu.memory_space<hbm>> -> memref<8x64xf32, #tpu.memory_space<hbm>>
      tpu.enqueue_dma source(%dma_start3A_1424 : memref<8x64xf32, #tpu.memory_space<hbm>>) target(%dma_start3A_1420 : memref<8x64xf32, #tpu.memory_space<vmem>>) target_semaphore(%arg19 : memref<!tpu.dma_semaphore, #tpu.memory_space<semaphore_mem>>)
      %multiple_of3A_1425 = arith.constant 96 : i32
      %multiple_of3A_1426 = tpu.assume_multiple %multiple_of3A_1425, 8 : i32
      %slice3A_1427 = vector.extract_strided_slice %get3A_820 {offsets = [12], sizes = [1], strides = [1]} : vector<16xi32> to vector<1xi32>
      %squeeze3A_1428 = vector.extract %slice3A_1427[0] : i32 from vector<1xi32>
      %shift_right_arithmetic3A_1429 = arith.constant 3 : i32
      %shift_right_arithmetic3A_1430 = arith.shrsi %squeeze3A_1428, %shift_right_arithmetic3A_1429 : i32
      %dma_start3A_1431 = arith.constant 0 : i32
      %dma_start3A_1432 = tpu.memref_slice %arg14[%multiple_of3A_1426, %dma_start3A_1431] : memref<128x64xf32, #tpu.memory_space<vmem>> -> memref<8x64xf32, #tpu.memory_space<vmem>>
      %dma_start3A_1433 = arith.constant 0 : i32
      %dma_start3A_1434 = arith.constant 0 : i32
      %dma_start3A_1435 = tpu.memref_slice %arg5[%shift_right_arithmetic3A_1430, %dma_start3A_1433, %dma_start3A_1434] : memref<125000x8x64xf32, #tpu.memory_space<hbm>> -> memref<1x8x64xf32, #tpu.memory_space<hbm>>
      %dma_start3A_1436 = tpu.memref_squeeze %dma_start3A_1435 : memref<1x8x64xf32, #tpu.memory_space<hbm>> -> memref<8x64xf32, #tpu.memory_space<hbm>>
      %dma_start3A_1437 = arith.constant 0 : i32
      %dma_start3A_1438 = tpu.memref_slice %arg14[%multiple_of3A_1426, %dma_start3A_1437] : memref<128x64xf32, #tpu.memory_space<vmem>> -> memref<8x64xf32, #tpu.memory_space<vmem>>
      %dma_start3A_1439 = arith.constant 0 : i32
      %dma_start3A_1440 = arith.constant 0 : i32
      %dma_start3A_1441 = tpu.memref_slice %arg5[%shift_right_arithmetic3A_1430, %dma_start3A_1439, %dma_start3A_1440] : memref<125000x8x64xf32, #tpu.memory_space<hbm>> -> memref<1x8x64xf32, #tpu.memory_space<hbm>>
      %dma_start3A_1442 = tpu.memref_squeeze %dma_start3A_1441 : memref<1x8x64xf32, #tpu.memory_space<hbm>> -> memref<8x64xf32, #tpu.memory_space<hbm>>
      tpu.enqueue_dma source(%dma_start3A_1442 : memref<8x64xf32, #tpu.memory_space<hbm>>) target(%dma_start3A_1438 : memref<8x64xf32, #tpu.memory_space<vmem>>) target_semaphore(%arg19 : memref<!tpu.dma_semaphore, #tpu.memory_space<semaphore_mem>>)
      %slice3A_1443 = vector.extract_strided_slice %get3A_822 {offsets = [12], sizes = [1], strides = [1]} : vector<16xi32> to vector<1xi32>
      %squeeze3A_1444 = vector.extract %slice3A_1443[0] : i32 from vector<1xi32>
      %shift_right_arithmetic3A_1445 = arith.constant 3 : i32
      %shift_right_arithmetic3A_1446 = arith.shrsi %squeeze3A_1444, %shift_right_arithmetic3A_1445 : i32
      %dma_start3A_1447 = arith.constant 0 : i32
      %dma_start3A_1448 = tpu.memref_slice %arg15[%multiple_of3A_1426, %dma_start3A_1447] : memref<128x64xf32, #tpu.memory_space<vmem>> -> memref<8x64xf32, #tpu.memory_space<vmem>>
      %dma_start3A_1449 = arith.constant 0 : i32
      %dma_start3A_1450 = arith.constant 0 : i32
      %dma_start3A_1451 = tpu.memref_slice %arg6[%shift_right_arithmetic3A_1446, %dma_start3A_1449, %dma_start3A_1450] : memref<125x8x64xf32, #tpu.memory_space<hbm>> -> memref<1x8x64xf32, #tpu.memory_space<hbm>>
      %dma_start3A_1452 = tpu.memref_squeeze %dma_start3A_1451 : memref<1x8x64xf32, #tpu.memory_space<hbm>> -> memref<8x64xf32, #tpu.memory_space<hbm>>
      %dma_start3A_1453 = arith.constant 0 : i32
      %dma_start3A_1454 = tpu.memref_slice %arg15[%multiple_of3A_1426, %dma_start3A_1453] : memref<128x64xf32, #tpu.memory_space<vmem>> -> memref<8x64xf32, #tpu.memory_space<vmem>>
      %dma_start3A_1455 = arith.constant 0 : i32
      %dma_start3A_1456 = arith.constant 0 : i32
      %dma_start3A_1457 = tpu.memref_slice %arg6[%shift_right_arithmetic3A_1446, %dma_start3A_1455, %dma_start3A_1456] : memref<125x8x64xf32, #tpu.memory_space<hbm>> -> memref<1x8x64xf32, #tpu.memory_space<hbm>>
      %dma_start3A_1458 = tpu.memref_squeeze %dma_start3A_1457 : memref<1x8x64xf32, #tpu.memory_space<hbm>> -> memref<8x64xf32, #tpu.memory_space<hbm>>
      tpu.enqueue_dma source(%dma_start3A_1458 : memref<8x64xf32, #tpu.memory_space<hbm>>) target(%dma_start3A_1454 : memref<8x64xf32, #tpu.memory_space<vmem>>) target_semaphore(%arg19 : memref<!tpu.dma_semaphore, #tpu.memory_space<semaphore_mem>>)
      %slice3A_1459 = vector.extract_strided_slice %get3A_824 {offsets = [12], sizes = [1], strides = [1]} : vector<16xi32> to vector<1xi32>
      %squeeze3A_1460 = vector.extract %slice3A_1459[0] : i32 from vector<1xi32>
      %shift_right_arithmetic3A_1461 = arith.constant 3 : i32
      %shift_right_arithmetic3A_1462 = arith.shrsi %squeeze3A_1460, %shift_right_arithmetic3A_1461 : i32
      %dma_start3A_1463 = arith.constant 0 : i32
      %dma_start3A_1464 = tpu.memref_slice %arg16[%multiple_of3A_1426, %dma_start3A_1463] : memref<128x64xf32, #tpu.memory_space<vmem>> -> memref<8x64xf32, #tpu.memory_space<vmem>>
      %dma_start3A_1465 = arith.constant 0 : i32
      %dma_start3A_1466 = arith.constant 0 : i32
      %dma_start3A_1467 = tpu.memref_slice %arg5[%shift_right_arithmetic3A_1462, %dma_start3A_1465, %dma_start3A_1466] : memref<125000x8x64xf32, #tpu.memory_space<hbm>> -> memref<1x8x64xf32, #tpu.memory_space<hbm>>
      %dma_start3A_1468 = tpu.memref_squeeze %dma_start3A_1467 : memref<1x8x64xf32, #tpu.memory_space<hbm>> -> memref<8x64xf32, #tpu.memory_space<hbm>>
      %dma_start3A_1469 = arith.constant 0 : i32
      %dma_start3A_1470 = tpu.memref_slice %arg16[%multiple_of3A_1426, %dma_start3A_1469] : memref<128x64xf32, #tpu.memory_space<vmem>> -> memref<8x64xf32, #tpu.memory_space<vmem>>
      %dma_start3A_1471 = arith.constant 0 : i32
      %dma_start3A_1472 = arith.constant 0 : i32
      %dma_start3A_1473 = tpu.memref_slice %arg5[%shift_right_arithmetic3A_1462, %dma_start3A_1471, %dma_start3A_1472] : memref<125000x8x64xf32, #tpu.memory_space<hbm>> -> memref<1x8x64xf32, #tpu.memory_space<hbm>>
      %dma_start3A_1474 = tpu.memref_squeeze %dma_start3A_1473 : memref<1x8x64xf32, #tpu.memory_space<hbm>> -> memref<8x64xf32, #tpu.memory_space<hbm>>
      tpu.enqueue_dma source(%dma_start3A_1474 : memref<8x64xf32, #tpu.memory_space<hbm>>) target(%dma_start3A_1470 : memref<8x64xf32, #tpu.memory_space<vmem>>) target_semaphore(%arg19 : memref<!tpu.dma_semaphore, #tpu.memory_space<semaphore_mem>>)
      %multiple_of3A_1475 = arith.constant 104 : i32
      %multiple_of3A_1476 = tpu.assume_multiple %multiple_of3A_1475, 8 : i32
      %slice3A_1477 = vector.extract_strided_slice %get3A_820 {offsets = [13], sizes = [1], strides = [1]} : vector<16xi32> to vector<1xi32>
      %squeeze3A_1478 = vector.extract %slice3A_1477[0] : i32 from vector<1xi32>
      %shift_right_arithmetic3A_1479 = arith.constant 3 : i32
      %shift_right_arithmetic3A_1480 = arith.shrsi %squeeze3A_1478, %shift_right_arithmetic3A_1479 : i32
      %dma_start3A_1481 = arith.constant 0 : i32
      %dma_start3A_1482 = tpu.memref_slice %arg14[%multiple_of3A_1476, %dma_start3A_1481] : memref<128x64xf32, #tpu.memory_space<vmem>> -> memref<8x64xf32, #tpu.memory_space<vmem>>
      %dma_start3A_1483 = arith.constant 0 : i32
      %dma_start3A_1484 = arith.constant 0 : i32
      %dma_start3A_1485 = tpu.memref_slice %arg5[%shift_right_arithmetic3A_1480, %dma_start3A_1483, %dma_start3A_1484] : memref<125000x8x64xf32, #tpu.memory_space<hbm>> -> memref<1x8x64xf32, #tpu.memory_space<hbm>>
      %dma_start3A_1486 = tpu.memref_squeeze %dma_start3A_1485 : memref<1x8x64xf32, #tpu.memory_space<hbm>> -> memref<8x64xf32, #tpu.memory_space<hbm>>
      %dma_start3A_1487 = arith.constant 0 : i32
      %dma_start3A_1488 = tpu.memref_slice %arg14[%multiple_of3A_1476, %dma_start3A_1487] : memref<128x64xf32, #tpu.memory_space<vmem>> -> memref<8x64xf32, #tpu.memory_space<vmem>>
      %dma_start3A_1489 = arith.constant 0 : i32
      %dma_start3A_1490 = arith.constant 0 : i32
      %dma_start3A_1491 = tpu.memref_slice %arg5[%shift_right_arithmetic3A_1480, %dma_start3A_1489, %dma_start3A_1490] : memref<125000x8x64xf32, #tpu.memory_space<hbm>> -> memref<1x8x64xf32, #tpu.memory_space<hbm>>
      %dma_start3A_1492 = tpu.memref_squeeze %dma_start3A_1491 : memref<1x8x64xf32, #tpu.memory_space<hbm>> -> memref<8x64xf32, #tpu.memory_space<hbm>>
      tpu.enqueue_dma source(%dma_start3A_1492 : memref<8x64xf32, #tpu.memory_space<hbm>>) target(%dma_start3A_1488 : memref<8x64xf32, #tpu.memory_space<vmem>>) target_semaphore(%arg19 : memref<!tpu.dma_semaphore, #tpu.memory_space<semaphore_mem>>)
      %slice3A_1493 = vector.extract_strided_slice %get3A_822 {offsets = [13], sizes = [1], strides = [1]} : vector<16xi32> to vector<1xi32>
      %squeeze3A_1494 = vector.extract %slice3A_1493[0] : i32 from vector<1xi32>
      %shift_right_arithmetic3A_1495 = arith.constant 3 : i32
      %shift_right_arithmetic3A_1496 = arith.shrsi %squeeze3A_1494, %shift_right_arithmetic3A_1495 : i32
      %dma_start3A_1497 = arith.constant 0 : i32
      %dma_start3A_1498 = tpu.memref_slice %arg15[%multiple_of3A_1476, %dma_start3A_1497] : memref<128x64xf32, #tpu.memory_space<vmem>> -> memref<8x64xf32, #tpu.memory_space<vmem>>
      %dma_start3A_1499 = arith.constant 0 : i32
      %dma_start3A_1500 = arith.constant 0 : i32
      %dma_start3A_1501 = tpu.memref_slice %arg6[%shift_right_arithmetic3A_1496, %dma_start3A_1499, %dma_start3A_1500] : memref<125x8x64xf32, #tpu.memory_space<hbm>> -> memref<1x8x64xf32, #tpu.memory_space<hbm>>
      %dma_start3A_1502 = tpu.memref_squeeze %dma_start3A_1501 : memref<1x8x64xf32, #tpu.memory_space<hbm>> -> memref<8x64xf32, #tpu.memory_space<hbm>>
      %dma_start3A_1503 = arith.constant 0 : i32
      %dma_start3A_1504 = tpu.memref_slice %arg15[%multiple_of3A_1476, %dma_start3A_1503] : memref<128x64xf32, #tpu.memory_space<vmem>> -> memref<8x64xf32, #tpu.memory_space<vmem>>
      %dma_start3A_1505 = arith.constant 0 : i32
      %dma_start3A_1506 = arith.constant 0 : i32
      %dma_start3A_1507 = tpu.memref_slice %arg6[%shift_right_arithmetic3A_1496, %dma_start3A_1505, %dma_start3A_1506] : memref<125x8x64xf32, #tpu.memory_space<hbm>> -> memref<1x8x64xf32, #tpu.memory_space<hbm>>
      %dma_start3A_1508 = tpu.memref_squeeze %dma_start3A_1507 : memref<1x8x64xf32, #tpu.memory_space<hbm>> -> memref<8x64xf32, #tpu.memory_space<hbm>>
      tpu.enqueue_dma source(%dma_start3A_1508 : memref<8x64xf32, #tpu.memory_space<hbm>>) target(%dma_start3A_1504 : memref<8x64xf32, #tpu.memory_space<vmem>>) target_semaphore(%arg19 : memref<!tpu.dma_semaphore, #tpu.memory_space<semaphore_mem>>)
      %slice3A_1509 = vector.extract_strided_slice %get3A_824 {offsets = [13], sizes = [1], strides = [1]} : vector<16xi32> to vector<1xi32>
      %squeeze3A_1510 = vector.extract %slice3A_1509[0] : i32 from vector<1xi32>
      %shift_right_arithmetic3A_1511 = arith.constant 3 : i32
      %shift_right_arithmetic3A_1512 = arith.shrsi %squeeze3A_1510, %shift_right_arithmetic3A_1511 : i32
      %dma_start3A_1513 = arith.constant 0 : i32
      %dma_start3A_1514 = tpu.memref_slice %arg16[%multiple_of3A_1476, %dma_start3A_1513] : memref<128x64xf32, #tpu.memory_space<vmem>> -> memref<8x64xf32, #tpu.memory_space<vmem>>
      %dma_start3A_1515 = arith.constant 0 : i32
      %dma_start3A_1516 = arith.constant 0 : i32
      %dma_start3A_1517 = tpu.memref_slice %arg5[%shift_right_arithmetic3A_1512, %dma_start3A_1515, %dma_start3A_1516] : memref<125000x8x64xf32, #tpu.memory_space<hbm>> -> memref<1x8x64xf32, #tpu.memory_space<hbm>>
      %dma_start3A_1518 = tpu.memref_squeeze %dma_start3A_1517 : memref<1x8x64xf32, #tpu.memory_space<hbm>> -> memref<8x64xf32, #tpu.memory_space<hbm>>
      %dma_start3A_1519 = arith.constant 0 : i32
      %dma_start3A_1520 = tpu.memref_slice %arg16[%multiple_of3A_1476, %dma_start3A_1519] : memref<128x64xf32, #tpu.memory_space<vmem>> -> memref<8x64xf32, #tpu.memory_space<vmem>>
      %dma_start3A_1521 = arith.constant 0 : i32
      %dma_start3A_1522 = arith.constant 0 : i32
      %dma_start3A_1523 = tpu.memref_slice %arg5[%shift_right_arithmetic3A_1512, %dma_start3A_1521, %dma_start3A_1522] : memref<125000x8x64xf32, #tpu.memory_space<hbm>> -> memref<1x8x64xf32, #tpu.memory_space<hbm>>
      %dma_start3A_1524 = tpu.memref_squeeze %dma_start3A_1523 : memref<1x8x64xf32, #tpu.memory_space<hbm>> -> memref<8x64xf32, #tpu.memory_space<hbm>>
      tpu.enqueue_dma source(%dma_start3A_1524 : memref<8x64xf32, #tpu.memory_space<hbm>>) target(%dma_start3A_1520 : memref<8x64xf32, #tpu.memory_space<vmem>>) target_semaphore(%arg19 : memref<!tpu.dma_semaphore, #tpu.memory_space<semaphore_mem>>)
      %multiple_of3A_1525 = arith.constant 112 : i32
      %multiple_of3A_1526 = tpu.assume_multiple %multiple_of3A_1525, 8 : i32
      %slice3A_1527 = vector.extract_strided_slice %get3A_820 {offsets = [14], sizes = [1], strides = [1]} : vector<16xi32> to vector<1xi32>
      %squeeze3A_1528 = vector.extract %slice3A_1527[0] : i32 from vector<1xi32>
      %shift_right_arithmetic3A_1529 = arith.constant 3 : i32
      %shift_right_arithmetic3A_1530 = arith.shrsi %squeeze3A_1528, %shift_right_arithmetic3A_1529 : i32
      %dma_start3A_1531 = arith.constant 0 : i32
      %dma_start3A_1532 = tpu.memref_slice %arg14[%multiple_of3A_1526, %dma_start3A_1531] : memref<128x64xf32, #tpu.memory_space<vmem>> -> memref<8x64xf32, #tpu.memory_space<vmem>>
      %dma_start3A_1533 = arith.constant 0 : i32
      %dma_start3A_1534 = arith.constant 0 : i32
      %dma_start3A_1535 = tpu.memref_slice %arg5[%shift_right_arithmetic3A_1530, %dma_start3A_1533, %dma_start3A_1534] : memref<125000x8x64xf32, #tpu.memory_space<hbm>> -> memref<1x8x64xf32, #tpu.memory_space<hbm>>
      %dma_start3A_1536 = tpu.memref_squeeze %dma_start3A_1535 : memref<1x8x64xf32, #tpu.memory_space<hbm>> -> memref<8x64xf32, #tpu.memory_space<hbm>>
      %dma_start3A_1537 = arith.constant 0 : i32
      %dma_start3A_1538 = tpu.memref_slice %arg14[%multiple_of3A_1526, %dma_start3A_1537] : memref<128x64xf32, #tpu.memory_space<vmem>> -> memref<8x64xf32, #tpu.memory_space<vmem>>
      %dma_start3A_1539 = arith.constant 0 : i32
      %dma_start3A_1540 = arith.constant 0 : i32
      %dma_start3A_1541 = tpu.memref_slice %arg5[%shift_right_arithmetic3A_1530, %dma_start3A_1539, %dma_start3A_1540] : memref<125000x8x64xf32, #tpu.memory_space<hbm>> -> memref<1x8x64xf32, #tpu.memory_space<hbm>>
      %dma_start3A_1542 = tpu.memref_squeeze %dma_start3A_1541 : memref<1x8x64xf32, #tpu.memory_space<hbm>> -> memref<8x64xf32, #tpu.memory_space<hbm>>
      tpu.enqueue_dma source(%dma_start3A_1542 : memref<8x64xf32, #tpu.memory_space<hbm>>) target(%dma_start3A_1538 : memref<8x64xf32, #tpu.memory_space<vmem>>) target_semaphore(%arg19 : memref<!tpu.dma_semaphore, #tpu.memory_space<semaphore_mem>>)
      %slice3A_1543 = vector.extract_strided_slice %get3A_822 {offsets = [14], sizes = [1], strides = [1]} : vector<16xi32> to vector<1xi32>
      %squeeze3A_1544 = vector.extract %slice3A_1543[0] : i32 from vector<1xi32>
      %shift_right_arithmetic3A_1545 = arith.constant 3 : i32
      %shift_right_arithmetic3A_1546 = arith.shrsi %squeeze3A_1544, %shift_right_arithmetic3A_1545 : i32
      %dma_start3A_1547 = arith.constant 0 : i32
      %dma_start3A_1548 = tpu.memref_slice %arg15[%multiple_of3A_1526, %dma_start3A_1547] : memref<128x64xf32, #tpu.memory_space<vmem>> -> memref<8x64xf32, #tpu.memory_space<vmem>>
      %dma_start3A_1549 = arith.constant 0 : i32
      %dma_start3A_1550 = arith.constant 0 : i32
      %dma_start3A_1551 = tpu.memref_slice %arg6[%shift_right_arithmetic3A_1546, %dma_start3A_1549, %dma_start3A_1550] : memref<125x8x64xf32, #tpu.memory_space<hbm>> -> memref<1x8x64xf32, #tpu.memory_space<hbm>>
      %dma_start3A_1552 = tpu.memref_squeeze %dma_start3A_1551 : memref<1x8x64xf32, #tpu.memory_space<hbm>> -> memref<8x64xf32, #tpu.memory_space<hbm>>
      %dma_start3A_1553 = arith.constant 0 : i32
      %dma_start3A_1554 = tpu.memref_slice %arg15[%multiple_of3A_1526, %dma_start3A_1553] : memref<128x64xf32, #tpu.memory_space<vmem>> -> memref<8x64xf32, #tpu.memory_space<vmem>>
      %dma_start3A_1555 = arith.constant 0 : i32
      %dma_start3A_1556 = arith.constant 0 : i32
      %dma_start3A_1557 = tpu.memref_slice %arg6[%shift_right_arithmetic3A_1546, %dma_start3A_1555, %dma_start3A_1556] : memref<125x8x64xf32, #tpu.memory_space<hbm>> -> memref<1x8x64xf32, #tpu.memory_space<hbm>>
      %dma_start3A_1558 = tpu.memref_squeeze %dma_start3A_1557 : memref<1x8x64xf32, #tpu.memory_space<hbm>> -> memref<8x64xf32, #tpu.memory_space<hbm>>
      tpu.enqueue_dma source(%dma_start3A_1558 : memref<8x64xf32, #tpu.memory_space<hbm>>) target(%dma_start3A_1554 : memref<8x64xf32, #tpu.memory_space<vmem>>) target_semaphore(%arg19 : memref<!tpu.dma_semaphore, #tpu.memory_space<semaphore_mem>>)
      %slice3A_1559 = vector.extract_strided_slice %get3A_824 {offsets = [14], sizes = [1], strides = [1]} : vector<16xi32> to vector<1xi32>
      %squeeze3A_1560 = vector.extract %slice3A_1559[0] : i32 from vector<1xi32>
      %shift_right_arithmetic3A_1561 = arith.constant 3 : i32
      %shift_right_arithmetic3A_1562 = arith.shrsi %squeeze3A_1560, %shift_right_arithmetic3A_1561 : i32
      %dma_start3A_1563 = arith.constant 0 : i32
      %dma_start3A_1564 = tpu.memref_slice %arg16[%multiple_of3A_1526, %dma_start3A_1563] : memref<128x64xf32, #tpu.memory_space<vmem>> -> memref<8x64xf32, #tpu.memory_space<vmem>>
      %dma_start3A_1565 = arith.constant 0 : i32
      %dma_start3A_1566 = arith.constant 0 : i32
      %dma_start3A_1567 = tpu.memref_slice %arg5[%shift_right_arithmetic3A_1562, %dma_start3A_1565, %dma_start3A_1566] : memref<125000x8x64xf32, #tpu.memory_space<hbm>> -> memref<1x8x64xf32, #tpu.memory_space<hbm>>
      %dma_start3A_1568 = tpu.memref_squeeze %dma_start3A_1567 : memref<1x8x64xf32, #tpu.memory_space<hbm>> -> memref<8x64xf32, #tpu.memory_space<hbm>>
      %dma_start3A_1569 = arith.constant 0 : i32
      %dma_start3A_1570 = tpu.memref_slice %arg16[%multiple_of3A_1526, %dma_start3A_1569] : memref<128x64xf32, #tpu.memory_space<vmem>> -> memref<8x64xf32, #tpu.memory_space<vmem>>
      %dma_start3A_1571 = arith.constant 0 : i32
      %dma_start3A_1572 = arith.constant 0 : i32
      %dma_start3A_1573 = tpu.memref_slice %arg5[%shift_right_arithmetic3A_1562, %dma_start3A_1571, %dma_start3A_1572] : memref<125000x8x64xf32, #tpu.memory_space<hbm>> -> memref<1x8x64xf32, #tpu.memory_space<hbm>>
      %dma_start3A_1574 = tpu.memref_squeeze %dma_start3A_1573 : memref<1x8x64xf32, #tpu.memory_space<hbm>> -> memref<8x64xf32, #tpu.memory_space<hbm>>
      tpu.enqueue_dma source(%dma_start3A_1574 : memref<8x64xf32, #tpu.memory_space<hbm>>) target(%dma_start3A_1570 : memref<8x64xf32, #tpu.memory_space<vmem>>) target_semaphore(%arg19 : memref<!tpu.dma_semaphore, #tpu.memory_space<semaphore_mem>>)
      %multiple_of3A_1575 = arith.constant 120 : i32
      %multiple_of3A_1576 = tpu.assume_multiple %multiple_of3A_1575, 8 : i32
      %slice3A_1577 = vector.extract_strided_slice %get3A_820 {offsets = [15], sizes = [1], strides = [1]} : vector<16xi32> to vector<1xi32>
      %squeeze3A_1578 = vector.extract %slice3A_1577[0] : i32 from vector<1xi32>
      %shift_right_arithmetic3A_1579 = arith.constant 3 : i32
      %shift_right_arithmetic3A_1580 = arith.shrsi %squeeze3A_1578, %shift_right_arithmetic3A_1579 : i32
      %dma_start3A_1581 = arith.constant 0 : i32
      %dma_start3A_1582 = tpu.memref_slice %arg14[%multiple_of3A_1576, %dma_start3A_1581] : memref<128x64xf32, #tpu.memory_space<vmem>> -> memref<8x64xf32, #tpu.memory_space<vmem>>
      %dma_start3A_1583 = arith.constant 0 : i32
      %dma_start3A_1584 = arith.constant 0 : i32
      %dma_start3A_1585 = tpu.memref_slice %arg5[%shift_right_arithmetic3A_1580, %dma_start3A_1583, %dma_start3A_1584] : memref<125000x8x64xf32, #tpu.memory_space<hbm>> -> memref<1x8x64xf32, #tpu.memory_space<hbm>>
      %dma_start3A_1586 = tpu.memref_squeeze %dma_start3A_1585 : memref<1x8x64xf32, #tpu.memory_space<hbm>> -> memref<8x64xf32, #tpu.memory_space<hbm>>
      %dma_start3A_1587 = arith.constant 0 : i32
      %dma_start3A_1588 = tpu.memref_slice %arg14[%multiple_of3A_1576, %dma_start3A_1587] : memref<128x64xf32, #tpu.memory_space<vmem>> -> memref<8x64xf32, #tpu.memory_space<vmem>>
      %dma_start3A_1589 = arith.constant 0 : i32
      %dma_start3A_1590 = arith.constant 0 : i32
      %dma_start3A_1591 = tpu.memref_slice %arg5[%shift_right_arithmetic3A_1580, %dma_start3A_1589, %dma_start3A_1590] : memref<125000x8x64xf32, #tpu.memory_space<hbm>> -> memref<1x8x64xf32, #tpu.memory_space<hbm>>
      %dma_start3A_1592 = tpu.memref_squeeze %dma_start3A_1591 : memref<1x8x64xf32, #tpu.memory_space<hbm>> -> memref<8x64xf32, #tpu.memory_space<hbm>>
      tpu.enqueue_dma source(%dma_start3A_1592 : memref<8x64xf32, #tpu.memory_space<hbm>>) target(%dma_start3A_1588 : memref<8x64xf32, #tpu.memory_space<vmem>>) target_semaphore(%arg19 : memref<!tpu.dma_semaphore, #tpu.memory_space<semaphore_mem>>)
      %slice3A_1593 = vector.extract_strided_slice %get3A_822 {offsets = [15], sizes = [1], strides = [1]} : vector<16xi32> to vector<1xi32>
      %squeeze3A_1594 = vector.extract %slice3A_1593[0] : i32 from vector<1xi32>
      %shift_right_arithmetic3A_1595 = arith.constant 3 : i32
      %shift_right_arithmetic3A_1596 = arith.shrsi %squeeze3A_1594, %shift_right_arithmetic3A_1595 : i32
      %dma_start3A_1597 = arith.constant 0 : i32
      %dma_start3A_1598 = tpu.memref_slice %arg15[%multiple_of3A_1576, %dma_start3A_1597] : memref<128x64xf32, #tpu.memory_space<vmem>> -> memref<8x64xf32, #tpu.memory_space<vmem>>
      %dma_start3A_1599 = arith.constant 0 : i32
      %dma_start3A_1600 = arith.constant 0 : i32
      %dma_start3A_1601 = tpu.memref_slice %arg6[%shift_right_arithmetic3A_1596, %dma_start3A_1599, %dma_start3A_1600] : memref<125x8x64xf32, #tpu.memory_space<hbm>> -> memref<1x8x64xf32, #tpu.memory_space<hbm>>
      %dma_start3A_1602 = tpu.memref_squeeze %dma_start3A_1601 : memref<1x8x64xf32, #tpu.memory_space<hbm>> -> memref<8x64xf32, #tpu.memory_space<hbm>>
      %dma_start3A_1603 = arith.constant 0 : i32
      %dma_start3A_1604 = tpu.memref_slice %arg15[%multiple_of3A_1576, %dma_start3A_1603] : memref<128x64xf32, #tpu.memory_space<vmem>> -> memref<8x64xf32, #tpu.memory_space<vmem>>
      %dma_start3A_1605 = arith.constant 0 : i32
      %dma_start3A_1606 = arith.constant 0 : i32
      %dma_start3A_1607 = tpu.memref_slice %arg6[%shift_right_arithmetic3A_1596, %dma_start3A_1605, %dma_start3A_1606] : memref<125x8x64xf32, #tpu.memory_space<hbm>> -> memref<1x8x64xf32, #tpu.memory_space<hbm>>
      %dma_start3A_1608 = tpu.memref_squeeze %dma_start3A_1607 : memref<1x8x64xf32, #tpu.memory_space<hbm>> -> memref<8x64xf32, #tpu.memory_space<hbm>>
      tpu.enqueue_dma source(%dma_start3A_1608 : memref<8x64xf32, #tpu.memory_space<hbm>>) target(%dma_start3A_1604 : memref<8x64xf32, #tpu.memory_space<vmem>>) target_semaphore(%arg19 : memref<!tpu.dma_semaphore, #tpu.memory_space<semaphore_mem>>)
      %slice3A_1609 = vector.extract_strided_slice %get3A_824 {offsets = [15], sizes = [1], strides = [1]} : vector<16xi32> to vector<1xi32>
      %squeeze3A_1610 = vector.extract %slice3A_1609[0] : i32 from vector<1xi32>
      %shift_right_arithmetic3A_1611 = arith.constant 3 : i32
      %shift_right_arithmetic3A_1612 = arith.shrsi %squeeze3A_1610, %shift_right_arithmetic3A_1611 : i32
      %dma_start3A_1613 = arith.constant 0 : i32
      %dma_start3A_1614 = tpu.memref_slice %arg16[%multiple_of3A_1576, %dma_start3A_1613] : memref<128x64xf32, #tpu.memory_space<vmem>> -> memref<8x64xf32, #tpu.memory_space<vmem>>
      %dma_start3A_1615 = arith.constant 0 : i32
      %dma_start3A_1616 = arith.constant 0 : i32
      %dma_start3A_1617 = tpu.memref_slice %arg5[%shift_right_arithmetic3A_1612, %dma_start3A_1615, %dma_start3A_1616] : memref<125000x8x64xf32, #tpu.memory_space<hbm>> -> memref<1x8x64xf32, #tpu.memory_space<hbm>>
      %dma_start3A_1618 = tpu.memref_squeeze %dma_start3A_1617 : memref<1x8x64xf32, #tpu.memory_space<hbm>> -> memref<8x64xf32, #tpu.memory_space<hbm>>
      %dma_start3A_1619 = arith.constant 0 : i32
      %dma_start3A_1620 = tpu.memref_slice %arg16[%multiple_of3A_1576, %dma_start3A_1619] : memref<128x64xf32, #tpu.memory_space<vmem>> -> memref<8x64xf32, #tpu.memory_space<vmem>>
      %dma_start3A_1621 = arith.constant 0 : i32
      %dma_start3A_1622 = arith.constant 0 : i32
      %dma_start3A_1623 = tpu.memref_slice %arg5[%shift_right_arithmetic3A_1612, %dma_start3A_1621, %dma_start3A_1622] : memref<125000x8x64xf32, #tpu.memory_space<hbm>> -> memref<1x8x64xf32, #tpu.memory_space<hbm>>
      %dma_start3A_1624 = tpu.memref_squeeze %dma_start3A_1623 : memref<1x8x64xf32, #tpu.memory_space<hbm>> -> memref<8x64xf32, #tpu.memory_space<hbm>>
      tpu.enqueue_dma source(%dma_start3A_1624 : memref<8x64xf32, #tpu.memory_space<hbm>>) target(%dma_start3A_1620 : memref<8x64xf32, #tpu.memory_space<vmem>>) target_semaphore(%arg19 : memref<!tpu.dma_semaphore, #tpu.memory_space<semaphore_mem>>)
      %scan3A_1625 = arith.constant 0 : i32
      %scan3A_1626 = arith.constant 0 : i32
      %scan3A_1627 = arith.constant 16 : i32
      %scan3A_1628 = arith.addi %scan3A_1626, %scan3A_1627 : i32
      %scan3A_1629 = arith.constant 1 : i32
      scf.for %scan3A_1890 = %scan3A_1626 to %scan3A_1628 step %scan3A_1629  : i32 {
        %dma_wait3A = arith.constant 0 : i32
        %dma_wait3A_1891 = arith.constant 0 : i32
        %dma_wait3A_1892 = arith.constant 0 : i32
        %dma_wait3A_1893 = tpu.memref_slice %arg11[%dma_wait3A_1891, %dma_wait3A_1892] : memref<128x64xf32, #tpu.memory_space<vmem>> -> memref<8x64xf32, #tpu.memory_space<vmem>>
        %dma_wait3A_1894 = arith.constant 0 : i32
        %dma_wait3A_1895 = arith.constant 0 : i32
        %dma_wait3A_1896 = tpu.memref_slice %arg5[%dma_wait3A, %dma_wait3A_1894, %dma_wait3A_1895] : memref<125000x8x64xf32, #tpu.memory_space<hbm>> -> memref<1x8x64xf32, #tpu.memory_space<hbm>>
        %dma_wait3A_1897 = tpu.memref_squeeze %dma_wait3A_1896 : memref<1x8x64xf32, #tpu.memory_space<hbm>> -> memref<8x64xf32, #tpu.memory_space<hbm>>
        %dma_wait3A_1898 = arith.constant 0 : i32
        %dma_wait3A_1899 = arith.constant 0 : i32
        %dma_wait3A_1900 = tpu.memref_slice %arg11[%dma_wait3A_1898, %dma_wait3A_1899] : memref<128x64xf32, #tpu.memory_space<vmem>> -> memref<8x64xf32, #tpu.memory_space<vmem>>
        %dma_wait3A_1901 = arith.constant 0 : i32
        %dma_wait3A_1902 = arith.constant 0 : i32
        %dma_wait3A_1903 = tpu.memref_slice %arg5[%dma_wait3A, %dma_wait3A_1901, %dma_wait3A_1902] : memref<125000x8x64xf32, #tpu.memory_space<hbm>> -> memref<1x8x64xf32, #tpu.memory_space<hbm>>
        %dma_wait3A_1904 = tpu.memref_squeeze %dma_wait3A_1903 : memref<1x8x64xf32, #tpu.memory_space<hbm>> -> memref<8x64xf32, #tpu.memory_space<hbm>>
        tpu.wait_dma2 semaphore(%arg18 : memref<!tpu.dma_semaphore, #tpu.memory_space<semaphore_mem>>) src(%dma_wait3A_1904 : memref<8x64xf32, #tpu.memory_space<hbm>>) dst(%dma_wait3A_1900 : memref<8x64xf32, #tpu.memory_space<vmem>>)
        %dma_wait3A_1905 = arith.constant 0 : i32
        %dma_wait3A_1906 = arith.constant 0 : i32
        %dma_wait3A_1907 = arith.constant 0 : i32
        %dma_wait3A_1908 = tpu.memref_slice %arg11[%dma_wait3A_1906, %dma_wait3A_1907] : memref<128x64xf32, #tpu.memory_space<vmem>> -> memref<8x64xf32, #tpu.memory_space<vmem>>
        %dma_wait3A_1909 = arith.constant 0 : i32
        %dma_wait3A_1910 = arith.constant 0 : i32
        %dma_wait3A_1911 = tpu.memref_slice %arg5[%dma_wait3A_1905, %dma_wait3A_1909, %dma_wait3A_1910] : memref<125000x8x64xf32, #tpu.memory_space<hbm>> -> memref<1x8x64xf32, #tpu.memory_space<hbm>>
        %dma_wait3A_1912 = tpu.memref_squeeze %dma_wait3A_1911 : memref<1x8x64xf32, #tpu.memory_space<hbm>> -> memref<8x64xf32, #tpu.memory_space<hbm>>
        %dma_wait3A_1913 = arith.constant 0 : i32
        %dma_wait3A_1914 = arith.constant 0 : i32
        %dma_wait3A_1915 = tpu.memref_slice %arg11[%dma_wait3A_1913, %dma_wait3A_1914] : memref<128x64xf32, #tpu.memory_space<vmem>> -> memref<8x64xf32, #tpu.memory_space<vmem>>
        %dma_wait3A_1916 = arith.constant 0 : i32
        %dma_wait3A_1917 = arith.constant 0 : i32
        %dma_wait3A_1918 = tpu.memref_slice %arg5[%dma_wait3A_1905, %dma_wait3A_1916, %dma_wait3A_1917] : memref<125000x8x64xf32, #tpu.memory_space<hbm>> -> memref<1x8x64xf32, #tpu.memory_space<hbm>>
        %dma_wait3A_1919 = tpu.memref_squeeze %dma_wait3A_1918 : memref<1x8x64xf32, #tpu.memory_space<hbm>> -> memref<8x64xf32, #tpu.memory_space<hbm>>
        tpu.wait_dma2 semaphore(%arg18 : memref<!tpu.dma_semaphore, #tpu.memory_space<semaphore_mem>>) src(%dma_wait3A_1919 : memref<8x64xf32, #tpu.memory_space<hbm>>) dst(%dma_wait3A_1915 : memref<8x64xf32, #tpu.memory_space<vmem>>)
        %dma_wait3A_1920 = arith.constant 0 : i32
        %dma_wait3A_1921 = arith.constant 0 : i32
        %dma_wait3A_1922 = arith.constant 0 : i32
        %dma_wait3A_1923 = tpu.memref_slice %arg11[%dma_wait3A_1921, %dma_wait3A_1922] : memref<128x64xf32, #tpu.memory_space<vmem>> -> memref<8x64xf32, #tpu.memory_space<vmem>>
        %dma_wait3A_1924 = arith.constant 0 : i32
        %dma_wait3A_1925 = arith.constant 0 : i32
        %dma_wait3A_1926 = tpu.memref_slice %arg5[%dma_wait3A_1920, %dma_wait3A_1924, %dma_wait3A_1925] : memref<125000x8x64xf32, #tpu.memory_space<hbm>> -> memref<1x8x64xf32, #tpu.memory_space<hbm>>
        %dma_wait3A_1927 = tpu.memref_squeeze %dma_wait3A_1926 : memref<1x8x64xf32, #tpu.memory_space<hbm>> -> memref<8x64xf32, #tpu.memory_space<hbm>>
        %dma_wait3A_1928 = arith.constant 0 : i32
        %dma_wait3A_1929 = arith.constant 0 : i32
        %dma_wait3A_1930 = tpu.memref_slice %arg11[%dma_wait3A_1928, %dma_wait3A_1929] : memref<128x64xf32, #tpu.memory_space<vmem>> -> memref<8x64xf32, #tpu.memory_space<vmem>>
        %dma_wait3A_1931 = arith.constant 0 : i32
        %dma_wait3A_1932 = arith.constant 0 : i32
        %dma_wait3A_1933 = tpu.memref_slice %arg5[%dma_wait3A_1920, %dma_wait3A_1931, %dma_wait3A_1932] : memref<125000x8x64xf32, #tpu.memory_space<hbm>> -> memref<1x8x64xf32, #tpu.memory_space<hbm>>
        %dma_wait3A_1934 = tpu.memref_squeeze %dma_wait3A_1933 : memref<1x8x64xf32, #tpu.memory_space<hbm>> -> memref<8x64xf32, #tpu.memory_space<hbm>>
        tpu.wait_dma2 semaphore(%arg18 : memref<!tpu.dma_semaphore, #tpu.memory_space<semaphore_mem>>) src(%dma_wait3A_1934 : memref<8x64xf32, #tpu.memory_space<hbm>>) dst(%dma_wait3A_1930 : memref<8x64xf32, #tpu.memory_space<vmem>>)
      }
      %scan3A_1630 = arith.constant 16 : i32
      %mul3A_1631 = arith.constant 16 : i32
      %mul3A_1632 = arith.muli %mul3A_814, %mul3A_1631 : i32
      %add3A_1633 = arith.addi %mul3A_2, %mul3A_1632 : i32
      %mul3A_1634 = arith.constant 16 : i32
      %mul3A_1635 = arith.muli %mul3A_814, %mul3A_1634 : i32
      %mul3A_1636 = arith.constant 8 : i32
      %mul3A_1637 = vector.broadcast %mul3A_1636 : i32 to vector<16xi32>
      %mul3A_1638 = arith.muli %iota3A, %mul3A_1637 : vector<16xi32>
      %get3A_1639 = arith.index_cast %mul3A_1635 : i32 to index
      %get3A_1640 = tpu.vector_load %arg8[%get3A_1639] {strides = array<i32>} : memref<512xi32, #tpu.memory_space<vmem>>, vector<16xi32>,
      %and3A = arith.andi %get3A_1640, %broadcast_in_dim3A_5 : vector<16xi32>
      %add3A_1641 = arith.addi %mul3A_1638, %and3A : vector<16xi32>
      %get3A_1642 = arith.index_cast %mul3A_1635 : i32 to index
      %get3A_1643 = tpu.vector_load %arg9[%get3A_1642] {strides = array<i32>} : memref<512xi32, #tpu.memory_space<vmem>>, vector<16xi32>,
      %and3A_1644 = arith.andi %get3A_1643, %broadcast_in_dim3A_5 : vector<16xi32>
      %add3A_1645 = arith.addi %mul3A_1638, %and3A_1644 : vector<16xi32>
      %get3A_1646 = arith.index_cast %mul3A_1635 : i32 to index
      %get3A_1647 = tpu.vector_load %arg10[%get3A_1646] {strides = array<i32>} : memref<512xi32, #tpu.memory_space<vmem>>, vector<16xi32>,
      %and3A_1648 = arith.andi %get3A_1647, %broadcast_in_dim3A_5 : vector<16xi32>
      %add3A_1649 = arith.addi %mul3A_1638, %and3A_1648 : vector<16xi32>
      %scan3A_1650 = arith.constant 0 : i32
      %scan3A_1651 = arith.constant 64 : i32
      %scan3A_1652 = arith.addi %scan3A_1650, %scan3A_1651 : i32
      %scan3A_1653 = arith.constant 8 : i32
      %scan3A_1654:3 = scf.for %scan3A_1890 = %scan3A_1650 to %scan3A_1652 step %scan3A_1653 iter_args(%scan3A_1891 = %broadcast_in_dim3A_3, %scan3A_1892 = %broadcast_in_dim3A_3, %scan3A_1893 = %broadcast_in_dim3A_3) -> (vector<16xf32>, vector<16xf32>, vector<16xf32>)  : i32 {
        %add3A_1894 = vector.broadcast %scan3A_1890 : i32 to vector<16xi32>
        %add3A_1895 = arith.addi %iota3A, %add3A_1894 : vector<16xi32>
        %and3A_1896 = arith.constant 63 : i32
        %and3A_1897 = vector.broadcast %and3A_1896 : i32 to vector<16xi32>
        %and3A_1898 = arith.andi %add3A_1895, %and3A_1897 : vector<16xi32>
        %gather3A = tpu.vector_load_idx %arg11[%add3A_1641, %and3A_1898] : memref<128x64xf32, #tpu.memory_space<vmem>>[vector<16xi32>, vector<16xi32>], vector<16xf32>,
        %gather3A_1899 = tpu.vector_load_idx %arg12[%add3A_1645, %and3A_1898] : memref<128x64xf32, #tpu.memory_space<vmem>>[vector<16xi32>, vector<16xi32>], vector<16xf32>,
        %gather3A_1900 = tpu.vector_load_idx %arg13[%add3A_1649, %and3A_1898] : memref<128x64xf32, #tpu.memory_space<vmem>>[vector<16xi32>, vector<16xi32>], vector<16xf32>,
        %mul3A_1901 = arith.mulf %gather3A, %gather3A : vector<16xf32>
        %add3A_1902 = arith.addf %scan3A_1891, %mul3A_1901 : vector<16xf32>
        %mul3A_1903 = arith.mulf %gather3A_1899, %gather3A_1899 : vector<16xf32>
        %add3A_1904 = arith.addf %scan3A_1892, %mul3A_1903 : vector<16xf32>
        %mul3A_1905 = arith.mulf %gather3A_1900, %gather3A_1900 : vector<16xf32>
        %add3A_1906 = arith.addf %scan3A_1893, %mul3A_1905 : vector<16xf32>
        %scan3A_1907 = arith.constant 1 : i32
        %scan3A_1908 = arith.addi %scan3A_1890, %scan3A_1907 : i32
        %add3A_1909 = vector.broadcast %scan3A_1908 : i32 to vector<16xi32>
        %add3A_1910 = arith.addi %iota3A, %add3A_1909 : vector<16xi32>
        %and3A_1911 = arith.constant 63 : i32
        %and3A_1912 = vector.broadcast %and3A_1911 : i32 to vector<16xi32>
        %and3A_1913 = arith.andi %add3A_1910, %and3A_1912 : vector<16xi32>
        %gather3A_1914 = tpu.vector_load_idx %arg11[%add3A_1641, %and3A_1913] : memref<128x64xf32, #tpu.memory_space<vmem>>[vector<16xi32>, vector<16xi32>], vector<16xf32>,
        %gather3A_1915 = tpu.vector_load_idx %arg12[%add3A_1645, %and3A_1913] : memref<128x64xf32, #tpu.memory_space<vmem>>[vector<16xi32>, vector<16xi32>], vector<16xf32>,
        %gather3A_1916 = tpu.vector_load_idx %arg13[%add3A_1649, %and3A_1913] : memref<128x64xf32, #tpu.memory_space<vmem>>[vector<16xi32>, vector<16xi32>], vector<16xf32>,
        %mul3A_1917 = arith.mulf %gather3A_1914, %gather3A_1914 : vector<16xf32>
        %add3A_1918 = arith.addf %add3A_1902, %mul3A_1917 : vector<16xf32>
        %mul3A_1919 = arith.mulf %gather3A_1915, %gather3A_1915 : vector<16xf32>
        %add3A_1920 = arith.addf %add3A_1904, %mul3A_1919 : vector<16xf32>
        %mul3A_1921 = arith.mulf %gather3A_1916, %gather3A_1916 : vector<16xf32>
        %add3A_1922 = arith.addf %add3A_1906, %mul3A_1921 : vector<16xf32>
        %scan3A_1923 = arith.constant 2 : i32
        %scan3A_1924 = arith.addi %scan3A_1890, %scan3A_1923 : i32
        %add3A_1925 = vector.broadcast %scan3A_1924 : i32 to vector<16xi32>
        %add3A_1926 = arith.addi %iota3A, %add3A_1925 : vector<16xi32>
        %and3A_1927 = arith.constant 63 : i32
        %and3A_1928 = vector.broadcast %and3A_1927 : i32 to vector<16xi32>
        %and3A_1929 = arith.andi %add3A_1926, %and3A_1928 : vector<16xi32>
        %gather3A_1930 = tpu.vector_load_idx %arg11[%add3A_1641, %and3A_1929] : memref<128x64xf32, #tpu.memory_space<vmem>>[vector<16xi32>, vector<16xi32>], vector<16xf32>,
        %gather3A_1931 = tpu.vector_load_idx %arg12[%add3A_1645, %and3A_1929] : memref<128x64xf32, #tpu.memory_space<vmem>>[vector<16xi32>, vector<16xi32>], vector<16xf32>,
        %gather3A_1932 = tpu.vector_load_idx %arg13[%add3A_1649, %and3A_1929] : memref<128x64xf32, #tpu.memory_space<vmem>>[vector<16xi32>, vector<16xi32>], vector<16xf32>,
        %mul3A_1933 = arith.mulf %gather3A_1930, %gather3A_1930 : vector<16xf32>
        %add3A_1934 = arith.addf %add3A_1918, %mul3A_1933 : vector<16xf32>
        %mul3A_1935 = arith.mulf %gather3A_1931, %gather3A_1931 : vector<16xf32>
        %add3A_1936 = arith.addf %add3A_1920, %mul3A_1935 : vector<16xf32>
        %mul3A_1937 = arith.mulf %gather3A_1932, %gather3A_1932 : vector<16xf32>
        %add3A_1938 = arith.addf %add3A_1922, %mul3A_1937 : vector<16xf32>
        %scan3A_1939 = arith.constant 3 : i32
        %scan3A_1940 = arith.addi %scan3A_1890, %scan3A_1939 : i32
        %add3A_1941 = vector.broadcast %scan3A_1940 : i32 to vector<16xi32>
        %add3A_1942 = arith.addi %iota3A, %add3A_1941 : vector<16xi32>
        %and3A_1943 = arith.constant 63 : i32
        %and3A_1944 = vector.broadcast %and3A_1943 : i32 to vector<16xi32>
        %and3A_1945 = arith.andi %add3A_1942, %and3A_1944 : vector<16xi32>
        %gather3A_1946 = tpu.vector_load_idx %arg11[%add3A_1641, %and3A_1945] : memref<128x64xf32, #tpu.memory_space<vmem>>[vector<16xi32>, vector<16xi32>], vector<16xf32>,
        %gather3A_1947 = tpu.vector_load_idx %arg12[%add3A_1645, %and3A_1945] : memref<128x64xf32, #tpu.memory_space<vmem>>[vector<16xi32>, vector<16xi32>], vector<16xf32>,
        %gather3A_1948 = tpu.vector_load_idx %arg13[%add3A_1649, %and3A_1945] : memref<128x64xf32, #tpu.memory_space<vmem>>[vector<16xi32>, vector<16xi32>], vector<16xf32>,
        %mul3A_1949 = arith.mulf %gather3A_1946, %gather3A_1946 : vector<16xf32>
        %add3A_1950 = arith.addf %add3A_1934, %mul3A_1949 : vector<16xf32>
        %mul3A_1951 = arith.mulf %gather3A_1947, %gather3A_1947 : vector<16xf32>
        %add3A_1952 = arith.addf %add3A_1936, %mul3A_1951 : vector<16xf32>
        %mul3A_1953 = arith.mulf %gather3A_1948, %gather3A_1948 : vector<16xf32>
        %add3A_1954 = arith.addf %add3A_1938, %mul3A_1953 : vector<16xf32>
        %scan3A_1955 = arith.constant 4 : i32
        %scan3A_1956 = arith.addi %scan3A_1890, %scan3A_1955 : i32
        %add3A_1957 = vector.broadcast %scan3A_1956 : i32 to vector<16xi32>
        %add3A_1958 = arith.addi %iota3A, %add3A_1957 : vector<16xi32>
        %and3A_1959 = arith.constant 63 : i32
        %and3A_1960 = vector.broadcast %and3A_1959 : i32 to vector<16xi32>
        %and3A_1961 = arith.andi %add3A_1958, %and3A_1960 : vector<16xi32>
        %gather3A_1962 = tpu.vector_load_idx %arg11[%add3A_1641, %and3A_1961] : memref<128x64xf32, #tpu.memory_space<vmem>>[vector<16xi32>, vector<16xi32>], vector<16xf32>,
        %gather3A_1963 = tpu.vector_load_idx %arg12[%add3A_1645, %and3A_1961] : memref<128x64xf32, #tpu.memory_space<vmem>>[vector<16xi32>, vector<16xi32>], vector<16xf32>,
        %gather3A_1964 = tpu.vector_load_idx %arg13[%add3A_1649, %and3A_1961] : memref<128x64xf32, #tpu.memory_space<vmem>>[vector<16xi32>, vector<16xi32>], vector<16xf32>,
        %mul3A_1965 = arith.mulf %gather3A_1962, %gather3A_1962 : vector<16xf32>
        %add3A_1966 = arith.addf %add3A_1950, %mul3A_1965 : vector<16xf32>
        %mul3A_1967 = arith.mulf %gather3A_1963, %gather3A_1963 : vector<16xf32>
        %add3A_1968 = arith.addf %add3A_1952, %mul3A_1967 : vector<16xf32>
        %mul3A_1969 = arith.mulf %gather3A_1964, %gather3A_1964 : vector<16xf32>
        %add3A_1970 = arith.addf %add3A_1954, %mul3A_1969 : vector<16xf32>
        %scan3A_1971 = arith.constant 5 : i32
        %scan3A_1972 = arith.addi %scan3A_1890, %scan3A_1971 : i32
        %add3A_1973 = vector.broadcast %scan3A_1972 : i32 to vector<16xi32>
        %add3A_1974 = arith.addi %iota3A, %add3A_1973 : vector<16xi32>
        %and3A_1975 = arith.constant 63 : i32
        %and3A_1976 = vector.broadcast %and3A_1975 : i32 to vector<16xi32>
        %and3A_1977 = arith.andi %add3A_1974, %and3A_1976 : vector<16xi32>
        %gather3A_1978 = tpu.vector_load_idx %arg11[%add3A_1641, %and3A_1977] : memref<128x64xf32, #tpu.memory_space<vmem>>[vector<16xi32>, vector<16xi32>], vector<16xf32>,
        %gather3A_1979 = tpu.vector_load_idx %arg12[%add3A_1645, %and3A_1977] : memref<128x64xf32, #tpu.memory_space<vmem>>[vector<16xi32>, vector<16xi32>], vector<16xf32>,
        %gather3A_1980 = tpu.vector_load_idx %arg13[%add3A_1649, %and3A_1977] : memref<128x64xf32, #tpu.memory_space<vmem>>[vector<16xi32>, vector<16xi32>], vector<16xf32>,
        %mul3A_1981 = arith.mulf %gather3A_1978, %gather3A_1978 : vector<16xf32>
        %add3A_1982 = arith.addf %add3A_1966, %mul3A_1981 : vector<16xf32>
        %mul3A_1983 = arith.mulf %gather3A_1979, %gather3A_1979 : vector<16xf32>
        %add3A_1984 = arith.addf %add3A_1968, %mul3A_1983 : vector<16xf32>
        %mul3A_1985 = arith.mulf %gather3A_1980, %gather3A_1980 : vector<16xf32>
        %add3A_1986 = arith.addf %add3A_1970, %mul3A_1985 : vector<16xf32>
        %scan3A_1987 = arith.constant 6 : i32
        %scan3A_1988 = arith.addi %scan3A_1890, %scan3A_1987 : i32
        %add3A_1989 = vector.broadcast %scan3A_1988 : i32 to vector<16xi32>
        %add3A_1990 = arith.addi %iota3A, %add3A_1989 : vector<16xi32>
        %and3A_1991 = arith.constant 63 : i32
        %and3A_1992 = vector.broadcast %and3A_1991 : i32 to vector<16xi32>
        %and3A_1993 = arith.andi %add3A_1990, %and3A_1992 : vector<16xi32>
        %gather3A_1994 = tpu.vector_load_idx %arg11[%add3A_1641, %and3A_1993] : memref<128x64xf32, #tpu.memory_space<vmem>>[vector<16xi32>, vector<16xi32>], vector<16xf32>,
        %gather3A_1995 = tpu.vector_load_idx %arg12[%add3A_1645, %and3A_1993] : memref<128x64xf32, #tpu.memory_space<vmem>>[vector<16xi32>, vector<16xi32>], vector<16xf32>,
        %gather3A_1996 = tpu.vector_load_idx %arg13[%add3A_1649, %and3A_1993] : memref<128x64xf32, #tpu.memory_space<vmem>>[vector<16xi32>, vector<16xi32>], vector<16xf32>,
        %mul3A_1997 = arith.mulf %gather3A_1994, %gather3A_1994 : vector<16xf32>
        %add3A_1998 = arith.addf %add3A_1982, %mul3A_1997 : vector<16xf32>
        %mul3A_1999 = arith.mulf %gather3A_1995, %gather3A_1995 : vector<16xf32>
        %add3A_2000 = arith.addf %add3A_1984, %mul3A_1999 : vector<16xf32>
        %mul3A_2001 = arith.mulf %gather3A_1996, %gather3A_1996 : vector<16xf32>
        %add3A_2002 = arith.addf %add3A_1986, %mul3A_2001 : vector<16xf32>
        %scan3A_2003 = arith.constant 7 : i32
        %scan3A_2004 = arith.addi %scan3A_1890, %scan3A_2003 : i32
        %add3A_2005 = vector.broadcast %scan3A_2004 : i32 to vector<16xi32>
        %add3A_2006 = arith.addi %iota3A, %add3A_2005 : vector<16xi32>
        %and3A_2007 = arith.constant 63 : i32
        %and3A_2008 = vector.broadcast %and3A_2007 : i32 to vector<16xi32>
        %and3A_2009 = arith.andi %add3A_2006, %and3A_2008 : vector<16xi32>
        %gather3A_2010 = tpu.vector_load_idx %arg11[%add3A_1641, %and3A_2009] : memref<128x64xf32, #tpu.memory_space<vmem>>[vector<16xi32>, vector<16xi32>], vector<16xf32>,
        %gather3A_2011 = tpu.vector_load_idx %arg12[%add3A_1645, %and3A_2009] : memref<128x64xf32, #tpu.memory_space<vmem>>[vector<16xi32>, vector<16xi32>], vector<16xf32>,
        %gather3A_2012 = tpu.vector_load_idx %arg13[%add3A_1649, %and3A_2009] : memref<128x64xf32, #tpu.memory_space<vmem>>[vector<16xi32>, vector<16xi32>], vector<16xf32>,
        %mul3A_2013 = arith.mulf %gather3A_2010, %gather3A_2010 : vector<16xf32>
        %add3A_2014 = arith.addf %add3A_1998, %mul3A_2013 : vector<16xf32>
        %mul3A_2015 = arith.mulf %gather3A_2011, %gather3A_2011 : vector<16xf32>
        %add3A_2016 = arith.addf %add3A_2000, %mul3A_2015 : vector<16xf32>
        %mul3A_2017 = arith.mulf %gather3A_2012, %gather3A_2012 : vector<16xf32>
        %add3A_2018 = arith.addf %add3A_2002, %mul3A_2017 : vector<16xf32>
        scf.yield %add3A_2014, %add3A_2016, %add3A_2018 : vector<16xf32>, vector<16xf32>, vector<16xf32>
      }
      %scan3A_1655 = arith.constant 64 : i32
      %max3A = vector.broadcast %scan3A_806 : f32 to vector<16xf32>
      %max3A_1656 = arith.maximumf %scan3A_1654#0, %max3A : vector<16xf32>
      %bitcast3A = vector.bitcast %max3A_1656 : vector<16xf32> to vector<16xi32>
      %shift_right_arithmetic3A_1657 = arith.constant 1 : i32
      %shift_right_arithmetic3A_1658 = vector.broadcast %shift_right_arithmetic3A_1657 : i32 to vector<16xi32>
      %shift_right_arithmetic3A_1659 = arith.shrsi %bitcast3A, %shift_right_arithmetic3A_1658 : vector<16xi32>
      %sub3A = arith.constant 1597463007 : i32
      %sub3A_1660 = vector.broadcast %sub3A : i32 to vector<16xi32>
      %sub3A_1661 = arith.subi %sub3A_1660, %shift_right_arithmetic3A_1659 : vector<16xi32>
      %bitcast3A_1662 = vector.bitcast %sub3A_1661 : vector<16xi32> to vector<16xf32>
      %mul3A_1663 = arith.constant -5.000000e-01 : f32
      %mul3A_1664 = vector.broadcast %mul3A_1663 : f32 to vector<16xf32>
      %mul3A_1665 = arith.mulf %max3A_1656, %mul3A_1664 : vector<16xf32>
      %mul3A_1666 = arith.mulf %mul3A_1665, %bitcast3A_1662 : vector<16xf32>
      %mul3A_1667 = arith.mulf %mul3A_1666, %bitcast3A_1662 : vector<16xf32>
      %add3A_1668 = arith.constant 1.500000e+00 : f32
      %add3A_1669 = vector.broadcast %add3A_1668 : f32 to vector<16xf32>
      %add3A_1670 = arith.addf %add3A_1669, %mul3A_1667 : vector<16xf32>
      %mul3A_1671 = arith.mulf %bitcast3A_1662, %add3A_1670 : vector<16xf32>
      %mul3A_1672 = arith.mulf %mul3A_1665, %mul3A_1671 : vector<16xf32>
      %mul3A_1673 = arith.mulf %mul3A_1672, %mul3A_1671 : vector<16xf32>
      %add3A_1674 = arith.constant 1.500000e+00 : f32
      %add3A_1675 = vector.broadcast %add3A_1674 : f32 to vector<16xf32>
      %add3A_1676 = arith.addf %add3A_1675, %mul3A_1673 : vector<16xf32>
      %mul3A_1677 = arith.mulf %mul3A_1671, %add3A_1676 : vector<16xf32>
      %mul3A_1678 = arith.mulf %mul3A_1665, %mul3A_1677 : vector<16xf32>
      %mul3A_1679 = arith.mulf %mul3A_1678, %mul3A_1677 : vector<16xf32>
      %add3A_1680 = arith.constant 1.500000e+00 : f32
      %add3A_1681 = vector.broadcast %add3A_1680 : f32 to vector<16xf32>
      %add3A_1682 = arith.addf %add3A_1681, %mul3A_1679 : vector<16xf32>
      %mul3A_1683 = arith.mulf %mul3A_1677, %add3A_1682 : vector<16xf32>
      %max3A_1684 = vector.broadcast %scan3A_806 : f32 to vector<16xf32>
      %max3A_1685 = arith.maximumf %scan3A_1654#1, %max3A_1684 : vector<16xf32>
      %bitcast3A_1686 = vector.bitcast %max3A_1685 : vector<16xf32> to vector<16xi32>
      %shift_right_arithmetic3A_1687 = arith.constant 1 : i32
      %shift_right_arithmetic3A_1688 = vector.broadcast %shift_right_arithmetic3A_1687 : i32 to vector<16xi32>
      %shift_right_arithmetic3A_1689 = arith.shrsi %bitcast3A_1686, %shift_right_arithmetic3A_1688 : vector<16xi32>
      %sub3A_1690 = arith.constant 1597463007 : i32
      %sub3A_1691 = vector.broadcast %sub3A_1690 : i32 to vector<16xi32>
      %sub3A_1692 = arith.subi %sub3A_1691, %shift_right_arithmetic3A_1689 : vector<16xi32>
      %bitcast3A_1693 = vector.bitcast %sub3A_1692 : vector<16xi32> to vector<16xf32>
      %mul3A_1694 = arith.constant -5.000000e-01 : f32
      %mul3A_1695 = vector.broadcast %mul3A_1694 : f32 to vector<16xf32>
      %mul3A_1696 = arith.mulf %max3A_1685, %mul3A_1695 : vector<16xf32>
      %mul3A_1697 = arith.mulf %mul3A_1696, %bitcast3A_1693 : vector<16xf32>
      %mul3A_1698 = arith.mulf %mul3A_1697, %bitcast3A_1693 : vector<16xf32>
      %add3A_1699 = arith.constant 1.500000e+00 : f32
      %add3A_1700 = vector.broadcast %add3A_1699 : f32 to vector<16xf32>
      %add3A_1701 = arith.addf %add3A_1700, %mul3A_1698 : vector<16xf32>
      %mul3A_1702 = arith.mulf %bitcast3A_1693, %add3A_1701 : vector<16xf32>
      %mul3A_1703 = arith.mulf %mul3A_1696, %mul3A_1702 : vector<16xf32>
      %mul3A_1704 = arith.mulf %mul3A_1703, %mul3A_1702 : vector<16xf32>
      %add3A_1705 = arith.constant 1.500000e+00 : f32
      %add3A_1706 = vector.broadcast %add3A_1705 : f32 to vector<16xf32>
      %add3A_1707 = arith.addf %add3A_1706, %mul3A_1704 : vector<16xf32>
      %mul3A_1708 = arith.mulf %mul3A_1702, %add3A_1707 : vector<16xf32>
      %mul3A_1709 = arith.mulf %mul3A_1696, %mul3A_1708 : vector<16xf32>
      %mul3A_1710 = arith.mulf %mul3A_1709, %mul3A_1708 : vector<16xf32>
      %add3A_1711 = arith.constant 1.500000e+00 : f32
      %add3A_1712 = vector.broadcast %add3A_1711 : f32 to vector<16xf32>
      %add3A_1713 = arith.addf %add3A_1712, %mul3A_1710 : vector<16xf32>
      %mul3A_1714 = arith.mulf %mul3A_1708, %add3A_1713 : vector<16xf32>
      %max3A_1715 = vector.broadcast %scan3A_806 : f32 to vector<16xf32>
      %max3A_1716 = arith.maximumf %scan3A_1654#2, %max3A_1715 : vector<16xf32>
      %bitcast3A_1717 = vector.bitcast %max3A_1716 : vector<16xf32> to vector<16xi32>
      %shift_right_arithmetic3A_1718 = arith.constant 1 : i32
      %shift_right_arithmetic3A_1719 = vector.broadcast %shift_right_arithmetic3A_1718 : i32 to vector<16xi32>
      %shift_right_arithmetic3A_1720 = arith.shrsi %bitcast3A_1717, %shift_right_arithmetic3A_1719 : vector<16xi32>
      %sub3A_1721 = arith.constant 1597463007 : i32
      %sub3A_1722 = vector.broadcast %sub3A_1721 : i32 to vector<16xi32>
      %sub3A_1723 = arith.subi %sub3A_1722, %shift_right_arithmetic3A_1720 : vector<16xi32>
      %bitcast3A_1724 = vector.bitcast %sub3A_1723 : vector<16xi32> to vector<16xf32>
      %mul3A_1725 = arith.constant -5.000000e-01 : f32
      %mul3A_1726 = vector.broadcast %mul3A_1725 : f32 to vector<16xf32>
      %mul3A_1727 = arith.mulf %max3A_1716, %mul3A_1726 : vector<16xf32>
      %mul3A_1728 = arith.mulf %mul3A_1727, %bitcast3A_1724 : vector<16xf32>
      %mul3A_1729 = arith.mulf %mul3A_1728, %bitcast3A_1724 : vector<16xf32>
      %add3A_1730 = arith.constant 1.500000e+00 : f32
      %add3A_1731 = vector.broadcast %add3A_1730 : f32 to vector<16xf32>
      %add3A_1732 = arith.addf %add3A_1731, %mul3A_1729 : vector<16xf32>
      %mul3A_1733 = arith.mulf %bitcast3A_1724, %add3A_1732 : vector<16xf32>
      %mul3A_1734 = arith.mulf %mul3A_1727, %mul3A_1733 : vector<16xf32>
      %mul3A_1735 = arith.mulf %mul3A_1734, %mul3A_1733 : vector<16xf32>
      %add3A_1736 = arith.constant 1.500000e+00 : f32
      %add3A_1737 = vector.broadcast %add3A_1736 : f32 to vector<16xf32>
      %add3A_1738 = arith.addf %add3A_1737, %mul3A_1735 : vector<16xf32>
      %mul3A_1739 = arith.mulf %mul3A_1733, %add3A_1738 : vector<16xf32>
      %mul3A_1740 = arith.mulf %mul3A_1727, %mul3A_1739 : vector<16xf32>
      %mul3A_1741 = arith.mulf %mul3A_1740, %mul3A_1739 : vector<16xf32>
      %add3A_1742 = arith.constant 1.500000e+00 : f32
      %add3A_1743 = vector.broadcast %add3A_1742 : f32 to vector<16xf32>
      %add3A_1744 = arith.addf %add3A_1743, %mul3A_1741 : vector<16xf32>
      %mul3A_1745 = arith.mulf %mul3A_1739, %add3A_1744 : vector<16xf32>
      %scan3A_1746 = arith.constant 0 : i32
      %scan3A_1747 = arith.constant 64 : i32
      %scan3A_1748 = arith.addi %scan3A_1746, %scan3A_1747 : i32
      %scan3A_1749 = arith.constant 8 : i32
      %scan3A_1750 = scf.for %scan3A_1890 = %scan3A_1746 to %scan3A_1748 step %scan3A_1749 iter_args(%scan3A_1891 = %broadcast_in_dim3A_3) -> (vector<16xf32>)  : i32 {
        %add3A_1892 = vector.broadcast %scan3A_1890 : i32 to vector<16xi32>
        %add3A_1893 = arith.addi %iota3A, %add3A_1892 : vector<16xi32>
        %and3A_1894 = arith.constant 63 : i32
        %and3A_1895 = vector.broadcast %and3A_1894 : i32 to vector<16xi32>
        %and3A_1896 = arith.andi %add3A_1893, %and3A_1895 : vector<16xi32>
        %gather3A = tpu.vector_load_idx %arg11[%add3A_1641, %and3A_1896] : memref<128x64xf32, #tpu.memory_space<vmem>>[vector<16xi32>, vector<16xi32>], vector<16xf32>,
        %gather3A_1897 = tpu.vector_load_idx %arg12[%add3A_1645, %and3A_1896] : memref<128x64xf32, #tpu.memory_space<vmem>>[vector<16xi32>, vector<16xi32>], vector<16xf32>,
        %gather3A_1898 = tpu.vector_load_idx %arg13[%add3A_1649, %and3A_1896] : memref<128x64xf32, #tpu.memory_space<vmem>>[vector<16xi32>, vector<16xi32>], vector<16xf32>,
        %mul3A_1899 = arith.mulf %gather3A, %mul3A_1683 : vector<16xf32>
        %mul3A_1900 = arith.mulf %gather3A_1897, %mul3A_1714 : vector<16xf32>
        %add3A_1901 = arith.addf %mul3A_1899, %mul3A_1900 : vector<16xf32>
        %mul3A_1902 = arith.mulf %gather3A_1898, %mul3A_1745 : vector<16xf32>
        %sub3A_1903 = arith.subf %add3A_1901, %mul3A_1902 : vector<16xf32>
        %abs3A = math.absf %sub3A_1903 : vector<16xf32>
        %add3A_1904 = arith.addf %scan3A_1891, %abs3A : vector<16xf32>
        %scan3A_1905 = arith.constant 1 : i32
        %scan3A_1906 = arith.addi %scan3A_1890, %scan3A_1905 : i32
        %add3A_1907 = vector.broadcast %scan3A_1906 : i32 to vector<16xi32>
        %add3A_1908 = arith.addi %iota3A, %add3A_1907 : vector<16xi32>
        %and3A_1909 = arith.constant 63 : i32
        %and3A_1910 = vector.broadcast %and3A_1909 : i32 to vector<16xi32>
        %and3A_1911 = arith.andi %add3A_1908, %and3A_1910 : vector<16xi32>
        %gather3A_1912 = tpu.vector_load_idx %arg11[%add3A_1641, %and3A_1911] : memref<128x64xf32, #tpu.memory_space<vmem>>[vector<16xi32>, vector<16xi32>], vector<16xf32>,
        %gather3A_1913 = tpu.vector_load_idx %arg12[%add3A_1645, %and3A_1911] : memref<128x64xf32, #tpu.memory_space<vmem>>[vector<16xi32>, vector<16xi32>], vector<16xf32>,
        %gather3A_1914 = tpu.vector_load_idx %arg13[%add3A_1649, %and3A_1911] : memref<128x64xf32, #tpu.memory_space<vmem>>[vector<16xi32>, vector<16xi32>], vector<16xf32>,
        %mul3A_1915 = arith.mulf %gather3A_1912, %mul3A_1683 : vector<16xf32>
        %mul3A_1916 = arith.mulf %gather3A_1913, %mul3A_1714 : vector<16xf32>
        %add3A_1917 = arith.addf %mul3A_1915, %mul3A_1916 : vector<16xf32>
        %mul3A_1918 = arith.mulf %gather3A_1914, %mul3A_1745 : vector<16xf32>
        %sub3A_1919 = arith.subf %add3A_1917, %mul3A_1918 : vector<16xf32>
        %abs3A_1920 = math.absf %sub3A_1919 : vector<16xf32>
        %add3A_1921 = arith.addf %add3A_1904, %abs3A_1920 : vector<16xf32>
        %scan3A_1922 = arith.constant 2 : i32
        %scan3A_1923 = arith.addi %scan3A_1890, %scan3A_1922 : i32
        %add3A_1924 = vector.broadcast %scan3A_1923 : i32 to vector<16xi32>
        %add3A_1925 = arith.addi %iota3A, %add3A_1924 : vector<16xi32>
        %and3A_1926 = arith.constant 63 : i32
        %and3A_1927 = vector.broadcast %and3A_1926 : i32 to vector<16xi32>
        %and3A_1928 = arith.andi %add3A_1925, %and3A_1927 : vector<16xi32>
        %gather3A_1929 = tpu.vector_load_idx %arg11[%add3A_1641, %and3A_1928] : memref<128x64xf32, #tpu.memory_space<vmem>>[vector<16xi32>, vector<16xi32>], vector<16xf32>,
        %gather3A_1930 = tpu.vector_load_idx %arg12[%add3A_1645, %and3A_1928] : memref<128x64xf32, #tpu.memory_space<vmem>>[vector<16xi32>, vector<16xi32>], vector<16xf32>,
        %gather3A_1931 = tpu.vector_load_idx %arg13[%add3A_1649, %and3A_1928] : memref<128x64xf32, #tpu.memory_space<vmem>>[vector<16xi32>, vector<16xi32>], vector<16xf32>,
        %mul3A_1932 = arith.mulf %gather3A_1929, %mul3A_1683 : vector<16xf32>
        %mul3A_1933 = arith.mulf %gather3A_1930, %mul3A_1714 : vector<16xf32>
        %add3A_1934 = arith.addf %mul3A_1932, %mul3A_1933 : vector<16xf32>
        %mul3A_1935 = arith.mulf %gather3A_1931, %mul3A_1745 : vector<16xf32>
        %sub3A_1936 = arith.subf %add3A_1934, %mul3A_1935 : vector<16xf32>
        %abs3A_1937 = math.absf %sub3A_1936 : vector<16xf32>
        %add3A_1938 = arith.addf %add3A_1921, %abs3A_1937 : vector<16xf32>
        %scan3A_1939 = arith.constant 3 : i32
        %scan3A_1940 = arith.addi %scan3A_1890, %scan3A_1939 : i32
        %add3A_1941 = vector.broadcast %scan3A_1940 : i32 to vector<16xi32>
        %add3A_1942 = arith.addi %iota3A, %add3A_1941 : vector<16xi32>
        %and3A_1943 = arith.constant 63 : i32
        %and3A_1944 = vector.broadcast %and3A_1943 : i32 to vector<16xi32>
        %and3A_1945 = arith.andi %add3A_1942, %and3A_1944 : vector<16xi32>
        %gather3A_1946 = tpu.vector_load_idx %arg11[%add3A_1641, %and3A_1945] : memref<128x64xf32, #tpu.memory_space<vmem>>[vector<16xi32>, vector<16xi32>], vector<16xf32>,
        %gather3A_1947 = tpu.vector_load_idx %arg12[%add3A_1645, %and3A_1945] : memref<128x64xf32, #tpu.memory_space<vmem>>[vector<16xi32>, vector<16xi32>], vector<16xf32>,
        %gather3A_1948 = tpu.vector_load_idx %arg13[%add3A_1649, %and3A_1945] : memref<128x64xf32, #tpu.memory_space<vmem>>[vector<16xi32>, vector<16xi32>], vector<16xf32>,
        %mul3A_1949 = arith.mulf %gather3A_1946, %mul3A_1683 : vector<16xf32>
        %mul3A_1950 = arith.mulf %gather3A_1947, %mul3A_1714 : vector<16xf32>
        %add3A_1951 = arith.addf %mul3A_1949, %mul3A_1950 : vector<16xf32>
        %mul3A_1952 = arith.mulf %gather3A_1948, %mul3A_1745 : vector<16xf32>
        %sub3A_1953 = arith.subf %add3A_1951, %mul3A_1952 : vector<16xf32>
        %abs3A_1954 = math.absf %sub3A_1953 : vector<16xf32>
        %add3A_1955 = arith.addf %add3A_1938, %abs3A_1954 : vector<16xf32>
        %scan3A_1956 = arith.constant 4 : i32
        %scan3A_1957 = arith.addi %scan3A_1890, %scan3A_1956 : i32
        %add3A_1958 = vector.broadcast %scan3A_1957 : i32 to vector<16xi32>
        %add3A_1959 = arith.addi %iota3A, %add3A_1958 : vector<16xi32>
        %and3A_1960 = arith.constant 63 : i32
        %and3A_1961 = vector.broadcast %and3A_1960 : i32 to vector<16xi32>
        %and3A_1962 = arith.andi %add3A_1959, %and3A_1961 : vector<16xi32>
        %gather3A_1963 = tpu.vector_load_idx %arg11[%add3A_1641, %and3A_1962] : memref<128x64xf32, #tpu.memory_space<vmem>>[vector<16xi32>, vector<16xi32>], vector<16xf32>,
        %gather3A_1964 = tpu.vector_load_idx %arg12[%add3A_1645, %and3A_1962] : memref<128x64xf32, #tpu.memory_space<vmem>>[vector<16xi32>, vector<16xi32>], vector<16xf32>,
        %gather3A_1965 = tpu.vector_load_idx %arg13[%add3A_1649, %and3A_1962] : memref<128x64xf32, #tpu.memory_space<vmem>>[vector<16xi32>, vector<16xi32>], vector<16xf32>,
        %mul3A_1966 = arith.mulf %gather3A_1963, %mul3A_1683 : vector<16xf32>
        %mul3A_1967 = arith.mulf %gather3A_1964, %mul3A_1714 : vector<16xf32>
        %add3A_1968 = arith.addf %mul3A_1966, %mul3A_1967 : vector<16xf32>
        %mul3A_1969 = arith.mulf %gather3A_1965, %mul3A_1745 : vector<16xf32>
        %sub3A_1970 = arith.subf %add3A_1968, %mul3A_1969 : vector<16xf32>
        %abs3A_1971 = math.absf %sub3A_1970 : vector<16xf32>
        %add3A_1972 = arith.addf %add3A_1955, %abs3A_1971 : vector<16xf32>
        %scan3A_1973 = arith.constant 5 : i32
        %scan3A_1974 = arith.addi %scan3A_1890, %scan3A_1973 : i32
        %add3A_1975 = vector.broadcast %scan3A_1974 : i32 to vector<16xi32>
        %add3A_1976 = arith.addi %iota3A, %add3A_1975 : vector<16xi32>
        %and3A_1977 = arith.constant 63 : i32
        %and3A_1978 = vector.broadcast %and3A_1977 : i32 to vector<16xi32>
        %and3A_1979 = arith.andi %add3A_1976, %and3A_1978 : vector<16xi32>
        %gather3A_1980 = tpu.vector_load_idx %arg11[%add3A_1641, %and3A_1979] : memref<128x64xf32, #tpu.memory_space<vmem>>[vector<16xi32>, vector<16xi32>], vector<16xf32>,
        %gather3A_1981 = tpu.vector_load_idx %arg12[%add3A_1645, %and3A_1979] : memref<128x64xf32, #tpu.memory_space<vmem>>[vector<16xi32>, vector<16xi32>], vector<16xf32>,
        %gather3A_1982 = tpu.vector_load_idx %arg13[%add3A_1649, %and3A_1979] : memref<128x64xf32, #tpu.memory_space<vmem>>[vector<16xi32>, vector<16xi32>], vector<16xf32>,
        %mul3A_1983 = arith.mulf %gather3A_1980, %mul3A_1683 : vector<16xf32>
        %mul3A_1984 = arith.mulf %gather3A_1981, %mul3A_1714 : vector<16xf32>
        %add3A_1985 = arith.addf %mul3A_1983, %mul3A_1984 : vector<16xf32>
        %mul3A_1986 = arith.mulf %gather3A_1982, %mul3A_1745 : vector<16xf32>
        %sub3A_1987 = arith.subf %add3A_1985, %mul3A_1986 : vector<16xf32>
        %abs3A_1988 = math.absf %sub3A_1987 : vector<16xf32>
        %add3A_1989 = arith.addf %add3A_1972, %abs3A_1988 : vector<16xf32>
        %scan3A_1990 = arith.constant 6 : i32
        %scan3A_1991 = arith.addi %scan3A_1890, %scan3A_1990 : i32
        %add3A_1992 = vector.broadcast %scan3A_1991 : i32 to vector<16xi32>
        %add3A_1993 = arith.addi %iota3A, %add3A_1992 : vector<16xi32>
        %and3A_1994 = arith.constant 63 : i32
        %and3A_1995 = vector.broadcast %and3A_1994 : i32 to vector<16xi32>
        %and3A_1996 = arith.andi %add3A_1993, %and3A_1995 : vector<16xi32>
        %gather3A_1997 = tpu.vector_load_idx %arg11[%add3A_1641, %and3A_1996] : memref<128x64xf32, #tpu.memory_space<vmem>>[vector<16xi32>, vector<16xi32>], vector<16xf32>,
        %gather3A_1998 = tpu.vector_load_idx %arg12[%add3A_1645, %and3A_1996] : memref<128x64xf32, #tpu.memory_space<vmem>>[vector<16xi32>, vector<16xi32>], vector<16xf32>,
        %gather3A_1999 = tpu.vector_load_idx %arg13[%add3A_1649, %and3A_1996] : memref<128x64xf32, #tpu.memory_space<vmem>>[vector<16xi32>, vector<16xi32>], vector<16xf32>,
        %mul3A_2000 = arith.mulf %gather3A_1997, %mul3A_1683 : vector<16xf32>
        %mul3A_2001 = arith.mulf %gather3A_1998, %mul3A_1714 : vector<16xf32>
        %add3A_2002 = arith.addf %mul3A_2000, %mul3A_2001 : vector<16xf32>
        %mul3A_2003 = arith.mulf %gather3A_1999, %mul3A_1745 : vector<16xf32>
        %sub3A_2004 = arith.subf %add3A_2002, %mul3A_2003 : vector<16xf32>
        %abs3A_2005 = math.absf %sub3A_2004 : vector<16xf32>
        %add3A_2006 = arith.addf %add3A_1989, %abs3A_2005 : vector<16xf32>
        %scan3A_2007 = arith.constant 7 : i32
        %scan3A_2008 = arith.addi %scan3A_1890, %scan3A_2007 : i32
        %add3A_2009 = vector.broadcast %scan3A_2008 : i32 to vector<16xi32>
        %add3A_2010 = arith.addi %iota3A, %add3A_2009 : vector<16xi32>
        %and3A_2011 = arith.constant 63 : i32
        %and3A_2012 = vector.broadcast %and3A_2011 : i32 to vector<16xi32>
        %and3A_2013 = arith.andi %add3A_2010, %and3A_2012 : vector<16xi32>
        %gather3A_2014 = tpu.vector_load_idx %arg11[%add3A_1641, %and3A_2013] : memref<128x64xf32, #tpu.memory_space<vmem>>[vector<16xi32>, vector<16xi32>], vector<16xf32>,
        %gather3A_2015 = tpu.vector_load_idx %arg12[%add3A_1645, %and3A_2013] : memref<128x64xf32, #tpu.memory_space<vmem>>[vector<16xi32>, vector<16xi32>], vector<16xf32>,
        %gather3A_2016 = tpu.vector_load_idx %arg13[%add3A_1649, %and3A_2013] : memref<128x64xf32, #tpu.memory_space<vmem>>[vector<16xi32>, vector<16xi32>], vector<16xf32>,
        %mul3A_2017 = arith.mulf %gather3A_2014, %mul3A_1683 : vector<16xf32>
        %mul3A_2018 = arith.mulf %gather3A_2015, %mul3A_1714 : vector<16xf32>
        %add3A_2019 = arith.addf %mul3A_2017, %mul3A_2018 : vector<16xf32>
        %mul3A_2020 = arith.mulf %gather3A_2016, %mul3A_1745 : vector<16xf32>
        %sub3A_2021 = arith.subf %add3A_2019, %mul3A_2020 : vector<16xf32>
        %abs3A_2022 = math.absf %sub3A_2021 : vector<16xf32>
        %add3A_2023 = arith.addf %add3A_2006, %abs3A_2022 : vector<16xf32>
        scf.yield %add3A_2023 : vector<16xf32>
      }
      %scan3A_1751 = arith.constant 64 : i32
      %swap3A = arith.constant 0 : index
      %swap3A_1752 = tpu.vector_load %arg17[%swap3A] {strides = array<i32>} : memref<16xf32, #tpu.memory_space<vmem>>, vector<16xf32>,
      tpu.vector_store %arg17[%swap3A], %scan3A_1750 {strides = array<i32>} : memref<16xf32, #tpu.memory_space<vmem>>, vector<16xf32>,
      "tpu.region"() ({
        %run_scoped3A = tpu.sem_alloc : memref<!tpu.dma_semaphore, #tpu.memory_space<semaphore_mem>>
        %dma_start3A_1890 = tpu.memref_slice %arg7[%add3A_1633] : memref<16384xf32, #tpu.memory_space<hbm>> -> memref<16xf32, #tpu.memory_space<hbm>>
        %dma_start3A_1891 = tpu.memref_slice %arg7[%add3A_1633] : memref<16384xf32, #tpu.memory_space<hbm>> -> memref<16xf32, #tpu.memory_space<hbm>>
        tpu.enqueue_dma source(%arg17 : memref<16xf32, #tpu.memory_space<vmem>>) target(%dma_start3A_1891 : memref<16xf32, #tpu.memory_space<hbm>>) target_semaphore(%run_scoped3A : memref<!tpu.dma_semaphore, #tpu.memory_space<semaphore_mem>>)
        %dma_wait3A = tpu.memref_slice %arg7[%add3A_1633] : memref<16384xf32, #tpu.memory_space<hbm>> -> memref<16xf32, #tpu.memory_space<hbm>>
        %dma_wait3A_1892 = tpu.memref_slice %arg7[%add3A_1633] : memref<16384xf32, #tpu.memory_space<hbm>> -> memref<16xf32, #tpu.memory_space<hbm>>
        tpu.wait_dma2 semaphore(%run_scoped3A : memref<!tpu.dma_semaphore, #tpu.memory_space<semaphore_mem>>) src(%arg17 : memref<16xf32, #tpu.memory_space<vmem>>) dst(%dma_wait3A_1892 : memref<16xf32, #tpu.memory_space<hbm>>)
        tpu.yield
      }) : () -> ()
      %lt3A = arith.constant 15 : i32
      %lt3A_1753 = arith.cmpi slt, %scan3A_812, %lt3A : i32
      %convert_element_type3A = arith.extui %lt3A_1753 : i1 to i32
      %cond3A = arith.constant 0 : i32
      %cond3A_1754 = arith.cmpi ne, %convert_element_type3A, %cond3A : i32
      scf.if %cond3A_1754 {
        %add3A_1890 = arith.constant 2 : i32
        %add3A_1891 = arith.addi %mul3A_814, %add3A_1890 : i32
        %mul3A_1892 = arith.constant 16 : i32
        %mul3A_1893 = arith.muli %add3A_1891, %mul3A_1892 : i32
        %get3A_1894 = arith.index_cast %mul3A_1893 : i32 to index
        %get3A_1895 = tpu.vector_load %arg8[%get3A_1894] {strides = array<i32>} : memref<512xi32, #tpu.memory_space<vmem>>, vector<16xi32>,
        %get3A_1896 = arith.index_cast %mul3A_1893 : i32 to index
        %get3A_1897 = tpu.vector_load %arg9[%get3A_1896] {strides = array<i32>} : memref<512xi32, #tpu.memory_space<vmem>>, vector<16xi32>,
        %get3A_1898 = arith.index_cast %mul3A_1893 : i32 to index
        %get3A_1899 = tpu.vector_load %arg10[%get3A_1898] {strides = array<i32>} : memref<512xi32, #tpu.memory_space<vmem>>, vector<16xi32>,
        %multiple_of3A_1900 = arith.constant 0 : i32
        %multiple_of3A_1901 = tpu.assume_multiple %multiple_of3A_1900, 8 : i32
        %slice3A_1902 = vector.extract_strided_slice %get3A_1895 {offsets = [0], sizes = [1], strides = [1]} : vector<16xi32> to vector<1xi32>
        %squeeze3A_1903 = vector.extract %slice3A_1902[0] : i32 from vector<1xi32>
        %shift_right_arithmetic3A_1904 = arith.constant 3 : i32
        %shift_right_arithmetic3A_1905 = arith.shrsi %squeeze3A_1903, %shift_right_arithmetic3A_1904 : i32
        %dma_start3A_1906 = arith.constant 0 : i32
        %dma_start3A_1907 = tpu.memref_slice %arg11[%multiple_of3A_1901, %dma_start3A_1906] : memref<128x64xf32, #tpu.memory_space<vmem>> -> memref<8x64xf32, #tpu.memory_space<vmem>>
        %dma_start3A_1908 = arith.constant 0 : i32
        %dma_start3A_1909 = arith.constant 0 : i32
        %dma_start3A_1910 = tpu.memref_slice %arg5[%shift_right_arithmetic3A_1905, %dma_start3A_1908, %dma_start3A_1909] : memref<125000x8x64xf32, #tpu.memory_space<hbm>> -> memref<1x8x64xf32, #tpu.memory_space<hbm>>
        %dma_start3A_1911 = tpu.memref_squeeze %dma_start3A_1910 : memref<1x8x64xf32, #tpu.memory_space<hbm>> -> memref<8x64xf32, #tpu.memory_space<hbm>>
        %dma_start3A_1912 = arith.constant 0 : i32
        %dma_start3A_1913 = tpu.memref_slice %arg11[%multiple_of3A_1901, %dma_start3A_1912] : memref<128x64xf32, #tpu.memory_space<vmem>> -> memref<8x64xf32, #tpu.memory_space<vmem>>
        %dma_start3A_1914 = arith.constant 0 : i32
        %dma_start3A_1915 = arith.constant 0 : i32
        %dma_start3A_1916 = tpu.memref_slice %arg5[%shift_right_arithmetic3A_1905, %dma_start3A_1914, %dma_start3A_1915] : memref<125000x8x64xf32, #tpu.memory_space<hbm>> -> memref<1x8x64xf32, #tpu.memory_space<hbm>>
        %dma_start3A_1917 = tpu.memref_squeeze %dma_start3A_1916 : memref<1x8x64xf32, #tpu.memory_space<hbm>> -> memref<8x64xf32, #tpu.memory_space<hbm>>
        tpu.enqueue_dma source(%dma_start3A_1917 : memref<8x64xf32, #tpu.memory_space<hbm>>) target(%dma_start3A_1913 : memref<8x64xf32, #tpu.memory_space<vmem>>) target_semaphore(%arg18 : memref<!tpu.dma_semaphore, #tpu.memory_space<semaphore_mem>>)
        %slice3A_1918 = vector.extract_strided_slice %get3A_1897 {offsets = [0], sizes = [1], strides = [1]} : vector<16xi32> to vector<1xi32>
        %squeeze3A_1919 = vector.extract %slice3A_1918[0] : i32 from vector<1xi32>
        %shift_right_arithmetic3A_1920 = arith.constant 3 : i32
        %shift_right_arithmetic3A_1921 = arith.shrsi %squeeze3A_1919, %shift_right_arithmetic3A_1920 : i32
        %dma_start3A_1922 = arith.constant 0 : i32
        %dma_start3A_1923 = tpu.memref_slice %arg12[%multiple_of3A_1901, %dma_start3A_1922] : memref<128x64xf32, #tpu.memory_space<vmem>> -> memref<8x64xf32, #tpu.memory_space<vmem>>
        %dma_start3A_1924 = arith.constant 0 : i32
        %dma_start3A_1925 = arith.constant 0 : i32
        %dma_start3A_1926 = tpu.memref_slice %arg6[%shift_right_arithmetic3A_1921, %dma_start3A_1924, %dma_start3A_1925] : memref<125x8x64xf32, #tpu.memory_space<hbm>> -> memref<1x8x64xf32, #tpu.memory_space<hbm>>
        %dma_start3A_1927 = tpu.memref_squeeze %dma_start3A_1926 : memref<1x8x64xf32, #tpu.memory_space<hbm>> -> memref<8x64xf32, #tpu.memory_space<hbm>>
        %dma_start3A_1928 = arith.constant 0 : i32
        %dma_start3A_1929 = tpu.memref_slice %arg12[%multiple_of3A_1901, %dma_start3A_1928] : memref<128x64xf32, #tpu.memory_space<vmem>> -> memref<8x64xf32, #tpu.memory_space<vmem>>
        %dma_start3A_1930 = arith.constant 0 : i32
        %dma_start3A_1931 = arith.constant 0 : i32
        %dma_start3A_1932 = tpu.memref_slice %arg6[%shift_right_arithmetic3A_1921, %dma_start3A_1930, %dma_start3A_1931] : memref<125x8x64xf32, #tpu.memory_space<hbm>> -> memref<1x8x64xf32, #tpu.memory_space<hbm>>
        %dma_start3A_1933 = tpu.memref_squeeze %dma_start3A_1932 : memref<1x8x64xf32, #tpu.memory_space<hbm>> -> memref<8x64xf32, #tpu.memory_space<hbm>>
        tpu.enqueue_dma source(%dma_start3A_1933 : memref<8x64xf32, #tpu.memory_space<hbm>>) target(%dma_start3A_1929 : memref<8x64xf32, #tpu.memory_space<vmem>>) target_semaphore(%arg18 : memref<!tpu.dma_semaphore, #tpu.memory_space<semaphore_mem>>)
        %slice3A_1934 = vector.extract_strided_slice %get3A_1899 {offsets = [0], sizes = [1], strides = [1]} : vector<16xi32> to vector<1xi32>
        %squeeze3A_1935 = vector.extract %slice3A_1934[0] : i32 from vector<1xi32>
        %shift_right_arithmetic3A_1936 = arith.constant 3 : i32
        %shift_right_arithmetic3A_1937 = arith.shrsi %squeeze3A_1935, %shift_right_arithmetic3A_1936 : i32
        %dma_start3A_1938 = arith.constant 0 : i32
        %dma_start3A_1939 = tpu.memref_slice %arg13[%multiple_of3A_1901, %dma_start3A_1938] : memref<128x64xf32, #tpu.memory_space<vmem>> -> memref<8x64xf32, #tpu.memory_space<vmem>>
        %dma_start3A_1940 = arith.constant 0 : i32
        %dma_start3A_1941 = arith.constant 0 : i32
        %dma_start3A_1942 = tpu.memref_slice %arg5[%shift_right_arithmetic3A_1937, %dma_start3A_1940, %dma_start3A_1941] : memref<125000x8x64xf32, #tpu.memory_space<hbm>> -> memref<1x8x64xf32, #tpu.memory_space<hbm>>
        %dma_start3A_1943 = tpu.memref_squeeze %dma_start3A_1942 : memref<1x8x64xf32, #tpu.memory_space<hbm>> -> memref<8x64xf32, #tpu.memory_space<hbm>>
        %dma_start3A_1944 = arith.constant 0 : i32
        %dma_start3A_1945 = tpu.memref_slice %arg13[%multiple_of3A_1901, %dma_start3A_1944] : memref<128x64xf32, #tpu.memory_space<vmem>> -> memref<8x64xf32, #tpu.memory_space<vmem>>
        %dma_start3A_1946 = arith.constant 0 : i32
        %dma_start3A_1947 = arith.constant 0 : i32
        %dma_start3A_1948 = tpu.memref_slice %arg5[%shift_right_arithmetic3A_1937, %dma_start3A_1946, %dma_start3A_1947] : memref<125000x8x64xf32, #tpu.memory_space<hbm>> -> memref<1x8x64xf32, #tpu.memory_space<hbm>>
        %dma_start3A_1949 = tpu.memref_squeeze %dma_start3A_1948 : memref<1x8x64xf32, #tpu.memory_space<hbm>> -> memref<8x64xf32, #tpu.memory_space<hbm>>
        tpu.enqueue_dma source(%dma_start3A_1949 : memref<8x64xf32, #tpu.memory_space<hbm>>) target(%dma_start3A_1945 : memref<8x64xf32, #tpu.memory_space<vmem>>) target_semaphore(%arg18 : memref<!tpu.dma_semaphore, #tpu.memory_space<semaphore_mem>>)
        %multiple_of3A_1950 = arith.constant 8 : i32
        %multiple_of3A_1951 = tpu.assume_multiple %multiple_of3A_1950, 8 : i32
        %slice3A_1952 = vector.extract_strided_slice %get3A_1895 {offsets = [1], sizes = [1], strides = [1]} : vector<16xi32> to vector<1xi32>
        %squeeze3A_1953 = vector.extract %slice3A_1952[0] : i32 from vector<1xi32>
        %shift_right_arithmetic3A_1954 = arith.constant 3 : i32
        %shift_right_arithmetic3A_1955 = arith.shrsi %squeeze3A_1953, %shift_right_arithmetic3A_1954 : i32
        %dma_start3A_1956 = arith.constant 0 : i32
        %dma_start3A_1957 = tpu.memref_slice %arg11[%multiple_of3A_1951, %dma_start3A_1956] : memref<128x64xf32, #tpu.memory_space<vmem>> -> memref<8x64xf32, #tpu.memory_space<vmem>>
        %dma_start3A_1958 = arith.constant 0 : i32
        %dma_start3A_1959 = arith.constant 0 : i32
        %dma_start3A_1960 = tpu.memref_slice %arg5[%shift_right_arithmetic3A_1955, %dma_start3A_1958, %dma_start3A_1959] : memref<125000x8x64xf32, #tpu.memory_space<hbm>> -> memref<1x8x64xf32, #tpu.memory_space<hbm>>
        %dma_start3A_1961 = tpu.memref_squeeze %dma_start3A_1960 : memref<1x8x64xf32, #tpu.memory_space<hbm>> -> memref<8x64xf32, #tpu.memory_space<hbm>>
        %dma_start3A_1962 = arith.constant 0 : i32
        %dma_start3A_1963 = tpu.memref_slice %arg11[%multiple_of3A_1951, %dma_start3A_1962] : memref<128x64xf32, #tpu.memory_space<vmem>> -> memref<8x64xf32, #tpu.memory_space<vmem>>
        %dma_start3A_1964 = arith.constant 0 : i32
        %dma_start3A_1965 = arith.constant 0 : i32
        %dma_start3A_1966 = tpu.memref_slice %arg5[%shift_right_arithmetic3A_1955, %dma_start3A_1964, %dma_start3A_1965] : memref<125000x8x64xf32, #tpu.memory_space<hbm>> -> memref<1x8x64xf32, #tpu.memory_space<hbm>>
        %dma_start3A_1967 = tpu.memref_squeeze %dma_start3A_1966 : memref<1x8x64xf32, #tpu.memory_space<hbm>> -> memref<8x64xf32, #tpu.memory_space<hbm>>
        tpu.enqueue_dma source(%dma_start3A_1967 : memref<8x64xf32, #tpu.memory_space<hbm>>) target(%dma_start3A_1963 : memref<8x64xf32, #tpu.memory_space<vmem>>) target_semaphore(%arg18 : memref<!tpu.dma_semaphore, #tpu.memory_space<semaphore_mem>>)
        %slice3A_1968 = vector.extract_strided_slice %get3A_1897 {offsets = [1], sizes = [1], strides = [1]} : vector<16xi32> to vector<1xi32>
        %squeeze3A_1969 = vector.extract %slice3A_1968[0] : i32 from vector<1xi32>
        %shift_right_arithmetic3A_1970 = arith.constant 3 : i32
        %shift_right_arithmetic3A_1971 = arith.shrsi %squeeze3A_1969, %shift_right_arithmetic3A_1970 : i32
        %dma_start3A_1972 = arith.constant 0 : i32
        %dma_start3A_1973 = tpu.memref_slice %arg12[%multiple_of3A_1951, %dma_start3A_1972] : memref<128x64xf32, #tpu.memory_space<vmem>> -> memref<8x64xf32, #tpu.memory_space<vmem>>
        %dma_start3A_1974 = arith.constant 0 : i32
        %dma_start3A_1975 = arith.constant 0 : i32
        %dma_start3A_1976 = tpu.memref_slice %arg6[%shift_right_arithmetic3A_1971, %dma_start3A_1974, %dma_start3A_1975] : memref<125x8x64xf32, #tpu.memory_space<hbm>> -> memref<1x8x64xf32, #tpu.memory_space<hbm>>
        %dma_start3A_1977 = tpu.memref_squeeze %dma_start3A_1976 : memref<1x8x64xf32, #tpu.memory_space<hbm>> -> memref<8x64xf32, #tpu.memory_space<hbm>>
        %dma_start3A_1978 = arith.constant 0 : i32
        %dma_start3A_1979 = tpu.memref_slice %arg12[%multiple_of3A_1951, %dma_start3A_1978] : memref<128x64xf32, #tpu.memory_space<vmem>> -> memref<8x64xf32, #tpu.memory_space<vmem>>
        %dma_start3A_1980 = arith.constant 0 : i32
        %dma_start3A_1981 = arith.constant 0 : i32
        %dma_start3A_1982 = tpu.memref_slice %arg6[%shift_right_arithmetic3A_1971, %dma_start3A_1980, %dma_start3A_1981] : memref<125x8x64xf32, #tpu.memory_space<hbm>> -> memref<1x8x64xf32, #tpu.memory_space<hbm>>
        %dma_start3A_1983 = tpu.memref_squeeze %dma_start3A_1982 : memref<1x8x64xf32, #tpu.memory_space<hbm>> -> memref<8x64xf32, #tpu.memory_space<hbm>>
        tpu.enqueue_dma source(%dma_start3A_1983 : memref<8x64xf32, #tpu.memory_space<hbm>>) target(%dma_start3A_1979 : memref<8x64xf32, #tpu.memory_space<vmem>>) target_semaphore(%arg18 : memref<!tpu.dma_semaphore, #tpu.memory_space<semaphore_mem>>)
        %slice3A_1984 = vector.extract_strided_slice %get3A_1899 {offsets = [1], sizes = [1], strides = [1]} : vector<16xi32> to vector<1xi32>
        %squeeze3A_1985 = vector.extract %slice3A_1984[0] : i32 from vector<1xi32>
        %shift_right_arithmetic3A_1986 = arith.constant 3 : i32
        %shift_right_arithmetic3A_1987 = arith.shrsi %squeeze3A_1985, %shift_right_arithmetic3A_1986 : i32
        %dma_start3A_1988 = arith.constant 0 : i32
        %dma_start3A_1989 = tpu.memref_slice %arg13[%multiple_of3A_1951, %dma_start3A_1988] : memref<128x64xf32, #tpu.memory_space<vmem>> -> memref<8x64xf32, #tpu.memory_space<vmem>>
        %dma_start3A_1990 = arith.constant 0 : i32
        %dma_start3A_1991 = arith.constant 0 : i32
        %dma_start3A_1992 = tpu.memref_slice %arg5[%shift_right_arithmetic3A_1987, %dma_start3A_1990, %dma_start3A_1991] : memref<125000x8x64xf32, #tpu.memory_space<hbm>> -> memref<1x8x64xf32, #tpu.memory_space<hbm>>
        %dma_start3A_1993 = tpu.memref_squeeze %dma_start3A_1992 : memref<1x8x64xf32, #tpu.memory_space<hbm>> -> memref<8x64xf32, #tpu.memory_space<hbm>>
        %dma_start3A_1994 = arith.constant 0 : i32
        %dma_start3A_1995 = tpu.memref_slice %arg13[%multiple_of3A_1951, %dma_start3A_1994] : memref<128x64xf32, #tpu.memory_space<vmem>> -> memref<8x64xf32, #tpu.memory_space<vmem>>
        %dma_start3A_1996 = arith.constant 0 : i32
        %dma_start3A_1997 = arith.constant 0 : i32
        %dma_start3A_1998 = tpu.memref_slice %arg5[%shift_right_arithmetic3A_1987, %dma_start3A_1996, %dma_start3A_1997] : memref<125000x8x64xf32, #tpu.memory_space<hbm>> -> memref<1x8x64xf32, #tpu.memory_space<hbm>>
        %dma_start3A_1999 = tpu.memref_squeeze %dma_start3A_1998 : memref<1x8x64xf32, #tpu.memory_space<hbm>> -> memref<8x64xf32, #tpu.memory_space<hbm>>
        tpu.enqueue_dma source(%dma_start3A_1999 : memref<8x64xf32, #tpu.memory_space<hbm>>) target(%dma_start3A_1995 : memref<8x64xf32, #tpu.memory_space<vmem>>) target_semaphore(%arg18 : memref<!tpu.dma_semaphore, #tpu.memory_space<semaphore_mem>>)
        %multiple_of3A_2000 = arith.constant 16 : i32
        %multiple_of3A_2001 = tpu.assume_multiple %multiple_of3A_2000, 8 : i32
        %slice3A_2002 = vector.extract_strided_slice %get3A_1895 {offsets = [2], sizes = [1], strides = [1]} : vector<16xi32> to vector<1xi32>
        %squeeze3A_2003 = vector.extract %slice3A_2002[0] : i32 from vector<1xi32>
        %shift_right_arithmetic3A_2004 = arith.constant 3 : i32
        %shift_right_arithmetic3A_2005 = arith.shrsi %squeeze3A_2003, %shift_right_arithmetic3A_2004 : i32
        %dma_start3A_2006 = arith.constant 0 : i32
        %dma_start3A_2007 = tpu.memref_slice %arg11[%multiple_of3A_2001, %dma_start3A_2006] : memref<128x64xf32, #tpu.memory_space<vmem>> -> memref<8x64xf32, #tpu.memory_space<vmem>>
        %dma_start3A_2008 = arith.constant 0 : i32
        %dma_start3A_2009 = arith.constant 0 : i32
        %dma_start3A_2010 = tpu.memref_slice %arg5[%shift_right_arithmetic3A_2005, %dma_start3A_2008, %dma_start3A_2009] : memref<125000x8x64xf32, #tpu.memory_space<hbm>> -> memref<1x8x64xf32, #tpu.memory_space<hbm>>
        %dma_start3A_2011 = tpu.memref_squeeze %dma_start3A_2010 : memref<1x8x64xf32, #tpu.memory_space<hbm>> -> memref<8x64xf32, #tpu.memory_space<hbm>>
        %dma_start3A_2012 = arith.constant 0 : i32
        %dma_start3A_2013 = tpu.memref_slice %arg11[%multiple_of3A_2001, %dma_start3A_2012] : memref<128x64xf32, #tpu.memory_space<vmem>> -> memref<8x64xf32, #tpu.memory_space<vmem>>
        %dma_start3A_2014 = arith.constant 0 : i32
        %dma_start3A_2015 = arith.constant 0 : i32
        %dma_start3A_2016 = tpu.memref_slice %arg5[%shift_right_arithmetic3A_2005, %dma_start3A_2014, %dma_start3A_2015] : memref<125000x8x64xf32, #tpu.memory_space<hbm>> -> memref<1x8x64xf32, #tpu.memory_space<hbm>>
        %dma_start3A_2017 = tpu.memref_squeeze %dma_start3A_2016 : memref<1x8x64xf32, #tpu.memory_space<hbm>> -> memref<8x64xf32, #tpu.memory_space<hbm>>
        tpu.enqueue_dma source(%dma_start3A_2017 : memref<8x64xf32, #tpu.memory_space<hbm>>) target(%dma_start3A_2013 : memref<8x64xf32, #tpu.memory_space<vmem>>) target_semaphore(%arg18 : memref<!tpu.dma_semaphore, #tpu.memory_space<semaphore_mem>>)
        %slice3A_2018 = vector.extract_strided_slice %get3A_1897 {offsets = [2], sizes = [1], strides = [1]} : vector<16xi32> to vector<1xi32>
        %squeeze3A_2019 = vector.extract %slice3A_2018[0] : i32 from vector<1xi32>
        %shift_right_arithmetic3A_2020 = arith.constant 3 : i32
        %shift_right_arithmetic3A_2021 = arith.shrsi %squeeze3A_2019, %shift_right_arithmetic3A_2020 : i32
        %dma_start3A_2022 = arith.constant 0 : i32
        %dma_start3A_2023 = tpu.memref_slice %arg12[%multiple_of3A_2001, %dma_start3A_2022] : memref<128x64xf32, #tpu.memory_space<vmem>> -> memref<8x64xf32, #tpu.memory_space<vmem>>
        %dma_start3A_2024 = arith.constant 0 : i32
        %dma_start3A_2025 = arith.constant 0 : i32
        %dma_start3A_2026 = tpu.memref_slice %arg6[%shift_right_arithmetic3A_2021, %dma_start3A_2024, %dma_start3A_2025] : memref<125x8x64xf32, #tpu.memory_space<hbm>> -> memref<1x8x64xf32, #tpu.memory_space<hbm>>
        %dma_start3A_2027 = tpu.memref_squeeze %dma_start3A_2026 : memref<1x8x64xf32, #tpu.memory_space<hbm>> -> memref<8x64xf32, #tpu.memory_space<hbm>>
        %dma_start3A_2028 = arith.constant 0 : i32
        %dma_start3A_2029 = tpu.memref_slice %arg12[%multiple_of3A_2001, %dma_start3A_2028] : memref<128x64xf32, #tpu.memory_space<vmem>> -> memref<8x64xf32, #tpu.memory_space<vmem>>
        %dma_start3A_2030 = arith.constant 0 : i32
        %dma_start3A_2031 = arith.constant 0 : i32
        %dma_start3A_2032 = tpu.memref_slice %arg6[%shift_right_arithmetic3A_2021, %dma_start3A_2030, %dma_start3A_2031] : memref<125x8x64xf32, #tpu.memory_space<hbm>> -> memref<1x8x64xf32, #tpu.memory_space<hbm>>
        %dma_start3A_2033 = tpu.memref_squeeze %dma_start3A_2032 : memref<1x8x64xf32, #tpu.memory_space<hbm>> -> memref<8x64xf32, #tpu.memory_space<hbm>>
        tpu.enqueue_dma source(%dma_start3A_2033 : memref<8x64xf32, #tpu.memory_space<hbm>>) target(%dma_start3A_2029 : memref<8x64xf32, #tpu.memory_space<vmem>>) target_semaphore(%arg18 : memref<!tpu.dma_semaphore, #tpu.memory_space<semaphore_mem>>)
        %slice3A_2034 = vector.extract_strided_slice %get3A_1899 {offsets = [2], sizes = [1], strides = [1]} : vector<16xi32> to vector<1xi32>
        %squeeze3A_2035 = vector.extract %slice3A_2034[0] : i32 from vector<1xi32>
        %shift_right_arithmetic3A_2036 = arith.constant 3 : i32
        %shift_right_arithmetic3A_2037 = arith.shrsi %squeeze3A_2035, %shift_right_arithmetic3A_2036 : i32
        %dma_start3A_2038 = arith.constant 0 : i32
        %dma_start3A_2039 = tpu.memref_slice %arg13[%multiple_of3A_2001, %dma_start3A_2038] : memref<128x64xf32, #tpu.memory_space<vmem>> -> memref<8x64xf32, #tpu.memory_space<vmem>>
        %dma_start3A_2040 = arith.constant 0 : i32
        %dma_start3A_2041 = arith.constant 0 : i32
        %dma_start3A_2042 = tpu.memref_slice %arg5[%shift_right_arithmetic3A_2037, %dma_start3A_2040, %dma_start3A_2041] : memref<125000x8x64xf32, #tpu.memory_space<hbm>> -> memref<1x8x64xf32, #tpu.memory_space<hbm>>
        %dma_start3A_2043 = tpu.memref_squeeze %dma_start3A_2042 : memref<1x8x64xf32, #tpu.memory_space<hbm>> -> memref<8x64xf32, #tpu.memory_space<hbm>>
        %dma_start3A_2044 = arith.constant 0 : i32
        %dma_start3A_2045 = tpu.memref_slice %arg13[%multiple_of3A_2001, %dma_start3A_2044] : memref<128x64xf32, #tpu.memory_space<vmem>> -> memref<8x64xf32, #tpu.memory_space<vmem>>
        %dma_start3A_2046 = arith.constant 0 : i32
        %dma_start3A_2047 = arith.constant 0 : i32
        %dma_start3A_2048 = tpu.memref_slice %arg5[%shift_right_arithmetic3A_2037, %dma_start3A_2046, %dma_start3A_2047] : memref<125000x8x64xf32, #tpu.memory_space<hbm>> -> memref<1x8x64xf32, #tpu.memory_space<hbm>>
        %dma_start3A_2049 = tpu.memref_squeeze %dma_start3A_2048 : memref<1x8x64xf32, #tpu.memory_space<hbm>> -> memref<8x64xf32, #tpu.memory_space<hbm>>
        tpu.enqueue_dma source(%dma_start3A_2049 : memref<8x64xf32, #tpu.memory_space<hbm>>) target(%dma_start3A_2045 : memref<8x64xf32, #tpu.memory_space<vmem>>) target_semaphore(%arg18 : memref<!tpu.dma_semaphore, #tpu.memory_space<semaphore_mem>>)
        %multiple_of3A_2050 = arith.constant 24 : i32
        %multiple_of3A_2051 = tpu.assume_multiple %multiple_of3A_2050, 8 : i32
        %slice3A_2052 = vector.extract_strided_slice %get3A_1895 {offsets = [3], sizes = [1], strides = [1]} : vector<16xi32> to vector<1xi32>
        %squeeze3A_2053 = vector.extract %slice3A_2052[0] : i32 from vector<1xi32>
        %shift_right_arithmetic3A_2054 = arith.constant 3 : i32
        %shift_right_arithmetic3A_2055 = arith.shrsi %squeeze3A_2053, %shift_right_arithmetic3A_2054 : i32
        %dma_start3A_2056 = arith.constant 0 : i32
        %dma_start3A_2057 = tpu.memref_slice %arg11[%multiple_of3A_2051, %dma_start3A_2056] : memref<128x64xf32, #tpu.memory_space<vmem>> -> memref<8x64xf32, #tpu.memory_space<vmem>>
        %dma_start3A_2058 = arith.constant 0 : i32
        %dma_start3A_2059 = arith.constant 0 : i32
        %dma_start3A_2060 = tpu.memref_slice %arg5[%shift_right_arithmetic3A_2055, %dma_start3A_2058, %dma_start3A_2059] : memref<125000x8x64xf32, #tpu.memory_space<hbm>> -> memref<1x8x64xf32, #tpu.memory_space<hbm>>
        %dma_start3A_2061 = tpu.memref_squeeze %dma_start3A_2060 : memref<1x8x64xf32, #tpu.memory_space<hbm>> -> memref<8x64xf32, #tpu.memory_space<hbm>>
        %dma_start3A_2062 = arith.constant 0 : i32
        %dma_start3A_2063 = tpu.memref_slice %arg11[%multiple_of3A_2051, %dma_start3A_2062] : memref<128x64xf32, #tpu.memory_space<vmem>> -> memref<8x64xf32, #tpu.memory_space<vmem>>
        %dma_start3A_2064 = arith.constant 0 : i32
        %dma_start3A_2065 = arith.constant 0 : i32
        %dma_start3A_2066 = tpu.memref_slice %arg5[%shift_right_arithmetic3A_2055, %dma_start3A_2064, %dma_start3A_2065] : memref<125000x8x64xf32, #tpu.memory_space<hbm>> -> memref<1x8x64xf32, #tpu.memory_space<hbm>>
        %dma_start3A_2067 = tpu.memref_squeeze %dma_start3A_2066 : memref<1x8x64xf32, #tpu.memory_space<hbm>> -> memref<8x64xf32, #tpu.memory_space<hbm>>
        tpu.enqueue_dma source(%dma_start3A_2067 : memref<8x64xf32, #tpu.memory_space<hbm>>) target(%dma_start3A_2063 : memref<8x64xf32, #tpu.memory_space<vmem>>) target_semaphore(%arg18 : memref<!tpu.dma_semaphore, #tpu.memory_space<semaphore_mem>>)
        %slice3A_2068 = vector.extract_strided_slice %get3A_1897 {offsets = [3], sizes = [1], strides = [1]} : vector<16xi32> to vector<1xi32>
        %squeeze3A_2069 = vector.extract %slice3A_2068[0] : i32 from vector<1xi32>
        %shift_right_arithmetic3A_2070 = arith.constant 3 : i32
        %shift_right_arithmetic3A_2071 = arith.shrsi %squeeze3A_2069, %shift_right_arithmetic3A_2070 : i32
        %dma_start3A_2072 = arith.constant 0 : i32
        %dma_start3A_2073 = tpu.memref_slice %arg12[%multiple_of3A_2051, %dma_start3A_2072] : memref<128x64xf32, #tpu.memory_space<vmem>> -> memref<8x64xf32, #tpu.memory_space<vmem>>
        %dma_start3A_2074 = arith.constant 0 : i32
        %dma_start3A_2075 = arith.constant 0 : i32
        %dma_start3A_2076 = tpu.memref_slice %arg6[%shift_right_arithmetic3A_2071, %dma_start3A_2074, %dma_start3A_2075] : memref<125x8x64xf32, #tpu.memory_space<hbm>> -> memref<1x8x64xf32, #tpu.memory_space<hbm>>
        %dma_start3A_2077 = tpu.memref_squeeze %dma_start3A_2076 : memref<1x8x64xf32, #tpu.memory_space<hbm>> -> memref<8x64xf32, #tpu.memory_space<hbm>>
        %dma_start3A_2078 = arith.constant 0 : i32
        %dma_start3A_2079 = tpu.memref_slice %arg12[%multiple_of3A_2051, %dma_start3A_2078] : memref<128x64xf32, #tpu.memory_space<vmem>> -> memref<8x64xf32, #tpu.memory_space<vmem>>
        %dma_start3A_2080 = arith.constant 0 : i32
        %dma_start3A_2081 = arith.constant 0 : i32
        %dma_start3A_2082 = tpu.memref_slice %arg6[%shift_right_arithmetic3A_2071, %dma_start3A_2080, %dma_start3A_2081] : memref<125x8x64xf32, #tpu.memory_space<hbm>> -> memref<1x8x64xf32, #tpu.memory_space<hbm>>
        %dma_start3A_2083 = tpu.memref_squeeze %dma_start3A_2082 : memref<1x8x64xf32, #tpu.memory_space<hbm>> -> memref<8x64xf32, #tpu.memory_space<hbm>>
        tpu.enqueue_dma source(%dma_start3A_2083 : memref<8x64xf32, #tpu.memory_space<hbm>>) target(%dma_start3A_2079 : memref<8x64xf32, #tpu.memory_space<vmem>>) target_semaphore(%arg18 : memref<!tpu.dma_semaphore, #tpu.memory_space<semaphore_mem>>)
        %slice3A_2084 = vector.extract_strided_slice %get3A_1899 {offsets = [3], sizes = [1], strides = [1]} : vector<16xi32> to vector<1xi32>
        %squeeze3A_2085 = vector.extract %slice3A_2084[0] : i32 from vector<1xi32>
        %shift_right_arithmetic3A_2086 = arith.constant 3 : i32
        %shift_right_arithmetic3A_2087 = arith.shrsi %squeeze3A_2085, %shift_right_arithmetic3A_2086 : i32
        %dma_start3A_2088 = arith.constant 0 : i32
        %dma_start3A_2089 = tpu.memref_slice %arg13[%multiple_of3A_2051, %dma_start3A_2088] : memref<128x64xf32, #tpu.memory_space<vmem>> -> memref<8x64xf32, #tpu.memory_space<vmem>>
        %dma_start3A_2090 = arith.constant 0 : i32
        %dma_start3A_2091 = arith.constant 0 : i32
        %dma_start3A_2092 = tpu.memref_slice %arg5[%shift_right_arithmetic3A_2087, %dma_start3A_2090, %dma_start3A_2091] : memref<125000x8x64xf32, #tpu.memory_space<hbm>> -> memref<1x8x64xf32, #tpu.memory_space<hbm>>
        %dma_start3A_2093 = tpu.memref_squeeze %dma_start3A_2092 : memref<1x8x64xf32, #tpu.memory_space<hbm>> -> memref<8x64xf32, #tpu.memory_space<hbm>>
        %dma_start3A_2094 = arith.constant 0 : i32
        %dma_start3A_2095 = tpu.memref_slice %arg13[%multiple_of3A_2051, %dma_start3A_2094] : memref<128x64xf32, #tpu.memory_space<vmem>> -> memref<8x64xf32, #tpu.memory_space<vmem>>
        %dma_start3A_2096 = arith.constant 0 : i32
        %dma_start3A_2097 = arith.constant 0 : i32
        %dma_start3A_2098 = tpu.memref_slice %arg5[%shift_right_arithmetic3A_2087, %dma_start3A_2096, %dma_start3A_2097] : memref<125000x8x64xf32, #tpu.memory_space<hbm>> -> memref<1x8x64xf32, #tpu.memory_space<hbm>>
        %dma_start3A_2099 = tpu.memref_squeeze %dma_start3A_2098 : memref<1x8x64xf32, #tpu.memory_space<hbm>> -> memref<8x64xf32, #tpu.memory_space<hbm>>
        tpu.enqueue_dma source(%dma_start3A_2099 : memref<8x64xf32, #tpu.memory_space<hbm>>) target(%dma_start3A_2095 : memref<8x64xf32, #tpu.memory_space<vmem>>) target_semaphore(%arg18 : memref<!tpu.dma_semaphore, #tpu.memory_space<semaphore_mem>>)
        %multiple_of3A_2100 = arith.constant 32 : i32
        %multiple_of3A_2101 = tpu.assume_multiple %multiple_of3A_2100, 8 : i32
        %slice3A_2102 = vector.extract_strided_slice %get3A_1895 {offsets = [4], sizes = [1], strides = [1]} : vector<16xi32> to vector<1xi32>
        %squeeze3A_2103 = vector.extract %slice3A_2102[0] : i32 from vector<1xi32>
        %shift_right_arithmetic3A_2104 = arith.constant 3 : i32
        %shift_right_arithmetic3A_2105 = arith.shrsi %squeeze3A_2103, %shift_right_arithmetic3A_2104 : i32
        %dma_start3A_2106 = arith.constant 0 : i32
        %dma_start3A_2107 = tpu.memref_slice %arg11[%multiple_of3A_2101, %dma_start3A_2106] : memref<128x64xf32, #tpu.memory_space<vmem>> -> memref<8x64xf32, #tpu.memory_space<vmem>>
        %dma_start3A_2108 = arith.constant 0 : i32
        %dma_start3A_2109 = arith.constant 0 : i32
        %dma_start3A_2110 = tpu.memref_slice %arg5[%shift_right_arithmetic3A_2105, %dma_start3A_2108, %dma_start3A_2109] : memref<125000x8x64xf32, #tpu.memory_space<hbm>> -> memref<1x8x64xf32, #tpu.memory_space<hbm>>
        %dma_start3A_2111 = tpu.memref_squeeze %dma_start3A_2110 : memref<1x8x64xf32, #tpu.memory_space<hbm>> -> memref<8x64xf32, #tpu.memory_space<hbm>>
        %dma_start3A_2112 = arith.constant 0 : i32
        %dma_start3A_2113 = tpu.memref_slice %arg11[%multiple_of3A_2101, %dma_start3A_2112] : memref<128x64xf32, #tpu.memory_space<vmem>> -> memref<8x64xf32, #tpu.memory_space<vmem>>
        %dma_start3A_2114 = arith.constant 0 : i32
        %dma_start3A_2115 = arith.constant 0 : i32
        %dma_start3A_2116 = tpu.memref_slice %arg5[%shift_right_arithmetic3A_2105, %dma_start3A_2114, %dma_start3A_2115] : memref<125000x8x64xf32, #tpu.memory_space<hbm>> -> memref<1x8x64xf32, #tpu.memory_space<hbm>>
        %dma_start3A_2117 = tpu.memref_squeeze %dma_start3A_2116 : memref<1x8x64xf32, #tpu.memory_space<hbm>> -> memref<8x64xf32, #tpu.memory_space<hbm>>
        tpu.enqueue_dma source(%dma_start3A_2117 : memref<8x64xf32, #tpu.memory_space<hbm>>) target(%dma_start3A_2113 : memref<8x64xf32, #tpu.memory_space<vmem>>) target_semaphore(%arg18 : memref<!tpu.dma_semaphore, #tpu.memory_space<semaphore_mem>>)
        %slice3A_2118 = vector.extract_strided_slice %get3A_1897 {offsets = [4], sizes = [1], strides = [1]} : vector<16xi32> to vector<1xi32>
        %squeeze3A_2119 = vector.extract %slice3A_2118[0] : i32 from vector<1xi32>
        %shift_right_arithmetic3A_2120 = arith.constant 3 : i32
        %shift_right_arithmetic3A_2121 = arith.shrsi %squeeze3A_2119, %shift_right_arithmetic3A_2120 : i32
        %dma_start3A_2122 = arith.constant 0 : i32
        %dma_start3A_2123 = tpu.memref_slice %arg12[%multiple_of3A_2101, %dma_start3A_2122] : memref<128x64xf32, #tpu.memory_space<vmem>> -> memref<8x64xf32, #tpu.memory_space<vmem>>
        %dma_start3A_2124 = arith.constant 0 : i32
        %dma_start3A_2125 = arith.constant 0 : i32
        %dma_start3A_2126 = tpu.memref_slice %arg6[%shift_right_arithmetic3A_2121, %dma_start3A_2124, %dma_start3A_2125] : memref<125x8x64xf32, #tpu.memory_space<hbm>> -> memref<1x8x64xf32, #tpu.memory_space<hbm>>
        %dma_start3A_2127 = tpu.memref_squeeze %dma_start3A_2126 : memref<1x8x64xf32, #tpu.memory_space<hbm>> -> memref<8x64xf32, #tpu.memory_space<hbm>>
        %dma_start3A_2128 = arith.constant 0 : i32
        %dma_start3A_2129 = tpu.memref_slice %arg12[%multiple_of3A_2101, %dma_start3A_2128] : memref<128x64xf32, #tpu.memory_space<vmem>> -> memref<8x64xf32, #tpu.memory_space<vmem>>
        %dma_start3A_2130 = arith.constant 0 : i32
        %dma_start3A_2131 = arith.constant 0 : i32
        %dma_start3A_2132 = tpu.memref_slice %arg6[%shift_right_arithmetic3A_2121, %dma_start3A_2130, %dma_start3A_2131] : memref<125x8x64xf32, #tpu.memory_space<hbm>> -> memref<1x8x64xf32, #tpu.memory_space<hbm>>
        %dma_start3A_2133 = tpu.memref_squeeze %dma_start3A_2132 : memref<1x8x64xf32, #tpu.memory_space<hbm>> -> memref<8x64xf32, #tpu.memory_space<hbm>>
        tpu.enqueue_dma source(%dma_start3A_2133 : memref<8x64xf32, #tpu.memory_space<hbm>>) target(%dma_start3A_2129 : memref<8x64xf32, #tpu.memory_space<vmem>>) target_semaphore(%arg18 : memref<!tpu.dma_semaphore, #tpu.memory_space<semaphore_mem>>)
        %slice3A_2134 = vector.extract_strided_slice %get3A_1899 {offsets = [4], sizes = [1], strides = [1]} : vector<16xi32> to vector<1xi32>
        %squeeze3A_2135 = vector.extract %slice3A_2134[0] : i32 from vector<1xi32>
        %shift_right_arithmetic3A_2136 = arith.constant 3 : i32
        %shift_right_arithmetic3A_2137 = arith.shrsi %squeeze3A_2135, %shift_right_arithmetic3A_2136 : i32
        %dma_start3A_2138 = arith.constant 0 : i32
        %dma_start3A_2139 = tpu.memref_slice %arg13[%multiple_of3A_2101, %dma_start3A_2138] : memref<128x64xf32, #tpu.memory_space<vmem>> -> memref<8x64xf32, #tpu.memory_space<vmem>>
        %dma_start3A_2140 = arith.constant 0 : i32
        %dma_start3A_2141 = arith.constant 0 : i32
        %dma_start3A_2142 = tpu.memref_slice %arg5[%shift_right_arithmetic3A_2137, %dma_start3A_2140, %dma_start3A_2141] : memref<125000x8x64xf32, #tpu.memory_space<hbm>> -> memref<1x8x64xf32, #tpu.memory_space<hbm>>
        %dma_start3A_2143 = tpu.memref_squeeze %dma_start3A_2142 : memref<1x8x64xf32, #tpu.memory_space<hbm>> -> memref<8x64xf32, #tpu.memory_space<hbm>>
        %dma_start3A_2144 = arith.constant 0 : i32
        %dma_start3A_2145 = tpu.memref_slice %arg13[%multiple_of3A_2101, %dma_start3A_2144] : memref<128x64xf32, #tpu.memory_space<vmem>> -> memref<8x64xf32, #tpu.memory_space<vmem>>
        %dma_start3A_2146 = arith.constant 0 : i32
        %dma_start3A_2147 = arith.constant 0 : i32
        %dma_start3A_2148 = tpu.memref_slice %arg5[%shift_right_arithmetic3A_2137, %dma_start3A_2146, %dma_start3A_2147] : memref<125000x8x64xf32, #tpu.memory_space<hbm>> -> memref<1x8x64xf32, #tpu.memory_space<hbm>>
        %dma_start3A_2149 = tpu.memref_squeeze %dma_start3A_2148 : memref<1x8x64xf32, #tpu.memory_space<hbm>> -> memref<8x64xf32, #tpu.memory_space<hbm>>
        tpu.enqueue_dma source(%dma_start3A_2149 : memref<8x64xf32, #tpu.memory_space<hbm>>) target(%dma_start3A_2145 : memref<8x64xf32, #tpu.memory_space<vmem>>) target_semaphore(%arg18 : memref<!tpu.dma_semaphore, #tpu.memory_space<semaphore_mem>>)
        %multiple_of3A_2150 = arith.constant 40 : i32
        %multiple_of3A_2151 = tpu.assume_multiple %multiple_of3A_2150, 8 : i32
        %slice3A_2152 = vector.extract_strided_slice %get3A_1895 {offsets = [5], sizes = [1], strides = [1]} : vector<16xi32> to vector<1xi32>
        %squeeze3A_2153 = vector.extract %slice3A_2152[0] : i32 from vector<1xi32>
        %shift_right_arithmetic3A_2154 = arith.constant 3 : i32
        %shift_right_arithmetic3A_2155 = arith.shrsi %squeeze3A_2153, %shift_right_arithmetic3A_2154 : i32
        %dma_start3A_2156 = arith.constant 0 : i32
        %dma_start3A_2157 = tpu.memref_slice %arg11[%multiple_of3A_2151, %dma_start3A_2156] : memref<128x64xf32, #tpu.memory_space<vmem>> -> memref<8x64xf32, #tpu.memory_space<vmem>>
        %dma_start3A_2158 = arith.constant 0 : i32
        %dma_start3A_2159 = arith.constant 0 : i32
        %dma_start3A_2160 = tpu.memref_slice %arg5[%shift_right_arithmetic3A_2155, %dma_start3A_2158, %dma_start3A_2159] : memref<125000x8x64xf32, #tpu.memory_space<hbm>> -> memref<1x8x64xf32, #tpu.memory_space<hbm>>
        %dma_start3A_2161 = tpu.memref_squeeze %dma_start3A_2160 : memref<1x8x64xf32, #tpu.memory_space<hbm>> -> memref<8x64xf32, #tpu.memory_space<hbm>>
        %dma_start3A_2162 = arith.constant 0 : i32
        %dma_start3A_2163 = tpu.memref_slice %arg11[%multiple_of3A_2151, %dma_start3A_2162] : memref<128x64xf32, #tpu.memory_space<vmem>> -> memref<8x64xf32, #tpu.memory_space<vmem>>
        %dma_start3A_2164 = arith.constant 0 : i32
        %dma_start3A_2165 = arith.constant 0 : i32
        %dma_start3A_2166 = tpu.memref_slice %arg5[%shift_right_arithmetic3A_2155, %dma_start3A_2164, %dma_start3A_2165] : memref<125000x8x64xf32, #tpu.memory_space<hbm>> -> memref<1x8x64xf32, #tpu.memory_space<hbm>>
        %dma_start3A_2167 = tpu.memref_squeeze %dma_start3A_2166 : memref<1x8x64xf32, #tpu.memory_space<hbm>> -> memref<8x64xf32, #tpu.memory_space<hbm>>
        tpu.enqueue_dma source(%dma_start3A_2167 : memref<8x64xf32, #tpu.memory_space<hbm>>) target(%dma_start3A_2163 : memref<8x64xf32, #tpu.memory_space<vmem>>) target_semaphore(%arg18 : memref<!tpu.dma_semaphore, #tpu.memory_space<semaphore_mem>>)
        %slice3A_2168 = vector.extract_strided_slice %get3A_1897 {offsets = [5], sizes = [1], strides = [1]} : vector<16xi32> to vector<1xi32>
        %squeeze3A_2169 = vector.extract %slice3A_2168[0] : i32 from vector<1xi32>
        %shift_right_arithmetic3A_2170 = arith.constant 3 : i32
        %shift_right_arithmetic3A_2171 = arith.shrsi %squeeze3A_2169, %shift_right_arithmetic3A_2170 : i32
        %dma_start3A_2172 = arith.constant 0 : i32
        %dma_start3A_2173 = tpu.memref_slice %arg12[%multiple_of3A_2151, %dma_start3A_2172] : memref<128x64xf32, #tpu.memory_space<vmem>> -> memref<8x64xf32, #tpu.memory_space<vmem>>
        %dma_start3A_2174 = arith.constant 0 : i32
        %dma_start3A_2175 = arith.constant 0 : i32
        %dma_start3A_2176 = tpu.memref_slice %arg6[%shift_right_arithmetic3A_2171, %dma_start3A_2174, %dma_start3A_2175] : memref<125x8x64xf32, #tpu.memory_space<hbm>> -> memref<1x8x64xf32, #tpu.memory_space<hbm>>
        %dma_start3A_2177 = tpu.memref_squeeze %dma_start3A_2176 : memref<1x8x64xf32, #tpu.memory_space<hbm>> -> memref<8x64xf32, #tpu.memory_space<hbm>>
        %dma_start3A_2178 = arith.constant 0 : i32
        %dma_start3A_2179 = tpu.memref_slice %arg12[%multiple_of3A_2151, %dma_start3A_2178] : memref<128x64xf32, #tpu.memory_space<vmem>> -> memref<8x64xf32, #tpu.memory_space<vmem>>
        %dma_start3A_2180 = arith.constant 0 : i32
        %dma_start3A_2181 = arith.constant 0 : i32
        %dma_start3A_2182 = tpu.memref_slice %arg6[%shift_right_arithmetic3A_2171, %dma_start3A_2180, %dma_start3A_2181] : memref<125x8x64xf32, #tpu.memory_space<hbm>> -> memref<1x8x64xf32, #tpu.memory_space<hbm>>
        %dma_start3A_2183 = tpu.memref_squeeze %dma_start3A_2182 : memref<1x8x64xf32, #tpu.memory_space<hbm>> -> memref<8x64xf32, #tpu.memory_space<hbm>>
        tpu.enqueue_dma source(%dma_start3A_2183 : memref<8x64xf32, #tpu.memory_space<hbm>>) target(%dma_start3A_2179 : memref<8x64xf32, #tpu.memory_space<vmem>>) target_semaphore(%arg18 : memref<!tpu.dma_semaphore, #tpu.memory_space<semaphore_mem>>)
        %slice3A_2184 = vector.extract_strided_slice %get3A_1899 {offsets = [5], sizes = [1], strides = [1]} : vector<16xi32> to vector<1xi32>
        %squeeze3A_2185 = vector.extract %slice3A_2184[0] : i32 from vector<1xi32>
        %shift_right_arithmetic3A_2186 = arith.constant 3 : i32
        %shift_right_arithmetic3A_2187 = arith.shrsi %squeeze3A_2185, %shift_right_arithmetic3A_2186 : i32
        %dma_start3A_2188 = arith.constant 0 : i32
        %dma_start3A_2189 = tpu.memref_slice %arg13[%multiple_of3A_2151, %dma_start3A_2188] : memref<128x64xf32, #tpu.memory_space<vmem>> -> memref<8x64xf32, #tpu.memory_space<vmem>>
        %dma_start3A_2190 = arith.constant 0 : i32
        %dma_start3A_2191 = arith.constant 0 : i32
        %dma_start3A_2192 = tpu.memref_slice %arg5[%shift_right_arithmetic3A_2187, %dma_start3A_2190, %dma_start3A_2191] : memref<125000x8x64xf32, #tpu.memory_space<hbm>> -> memref<1x8x64xf32, #tpu.memory_space<hbm>>
        %dma_start3A_2193 = tpu.memref_squeeze %dma_start3A_2192 : memref<1x8x64xf32, #tpu.memory_space<hbm>> -> memref<8x64xf32, #tpu.memory_space<hbm>>
        %dma_start3A_2194 = arith.constant 0 : i32
        %dma_start3A_2195 = tpu.memref_slice %arg13[%multiple_of3A_2151, %dma_start3A_2194] : memref<128x64xf32, #tpu.memory_space<vmem>> -> memref<8x64xf32, #tpu.memory_space<vmem>>
        %dma_start3A_2196 = arith.constant 0 : i32
        %dma_start3A_2197 = arith.constant 0 : i32
        %dma_start3A_2198 = tpu.memref_slice %arg5[%shift_right_arithmetic3A_2187, %dma_start3A_2196, %dma_start3A_2197] : memref<125000x8x64xf32, #tpu.memory_space<hbm>> -> memref<1x8x64xf32, #tpu.memory_space<hbm>>
        %dma_start3A_2199 = tpu.memref_squeeze %dma_start3A_2198 : memref<1x8x64xf32, #tpu.memory_space<hbm>> -> memref<8x64xf32, #tpu.memory_space<hbm>>
        tpu.enqueue_dma source(%dma_start3A_2199 : memref<8x64xf32, #tpu.memory_space<hbm>>) target(%dma_start3A_2195 : memref<8x64xf32, #tpu.memory_space<vmem>>) target_semaphore(%arg18 : memref<!tpu.dma_semaphore, #tpu.memory_space<semaphore_mem>>)
        %multiple_of3A_2200 = arith.constant 48 : i32
        %multiple_of3A_2201 = tpu.assume_multiple %multiple_of3A_2200, 8 : i32
        %slice3A_2202 = vector.extract_strided_slice %get3A_1895 {offsets = [6], sizes = [1], strides = [1]} : vector<16xi32> to vector<1xi32>
        %squeeze3A_2203 = vector.extract %slice3A_2202[0] : i32 from vector<1xi32>
        %shift_right_arithmetic3A_2204 = arith.constant 3 : i32
        %shift_right_arithmetic3A_2205 = arith.shrsi %squeeze3A_2203, %shift_right_arithmetic3A_2204 : i32
        %dma_start3A_2206 = arith.constant 0 : i32
        %dma_start3A_2207 = tpu.memref_slice %arg11[%multiple_of3A_2201, %dma_start3A_2206] : memref<128x64xf32, #tpu.memory_space<vmem>> -> memref<8x64xf32, #tpu.memory_space<vmem>>
        %dma_start3A_2208 = arith.constant 0 : i32
        %dma_start3A_2209 = arith.constant 0 : i32
        %dma_start3A_2210 = tpu.memref_slice %arg5[%shift_right_arithmetic3A_2205, %dma_start3A_2208, %dma_start3A_2209] : memref<125000x8x64xf32, #tpu.memory_space<hbm>> -> memref<1x8x64xf32, #tpu.memory_space<hbm>>
        %dma_start3A_2211 = tpu.memref_squeeze %dma_start3A_2210 : memref<1x8x64xf32, #tpu.memory_space<hbm>> -> memref<8x64xf32, #tpu.memory_space<hbm>>
        %dma_start3A_2212 = arith.constant 0 : i32
        %dma_start3A_2213 = tpu.memref_slice %arg11[%multiple_of3A_2201, %dma_start3A_2212] : memref<128x64xf32, #tpu.memory_space<vmem>> -> memref<8x64xf32, #tpu.memory_space<vmem>>
        %dma_start3A_2214 = arith.constant 0 : i32
        %dma_start3A_2215 = arith.constant 0 : i32
        %dma_start3A_2216 = tpu.memref_slice %arg5[%shift_right_arithmetic3A_2205, %dma_start3A_2214, %dma_start3A_2215] : memref<125000x8x64xf32, #tpu.memory_space<hbm>> -> memref<1x8x64xf32, #tpu.memory_space<hbm>>
        %dma_start3A_2217 = tpu.memref_squeeze %dma_start3A_2216 : memref<1x8x64xf32, #tpu.memory_space<hbm>> -> memref<8x64xf32, #tpu.memory_space<hbm>>
        tpu.enqueue_dma source(%dma_start3A_2217 : memref<8x64xf32, #tpu.memory_space<hbm>>) target(%dma_start3A_2213 : memref<8x64xf32, #tpu.memory_space<vmem>>) target_semaphore(%arg18 : memref<!tpu.dma_semaphore, #tpu.memory_space<semaphore_mem>>)
        %slice3A_2218 = vector.extract_strided_slice %get3A_1897 {offsets = [6], sizes = [1], strides = [1]} : vector<16xi32> to vector<1xi32>
        %squeeze3A_2219 = vector.extract %slice3A_2218[0] : i32 from vector<1xi32>
        %shift_right_arithmetic3A_2220 = arith.constant 3 : i32
        %shift_right_arithmetic3A_2221 = arith.shrsi %squeeze3A_2219, %shift_right_arithmetic3A_2220 : i32
        %dma_start3A_2222 = arith.constant 0 : i32
        %dma_start3A_2223 = tpu.memref_slice %arg12[%multiple_of3A_2201, %dma_start3A_2222] : memref<128x64xf32, #tpu.memory_space<vmem>> -> memref<8x64xf32, #tpu.memory_space<vmem>>
        %dma_start3A_2224 = arith.constant 0 : i32
        %dma_start3A_2225 = arith.constant 0 : i32
        %dma_start3A_2226 = tpu.memref_slice %arg6[%shift_right_arithmetic3A_2221, %dma_start3A_2224, %dma_start3A_2225] : memref<125x8x64xf32, #tpu.memory_space<hbm>> -> memref<1x8x64xf32, #tpu.memory_space<hbm>>
        %dma_start3A_2227 = tpu.memref_squeeze %dma_start3A_2226 : memref<1x8x64xf32, #tpu.memory_space<hbm>> -> memref<8x64xf32, #tpu.memory_space<hbm>>
        %dma_start3A_2228 = arith.constant 0 : i32
        %dma_start3A_2229 = tpu.memref_slice %arg12[%multiple_of3A_2201, %dma_start3A_2228] : memref<128x64xf32, #tpu.memory_space<vmem>> -> memref<8x64xf32, #tpu.memory_space<vmem>>
        %dma_start3A_2230 = arith.constant 0 : i32
        %dma_start3A_2231 = arith.constant 0 : i32
        %dma_start3A_2232 = tpu.memref_slice %arg6[%shift_right_arithmetic3A_2221, %dma_start3A_2230, %dma_start3A_2231] : memref<125x8x64xf32, #tpu.memory_space<hbm>> -> memref<1x8x64xf32, #tpu.memory_space<hbm>>
        %dma_start3A_2233 = tpu.memref_squeeze %dma_start3A_2232 : memref<1x8x64xf32, #tpu.memory_space<hbm>> -> memref<8x64xf32, #tpu.memory_space<hbm>>
        tpu.enqueue_dma source(%dma_start3A_2233 : memref<8x64xf32, #tpu.memory_space<hbm>>) target(%dma_start3A_2229 : memref<8x64xf32, #tpu.memory_space<vmem>>) target_semaphore(%arg18 : memref<!tpu.dma_semaphore, #tpu.memory_space<semaphore_mem>>)
        %slice3A_2234 = vector.extract_strided_slice %get3A_1899 {offsets = [6], sizes = [1], strides = [1]} : vector<16xi32> to vector<1xi32>
        %squeeze3A_2235 = vector.extract %slice3A_2234[0] : i32 from vector<1xi32>
        %shift_right_arithmetic3A_2236 = arith.constant 3 : i32
        %shift_right_arithmetic3A_2237 = arith.shrsi %squeeze3A_2235, %shift_right_arithmetic3A_2236 : i32
        %dma_start3A_2238 = arith.constant 0 : i32
        %dma_start3A_2239 = tpu.memref_slice %arg13[%multiple_of3A_2201, %dma_start3A_2238] : memref<128x64xf32, #tpu.memory_space<vmem>> -> memref<8x64xf32, #tpu.memory_space<vmem>>
        %dma_start3A_2240 = arith.constant 0 : i32
        %dma_start3A_2241 = arith.constant 0 : i32
        %dma_start3A_2242 = tpu.memref_slice %arg5[%shift_right_arithmetic3A_2237, %dma_start3A_2240, %dma_start3A_2241] : memref<125000x8x64xf32, #tpu.memory_space<hbm>> -> memref<1x8x64xf32, #tpu.memory_space<hbm>>
        %dma_start3A_2243 = tpu.memref_squeeze %dma_start3A_2242 : memref<1x8x64xf32, #tpu.memory_space<hbm>> -> memref<8x64xf32, #tpu.memory_space<hbm>>
        %dma_start3A_2244 = arith.constant 0 : i32
        %dma_start3A_2245 = tpu.memref_slice %arg13[%multiple_of3A_2201, %dma_start3A_2244] : memref<128x64xf32, #tpu.memory_space<vmem>> -> memref<8x64xf32, #tpu.memory_space<vmem>>
        %dma_start3A_2246 = arith.constant 0 : i32
        %dma_start3A_2247 = arith.constant 0 : i32
        %dma_start3A_2248 = tpu.memref_slice %arg5[%shift_right_arithmetic3A_2237, %dma_start3A_2246, %dma_start3A_2247] : memref<125000x8x64xf32, #tpu.memory_space<hbm>> -> memref<1x8x64xf32, #tpu.memory_space<hbm>>
        %dma_start3A_2249 = tpu.memref_squeeze %dma_start3A_2248 : memref<1x8x64xf32, #tpu.memory_space<hbm>> -> memref<8x64xf32, #tpu.memory_space<hbm>>
        tpu.enqueue_dma source(%dma_start3A_2249 : memref<8x64xf32, #tpu.memory_space<hbm>>) target(%dma_start3A_2245 : memref<8x64xf32, #tpu.memory_space<vmem>>) target_semaphore(%arg18 : memref<!tpu.dma_semaphore, #tpu.memory_space<semaphore_mem>>)
        %multiple_of3A_2250 = arith.constant 56 : i32
        %multiple_of3A_2251 = tpu.assume_multiple %multiple_of3A_2250, 8 : i32
        %slice3A_2252 = vector.extract_strided_slice %get3A_1895 {offsets = [7], sizes = [1], strides = [1]} : vector<16xi32> to vector<1xi32>
        %squeeze3A_2253 = vector.extract %slice3A_2252[0] : i32 from vector<1xi32>
        %shift_right_arithmetic3A_2254 = arith.constant 3 : i32
        %shift_right_arithmetic3A_2255 = arith.shrsi %squeeze3A_2253, %shift_right_arithmetic3A_2254 : i32
        %dma_start3A_2256 = arith.constant 0 : i32
        %dma_start3A_2257 = tpu.memref_slice %arg11[%multiple_of3A_2251, %dma_start3A_2256] : memref<128x64xf32, #tpu.memory_space<vmem>> -> memref<8x64xf32, #tpu.memory_space<vmem>>
        %dma_start3A_2258 = arith.constant 0 : i32
        %dma_start3A_2259 = arith.constant 0 : i32
        %dma_start3A_2260 = tpu.memref_slice %arg5[%shift_right_arithmetic3A_2255, %dma_start3A_2258, %dma_start3A_2259] : memref<125000x8x64xf32, #tpu.memory_space<hbm>> -> memref<1x8x64xf32, #tpu.memory_space<hbm>>
        %dma_start3A_2261 = tpu.memref_squeeze %dma_start3A_2260 : memref<1x8x64xf32, #tpu.memory_space<hbm>> -> memref<8x64xf32, #tpu.memory_space<hbm>>
        %dma_start3A_2262 = arith.constant 0 : i32
        %dma_start3A_2263 = tpu.memref_slice %arg11[%multiple_of3A_2251, %dma_start3A_2262] : memref<128x64xf32, #tpu.memory_space<vmem>> -> memref<8x64xf32, #tpu.memory_space<vmem>>
        %dma_start3A_2264 = arith.constant 0 : i32
        %dma_start3A_2265 = arith.constant 0 : i32
        %dma_start3A_2266 = tpu.memref_slice %arg5[%shift_right_arithmetic3A_2255, %dma_start3A_2264, %dma_start3A_2265] : memref<125000x8x64xf32, #tpu.memory_space<hbm>> -> memref<1x8x64xf32, #tpu.memory_space<hbm>>
        %dma_start3A_2267 = tpu.memref_squeeze %dma_start3A_2266 : memref<1x8x64xf32, #tpu.memory_space<hbm>> -> memref<8x64xf32, #tpu.memory_space<hbm>>
        tpu.enqueue_dma source(%dma_start3A_2267 : memref<8x64xf32, #tpu.memory_space<hbm>>) target(%dma_start3A_2263 : memref<8x64xf32, #tpu.memory_space<vmem>>) target_semaphore(%arg18 : memref<!tpu.dma_semaphore, #tpu.memory_space<semaphore_mem>>)
        %slice3A_2268 = vector.extract_strided_slice %get3A_1897 {offsets = [7], sizes = [1], strides = [1]} : vector<16xi32> to vector<1xi32>
        %squeeze3A_2269 = vector.extract %slice3A_2268[0] : i32 from vector<1xi32>
        %shift_right_arithmetic3A_2270 = arith.constant 3 : i32
        %shift_right_arithmetic3A_2271 = arith.shrsi %squeeze3A_2269, %shift_right_arithmetic3A_2270 : i32
        %dma_start3A_2272 = arith.constant 0 : i32
        %dma_start3A_2273 = tpu.memref_slice %arg12[%multiple_of3A_2251, %dma_start3A_2272] : memref<128x64xf32, #tpu.memory_space<vmem>> -> memref<8x64xf32, #tpu.memory_space<vmem>>
        %dma_start3A_2274 = arith.constant 0 : i32
        %dma_start3A_2275 = arith.constant 0 : i32
        %dma_start3A_2276 = tpu.memref_slice %arg6[%shift_right_arithmetic3A_2271, %dma_start3A_2274, %dma_start3A_2275] : memref<125x8x64xf32, #tpu.memory_space<hbm>> -> memref<1x8x64xf32, #tpu.memory_space<hbm>>
        %dma_start3A_2277 = tpu.memref_squeeze %dma_start3A_2276 : memref<1x8x64xf32, #tpu.memory_space<hbm>> -> memref<8x64xf32, #tpu.memory_space<hbm>>
        %dma_start3A_2278 = arith.constant 0 : i32
        %dma_start3A_2279 = tpu.memref_slice %arg12[%multiple_of3A_2251, %dma_start3A_2278] : memref<128x64xf32, #tpu.memory_space<vmem>> -> memref<8x64xf32, #tpu.memory_space<vmem>>
        %dma_start3A_2280 = arith.constant 0 : i32
        %dma_start3A_2281 = arith.constant 0 : i32
        %dma_start3A_2282 = tpu.memref_slice %arg6[%shift_right_arithmetic3A_2271, %dma_start3A_2280, %dma_start3A_2281] : memref<125x8x64xf32, #tpu.memory_space<hbm>> -> memref<1x8x64xf32, #tpu.memory_space<hbm>>
        %dma_start3A_2283 = tpu.memref_squeeze %dma_start3A_2282 : memref<1x8x64xf32, #tpu.memory_space<hbm>> -> memref<8x64xf32, #tpu.memory_space<hbm>>
        tpu.enqueue_dma source(%dma_start3A_2283 : memref<8x64xf32, #tpu.memory_space<hbm>>) target(%dma_start3A_2279 : memref<8x64xf32, #tpu.memory_space<vmem>>) target_semaphore(%arg18 : memref<!tpu.dma_semaphore, #tpu.memory_space<semaphore_mem>>)
        %slice3A_2284 = vector.extract_strided_slice %get3A_1899 {offsets = [7], sizes = [1], strides = [1]} : vector<16xi32> to vector<1xi32>
        %squeeze3A_2285 = vector.extract %slice3A_2284[0] : i32 from vector<1xi32>
        %shift_right_arithmetic3A_2286 = arith.constant 3 : i32
        %shift_right_arithmetic3A_2287 = arith.shrsi %squeeze3A_2285, %shift_right_arithmetic3A_2286 : i32
        %dma_start3A_2288 = arith.constant 0 : i32
        %dma_start3A_2289 = tpu.memref_slice %arg13[%multiple_of3A_2251, %dma_start3A_2288] : memref<128x64xf32, #tpu.memory_space<vmem>> -> memref<8x64xf32, #tpu.memory_space<vmem>>
        %dma_start3A_2290 = arith.constant 0 : i32
        %dma_start3A_2291 = arith.constant 0 : i32
        %dma_start3A_2292 = tpu.memref_slice %arg5[%shift_right_arithmetic3A_2287, %dma_start3A_2290, %dma_start3A_2291] : memref<125000x8x64xf32, #tpu.memory_space<hbm>> -> memref<1x8x64xf32, #tpu.memory_space<hbm>>
        %dma_start3A_2293 = tpu.memref_squeeze %dma_start3A_2292 : memref<1x8x64xf32, #tpu.memory_space<hbm>> -> memref<8x64xf32, #tpu.memory_space<hbm>>
        %dma_start3A_2294 = arith.constant 0 : i32
        %dma_start3A_2295 = tpu.memref_slice %arg13[%multiple_of3A_2251, %dma_start3A_2294] : memref<128x64xf32, #tpu.memory_space<vmem>> -> memref<8x64xf32, #tpu.memory_space<vmem>>
        %dma_start3A_2296 = arith.constant 0 : i32
        %dma_start3A_2297 = arith.constant 0 : i32
        %dma_start3A_2298 = tpu.memref_slice %arg5[%shift_right_arithmetic3A_2287, %dma_start3A_2296, %dma_start3A_2297] : memref<125000x8x64xf32, #tpu.memory_space<hbm>> -> memref<1x8x64xf32, #tpu.memory_space<hbm>>
        %dma_start3A_2299 = tpu.memref_squeeze %dma_start3A_2298 : memref<1x8x64xf32, #tpu.memory_space<hbm>> -> memref<8x64xf32, #tpu.memory_space<hbm>>
        tpu.enqueue_dma source(%dma_start3A_2299 : memref<8x64xf32, #tpu.memory_space<hbm>>) target(%dma_start3A_2295 : memref<8x64xf32, #tpu.memory_space<vmem>>) target_semaphore(%arg18 : memref<!tpu.dma_semaphore, #tpu.memory_space<semaphore_mem>>)
        %multiple_of3A_2300 = arith.constant 64 : i32
        %multiple_of3A_2301 = tpu.assume_multiple %multiple_of3A_2300, 8 : i32
        %slice3A_2302 = vector.extract_strided_slice %get3A_1895 {offsets = [8], sizes = [1], strides = [1]} : vector<16xi32> to vector<1xi32>
        %squeeze3A_2303 = vector.extract %slice3A_2302[0] : i32 from vector<1xi32>
        %shift_right_arithmetic3A_2304 = arith.constant 3 : i32
        %shift_right_arithmetic3A_2305 = arith.shrsi %squeeze3A_2303, %shift_right_arithmetic3A_2304 : i32
        %dma_start3A_2306 = arith.constant 0 : i32
        %dma_start3A_2307 = tpu.memref_slice %arg11[%multiple_of3A_2301, %dma_start3A_2306] : memref<128x64xf32, #tpu.memory_space<vmem>> -> memref<8x64xf32, #tpu.memory_space<vmem>>
        %dma_start3A_2308 = arith.constant 0 : i32
        %dma_start3A_2309 = arith.constant 0 : i32
        %dma_start3A_2310 = tpu.memref_slice %arg5[%shift_right_arithmetic3A_2305, %dma_start3A_2308, %dma_start3A_2309] : memref<125000x8x64xf32, #tpu.memory_space<hbm>> -> memref<1x8x64xf32, #tpu.memory_space<hbm>>
        %dma_start3A_2311 = tpu.memref_squeeze %dma_start3A_2310 : memref<1x8x64xf32, #tpu.memory_space<hbm>> -> memref<8x64xf32, #tpu.memory_space<hbm>>
        %dma_start3A_2312 = arith.constant 0 : i32
        %dma_start3A_2313 = tpu.memref_slice %arg11[%multiple_of3A_2301, %dma_start3A_2312] : memref<128x64xf32, #tpu.memory_space<vmem>> -> memref<8x64xf32, #tpu.memory_space<vmem>>
        %dma_start3A_2314 = arith.constant 0 : i32
        %dma_start3A_2315 = arith.constant 0 : i32
        %dma_start3A_2316 = tpu.memref_slice %arg5[%shift_right_arithmetic3A_2305, %dma_start3A_2314, %dma_start3A_2315] : memref<125000x8x64xf32, #tpu.memory_space<hbm>> -> memref<1x8x64xf32, #tpu.memory_space<hbm>>
        %dma_start3A_2317 = tpu.memref_squeeze %dma_start3A_2316 : memref<1x8x64xf32, #tpu.memory_space<hbm>> -> memref<8x64xf32, #tpu.memory_space<hbm>>
        tpu.enqueue_dma source(%dma_start3A_2317 : memref<8x64xf32, #tpu.memory_space<hbm>>) target(%dma_start3A_2313 : memref<8x64xf32, #tpu.memory_space<vmem>>) target_semaphore(%arg18 : memref<!tpu.dma_semaphore, #tpu.memory_space<semaphore_mem>>)
        %slice3A_2318 = vector.extract_strided_slice %get3A_1897 {offsets = [8], sizes = [1], strides = [1]} : vector<16xi32> to vector<1xi32>
        %squeeze3A_2319 = vector.extract %slice3A_2318[0] : i32 from vector<1xi32>
        %shift_right_arithmetic3A_2320 = arith.constant 3 : i32
        %shift_right_arithmetic3A_2321 = arith.shrsi %squeeze3A_2319, %shift_right_arithmetic3A_2320 : i32
        %dma_start3A_2322 = arith.constant 0 : i32
        %dma_start3A_2323 = tpu.memref_slice %arg12[%multiple_of3A_2301, %dma_start3A_2322] : memref<128x64xf32, #tpu.memory_space<vmem>> -> memref<8x64xf32, #tpu.memory_space<vmem>>
        %dma_start3A_2324 = arith.constant 0 : i32
        %dma_start3A_2325 = arith.constant 0 : i32
        %dma_start3A_2326 = tpu.memref_slice %arg6[%shift_right_arithmetic3A_2321, %dma_start3A_2324, %dma_start3A_2325] : memref<125x8x64xf32, #tpu.memory_space<hbm>> -> memref<1x8x64xf32, #tpu.memory_space<hbm>>
        %dma_start3A_2327 = tpu.memref_squeeze %dma_start3A_2326 : memref<1x8x64xf32, #tpu.memory_space<hbm>> -> memref<8x64xf32, #tpu.memory_space<hbm>>
        %dma_start3A_2328 = arith.constant 0 : i32
        %dma_start3A_2329 = tpu.memref_slice %arg12[%multiple_of3A_2301, %dma_start3A_2328] : memref<128x64xf32, #tpu.memory_space<vmem>> -> memref<8x64xf32, #tpu.memory_space<vmem>>
        %dma_start3A_2330 = arith.constant 0 : i32
        %dma_start3A_2331 = arith.constant 0 : i32
        %dma_start3A_2332 = tpu.memref_slice %arg6[%shift_right_arithmetic3A_2321, %dma_start3A_2330, %dma_start3A_2331] : memref<125x8x64xf32, #tpu.memory_space<hbm>> -> memref<1x8x64xf32, #tpu.memory_space<hbm>>
        %dma_start3A_2333 = tpu.memref_squeeze %dma_start3A_2332 : memref<1x8x64xf32, #tpu.memory_space<hbm>> -> memref<8x64xf32, #tpu.memory_space<hbm>>
        tpu.enqueue_dma source(%dma_start3A_2333 : memref<8x64xf32, #tpu.memory_space<hbm>>) target(%dma_start3A_2329 : memref<8x64xf32, #tpu.memory_space<vmem>>) target_semaphore(%arg18 : memref<!tpu.dma_semaphore, #tpu.memory_space<semaphore_mem>>)
        %slice3A_2334 = vector.extract_strided_slice %get3A_1899 {offsets = [8], sizes = [1], strides = [1]} : vector<16xi32> to vector<1xi32>
        %squeeze3A_2335 = vector.extract %slice3A_2334[0] : i32 from vector<1xi32>
        %shift_right_arithmetic3A_2336 = arith.constant 3 : i32
        %shift_right_arithmetic3A_2337 = arith.shrsi %squeeze3A_2335, %shift_right_arithmetic3A_2336 : i32
        %dma_start3A_2338 = arith.constant 0 : i32
        %dma_start3A_2339 = tpu.memref_slice %arg13[%multiple_of3A_2301, %dma_start3A_2338] : memref<128x64xf32, #tpu.memory_space<vmem>> -> memref<8x64xf32, #tpu.memory_space<vmem>>
        %dma_start3A_2340 = arith.constant 0 : i32
        %dma_start3A_2341 = arith.constant 0 : i32
        %dma_start3A_2342 = tpu.memref_slice %arg5[%shift_right_arithmetic3A_2337, %dma_start3A_2340, %dma_start3A_2341] : memref<125000x8x64xf32, #tpu.memory_space<hbm>> -> memref<1x8x64xf32, #tpu.memory_space<hbm>>
        %dma_start3A_2343 = tpu.memref_squeeze %dma_start3A_2342 : memref<1x8x64xf32, #tpu.memory_space<hbm>> -> memref<8x64xf32, #tpu.memory_space<hbm>>
        %dma_start3A_2344 = arith.constant 0 : i32
        %dma_start3A_2345 = tpu.memref_slice %arg13[%multiple_of3A_2301, %dma_start3A_2344] : memref<128x64xf32, #tpu.memory_space<vmem>> -> memref<8x64xf32, #tpu.memory_space<vmem>>
        %dma_start3A_2346 = arith.constant 0 : i32
        %dma_start3A_2347 = arith.constant 0 : i32
        %dma_start3A_2348 = tpu.memref_slice %arg5[%shift_right_arithmetic3A_2337, %dma_start3A_2346, %dma_start3A_2347] : memref<125000x8x64xf32, #tpu.memory_space<hbm>> -> memref<1x8x64xf32, #tpu.memory_space<hbm>>
        %dma_start3A_2349 = tpu.memref_squeeze %dma_start3A_2348 : memref<1x8x64xf32, #tpu.memory_space<hbm>> -> memref<8x64xf32, #tpu.memory_space<hbm>>
        tpu.enqueue_dma source(%dma_start3A_2349 : memref<8x64xf32, #tpu.memory_space<hbm>>) target(%dma_start3A_2345 : memref<8x64xf32, #tpu.memory_space<vmem>>) target_semaphore(%arg18 : memref<!tpu.dma_semaphore, #tpu.memory_space<semaphore_mem>>)
        %multiple_of3A_2350 = arith.constant 72 : i32
        %multiple_of3A_2351 = tpu.assume_multiple %multiple_of3A_2350, 8 : i32
        %slice3A_2352 = vector.extract_strided_slice %get3A_1895 {offsets = [9], sizes = [1], strides = [1]} : vector<16xi32> to vector<1xi32>
        %squeeze3A_2353 = vector.extract %slice3A_2352[0] : i32 from vector<1xi32>
        %shift_right_arithmetic3A_2354 = arith.constant 3 : i32
        %shift_right_arithmetic3A_2355 = arith.shrsi %squeeze3A_2353, %shift_right_arithmetic3A_2354 : i32
        %dma_start3A_2356 = arith.constant 0 : i32
        %dma_start3A_2357 = tpu.memref_slice %arg11[%multiple_of3A_2351, %dma_start3A_2356] : memref<128x64xf32, #tpu.memory_space<vmem>> -> memref<8x64xf32, #tpu.memory_space<vmem>>
        %dma_start3A_2358 = arith.constant 0 : i32
        %dma_start3A_2359 = arith.constant 0 : i32
        %dma_start3A_2360 = tpu.memref_slice %arg5[%shift_right_arithmetic3A_2355, %dma_start3A_2358, %dma_start3A_2359] : memref<125000x8x64xf32, #tpu.memory_space<hbm>> -> memref<1x8x64xf32, #tpu.memory_space<hbm>>
        %dma_start3A_2361 = tpu.memref_squeeze %dma_start3A_2360 : memref<1x8x64xf32, #tpu.memory_space<hbm>> -> memref<8x64xf32, #tpu.memory_space<hbm>>
        %dma_start3A_2362 = arith.constant 0 : i32
        %dma_start3A_2363 = tpu.memref_slice %arg11[%multiple_of3A_2351, %dma_start3A_2362] : memref<128x64xf32, #tpu.memory_space<vmem>> -> memref<8x64xf32, #tpu.memory_space<vmem>>
        %dma_start3A_2364 = arith.constant 0 : i32
        %dma_start3A_2365 = arith.constant 0 : i32
        %dma_start3A_2366 = tpu.memref_slice %arg5[%shift_right_arithmetic3A_2355, %dma_start3A_2364, %dma_start3A_2365] : memref<125000x8x64xf32, #tpu.memory_space<hbm>> -> memref<1x8x64xf32, #tpu.memory_space<hbm>>
        %dma_start3A_2367 = tpu.memref_squeeze %dma_start3A_2366 : memref<1x8x64xf32, #tpu.memory_space<hbm>> -> memref<8x64xf32, #tpu.memory_space<hbm>>
        tpu.enqueue_dma source(%dma_start3A_2367 : memref<8x64xf32, #tpu.memory_space<hbm>>) target(%dma_start3A_2363 : memref<8x64xf32, #tpu.memory_space<vmem>>) target_semaphore(%arg18 : memref<!tpu.dma_semaphore, #tpu.memory_space<semaphore_mem>>)
        %slice3A_2368 = vector.extract_strided_slice %get3A_1897 {offsets = [9], sizes = [1], strides = [1]} : vector<16xi32> to vector<1xi32>
        %squeeze3A_2369 = vector.extract %slice3A_2368[0] : i32 from vector<1xi32>
        %shift_right_arithmetic3A_2370 = arith.constant 3 : i32
        %shift_right_arithmetic3A_2371 = arith.shrsi %squeeze3A_2369, %shift_right_arithmetic3A_2370 : i32
        %dma_start3A_2372 = arith.constant 0 : i32
        %dma_start3A_2373 = tpu.memref_slice %arg12[%multiple_of3A_2351, %dma_start3A_2372] : memref<128x64xf32, #tpu.memory_space<vmem>> -> memref<8x64xf32, #tpu.memory_space<vmem>>
        %dma_start3A_2374 = arith.constant 0 : i32
        %dma_start3A_2375 = arith.constant 0 : i32
        %dma_start3A_2376 = tpu.memref_slice %arg6[%shift_right_arithmetic3A_2371, %dma_start3A_2374, %dma_start3A_2375] : memref<125x8x64xf32, #tpu.memory_space<hbm>> -> memref<1x8x64xf32, #tpu.memory_space<hbm>>
        %dma_start3A_2377 = tpu.memref_squeeze %dma_start3A_2376 : memref<1x8x64xf32, #tpu.memory_space<hbm>> -> memref<8x64xf32, #tpu.memory_space<hbm>>
        %dma_start3A_2378 = arith.constant 0 : i32
        %dma_start3A_2379 = tpu.memref_slice %arg12[%multiple_of3A_2351, %dma_start3A_2378] : memref<128x64xf32, #tpu.memory_space<vmem>> -> memref<8x64xf32, #tpu.memory_space<vmem>>
        %dma_start3A_2380 = arith.constant 0 : i32
        %dma_start3A_2381 = arith.constant 0 : i32
        %dma_start3A_2382 = tpu.memref_slice %arg6[%shift_right_arithmetic3A_2371, %dma_start3A_2380, %dma_start3A_2381] : memref<125x8x64xf32, #tpu.memory_space<hbm>> -> memref<1x8x64xf32, #tpu.memory_space<hbm>>
        %dma_start3A_2383 = tpu.memref_squeeze %dma_start3A_2382 : memref<1x8x64xf32, #tpu.memory_space<hbm>> -> memref<8x64xf32, #tpu.memory_space<hbm>>
        tpu.enqueue_dma source(%dma_start3A_2383 : memref<8x64xf32, #tpu.memory_space<hbm>>) target(%dma_start3A_2379 : memref<8x64xf32, #tpu.memory_space<vmem>>) target_semaphore(%arg18 : memref<!tpu.dma_semaphore, #tpu.memory_space<semaphore_mem>>)
        %slice3A_2384 = vector.extract_strided_slice %get3A_1899 {offsets = [9], sizes = [1], strides = [1]} : vector<16xi32> to vector<1xi32>
        %squeeze3A_2385 = vector.extract %slice3A_2384[0] : i32 from vector<1xi32>
        %shift_right_arithmetic3A_2386 = arith.constant 3 : i32
        %shift_right_arithmetic3A_2387 = arith.shrsi %squeeze3A_2385, %shift_right_arithmetic3A_2386 : i32
        %dma_start3A_2388 = arith.constant 0 : i32
        %dma_start3A_2389 = tpu.memref_slice %arg13[%multiple_of3A_2351, %dma_start3A_2388] : memref<128x64xf32, #tpu.memory_space<vmem>> -> memref<8x64xf32, #tpu.memory_space<vmem>>
        %dma_start3A_2390 = arith.constant 0 : i32
        %dma_start3A_2391 = arith.constant 0 : i32
        %dma_start3A_2392 = tpu.memref_slice %arg5[%shift_right_arithmetic3A_2387, %dma_start3A_2390, %dma_start3A_2391] : memref<125000x8x64xf32, #tpu.memory_space<hbm>> -> memref<1x8x64xf32, #tpu.memory_space<hbm>>
        %dma_start3A_2393 = tpu.memref_squeeze %dma_start3A_2392 : memref<1x8x64xf32, #tpu.memory_space<hbm>> -> memref<8x64xf32, #tpu.memory_space<hbm>>
        %dma_start3A_2394 = arith.constant 0 : i32
        %dma_start3A_2395 = tpu.memref_slice %arg13[%multiple_of3A_2351, %dma_start3A_2394] : memref<128x64xf32, #tpu.memory_space<vmem>> -> memref<8x64xf32, #tpu.memory_space<vmem>>
        %dma_start3A_2396 = arith.constant 0 : i32
        %dma_start3A_2397 = arith.constant 0 : i32
        %dma_start3A_2398 = tpu.memref_slice %arg5[%shift_right_arithmetic3A_2387, %dma_start3A_2396, %dma_start3A_2397] : memref<125000x8x64xf32, #tpu.memory_space<hbm>> -> memref<1x8x64xf32, #tpu.memory_space<hbm>>
        %dma_start3A_2399 = tpu.memref_squeeze %dma_start3A_2398 : memref<1x8x64xf32, #tpu.memory_space<hbm>> -> memref<8x64xf32, #tpu.memory_space<hbm>>
        tpu.enqueue_dma source(%dma_start3A_2399 : memref<8x64xf32, #tpu.memory_space<hbm>>) target(%dma_start3A_2395 : memref<8x64xf32, #tpu.memory_space<vmem>>) target_semaphore(%arg18 : memref<!tpu.dma_semaphore, #tpu.memory_space<semaphore_mem>>)
        %multiple_of3A_2400 = arith.constant 80 : i32
        %multiple_of3A_2401 = tpu.assume_multiple %multiple_of3A_2400, 8 : i32
        %slice3A_2402 = vector.extract_strided_slice %get3A_1895 {offsets = [10], sizes = [1], strides = [1]} : vector<16xi32> to vector<1xi32>
        %squeeze3A_2403 = vector.extract %slice3A_2402[0] : i32 from vector<1xi32>
        %shift_right_arithmetic3A_2404 = arith.constant 3 : i32
        %shift_right_arithmetic3A_2405 = arith.shrsi %squeeze3A_2403, %shift_right_arithmetic3A_2404 : i32
        %dma_start3A_2406 = arith.constant 0 : i32
        %dma_start3A_2407 = tpu.memref_slice %arg11[%multiple_of3A_2401, %dma_start3A_2406] : memref<128x64xf32, #tpu.memory_space<vmem>> -> memref<8x64xf32, #tpu.memory_space<vmem>>
        %dma_start3A_2408 = arith.constant 0 : i32
        %dma_start3A_2409 = arith.constant 0 : i32
        %dma_start3A_2410 = tpu.memref_slice %arg5[%shift_right_arithmetic3A_2405, %dma_start3A_2408, %dma_start3A_2409] : memref<125000x8x64xf32, #tpu.memory_space<hbm>> -> memref<1x8x64xf32, #tpu.memory_space<hbm>>
        %dma_start3A_2411 = tpu.memref_squeeze %dma_start3A_2410 : memref<1x8x64xf32, #tpu.memory_space<hbm>> -> memref<8x64xf32, #tpu.memory_space<hbm>>
        %dma_start3A_2412 = arith.constant 0 : i32
        %dma_start3A_2413 = tpu.memref_slice %arg11[%multiple_of3A_2401, %dma_start3A_2412] : memref<128x64xf32, #tpu.memory_space<vmem>> -> memref<8x64xf32, #tpu.memory_space<vmem>>
        %dma_start3A_2414 = arith.constant 0 : i32
        %dma_start3A_2415 = arith.constant 0 : i32
        %dma_start3A_2416 = tpu.memref_slice %arg5[%shift_right_arithmetic3A_2405, %dma_start3A_2414, %dma_start3A_2415] : memref<125000x8x64xf32, #tpu.memory_space<hbm>> -> memref<1x8x64xf32, #tpu.memory_space<hbm>>
        %dma_start3A_2417 = tpu.memref_squeeze %dma_start3A_2416 : memref<1x8x64xf32, #tpu.memory_space<hbm>> -> memref<8x64xf32, #tpu.memory_space<hbm>>
        tpu.enqueue_dma source(%dma_start3A_2417 : memref<8x64xf32, #tpu.memory_space<hbm>>) target(%dma_start3A_2413 : memref<8x64xf32, #tpu.memory_space<vmem>>) target_semaphore(%arg18 : memref<!tpu.dma_semaphore, #tpu.memory_space<semaphore_mem>>)
        %slice3A_2418 = vector.extract_strided_slice %get3A_1897 {offsets = [10], sizes = [1], strides = [1]} : vector<16xi32> to vector<1xi32>
        %squeeze3A_2419 = vector.extract %slice3A_2418[0] : i32 from vector<1xi32>
        %shift_right_arithmetic3A_2420 = arith.constant 3 : i32
        %shift_right_arithmetic3A_2421 = arith.shrsi %squeeze3A_2419, %shift_right_arithmetic3A_2420 : i32
        %dma_start3A_2422 = arith.constant 0 : i32
        %dma_start3A_2423 = tpu.memref_slice %arg12[%multiple_of3A_2401, %dma_start3A_2422] : memref<128x64xf32, #tpu.memory_space<vmem>> -> memref<8x64xf32, #tpu.memory_space<vmem>>
        %dma_start3A_2424 = arith.constant 0 : i32
        %dma_start3A_2425 = arith.constant 0 : i32
        %dma_start3A_2426 = tpu.memref_slice %arg6[%shift_right_arithmetic3A_2421, %dma_start3A_2424, %dma_start3A_2425] : memref<125x8x64xf32, #tpu.memory_space<hbm>> -> memref<1x8x64xf32, #tpu.memory_space<hbm>>
        %dma_start3A_2427 = tpu.memref_squeeze %dma_start3A_2426 : memref<1x8x64xf32, #tpu.memory_space<hbm>> -> memref<8x64xf32, #tpu.memory_space<hbm>>
        %dma_start3A_2428 = arith.constant 0 : i32
        %dma_start3A_2429 = tpu.memref_slice %arg12[%multiple_of3A_2401, %dma_start3A_2428] : memref<128x64xf32, #tpu.memory_space<vmem>> -> memref<8x64xf32, #tpu.memory_space<vmem>>
        %dma_start3A_2430 = arith.constant 0 : i32
        %dma_start3A_2431 = arith.constant 0 : i32
        %dma_start3A_2432 = tpu.memref_slice %arg6[%shift_right_arithmetic3A_2421, %dma_start3A_2430, %dma_start3A_2431] : memref<125x8x64xf32, #tpu.memory_space<hbm>> -> memref<1x8x64xf32, #tpu.memory_space<hbm>>
        %dma_start3A_2433 = tpu.memref_squeeze %dma_start3A_2432 : memref<1x8x64xf32, #tpu.memory_space<hbm>> -> memref<8x64xf32, #tpu.memory_space<hbm>>
        tpu.enqueue_dma source(%dma_start3A_2433 : memref<8x64xf32, #tpu.memory_space<hbm>>) target(%dma_start3A_2429 : memref<8x64xf32, #tpu.memory_space<vmem>>) target_semaphore(%arg18 : memref<!tpu.dma_semaphore, #tpu.memory_space<semaphore_mem>>)
        %slice3A_2434 = vector.extract_strided_slice %get3A_1899 {offsets = [10], sizes = [1], strides = [1]} : vector<16xi32> to vector<1xi32>
        %squeeze3A_2435 = vector.extract %slice3A_2434[0] : i32 from vector<1xi32>
        %shift_right_arithmetic3A_2436 = arith.constant 3 : i32
        %shift_right_arithmetic3A_2437 = arith.shrsi %squeeze3A_2435, %shift_right_arithmetic3A_2436 : i32
        %dma_start3A_2438 = arith.constant 0 : i32
        %dma_start3A_2439 = tpu.memref_slice %arg13[%multiple_of3A_2401, %dma_start3A_2438] : memref<128x64xf32, #tpu.memory_space<vmem>> -> memref<8x64xf32, #tpu.memory_space<vmem>>
        %dma_start3A_2440 = arith.constant 0 : i32
        %dma_start3A_2441 = arith.constant 0 : i32
        %dma_start3A_2442 = tpu.memref_slice %arg5[%shift_right_arithmetic3A_2437, %dma_start3A_2440, %dma_start3A_2441] : memref<125000x8x64xf32, #tpu.memory_space<hbm>> -> memref<1x8x64xf32, #tpu.memory_space<hbm>>
        %dma_start3A_2443 = tpu.memref_squeeze %dma_start3A_2442 : memref<1x8x64xf32, #tpu.memory_space<hbm>> -> memref<8x64xf32, #tpu.memory_space<hbm>>
        %dma_start3A_2444 = arith.constant 0 : i32
        %dma_start3A_2445 = tpu.memref_slice %arg13[%multiple_of3A_2401, %dma_start3A_2444] : memref<128x64xf32, #tpu.memory_space<vmem>> -> memref<8x64xf32, #tpu.memory_space<vmem>>
        %dma_start3A_2446 = arith.constant 0 : i32
        %dma_start3A_2447 = arith.constant 0 : i32
        %dma_start3A_2448 = tpu.memref_slice %arg5[%shift_right_arithmetic3A_2437, %dma_start3A_2446, %dma_start3A_2447] : memref<125000x8x64xf32, #tpu.memory_space<hbm>> -> memref<1x8x64xf32, #tpu.memory_space<hbm>>
        %dma_start3A_2449 = tpu.memref_squeeze %dma_start3A_2448 : memref<1x8x64xf32, #tpu.memory_space<hbm>> -> memref<8x64xf32, #tpu.memory_space<hbm>>
        tpu.enqueue_dma source(%dma_start3A_2449 : memref<8x64xf32, #tpu.memory_space<hbm>>) target(%dma_start3A_2445 : memref<8x64xf32, #tpu.memory_space<vmem>>) target_semaphore(%arg18 : memref<!tpu.dma_semaphore, #tpu.memory_space<semaphore_mem>>)
        %multiple_of3A_2450 = arith.constant 88 : i32
        %multiple_of3A_2451 = tpu.assume_multiple %multiple_of3A_2450, 8 : i32
        %slice3A_2452 = vector.extract_strided_slice %get3A_1895 {offsets = [11], sizes = [1], strides = [1]} : vector<16xi32> to vector<1xi32>
        %squeeze3A_2453 = vector.extract %slice3A_2452[0] : i32 from vector<1xi32>
        %shift_right_arithmetic3A_2454 = arith.constant 3 : i32
        %shift_right_arithmetic3A_2455 = arith.shrsi %squeeze3A_2453, %shift_right_arithmetic3A_2454 : i32
        %dma_start3A_2456 = arith.constant 0 : i32
        %dma_start3A_2457 = tpu.memref_slice %arg11[%multiple_of3A_2451, %dma_start3A_2456] : memref<128x64xf32, #tpu.memory_space<vmem>> -> memref<8x64xf32, #tpu.memory_space<vmem>>
        %dma_start3A_2458 = arith.constant 0 : i32
        %dma_start3A_2459 = arith.constant 0 : i32
        %dma_start3A_2460 = tpu.memref_slice %arg5[%shift_right_arithmetic3A_2455, %dma_start3A_2458, %dma_start3A_2459] : memref<125000x8x64xf32, #tpu.memory_space<hbm>> -> memref<1x8x64xf32, #tpu.memory_space<hbm>>
        %dma_start3A_2461 = tpu.memref_squeeze %dma_start3A_2460 : memref<1x8x64xf32, #tpu.memory_space<hbm>> -> memref<8x64xf32, #tpu.memory_space<hbm>>
        %dma_start3A_2462 = arith.constant 0 : i32
        %dma_start3A_2463 = tpu.memref_slice %arg11[%multiple_of3A_2451, %dma_start3A_2462] : memref<128x64xf32, #tpu.memory_space<vmem>> -> memref<8x64xf32, #tpu.memory_space<vmem>>
        %dma_start3A_2464 = arith.constant 0 : i32
        %dma_start3A_2465 = arith.constant 0 : i32
        %dma_start3A_2466 = tpu.memref_slice %arg5[%shift_right_arithmetic3A_2455, %dma_start3A_2464, %dma_start3A_2465] : memref<125000x8x64xf32, #tpu.memory_space<hbm>> -> memref<1x8x64xf32, #tpu.memory_space<hbm>>
        %dma_start3A_2467 = tpu.memref_squeeze %dma_start3A_2466 : memref<1x8x64xf32, #tpu.memory_space<hbm>> -> memref<8x64xf32, #tpu.memory_space<hbm>>
        tpu.enqueue_dma source(%dma_start3A_2467 : memref<8x64xf32, #tpu.memory_space<hbm>>) target(%dma_start3A_2463 : memref<8x64xf32, #tpu.memory_space<vmem>>) target_semaphore(%arg18 : memref<!tpu.dma_semaphore, #tpu.memory_space<semaphore_mem>>)
        %slice3A_2468 = vector.extract_strided_slice %get3A_1897 {offsets = [11], sizes = [1], strides = [1]} : vector<16xi32> to vector<1xi32>
        %squeeze3A_2469 = vector.extract %slice3A_2468[0] : i32 from vector<1xi32>
        %shift_right_arithmetic3A_2470 = arith.constant 3 : i32
        %shift_right_arithmetic3A_2471 = arith.shrsi %squeeze3A_2469, %shift_right_arithmetic3A_2470 : i32
        %dma_start3A_2472 = arith.constant 0 : i32
        %dma_start3A_2473 = tpu.memref_slice %arg12[%multiple_of3A_2451, %dma_start3A_2472] : memref<128x64xf32, #tpu.memory_space<vmem>> -> memref<8x64xf32, #tpu.memory_space<vmem>>
        %dma_start3A_2474 = arith.constant 0 : i32
        %dma_start3A_2475 = arith.constant 0 : i32
        %dma_start3A_2476 = tpu.memref_slice %arg6[%shift_right_arithmetic3A_2471, %dma_start3A_2474, %dma_start3A_2475] : memref<125x8x64xf32, #tpu.memory_space<hbm>> -> memref<1x8x64xf32, #tpu.memory_space<hbm>>
        %dma_start3A_2477 = tpu.memref_squeeze %dma_start3A_2476 : memref<1x8x64xf32, #tpu.memory_space<hbm>> -> memref<8x64xf32, #tpu.memory_space<hbm>>
        %dma_start3A_2478 = arith.constant 0 : i32
        %dma_start3A_2479 = tpu.memref_slice %arg12[%multiple_of3A_2451, %dma_start3A_2478] : memref<128x64xf32, #tpu.memory_space<vmem>> -> memref<8x64xf32, #tpu.memory_space<vmem>>
        %dma_start3A_2480 = arith.constant 0 : i32
        %dma_start3A_2481 = arith.constant 0 : i32
        %dma_start3A_2482 = tpu.memref_slice %arg6[%shift_right_arithmetic3A_2471, %dma_start3A_2480, %dma_start3A_2481] : memref<125x8x64xf32, #tpu.memory_space<hbm>> -> memref<1x8x64xf32, #tpu.memory_space<hbm>>
        %dma_start3A_2483 = tpu.memref_squeeze %dma_start3A_2482 : memref<1x8x64xf32, #tpu.memory_space<hbm>> -> memref<8x64xf32, #tpu.memory_space<hbm>>
        tpu.enqueue_dma source(%dma_start3A_2483 : memref<8x64xf32, #tpu.memory_space<hbm>>) target(%dma_start3A_2479 : memref<8x64xf32, #tpu.memory_space<vmem>>) target_semaphore(%arg18 : memref<!tpu.dma_semaphore, #tpu.memory_space<semaphore_mem>>)
        %slice3A_2484 = vector.extract_strided_slice %get3A_1899 {offsets = [11], sizes = [1], strides = [1]} : vector<16xi32> to vector<1xi32>
        %squeeze3A_2485 = vector.extract %slice3A_2484[0] : i32 from vector<1xi32>
        %shift_right_arithmetic3A_2486 = arith.constant 3 : i32
        %shift_right_arithmetic3A_2487 = arith.shrsi %squeeze3A_2485, %shift_right_arithmetic3A_2486 : i32
        %dma_start3A_2488 = arith.constant 0 : i32
        %dma_start3A_2489 = tpu.memref_slice %arg13[%multiple_of3A_2451, %dma_start3A_2488] : memref<128x64xf32, #tpu.memory_space<vmem>> -> memref<8x64xf32, #tpu.memory_space<vmem>>
        %dma_start3A_2490 = arith.constant 0 : i32
        %dma_start3A_2491 = arith.constant 0 : i32
        %dma_start3A_2492 = tpu.memref_slice %arg5[%shift_right_arithmetic3A_2487, %dma_start3A_2490, %dma_start3A_2491] : memref<125000x8x64xf32, #tpu.memory_space<hbm>> -> memref<1x8x64xf32, #tpu.memory_space<hbm>>
        %dma_start3A_2493 = tpu.memref_squeeze %dma_start3A_2492 : memref<1x8x64xf32, #tpu.memory_space<hbm>> -> memref<8x64xf32, #tpu.memory_space<hbm>>
        %dma_start3A_2494 = arith.constant 0 : i32
        %dma_start3A_2495 = tpu.memref_slice %arg13[%multiple_of3A_2451, %dma_start3A_2494] : memref<128x64xf32, #tpu.memory_space<vmem>> -> memref<8x64xf32, #tpu.memory_space<vmem>>
        %dma_start3A_2496 = arith.constant 0 : i32
        %dma_start3A_2497 = arith.constant 0 : i32
        %dma_start3A_2498 = tpu.memref_slice %arg5[%shift_right_arithmetic3A_2487, %dma_start3A_2496, %dma_start3A_2497] : memref<125000x8x64xf32, #tpu.memory_space<hbm>> -> memref<1x8x64xf32, #tpu.memory_space<hbm>>
        %dma_start3A_2499 = tpu.memref_squeeze %dma_start3A_2498 : memref<1x8x64xf32, #tpu.memory_space<hbm>> -> memref<8x64xf32, #tpu.memory_space<hbm>>
        tpu.enqueue_dma source(%dma_start3A_2499 : memref<8x64xf32, #tpu.memory_space<hbm>>) target(%dma_start3A_2495 : memref<8x64xf32, #tpu.memory_space<vmem>>) target_semaphore(%arg18 : memref<!tpu.dma_semaphore, #tpu.memory_space<semaphore_mem>>)
        %multiple_of3A_2500 = arith.constant 96 : i32
        %multiple_of3A_2501 = tpu.assume_multiple %multiple_of3A_2500, 8 : i32
        %slice3A_2502 = vector.extract_strided_slice %get3A_1895 {offsets = [12], sizes = [1], strides = [1]} : vector<16xi32> to vector<1xi32>
        %squeeze3A_2503 = vector.extract %slice3A_2502[0] : i32 from vector<1xi32>
        %shift_right_arithmetic3A_2504 = arith.constant 3 : i32
        %shift_right_arithmetic3A_2505 = arith.shrsi %squeeze3A_2503, %shift_right_arithmetic3A_2504 : i32
        %dma_start3A_2506 = arith.constant 0 : i32
        %dma_start3A_2507 = tpu.memref_slice %arg11[%multiple_of3A_2501, %dma_start3A_2506] : memref<128x64xf32, #tpu.memory_space<vmem>> -> memref<8x64xf32, #tpu.memory_space<vmem>>
        %dma_start3A_2508 = arith.constant 0 : i32
        %dma_start3A_2509 = arith.constant 0 : i32
        %dma_start3A_2510 = tpu.memref_slice %arg5[%shift_right_arithmetic3A_2505, %dma_start3A_2508, %dma_start3A_2509] : memref<125000x8x64xf32, #tpu.memory_space<hbm>> -> memref<1x8x64xf32, #tpu.memory_space<hbm>>
        %dma_start3A_2511 = tpu.memref_squeeze %dma_start3A_2510 : memref<1x8x64xf32, #tpu.memory_space<hbm>> -> memref<8x64xf32, #tpu.memory_space<hbm>>
        %dma_start3A_2512 = arith.constant 0 : i32
        %dma_start3A_2513 = tpu.memref_slice %arg11[%multiple_of3A_2501, %dma_start3A_2512] : memref<128x64xf32, #tpu.memory_space<vmem>> -> memref<8x64xf32, #tpu.memory_space<vmem>>
        %dma_start3A_2514 = arith.constant 0 : i32
        %dma_start3A_2515 = arith.constant 0 : i32
        %dma_start3A_2516 = tpu.memref_slice %arg5[%shift_right_arithmetic3A_2505, %dma_start3A_2514, %dma_start3A_2515] : memref<125000x8x64xf32, #tpu.memory_space<hbm>> -> memref<1x8x64xf32, #tpu.memory_space<hbm>>
        %dma_start3A_2517 = tpu.memref_squeeze %dma_start3A_2516 : memref<1x8x64xf32, #tpu.memory_space<hbm>> -> memref<8x64xf32, #tpu.memory_space<hbm>>
        tpu.enqueue_dma source(%dma_start3A_2517 : memref<8x64xf32, #tpu.memory_space<hbm>>) target(%dma_start3A_2513 : memref<8x64xf32, #tpu.memory_space<vmem>>) target_semaphore(%arg18 : memref<!tpu.dma_semaphore, #tpu.memory_space<semaphore_mem>>)
        %slice3A_2518 = vector.extract_strided_slice %get3A_1897 {offsets = [12], sizes = [1], strides = [1]} : vector<16xi32> to vector<1xi32>
        %squeeze3A_2519 = vector.extract %slice3A_2518[0] : i32 from vector<1xi32>
        %shift_right_arithmetic3A_2520 = arith.constant 3 : i32
        %shift_right_arithmetic3A_2521 = arith.shrsi %squeeze3A_2519, %shift_right_arithmetic3A_2520 : i32
        %dma_start3A_2522 = arith.constant 0 : i32
        %dma_start3A_2523 = tpu.memref_slice %arg12[%multiple_of3A_2501, %dma_start3A_2522] : memref<128x64xf32, #tpu.memory_space<vmem>> -> memref<8x64xf32, #tpu.memory_space<vmem>>
        %dma_start3A_2524 = arith.constant 0 : i32
        %dma_start3A_2525 = arith.constant 0 : i32
        %dma_start3A_2526 = tpu.memref_slice %arg6[%shift_right_arithmetic3A_2521, %dma_start3A_2524, %dma_start3A_2525] : memref<125x8x64xf32, #tpu.memory_space<hbm>> -> memref<1x8x64xf32, #tpu.memory_space<hbm>>
        %dma_start3A_2527 = tpu.memref_squeeze %dma_start3A_2526 : memref<1x8x64xf32, #tpu.memory_space<hbm>> -> memref<8x64xf32, #tpu.memory_space<hbm>>
        %dma_start3A_2528 = arith.constant 0 : i32
        %dma_start3A_2529 = tpu.memref_slice %arg12[%multiple_of3A_2501, %dma_start3A_2528] : memref<128x64xf32, #tpu.memory_space<vmem>> -> memref<8x64xf32, #tpu.memory_space<vmem>>
        %dma_start3A_2530 = arith.constant 0 : i32
        %dma_start3A_2531 = arith.constant 0 : i32
        %dma_start3A_2532 = tpu.memref_slice %arg6[%shift_right_arithmetic3A_2521, %dma_start3A_2530, %dma_start3A_2531] : memref<125x8x64xf32, #tpu.memory_space<hbm>> -> memref<1x8x64xf32, #tpu.memory_space<hbm>>
        %dma_start3A_2533 = tpu.memref_squeeze %dma_start3A_2532 : memref<1x8x64xf32, #tpu.memory_space<hbm>> -> memref<8x64xf32, #tpu.memory_space<hbm>>
        tpu.enqueue_dma source(%dma_start3A_2533 : memref<8x64xf32, #tpu.memory_space<hbm>>) target(%dma_start3A_2529 : memref<8x64xf32, #tpu.memory_space<vmem>>) target_semaphore(%arg18 : memref<!tpu.dma_semaphore, #tpu.memory_space<semaphore_mem>>)
        %slice3A_2534 = vector.extract_strided_slice %get3A_1899 {offsets = [12], sizes = [1], strides = [1]} : vector<16xi32> to vector<1xi32>
        %squeeze3A_2535 = vector.extract %slice3A_2534[0] : i32 from vector<1xi32>
        %shift_right_arithmetic3A_2536 = arith.constant 3 : i32
        %shift_right_arithmetic3A_2537 = arith.shrsi %squeeze3A_2535, %shift_right_arithmetic3A_2536 : i32
        %dma_start3A_2538 = arith.constant 0 : i32
        %dma_start3A_2539 = tpu.memref_slice %arg13[%multiple_of3A_2501, %dma_start3A_2538] : memref<128x64xf32, #tpu.memory_space<vmem>> -> memref<8x64xf32, #tpu.memory_space<vmem>>
        %dma_start3A_2540 = arith.constant 0 : i32
        %dma_start3A_2541 = arith.constant 0 : i32
        %dma_start3A_2542 = tpu.memref_slice %arg5[%shift_right_arithmetic3A_2537, %dma_start3A_2540, %dma_start3A_2541] : memref<125000x8x64xf32, #tpu.memory_space<hbm>> -> memref<1x8x64xf32, #tpu.memory_space<hbm>>
        %dma_start3A_2543 = tpu.memref_squeeze %dma_start3A_2542 : memref<1x8x64xf32, #tpu.memory_space<hbm>> -> memref<8x64xf32, #tpu.memory_space<hbm>>
        %dma_start3A_2544 = arith.constant 0 : i32
        %dma_start3A_2545 = tpu.memref_slice %arg13[%multiple_of3A_2501, %dma_start3A_2544] : memref<128x64xf32, #tpu.memory_space<vmem>> -> memref<8x64xf32, #tpu.memory_space<vmem>>
        %dma_start3A_2546 = arith.constant 0 : i32
        %dma_start3A_2547 = arith.constant 0 : i32
        %dma_start3A_2548 = tpu.memref_slice %arg5[%shift_right_arithmetic3A_2537, %dma_start3A_2546, %dma_start3A_2547] : memref<125000x8x64xf32, #tpu.memory_space<hbm>> -> memref<1x8x64xf32, #tpu.memory_space<hbm>>
        %dma_start3A_2549 = tpu.memref_squeeze %dma_start3A_2548 : memref<1x8x64xf32, #tpu.memory_space<hbm>> -> memref<8x64xf32, #tpu.memory_space<hbm>>
        tpu.enqueue_dma source(%dma_start3A_2549 : memref<8x64xf32, #tpu.memory_space<hbm>>) target(%dma_start3A_2545 : memref<8x64xf32, #tpu.memory_space<vmem>>) target_semaphore(%arg18 : memref<!tpu.dma_semaphore, #tpu.memory_space<semaphore_mem>>)
        %multiple_of3A_2550 = arith.constant 104 : i32
        %multiple_of3A_2551 = tpu.assume_multiple %multiple_of3A_2550, 8 : i32
        %slice3A_2552 = vector.extract_strided_slice %get3A_1895 {offsets = [13], sizes = [1], strides = [1]} : vector<16xi32> to vector<1xi32>
        %squeeze3A_2553 = vector.extract %slice3A_2552[0] : i32 from vector<1xi32>
        %shift_right_arithmetic3A_2554 = arith.constant 3 : i32
        %shift_right_arithmetic3A_2555 = arith.shrsi %squeeze3A_2553, %shift_right_arithmetic3A_2554 : i32
        %dma_start3A_2556 = arith.constant 0 : i32
        %dma_start3A_2557 = tpu.memref_slice %arg11[%multiple_of3A_2551, %dma_start3A_2556] : memref<128x64xf32, #tpu.memory_space<vmem>> -> memref<8x64xf32, #tpu.memory_space<vmem>>
        %dma_start3A_2558 = arith.constant 0 : i32
        %dma_start3A_2559 = arith.constant 0 : i32
        %dma_start3A_2560 = tpu.memref_slice %arg5[%shift_right_arithmetic3A_2555, %dma_start3A_2558, %dma_start3A_2559] : memref<125000x8x64xf32, #tpu.memory_space<hbm>> -> memref<1x8x64xf32, #tpu.memory_space<hbm>>
        %dma_start3A_2561 = tpu.memref_squeeze %dma_start3A_2560 : memref<1x8x64xf32, #tpu.memory_space<hbm>> -> memref<8x64xf32, #tpu.memory_space<hbm>>
        %dma_start3A_2562 = arith.constant 0 : i32
        %dma_start3A_2563 = tpu.memref_slice %arg11[%multiple_of3A_2551, %dma_start3A_2562] : memref<128x64xf32, #tpu.memory_space<vmem>> -> memref<8x64xf32, #tpu.memory_space<vmem>>
        %dma_start3A_2564 = arith.constant 0 : i32
        %dma_start3A_2565 = arith.constant 0 : i32
        %dma_start3A_2566 = tpu.memref_slice %arg5[%shift_right_arithmetic3A_2555, %dma_start3A_2564, %dma_start3A_2565] : memref<125000x8x64xf32, #tpu.memory_space<hbm>> -> memref<1x8x64xf32, #tpu.memory_space<hbm>>
        %dma_start3A_2567 = tpu.memref_squeeze %dma_start3A_2566 : memref<1x8x64xf32, #tpu.memory_space<hbm>> -> memref<8x64xf32, #tpu.memory_space<hbm>>
        tpu.enqueue_dma source(%dma_start3A_2567 : memref<8x64xf32, #tpu.memory_space<hbm>>) target(%dma_start3A_2563 : memref<8x64xf32, #tpu.memory_space<vmem>>) target_semaphore(%arg18 : memref<!tpu.dma_semaphore, #tpu.memory_space<semaphore_mem>>)
        %slice3A_2568 = vector.extract_strided_slice %get3A_1897 {offsets = [13], sizes = [1], strides = [1]} : vector<16xi32> to vector<1xi32>
        %squeeze3A_2569 = vector.extract %slice3A_2568[0] : i32 from vector<1xi32>
        %shift_right_arithmetic3A_2570 = arith.constant 3 : i32
        %shift_right_arithmetic3A_2571 = arith.shrsi %squeeze3A_2569, %shift_right_arithmetic3A_2570 : i32
        %dma_start3A_2572 = arith.constant 0 : i32
        %dma_start3A_2573 = tpu.memref_slice %arg12[%multiple_of3A_2551, %dma_start3A_2572] : memref<128x64xf32, #tpu.memory_space<vmem>> -> memref<8x64xf32, #tpu.memory_space<vmem>>
        %dma_start3A_2574 = arith.constant 0 : i32
        %dma_start3A_2575 = arith.constant 0 : i32
        %dma_start3A_2576 = tpu.memref_slice %arg6[%shift_right_arithmetic3A_2571, %dma_start3A_2574, %dma_start3A_2575] : memref<125x8x64xf32, #tpu.memory_space<hbm>> -> memref<1x8x64xf32, #tpu.memory_space<hbm>>
        %dma_start3A_2577 = tpu.memref_squeeze %dma_start3A_2576 : memref<1x8x64xf32, #tpu.memory_space<hbm>> -> memref<8x64xf32, #tpu.memory_space<hbm>>
        %dma_start3A_2578 = arith.constant 0 : i32
        %dma_start3A_2579 = tpu.memref_slice %arg12[%multiple_of3A_2551, %dma_start3A_2578] : memref<128x64xf32, #tpu.memory_space<vmem>> -> memref<8x64xf32, #tpu.memory_space<vmem>>
        %dma_start3A_2580 = arith.constant 0 : i32
        %dma_start3A_2581 = arith.constant 0 : i32
        %dma_start3A_2582 = tpu.memref_slice %arg6[%shift_right_arithmetic3A_2571, %dma_start3A_2580, %dma_start3A_2581] : memref<125x8x64xf32, #tpu.memory_space<hbm>> -> memref<1x8x64xf32, #tpu.memory_space<hbm>>
        %dma_start3A_2583 = tpu.memref_squeeze %dma_start3A_2582 : memref<1x8x64xf32, #tpu.memory_space<hbm>> -> memref<8x64xf32, #tpu.memory_space<hbm>>
        tpu.enqueue_dma source(%dma_start3A_2583 : memref<8x64xf32, #tpu.memory_space<hbm>>) target(%dma_start3A_2579 : memref<8x64xf32, #tpu.memory_space<vmem>>) target_semaphore(%arg18 : memref<!tpu.dma_semaphore, #tpu.memory_space<semaphore_mem>>)
        %slice3A_2584 = vector.extract_strided_slice %get3A_1899 {offsets = [13], sizes = [1], strides = [1]} : vector<16xi32> to vector<1xi32>
        %squeeze3A_2585 = vector.extract %slice3A_2584[0] : i32 from vector<1xi32>
        %shift_right_arithmetic3A_2586 = arith.constant 3 : i32
        %shift_right_arithmetic3A_2587 = arith.shrsi %squeeze3A_2585, %shift_right_arithmetic3A_2586 : i32
        %dma_start3A_2588 = arith.constant 0 : i32
        %dma_start3A_2589 = tpu.memref_slice %arg13[%multiple_of3A_2551, %dma_start3A_2588] : memref<128x64xf32, #tpu.memory_space<vmem>> -> memref<8x64xf32, #tpu.memory_space<vmem>>
        %dma_start3A_2590 = arith.constant 0 : i32
        %dma_start3A_2591 = arith.constant 0 : i32
        %dma_start3A_2592 = tpu.memref_slice %arg5[%shift_right_arithmetic3A_2587, %dma_start3A_2590, %dma_start3A_2591] : memref<125000x8x64xf32, #tpu.memory_space<hbm>> -> memref<1x8x64xf32, #tpu.memory_space<hbm>>
        %dma_start3A_2593 = tpu.memref_squeeze %dma_start3A_2592 : memref<1x8x64xf32, #tpu.memory_space<hbm>> -> memref<8x64xf32, #tpu.memory_space<hbm>>
        %dma_start3A_2594 = arith.constant 0 : i32
        %dma_start3A_2595 = tpu.memref_slice %arg13[%multiple_of3A_2551, %dma_start3A_2594] : memref<128x64xf32, #tpu.memory_space<vmem>> -> memref<8x64xf32, #tpu.memory_space<vmem>>
        %dma_start3A_2596 = arith.constant 0 : i32
        %dma_start3A_2597 = arith.constant 0 : i32
        %dma_start3A_2598 = tpu.memref_slice %arg5[%shift_right_arithmetic3A_2587, %dma_start3A_2596, %dma_start3A_2597] : memref<125000x8x64xf32, #tpu.memory_space<hbm>> -> memref<1x8x64xf32, #tpu.memory_space<hbm>>
        %dma_start3A_2599 = tpu.memref_squeeze %dma_start3A_2598 : memref<1x8x64xf32, #tpu.memory_space<hbm>> -> memref<8x64xf32, #tpu.memory_space<hbm>>
        tpu.enqueue_dma source(%dma_start3A_2599 : memref<8x64xf32, #tpu.memory_space<hbm>>) target(%dma_start3A_2595 : memref<8x64xf32, #tpu.memory_space<vmem>>) target_semaphore(%arg18 : memref<!tpu.dma_semaphore, #tpu.memory_space<semaphore_mem>>)
        %multiple_of3A_2600 = arith.constant 112 : i32
        %multiple_of3A_2601 = tpu.assume_multiple %multiple_of3A_2600, 8 : i32
        %slice3A_2602 = vector.extract_strided_slice %get3A_1895 {offsets = [14], sizes = [1], strides = [1]} : vector<16xi32> to vector<1xi32>
        %squeeze3A_2603 = vector.extract %slice3A_2602[0] : i32 from vector<1xi32>
        %shift_right_arithmetic3A_2604 = arith.constant 3 : i32
        %shift_right_arithmetic3A_2605 = arith.shrsi %squeeze3A_2603, %shift_right_arithmetic3A_2604 : i32
        %dma_start3A_2606 = arith.constant 0 : i32
        %dma_start3A_2607 = tpu.memref_slice %arg11[%multiple_of3A_2601, %dma_start3A_2606] : memref<128x64xf32, #tpu.memory_space<vmem>> -> memref<8x64xf32, #tpu.memory_space<vmem>>
        %dma_start3A_2608 = arith.constant 0 : i32
        %dma_start3A_2609 = arith.constant 0 : i32
        %dma_start3A_2610 = tpu.memref_slice %arg5[%shift_right_arithmetic3A_2605, %dma_start3A_2608, %dma_start3A_2609] : memref<125000x8x64xf32, #tpu.memory_space<hbm>> -> memref<1x8x64xf32, #tpu.memory_space<hbm>>
        %dma_start3A_2611 = tpu.memref_squeeze %dma_start3A_2610 : memref<1x8x64xf32, #tpu.memory_space<hbm>> -> memref<8x64xf32, #tpu.memory_space<hbm>>
        %dma_start3A_2612 = arith.constant 0 : i32
        %dma_start3A_2613 = tpu.memref_slice %arg11[%multiple_of3A_2601, %dma_start3A_2612] : memref<128x64xf32, #tpu.memory_space<vmem>> -> memref<8x64xf32, #tpu.memory_space<vmem>>
        %dma_start3A_2614 = arith.constant 0 : i32
        %dma_start3A_2615 = arith.constant 0 : i32
        %dma_start3A_2616 = tpu.memref_slice %arg5[%shift_right_arithmetic3A_2605, %dma_start3A_2614, %dma_start3A_2615] : memref<125000x8x64xf32, #tpu.memory_space<hbm>> -> memref<1x8x64xf32, #tpu.memory_space<hbm>>
        %dma_start3A_2617 = tpu.memref_squeeze %dma_start3A_2616 : memref<1x8x64xf32, #tpu.memory_space<hbm>> -> memref<8x64xf32, #tpu.memory_space<hbm>>
        tpu.enqueue_dma source(%dma_start3A_2617 : memref<8x64xf32, #tpu.memory_space<hbm>>) target(%dma_start3A_2613 : memref<8x64xf32, #tpu.memory_space<vmem>>) target_semaphore(%arg18 : memref<!tpu.dma_semaphore, #tpu.memory_space<semaphore_mem>>)
        %slice3A_2618 = vector.extract_strided_slice %get3A_1897 {offsets = [14], sizes = [1], strides = [1]} : vector<16xi32> to vector<1xi32>
        %squeeze3A_2619 = vector.extract %slice3A_2618[0] : i32 from vector<1xi32>
        %shift_right_arithmetic3A_2620 = arith.constant 3 : i32
        %shift_right_arithmetic3A_2621 = arith.shrsi %squeeze3A_2619, %shift_right_arithmetic3A_2620 : i32
        %dma_start3A_2622 = arith.constant 0 : i32
        %dma_start3A_2623 = tpu.memref_slice %arg12[%multiple_of3A_2601, %dma_start3A_2622] : memref<128x64xf32, #tpu.memory_space<vmem>> -> memref<8x64xf32, #tpu.memory_space<vmem>>
        %dma_start3A_2624 = arith.constant 0 : i32
        %dma_start3A_2625 = arith.constant 0 : i32
        %dma_start3A_2626 = tpu.memref_slice %arg6[%shift_right_arithmetic3A_2621, %dma_start3A_2624, %dma_start3A_2625] : memref<125x8x64xf32, #tpu.memory_space<hbm>> -> memref<1x8x64xf32, #tpu.memory_space<hbm>>
        %dma_start3A_2627 = tpu.memref_squeeze %dma_start3A_2626 : memref<1x8x64xf32, #tpu.memory_space<hbm>> -> memref<8x64xf32, #tpu.memory_space<hbm>>
        %dma_start3A_2628 = arith.constant 0 : i32
        %dma_start3A_2629 = tpu.memref_slice %arg12[%multiple_of3A_2601, %dma_start3A_2628] : memref<128x64xf32, #tpu.memory_space<vmem>> -> memref<8x64xf32, #tpu.memory_space<vmem>>
        %dma_start3A_2630 = arith.constant 0 : i32
        %dma_start3A_2631 = arith.constant 0 : i32
        %dma_start3A_2632 = tpu.memref_slice %arg6[%shift_right_arithmetic3A_2621, %dma_start3A_2630, %dma_start3A_2631] : memref<125x8x64xf32, #tpu.memory_space<hbm>> -> memref<1x8x64xf32, #tpu.memory_space<hbm>>
        %dma_start3A_2633 = tpu.memref_squeeze %dma_start3A_2632 : memref<1x8x64xf32, #tpu.memory_space<hbm>> -> memref<8x64xf32, #tpu.memory_space<hbm>>
        tpu.enqueue_dma source(%dma_start3A_2633 : memref<8x64xf32, #tpu.memory_space<hbm>>) target(%dma_start3A_2629 : memref<8x64xf32, #tpu.memory_space<vmem>>) target_semaphore(%arg18 : memref<!tpu.dma_semaphore, #tpu.memory_space<semaphore_mem>>)
        %slice3A_2634 = vector.extract_strided_slice %get3A_1899 {offsets = [14], sizes = [1], strides = [1]} : vector<16xi32> to vector<1xi32>
        %squeeze3A_2635 = vector.extract %slice3A_2634[0] : i32 from vector<1xi32>
        %shift_right_arithmetic3A_2636 = arith.constant 3 : i32
        %shift_right_arithmetic3A_2637 = arith.shrsi %squeeze3A_2635, %shift_right_arithmetic3A_2636 : i32
        %dma_start3A_2638 = arith.constant 0 : i32
        %dma_start3A_2639 = tpu.memref_slice %arg13[%multiple_of3A_2601, %dma_start3A_2638] : memref<128x64xf32, #tpu.memory_space<vmem>> -> memref<8x64xf32, #tpu.memory_space<vmem>>
        %dma_start3A_2640 = arith.constant 0 : i32
        %dma_start3A_2641 = arith.constant 0 : i32
        %dma_start3A_2642 = tpu.memref_slice %arg5[%shift_right_arithmetic3A_2637, %dma_start3A_2640, %dma_start3A_2641] : memref<125000x8x64xf32, #tpu.memory_space<hbm>> -> memref<1x8x64xf32, #tpu.memory_space<hbm>>
        %dma_start3A_2643 = tpu.memref_squeeze %dma_start3A_2642 : memref<1x8x64xf32, #tpu.memory_space<hbm>> -> memref<8x64xf32, #tpu.memory_space<hbm>>
        %dma_start3A_2644 = arith.constant 0 : i32
        %dma_start3A_2645 = tpu.memref_slice %arg13[%multiple_of3A_2601, %dma_start3A_2644] : memref<128x64xf32, #tpu.memory_space<vmem>> -> memref<8x64xf32, #tpu.memory_space<vmem>>
        %dma_start3A_2646 = arith.constant 0 : i32
        %dma_start3A_2647 = arith.constant 0 : i32
        %dma_start3A_2648 = tpu.memref_slice %arg5[%shift_right_arithmetic3A_2637, %dma_start3A_2646, %dma_start3A_2647] : memref<125000x8x64xf32, #tpu.memory_space<hbm>> -> memref<1x8x64xf32, #tpu.memory_space<hbm>>
        %dma_start3A_2649 = tpu.memref_squeeze %dma_start3A_2648 : memref<1x8x64xf32, #tpu.memory_space<hbm>> -> memref<8x64xf32, #tpu.memory_space<hbm>>
        tpu.enqueue_dma source(%dma_start3A_2649 : memref<8x64xf32, #tpu.memory_space<hbm>>) target(%dma_start3A_2645 : memref<8x64xf32, #tpu.memory_space<vmem>>) target_semaphore(%arg18 : memref<!tpu.dma_semaphore, #tpu.memory_space<semaphore_mem>>)
        %multiple_of3A_2650 = arith.constant 120 : i32
        %multiple_of3A_2651 = tpu.assume_multiple %multiple_of3A_2650, 8 : i32
        %slice3A_2652 = vector.extract_strided_slice %get3A_1895 {offsets = [15], sizes = [1], strides = [1]} : vector<16xi32> to vector<1xi32>
        %squeeze3A_2653 = vector.extract %slice3A_2652[0] : i32 from vector<1xi32>
        %shift_right_arithmetic3A_2654 = arith.constant 3 : i32
        %shift_right_arithmetic3A_2655 = arith.shrsi %squeeze3A_2653, %shift_right_arithmetic3A_2654 : i32
        %dma_start3A_2656 = arith.constant 0 : i32
        %dma_start3A_2657 = tpu.memref_slice %arg11[%multiple_of3A_2651, %dma_start3A_2656] : memref<128x64xf32, #tpu.memory_space<vmem>> -> memref<8x64xf32, #tpu.memory_space<vmem>>
        %dma_start3A_2658 = arith.constant 0 : i32
        %dma_start3A_2659 = arith.constant 0 : i32
        %dma_start3A_2660 = tpu.memref_slice %arg5[%shift_right_arithmetic3A_2655, %dma_start3A_2658, %dma_start3A_2659] : memref<125000x8x64xf32, #tpu.memory_space<hbm>> -> memref<1x8x64xf32, #tpu.memory_space<hbm>>
        %dma_start3A_2661 = tpu.memref_squeeze %dma_start3A_2660 : memref<1x8x64xf32, #tpu.memory_space<hbm>> -> memref<8x64xf32, #tpu.memory_space<hbm>>
        %dma_start3A_2662 = arith.constant 0 : i32
        %dma_start3A_2663 = tpu.memref_slice %arg11[%multiple_of3A_2651, %dma_start3A_2662] : memref<128x64xf32, #tpu.memory_space<vmem>> -> memref<8x64xf32, #tpu.memory_space<vmem>>
        %dma_start3A_2664 = arith.constant 0 : i32
        %dma_start3A_2665 = arith.constant 0 : i32
        %dma_start3A_2666 = tpu.memref_slice %arg5[%shift_right_arithmetic3A_2655, %dma_start3A_2664, %dma_start3A_2665] : memref<125000x8x64xf32, #tpu.memory_space<hbm>> -> memref<1x8x64xf32, #tpu.memory_space<hbm>>
        %dma_start3A_2667 = tpu.memref_squeeze %dma_start3A_2666 : memref<1x8x64xf32, #tpu.memory_space<hbm>> -> memref<8x64xf32, #tpu.memory_space<hbm>>
        tpu.enqueue_dma source(%dma_start3A_2667 : memref<8x64xf32, #tpu.memory_space<hbm>>) target(%dma_start3A_2663 : memref<8x64xf32, #tpu.memory_space<vmem>>) target_semaphore(%arg18 : memref<!tpu.dma_semaphore, #tpu.memory_space<semaphore_mem>>)
        %slice3A_2668 = vector.extract_strided_slice %get3A_1897 {offsets = [15], sizes = [1], strides = [1]} : vector<16xi32> to vector<1xi32>
        %squeeze3A_2669 = vector.extract %slice3A_2668[0] : i32 from vector<1xi32>
        %shift_right_arithmetic3A_2670 = arith.constant 3 : i32
        %shift_right_arithmetic3A_2671 = arith.shrsi %squeeze3A_2669, %shift_right_arithmetic3A_2670 : i32
        %dma_start3A_2672 = arith.constant 0 : i32
        %dma_start3A_2673 = tpu.memref_slice %arg12[%multiple_of3A_2651, %dma_start3A_2672] : memref<128x64xf32, #tpu.memory_space<vmem>> -> memref<8x64xf32, #tpu.memory_space<vmem>>
        %dma_start3A_2674 = arith.constant 0 : i32
        %dma_start3A_2675 = arith.constant 0 : i32
        %dma_start3A_2676 = tpu.memref_slice %arg6[%shift_right_arithmetic3A_2671, %dma_start3A_2674, %dma_start3A_2675] : memref<125x8x64xf32, #tpu.memory_space<hbm>> -> memref<1x8x64xf32, #tpu.memory_space<hbm>>
        %dma_start3A_2677 = tpu.memref_squeeze %dma_start3A_2676 : memref<1x8x64xf32, #tpu.memory_space<hbm>> -> memref<8x64xf32, #tpu.memory_space<hbm>>
        %dma_start3A_2678 = arith.constant 0 : i32
        %dma_start3A_2679 = tpu.memref_slice %arg12[%multiple_of3A_2651, %dma_start3A_2678] : memref<128x64xf32, #tpu.memory_space<vmem>> -> memref<8x64xf32, #tpu.memory_space<vmem>>
        %dma_start3A_2680 = arith.constant 0 : i32
        %dma_start3A_2681 = arith.constant 0 : i32
        %dma_start3A_2682 = tpu.memref_slice %arg6[%shift_right_arithmetic3A_2671, %dma_start3A_2680, %dma_start3A_2681] : memref<125x8x64xf32, #tpu.memory_space<hbm>> -> memref<1x8x64xf32, #tpu.memory_space<hbm>>
        %dma_start3A_2683 = tpu.memref_squeeze %dma_start3A_2682 : memref<1x8x64xf32, #tpu.memory_space<hbm>> -> memref<8x64xf32, #tpu.memory_space<hbm>>
        tpu.enqueue_dma source(%dma_start3A_2683 : memref<8x64xf32, #tpu.memory_space<hbm>>) target(%dma_start3A_2679 : memref<8x64xf32, #tpu.memory_space<vmem>>) target_semaphore(%arg18 : memref<!tpu.dma_semaphore, #tpu.memory_space<semaphore_mem>>)
        %slice3A_2684 = vector.extract_strided_slice %get3A_1899 {offsets = [15], sizes = [1], strides = [1]} : vector<16xi32> to vector<1xi32>
        %squeeze3A_2685 = vector.extract %slice3A_2684[0] : i32 from vector<1xi32>
        %shift_right_arithmetic3A_2686 = arith.constant 3 : i32
        %shift_right_arithmetic3A_2687 = arith.shrsi %squeeze3A_2685, %shift_right_arithmetic3A_2686 : i32
        %dma_start3A_2688 = arith.constant 0 : i32
        %dma_start3A_2689 = tpu.memref_slice %arg13[%multiple_of3A_2651, %dma_start3A_2688] : memref<128x64xf32, #tpu.memory_space<vmem>> -> memref<8x64xf32, #tpu.memory_space<vmem>>
        %dma_start3A_2690 = arith.constant 0 : i32
        %dma_start3A_2691 = arith.constant 0 : i32
        %dma_start3A_2692 = tpu.memref_slice %arg5[%shift_right_arithmetic3A_2687, %dma_start3A_2690, %dma_start3A_2691] : memref<125000x8x64xf32, #tpu.memory_space<hbm>> -> memref<1x8x64xf32, #tpu.memory_space<hbm>>
        %dma_start3A_2693 = tpu.memref_squeeze %dma_start3A_2692 : memref<1x8x64xf32, #tpu.memory_space<hbm>> -> memref<8x64xf32, #tpu.memory_space<hbm>>
        %dma_start3A_2694 = arith.constant 0 : i32
        %dma_start3A_2695 = tpu.memref_slice %arg13[%multiple_of3A_2651, %dma_start3A_2694] : memref<128x64xf32, #tpu.memory_space<vmem>> -> memref<8x64xf32, #tpu.memory_space<vmem>>
        %dma_start3A_2696 = arith.constant 0 : i32
        %dma_start3A_2697 = arith.constant 0 : i32
        %dma_start3A_2698 = tpu.memref_slice %arg5[%shift_right_arithmetic3A_2687, %dma_start3A_2696, %dma_start3A_2697] : memref<125000x8x64xf32, #tpu.memory_space<hbm>> -> memref<1x8x64xf32, #tpu.memory_space<hbm>>
        %dma_start3A_2699 = tpu.memref_squeeze %dma_start3A_2698 : memref<1x8x64xf32, #tpu.memory_space<hbm>> -> memref<8x64xf32, #tpu.memory_space<hbm>>
        tpu.enqueue_dma source(%dma_start3A_2699 : memref<8x64xf32, #tpu.memory_space<hbm>>) target(%dma_start3A_2695 : memref<8x64xf32, #tpu.memory_space<vmem>>) target_semaphore(%arg18 : memref<!tpu.dma_semaphore, #tpu.memory_space<semaphore_mem>>)
      } else {
      }
      %scan3A_1755 = arith.constant 0 : i32
      %scan3A_1756 = arith.constant 0 : i32
      %scan3A_1757 = arith.constant 16 : i32
      %scan3A_1758 = arith.addi %scan3A_1756, %scan3A_1757 : i32
      %scan3A_1759 = arith.constant 1 : i32
      scf.for %scan3A_1890 = %scan3A_1756 to %scan3A_1758 step %scan3A_1759  : i32 {
        %dma_wait3A = arith.constant 0 : i32
        %dma_wait3A_1891 = arith.constant 0 : i32
        %dma_wait3A_1892 = arith.constant 0 : i32
        %dma_wait3A_1893 = tpu.memref_slice %arg14[%dma_wait3A_1891, %dma_wait3A_1892] : memref<128x64xf32, #tpu.memory_space<vmem>> -> memref<8x64xf32, #tpu.memory_space<vmem>>
        %dma_wait3A_1894 = arith.constant 0 : i32
        %dma_wait3A_1895 = arith.constant 0 : i32
        %dma_wait3A_1896 = tpu.memref_slice %arg5[%dma_wait3A, %dma_wait3A_1894, %dma_wait3A_1895] : memref<125000x8x64xf32, #tpu.memory_space<hbm>> -> memref<1x8x64xf32, #tpu.memory_space<hbm>>
        %dma_wait3A_1897 = tpu.memref_squeeze %dma_wait3A_1896 : memref<1x8x64xf32, #tpu.memory_space<hbm>> -> memref<8x64xf32, #tpu.memory_space<hbm>>
        %dma_wait3A_1898 = arith.constant 0 : i32
        %dma_wait3A_1899 = arith.constant 0 : i32
        %dma_wait3A_1900 = tpu.memref_slice %arg14[%dma_wait3A_1898, %dma_wait3A_1899] : memref<128x64xf32, #tpu.memory_space<vmem>> -> memref<8x64xf32, #tpu.memory_space<vmem>>
        %dma_wait3A_1901 = arith.constant 0 : i32
        %dma_wait3A_1902 = arith.constant 0 : i32
        %dma_wait3A_1903 = tpu.memref_slice %arg5[%dma_wait3A, %dma_wait3A_1901, %dma_wait3A_1902] : memref<125000x8x64xf32, #tpu.memory_space<hbm>> -> memref<1x8x64xf32, #tpu.memory_space<hbm>>
        %dma_wait3A_1904 = tpu.memref_squeeze %dma_wait3A_1903 : memref<1x8x64xf32, #tpu.memory_space<hbm>> -> memref<8x64xf32, #tpu.memory_space<hbm>>
        tpu.wait_dma2 semaphore(%arg19 : memref<!tpu.dma_semaphore, #tpu.memory_space<semaphore_mem>>) src(%dma_wait3A_1904 : memref<8x64xf32, #tpu.memory_space<hbm>>) dst(%dma_wait3A_1900 : memref<8x64xf32, #tpu.memory_space<vmem>>)
        %dma_wait3A_1905 = arith.constant 0 : i32
        %dma_wait3A_1906 = arith.constant 0 : i32
        %dma_wait3A_1907 = arith.constant 0 : i32
        %dma_wait3A_1908 = tpu.memref_slice %arg14[%dma_wait3A_1906, %dma_wait3A_1907] : memref<128x64xf32, #tpu.memory_space<vmem>> -> memref<8x64xf32, #tpu.memory_space<vmem>>
        %dma_wait3A_1909 = arith.constant 0 : i32
        %dma_wait3A_1910 = arith.constant 0 : i32
        %dma_wait3A_1911 = tpu.memref_slice %arg5[%dma_wait3A_1905, %dma_wait3A_1909, %dma_wait3A_1910] : memref<125000x8x64xf32, #tpu.memory_space<hbm>> -> memref<1x8x64xf32, #tpu.memory_space<hbm>>
        %dma_wait3A_1912 = tpu.memref_squeeze %dma_wait3A_1911 : memref<1x8x64xf32, #tpu.memory_space<hbm>> -> memref<8x64xf32, #tpu.memory_space<hbm>>
        %dma_wait3A_1913 = arith.constant 0 : i32
        %dma_wait3A_1914 = arith.constant 0 : i32
        %dma_wait3A_1915 = tpu.memref_slice %arg14[%dma_wait3A_1913, %dma_wait3A_1914] : memref<128x64xf32, #tpu.memory_space<vmem>> -> memref<8x64xf32, #tpu.memory_space<vmem>>
        %dma_wait3A_1916 = arith.constant 0 : i32
        %dma_wait3A_1917 = arith.constant 0 : i32
        %dma_wait3A_1918 = tpu.memref_slice %arg5[%dma_wait3A_1905, %dma_wait3A_1916, %dma_wait3A_1917] : memref<125000x8x64xf32, #tpu.memory_space<hbm>> -> memref<1x8x64xf32, #tpu.memory_space<hbm>>
        %dma_wait3A_1919 = tpu.memref_squeeze %dma_wait3A_1918 : memref<1x8x64xf32, #tpu.memory_space<hbm>> -> memref<8x64xf32, #tpu.memory_space<hbm>>
        tpu.wait_dma2 semaphore(%arg19 : memref<!tpu.dma_semaphore, #tpu.memory_space<semaphore_mem>>) src(%dma_wait3A_1919 : memref<8x64xf32, #tpu.memory_space<hbm>>) dst(%dma_wait3A_1915 : memref<8x64xf32, #tpu.memory_space<vmem>>)
        %dma_wait3A_1920 = arith.constant 0 : i32
        %dma_wait3A_1921 = arith.constant 0 : i32
        %dma_wait3A_1922 = arith.constant 0 : i32
        %dma_wait3A_1923 = tpu.memref_slice %arg14[%dma_wait3A_1921, %dma_wait3A_1922] : memref<128x64xf32, #tpu.memory_space<vmem>> -> memref<8x64xf32, #tpu.memory_space<vmem>>
        %dma_wait3A_1924 = arith.constant 0 : i32
        %dma_wait3A_1925 = arith.constant 0 : i32
        %dma_wait3A_1926 = tpu.memref_slice %arg5[%dma_wait3A_1920, %dma_wait3A_1924, %dma_wait3A_1925] : memref<125000x8x64xf32, #tpu.memory_space<hbm>> -> memref<1x8x64xf32, #tpu.memory_space<hbm>>
        %dma_wait3A_1927 = tpu.memref_squeeze %dma_wait3A_1926 : memref<1x8x64xf32, #tpu.memory_space<hbm>> -> memref<8x64xf32, #tpu.memory_space<hbm>>
        %dma_wait3A_1928 = arith.constant 0 : i32
        %dma_wait3A_1929 = arith.constant 0 : i32
        %dma_wait3A_1930 = tpu.memref_slice %arg14[%dma_wait3A_1928, %dma_wait3A_1929] : memref<128x64xf32, #tpu.memory_space<vmem>> -> memref<8x64xf32, #tpu.memory_space<vmem>>
        %dma_wait3A_1931 = arith.constant 0 : i32
        %dma_wait3A_1932 = arith.constant 0 : i32
        %dma_wait3A_1933 = tpu.memref_slice %arg5[%dma_wait3A_1920, %dma_wait3A_1931, %dma_wait3A_1932] : memref<125000x8x64xf32, #tpu.memory_space<hbm>> -> memref<1x8x64xf32, #tpu.memory_space<hbm>>
        %dma_wait3A_1934 = tpu.memref_squeeze %dma_wait3A_1933 : memref<1x8x64xf32, #tpu.memory_space<hbm>> -> memref<8x64xf32, #tpu.memory_space<hbm>>
        tpu.wait_dma2 semaphore(%arg19 : memref<!tpu.dma_semaphore, #tpu.memory_space<semaphore_mem>>) src(%dma_wait3A_1934 : memref<8x64xf32, #tpu.memory_space<hbm>>) dst(%dma_wait3A_1930 : memref<8x64xf32, #tpu.memory_space<vmem>>)
      }
      %scan3A_1760 = arith.constant 16 : i32
      %add3A_1761 = arith.constant 1 : i32
      %add3A_1762 = arith.addi %mul3A_814, %add3A_1761 : i32
      %mul3A_1763 = arith.constant 16 : i32
      %mul3A_1764 = arith.muli %add3A_1762, %mul3A_1763 : i32
      %add3A_1765 = arith.addi %mul3A_2, %mul3A_1764 : i32
      %mul3A_1766 = arith.constant 16 : i32
      %mul3A_1767 = arith.muli %add3A_1762, %mul3A_1766 : i32
      %mul3A_1768 = arith.constant 8 : i32
      %mul3A_1769 = vector.broadcast %mul3A_1768 : i32 to vector<16xi32>
      %mul3A_1770 = arith.muli %iota3A, %mul3A_1769 : vector<16xi32>
      %get3A_1771 = arith.index_cast %mul3A_1767 : i32 to index
      %get3A_1772 = tpu.vector_load %arg8[%get3A_1771] {strides = array<i32>} : memref<512xi32, #tpu.memory_space<vmem>>, vector<16xi32>,
      %and3A_1773 = arith.andi %get3A_1772, %broadcast_in_dim3A_5 : vector<16xi32>
      %add3A_1774 = arith.addi %mul3A_1770, %and3A_1773 : vector<16xi32>
      %get3A_1775 = arith.index_cast %mul3A_1767 : i32 to index
      %get3A_1776 = tpu.vector_load %arg9[%get3A_1775] {strides = array<i32>} : memref<512xi32, #tpu.memory_space<vmem>>, vector<16xi32>,
      %and3A_1777 = arith.andi %get3A_1776, %broadcast_in_dim3A_5 : vector<16xi32>
      %add3A_1778 = arith.addi %mul3A_1770, %and3A_1777 : vector<16xi32>
      %get3A_1779 = arith.index_cast %mul3A_1767 : i32 to index
      %get3A_1780 = tpu.vector_load %arg10[%get3A_1779] {strides = array<i32>} : memref<512xi32, #tpu.memory_space<vmem>>, vector<16xi32>,
      %and3A_1781 = arith.andi %get3A_1780, %broadcast_in_dim3A_5 : vector<16xi32>
      %add3A_1782 = arith.addi %mul3A_1770, %and3A_1781 : vector<16xi32>
      %scan3A_1783 = arith.constant 0 : i32
      %scan3A_1784 = arith.constant 64 : i32
      %scan3A_1785 = arith.addi %scan3A_1783, %scan3A_1784 : i32
      %scan3A_1786 = arith.constant 8 : i32
      %scan3A_1787:3 = scf.for %scan3A_1890 = %scan3A_1783 to %scan3A_1785 step %scan3A_1786 iter_args(%scan3A_1891 = %broadcast_in_dim3A_3, %scan3A_1892 = %broadcast_in_dim3A_3, %scan3A_1893 = %broadcast_in_dim3A_3) -> (vector<16xf32>, vector<16xf32>, vector<16xf32>)  : i32 {
        %add3A_1894 = vector.broadcast %scan3A_1890 : i32 to vector<16xi32>
        %add3A_1895 = arith.addi %iota3A, %add3A_1894 : vector<16xi32>
        %and3A_1896 = arith.constant 63 : i32
        %and3A_1897 = vector.broadcast %and3A_1896 : i32 to vector<16xi32>
        %and3A_1898 = arith.andi %add3A_1895, %and3A_1897 : vector<16xi32>
        %gather3A = tpu.vector_load_idx %arg14[%add3A_1774, %and3A_1898] : memref<128x64xf32, #tpu.memory_space<vmem>>[vector<16xi32>, vector<16xi32>], vector<16xf32>,
        %gather3A_1899 = tpu.vector_load_idx %arg15[%add3A_1778, %and3A_1898] : memref<128x64xf32, #tpu.memory_space<vmem>>[vector<16xi32>, vector<16xi32>], vector<16xf32>,
        %gather3A_1900 = tpu.vector_load_idx %arg16[%add3A_1782, %and3A_1898] : memref<128x64xf32, #tpu.memory_space<vmem>>[vector<16xi32>, vector<16xi32>], vector<16xf32>,
        %mul3A_1901 = arith.mulf %gather3A, %gather3A : vector<16xf32>
        %add3A_1902 = arith.addf %scan3A_1891, %mul3A_1901 : vector<16xf32>
        %mul3A_1903 = arith.mulf %gather3A_1899, %gather3A_1899 : vector<16xf32>
        %add3A_1904 = arith.addf %scan3A_1892, %mul3A_1903 : vector<16xf32>
        %mul3A_1905 = arith.mulf %gather3A_1900, %gather3A_1900 : vector<16xf32>
        %add3A_1906 = arith.addf %scan3A_1893, %mul3A_1905 : vector<16xf32>
        %scan3A_1907 = arith.constant 1 : i32
        %scan3A_1908 = arith.addi %scan3A_1890, %scan3A_1907 : i32
        %add3A_1909 = vector.broadcast %scan3A_1908 : i32 to vector<16xi32>
        %add3A_1910 = arith.addi %iota3A, %add3A_1909 : vector<16xi32>
        %and3A_1911 = arith.constant 63 : i32
        %and3A_1912 = vector.broadcast %and3A_1911 : i32 to vector<16xi32>
        %and3A_1913 = arith.andi %add3A_1910, %and3A_1912 : vector<16xi32>
        %gather3A_1914 = tpu.vector_load_idx %arg14[%add3A_1774, %and3A_1913] : memref<128x64xf32, #tpu.memory_space<vmem>>[vector<16xi32>, vector<16xi32>], vector<16xf32>,
        %gather3A_1915 = tpu.vector_load_idx %arg15[%add3A_1778, %and3A_1913] : memref<128x64xf32, #tpu.memory_space<vmem>>[vector<16xi32>, vector<16xi32>], vector<16xf32>,
        %gather3A_1916 = tpu.vector_load_idx %arg16[%add3A_1782, %and3A_1913] : memref<128x64xf32, #tpu.memory_space<vmem>>[vector<16xi32>, vector<16xi32>], vector<16xf32>,
        %mul3A_1917 = arith.mulf %gather3A_1914, %gather3A_1914 : vector<16xf32>
        %add3A_1918 = arith.addf %add3A_1902, %mul3A_1917 : vector<16xf32>
        %mul3A_1919 = arith.mulf %gather3A_1915, %gather3A_1915 : vector<16xf32>
        %add3A_1920 = arith.addf %add3A_1904, %mul3A_1919 : vector<16xf32>
        %mul3A_1921 = arith.mulf %gather3A_1916, %gather3A_1916 : vector<16xf32>
        %add3A_1922 = arith.addf %add3A_1906, %mul3A_1921 : vector<16xf32>
        %scan3A_1923 = arith.constant 2 : i32
        %scan3A_1924 = arith.addi %scan3A_1890, %scan3A_1923 : i32
        %add3A_1925 = vector.broadcast %scan3A_1924 : i32 to vector<16xi32>
        %add3A_1926 = arith.addi %iota3A, %add3A_1925 : vector<16xi32>
        %and3A_1927 = arith.constant 63 : i32
        %and3A_1928 = vector.broadcast %and3A_1927 : i32 to vector<16xi32>
        %and3A_1929 = arith.andi %add3A_1926, %and3A_1928 : vector<16xi32>
        %gather3A_1930 = tpu.vector_load_idx %arg14[%add3A_1774, %and3A_1929] : memref<128x64xf32, #tpu.memory_space<vmem>>[vector<16xi32>, vector<16xi32>], vector<16xf32>,
        %gather3A_1931 = tpu.vector_load_idx %arg15[%add3A_1778, %and3A_1929] : memref<128x64xf32, #tpu.memory_space<vmem>>[vector<16xi32>, vector<16xi32>], vector<16xf32>,
        %gather3A_1932 = tpu.vector_load_idx %arg16[%add3A_1782, %and3A_1929] : memref<128x64xf32, #tpu.memory_space<vmem>>[vector<16xi32>, vector<16xi32>], vector<16xf32>,
        %mul3A_1933 = arith.mulf %gather3A_1930, %gather3A_1930 : vector<16xf32>
        %add3A_1934 = arith.addf %add3A_1918, %mul3A_1933 : vector<16xf32>
        %mul3A_1935 = arith.mulf %gather3A_1931, %gather3A_1931 : vector<16xf32>
        %add3A_1936 = arith.addf %add3A_1920, %mul3A_1935 : vector<16xf32>
        %mul3A_1937 = arith.mulf %gather3A_1932, %gather3A_1932 : vector<16xf32>
        %add3A_1938 = arith.addf %add3A_1922, %mul3A_1937 : vector<16xf32>
        %scan3A_1939 = arith.constant 3 : i32
        %scan3A_1940 = arith.addi %scan3A_1890, %scan3A_1939 : i32
        %add3A_1941 = vector.broadcast %scan3A_1940 : i32 to vector<16xi32>
        %add3A_1942 = arith.addi %iota3A, %add3A_1941 : vector<16xi32>
        %and3A_1943 = arith.constant 63 : i32
        %and3A_1944 = vector.broadcast %and3A_1943 : i32 to vector<16xi32>
        %and3A_1945 = arith.andi %add3A_1942, %and3A_1944 : vector<16xi32>
        %gather3A_1946 = tpu.vector_load_idx %arg14[%add3A_1774, %and3A_1945] : memref<128x64xf32, #tpu.memory_space<vmem>>[vector<16xi32>, vector<16xi32>], vector<16xf32>,
        %gather3A_1947 = tpu.vector_load_idx %arg15[%add3A_1778, %and3A_1945] : memref<128x64xf32, #tpu.memory_space<vmem>>[vector<16xi32>, vector<16xi32>], vector<16xf32>,
        %gather3A_1948 = tpu.vector_load_idx %arg16[%add3A_1782, %and3A_1945] : memref<128x64xf32, #tpu.memory_space<vmem>>[vector<16xi32>, vector<16xi32>], vector<16xf32>,
        %mul3A_1949 = arith.mulf %gather3A_1946, %gather3A_1946 : vector<16xf32>
        %add3A_1950 = arith.addf %add3A_1934, %mul3A_1949 : vector<16xf32>
        %mul3A_1951 = arith.mulf %gather3A_1947, %gather3A_1947 : vector<16xf32>
        %add3A_1952 = arith.addf %add3A_1936, %mul3A_1951 : vector<16xf32>
        %mul3A_1953 = arith.mulf %gather3A_1948, %gather3A_1948 : vector<16xf32>
        %add3A_1954 = arith.addf %add3A_1938, %mul3A_1953 : vector<16xf32>
        %scan3A_1955 = arith.constant 4 : i32
        %scan3A_1956 = arith.addi %scan3A_1890, %scan3A_1955 : i32
        %add3A_1957 = vector.broadcast %scan3A_1956 : i32 to vector<16xi32>
        %add3A_1958 = arith.addi %iota3A, %add3A_1957 : vector<16xi32>
        %and3A_1959 = arith.constant 63 : i32
        %and3A_1960 = vector.broadcast %and3A_1959 : i32 to vector<16xi32>
        %and3A_1961 = arith.andi %add3A_1958, %and3A_1960 : vector<16xi32>
        %gather3A_1962 = tpu.vector_load_idx %arg14[%add3A_1774, %and3A_1961] : memref<128x64xf32, #tpu.memory_space<vmem>>[vector<16xi32>, vector<16xi32>], vector<16xf32>,
        %gather3A_1963 = tpu.vector_load_idx %arg15[%add3A_1778, %and3A_1961] : memref<128x64xf32, #tpu.memory_space<vmem>>[vector<16xi32>, vector<16xi32>], vector<16xf32>,
        %gather3A_1964 = tpu.vector_load_idx %arg16[%add3A_1782, %and3A_1961] : memref<128x64xf32, #tpu.memory_space<vmem>>[vector<16xi32>, vector<16xi32>], vector<16xf32>,
        %mul3A_1965 = arith.mulf %gather3A_1962, %gather3A_1962 : vector<16xf32>
        %add3A_1966 = arith.addf %add3A_1950, %mul3A_1965 : vector<16xf32>
        %mul3A_1967 = arith.mulf %gather3A_1963, %gather3A_1963 : vector<16xf32>
        %add3A_1968 = arith.addf %add3A_1952, %mul3A_1967 : vector<16xf32>
        %mul3A_1969 = arith.mulf %gather3A_1964, %gather3A_1964 : vector<16xf32>
        %add3A_1970 = arith.addf %add3A_1954, %mul3A_1969 : vector<16xf32>
        %scan3A_1971 = arith.constant 5 : i32
        %scan3A_1972 = arith.addi %scan3A_1890, %scan3A_1971 : i32
        %add3A_1973 = vector.broadcast %scan3A_1972 : i32 to vector<16xi32>
        %add3A_1974 = arith.addi %iota3A, %add3A_1973 : vector<16xi32>
        %and3A_1975 = arith.constant 63 : i32
        %and3A_1976 = vector.broadcast %and3A_1975 : i32 to vector<16xi32>
        %and3A_1977 = arith.andi %add3A_1974, %and3A_1976 : vector<16xi32>
        %gather3A_1978 = tpu.vector_load_idx %arg14[%add3A_1774, %and3A_1977] : memref<128x64xf32, #tpu.memory_space<vmem>>[vector<16xi32>, vector<16xi32>], vector<16xf32>,
        %gather3A_1979 = tpu.vector_load_idx %arg15[%add3A_1778, %and3A_1977] : memref<128x64xf32, #tpu.memory_space<vmem>>[vector<16xi32>, vector<16xi32>], vector<16xf32>,
        %gather3A_1980 = tpu.vector_load_idx %arg16[%add3A_1782, %and3A_1977] : memref<128x64xf32, #tpu.memory_space<vmem>>[vector<16xi32>, vector<16xi32>], vector<16xf32>,
        %mul3A_1981 = arith.mulf %gather3A_1978, %gather3A_1978 : vector<16xf32>
        %add3A_1982 = arith.addf %add3A_1966, %mul3A_1981 : vector<16xf32>
        %mul3A_1983 = arith.mulf %gather3A_1979, %gather3A_1979 : vector<16xf32>
        %add3A_1984 = arith.addf %add3A_1968, %mul3A_1983 : vector<16xf32>
        %mul3A_1985 = arith.mulf %gather3A_1980, %gather3A_1980 : vector<16xf32>
        %add3A_1986 = arith.addf %add3A_1970, %mul3A_1985 : vector<16xf32>
        %scan3A_1987 = arith.constant 6 : i32
        %scan3A_1988 = arith.addi %scan3A_1890, %scan3A_1987 : i32
        %add3A_1989 = vector.broadcast %scan3A_1988 : i32 to vector<16xi32>
        %add3A_1990 = arith.addi %iota3A, %add3A_1989 : vector<16xi32>
        %and3A_1991 = arith.constant 63 : i32
        %and3A_1992 = vector.broadcast %and3A_1991 : i32 to vector<16xi32>
        %and3A_1993 = arith.andi %add3A_1990, %and3A_1992 : vector<16xi32>
        %gather3A_1994 = tpu.vector_load_idx %arg14[%add3A_1774, %and3A_1993] : memref<128x64xf32, #tpu.memory_space<vmem>>[vector<16xi32>, vector<16xi32>], vector<16xf32>,
        %gather3A_1995 = tpu.vector_load_idx %arg15[%add3A_1778, %and3A_1993] : memref<128x64xf32, #tpu.memory_space<vmem>>[vector<16xi32>, vector<16xi32>], vector<16xf32>,
        %gather3A_1996 = tpu.vector_load_idx %arg16[%add3A_1782, %and3A_1993] : memref<128x64xf32, #tpu.memory_space<vmem>>[vector<16xi32>, vector<16xi32>], vector<16xf32>,
        %mul3A_1997 = arith.mulf %gather3A_1994, %gather3A_1994 : vector<16xf32>
        %add3A_1998 = arith.addf %add3A_1982, %mul3A_1997 : vector<16xf32>
        %mul3A_1999 = arith.mulf %gather3A_1995, %gather3A_1995 : vector<16xf32>
        %add3A_2000 = arith.addf %add3A_1984, %mul3A_1999 : vector<16xf32>
        %mul3A_2001 = arith.mulf %gather3A_1996, %gather3A_1996 : vector<16xf32>
        %add3A_2002 = arith.addf %add3A_1986, %mul3A_2001 : vector<16xf32>
        %scan3A_2003 = arith.constant 7 : i32
        %scan3A_2004 = arith.addi %scan3A_1890, %scan3A_2003 : i32
        %add3A_2005 = vector.broadcast %scan3A_2004 : i32 to vector<16xi32>
        %add3A_2006 = arith.addi %iota3A, %add3A_2005 : vector<16xi32>
        %and3A_2007 = arith.constant 63 : i32
        %and3A_2008 = vector.broadcast %and3A_2007 : i32 to vector<16xi32>
        %and3A_2009 = arith.andi %add3A_2006, %and3A_2008 : vector<16xi32>
        %gather3A_2010 = tpu.vector_load_idx %arg14[%add3A_1774, %and3A_2009] : memref<128x64xf32, #tpu.memory_space<vmem>>[vector<16xi32>, vector<16xi32>], vector<16xf32>,
        %gather3A_2011 = tpu.vector_load_idx %arg15[%add3A_1778, %and3A_2009] : memref<128x64xf32, #tpu.memory_space<vmem>>[vector<16xi32>, vector<16xi32>], vector<16xf32>,
        %gather3A_2012 = tpu.vector_load_idx %arg16[%add3A_1782, %and3A_2009] : memref<128x64xf32, #tpu.memory_space<vmem>>[vector<16xi32>, vector<16xi32>], vector<16xf32>,
        %mul3A_2013 = arith.mulf %gather3A_2010, %gather3A_2010 : vector<16xf32>
        %add3A_2014 = arith.addf %add3A_1998, %mul3A_2013 : vector<16xf32>
        %mul3A_2015 = arith.mulf %gather3A_2011, %gather3A_2011 : vector<16xf32>
        %add3A_2016 = arith.addf %add3A_2000, %mul3A_2015 : vector<16xf32>
        %mul3A_2017 = arith.mulf %gather3A_2012, %gather3A_2012 : vector<16xf32>
        %add3A_2018 = arith.addf %add3A_2002, %mul3A_2017 : vector<16xf32>
        scf.yield %add3A_2014, %add3A_2016, %add3A_2018 : vector<16xf32>, vector<16xf32>, vector<16xf32>
      }
      %scan3A_1788 = arith.constant 64 : i32
      %max3A_1789 = vector.broadcast %scan3A_806 : f32 to vector<16xf32>
      %max3A_1790 = arith.maximumf %scan3A_1787#0, %max3A_1789 : vector<16xf32>
      %bitcast3A_1791 = vector.bitcast %max3A_1790 : vector<16xf32> to vector<16xi32>
      %shift_right_arithmetic3A_1792 = arith.constant 1 : i32
      %shift_right_arithmetic3A_1793 = vector.broadcast %shift_right_arithmetic3A_1792 : i32 to vector<16xi32>
      %shift_right_arithmetic3A_1794 = arith.shrsi %bitcast3A_1791, %shift_right_arithmetic3A_1793 : vector<16xi32>
      %sub3A_1795 = arith.constant 1597463007 : i32
      %sub3A_1796 = vector.broadcast %sub3A_1795 : i32 to vector<16xi32>
      %sub3A_1797 = arith.subi %sub3A_1796, %shift_right_arithmetic3A_1794 : vector<16xi32>
      %bitcast3A_1798 = vector.bitcast %sub3A_1797 : vector<16xi32> to vector<16xf32>
      %mul3A_1799 = arith.constant -5.000000e-01 : f32
      %mul3A_1800 = vector.broadcast %mul3A_1799 : f32 to vector<16xf32>
      %mul3A_1801 = arith.mulf %max3A_1790, %mul3A_1800 : vector<16xf32>
      %mul3A_1802 = arith.mulf %mul3A_1801, %bitcast3A_1798 : vector<16xf32>
      %mul3A_1803 = arith.mulf %mul3A_1802, %bitcast3A_1798 : vector<16xf32>
      %add3A_1804 = arith.constant 1.500000e+00 : f32
      %add3A_1805 = vector.broadcast %add3A_1804 : f32 to vector<16xf32>
      %add3A_1806 = arith.addf %add3A_1805, %mul3A_1803 : vector<16xf32>
      %mul3A_1807 = arith.mulf %bitcast3A_1798, %add3A_1806 : vector<16xf32>
      %mul3A_1808 = arith.mulf %mul3A_1801, %mul3A_1807 : vector<16xf32>
      %mul3A_1809 = arith.mulf %mul3A_1808, %mul3A_1807 : vector<16xf32>
      %add3A_1810 = arith.constant 1.500000e+00 : f32
      %add3A_1811 = vector.broadcast %add3A_1810 : f32 to vector<16xf32>
      %add3A_1812 = arith.addf %add3A_1811, %mul3A_1809 : vector<16xf32>
      %mul3A_1813 = arith.mulf %mul3A_1807, %add3A_1812 : vector<16xf32>
      %mul3A_1814 = arith.mulf %mul3A_1801, %mul3A_1813 : vector<16xf32>
      %mul3A_1815 = arith.mulf %mul3A_1814, %mul3A_1813 : vector<16xf32>
      %add3A_1816 = arith.constant 1.500000e+00 : f32
      %add3A_1817 = vector.broadcast %add3A_1816 : f32 to vector<16xf32>
      %add3A_1818 = arith.addf %add3A_1817, %mul3A_1815 : vector<16xf32>
      %mul3A_1819 = arith.mulf %mul3A_1813, %add3A_1818 : vector<16xf32>
      %max3A_1820 = vector.broadcast %scan3A_806 : f32 to vector<16xf32>
      %max3A_1821 = arith.maximumf %scan3A_1787#1, %max3A_1820 : vector<16xf32>
      %bitcast3A_1822 = vector.bitcast %max3A_1821 : vector<16xf32> to vector<16xi32>
      %shift_right_arithmetic3A_1823 = arith.constant 1 : i32
      %shift_right_arithmetic3A_1824 = vector.broadcast %shift_right_arithmetic3A_1823 : i32 to vector<16xi32>
      %shift_right_arithmetic3A_1825 = arith.shrsi %bitcast3A_1822, %shift_right_arithmetic3A_1824 : vector<16xi32>
      %sub3A_1826 = arith.constant 1597463007 : i32
      %sub3A_1827 = vector.broadcast %sub3A_1826 : i32 to vector<16xi32>
      %sub3A_1828 = arith.subi %sub3A_1827, %shift_right_arithmetic3A_1825 : vector<16xi32>
      %bitcast3A_1829 = vector.bitcast %sub3A_1828 : vector<16xi32> to vector<16xf32>
      %mul3A_1830 = arith.constant -5.000000e-01 : f32
      %mul3A_1831 = vector.broadcast %mul3A_1830 : f32 to vector<16xf32>
      %mul3A_1832 = arith.mulf %max3A_1821, %mul3A_1831 : vector<16xf32>
      %mul3A_1833 = arith.mulf %mul3A_1832, %bitcast3A_1829 : vector<16xf32>
      %mul3A_1834 = arith.mulf %mul3A_1833, %bitcast3A_1829 : vector<16xf32>
      %add3A_1835 = arith.constant 1.500000e+00 : f32
      %add3A_1836 = vector.broadcast %add3A_1835 : f32 to vector<16xf32>
      %add3A_1837 = arith.addf %add3A_1836, %mul3A_1834 : vector<16xf32>
      %mul3A_1838 = arith.mulf %bitcast3A_1829, %add3A_1837 : vector<16xf32>
      %mul3A_1839 = arith.mulf %mul3A_1832, %mul3A_1838 : vector<16xf32>
      %mul3A_1840 = arith.mulf %mul3A_1839, %mul3A_1838 : vector<16xf32>
      %add3A_1841 = arith.constant 1.500000e+00 : f32
      %add3A_1842 = vector.broadcast %add3A_1841 : f32 to vector<16xf32>
      %add3A_1843 = arith.addf %add3A_1842, %mul3A_1840 : vector<16xf32>
      %mul3A_1844 = arith.mulf %mul3A_1838, %add3A_1843 : vector<16xf32>
      %mul3A_1845 = arith.mulf %mul3A_1832, %mul3A_1844 : vector<16xf32>
      %mul3A_1846 = arith.mulf %mul3A_1845, %mul3A_1844 : vector<16xf32>
      %add3A_1847 = arith.constant 1.500000e+00 : f32
      %add3A_1848 = vector.broadcast %add3A_1847 : f32 to vector<16xf32>
      %add3A_1849 = arith.addf %add3A_1848, %mul3A_1846 : vector<16xf32>
      %mul3A_1850 = arith.mulf %mul3A_1844, %add3A_1849 : vector<16xf32>
      %max3A_1851 = vector.broadcast %scan3A_806 : f32 to vector<16xf32>
      %max3A_1852 = arith.maximumf %scan3A_1787#2, %max3A_1851 : vector<16xf32>
      %bitcast3A_1853 = vector.bitcast %max3A_1852 : vector<16xf32> to vector<16xi32>
      %shift_right_arithmetic3A_1854 = arith.constant 1 : i32
      %shift_right_arithmetic3A_1855 = vector.broadcast %shift_right_arithmetic3A_1854 : i32 to vector<16xi32>
      %shift_right_arithmetic3A_1856 = arith.shrsi %bitcast3A_1853, %shift_right_arithmetic3A_1855 : vector<16xi32>
      %sub3A_1857 = arith.constant 1597463007 : i32
      %sub3A_1858 = vector.broadcast %sub3A_1857 : i32 to vector<16xi32>
      %sub3A_1859 = arith.subi %sub3A_1858, %shift_right_arithmetic3A_1856 : vector<16xi32>
      %bitcast3A_1860 = vector.bitcast %sub3A_1859 : vector<16xi32> to vector<16xf32>
      %mul3A_1861 = arith.constant -5.000000e-01 : f32
      %mul3A_1862 = vector.broadcast %mul3A_1861 : f32 to vector<16xf32>
      %mul3A_1863 = arith.mulf %max3A_1852, %mul3A_1862 : vector<16xf32>
      %mul3A_1864 = arith.mulf %mul3A_1863, %bitcast3A_1860 : vector<16xf32>
      %mul3A_1865 = arith.mulf %mul3A_1864, %bitcast3A_1860 : vector<16xf32>
      %add3A_1866 = arith.constant 1.500000e+00 : f32
      %add3A_1867 = vector.broadcast %add3A_1866 : f32 to vector<16xf32>
      %add3A_1868 = arith.addf %add3A_1867, %mul3A_1865 : vector<16xf32>
      %mul3A_1869 = arith.mulf %bitcast3A_1860, %add3A_1868 : vector<16xf32>
      %mul3A_1870 = arith.mulf %mul3A_1863, %mul3A_1869 : vector<16xf32>
      %mul3A_1871 = arith.mulf %mul3A_1870, %mul3A_1869 : vector<16xf32>
      %add3A_1872 = arith.constant 1.500000e+00 : f32
      %add3A_1873 = vector.broadcast %add3A_1872 : f32 to vector<16xf32>
      %add3A_1874 = arith.addf %add3A_1873, %mul3A_1871 : vector<16xf32>
      %mul3A_1875 = arith.mulf %mul3A_1869, %add3A_1874 : vector<16xf32>
      %mul3A_1876 = arith.mulf %mul3A_1863, %mul3A_1875 : vector<16xf32>
      %mul3A_1877 = arith.mulf %mul3A_1876, %mul3A_1875 : vector<16xf32>
      %add3A_1878 = arith.constant 1.500000e+00 : f32
      %add3A_1879 = vector.broadcast %add3A_1878 : f32 to vector<16xf32>
      %add3A_1880 = arith.addf %add3A_1879, %mul3A_1877 : vector<16xf32>
      %mul3A_1881 = arith.mulf %mul3A_1875, %add3A_1880 : vector<16xf32>
      %scan3A_1882 = arith.constant 0 : i32
      %scan3A_1883 = arith.constant 64 : i32
      %scan3A_1884 = arith.addi %scan3A_1882, %scan3A_1883 : i32
      %scan3A_1885 = arith.constant 8 : i32
      %scan3A_1886 = scf.for %scan3A_1890 = %scan3A_1882 to %scan3A_1884 step %scan3A_1885 iter_args(%scan3A_1891 = %broadcast_in_dim3A_3) -> (vector<16xf32>)  : i32 {
        %add3A_1892 = vector.broadcast %scan3A_1890 : i32 to vector<16xi32>
        %add3A_1893 = arith.addi %iota3A, %add3A_1892 : vector<16xi32>
        %and3A_1894 = arith.constant 63 : i32
        %and3A_1895 = vector.broadcast %and3A_1894 : i32 to vector<16xi32>
        %and3A_1896 = arith.andi %add3A_1893, %and3A_1895 : vector<16xi32>
        %gather3A = tpu.vector_load_idx %arg14[%add3A_1774, %and3A_1896] : memref<128x64xf32, #tpu.memory_space<vmem>>[vector<16xi32>, vector<16xi32>], vector<16xf32>,
        %gather3A_1897 = tpu.vector_load_idx %arg15[%add3A_1778, %and3A_1896] : memref<128x64xf32, #tpu.memory_space<vmem>>[vector<16xi32>, vector<16xi32>], vector<16xf32>,
        %gather3A_1898 = tpu.vector_load_idx %arg16[%add3A_1782, %and3A_1896] : memref<128x64xf32, #tpu.memory_space<vmem>>[vector<16xi32>, vector<16xi32>], vector<16xf32>,
        %mul3A_1899 = arith.mulf %gather3A, %mul3A_1819 : vector<16xf32>
        %mul3A_1900 = arith.mulf %gather3A_1897, %mul3A_1850 : vector<16xf32>
        %add3A_1901 = arith.addf %mul3A_1899, %mul3A_1900 : vector<16xf32>
        %mul3A_1902 = arith.mulf %gather3A_1898, %mul3A_1881 : vector<16xf32>
        %sub3A_1903 = arith.subf %add3A_1901, %mul3A_1902 : vector<16xf32>
        %abs3A = math.absf %sub3A_1903 : vector<16xf32>
        %add3A_1904 = arith.addf %scan3A_1891, %abs3A : vector<16xf32>
        %scan3A_1905 = arith.constant 1 : i32
        %scan3A_1906 = arith.addi %scan3A_1890, %scan3A_1905 : i32
        %add3A_1907 = vector.broadcast %scan3A_1906 : i32 to vector<16xi32>
        %add3A_1908 = arith.addi %iota3A, %add3A_1907 : vector<16xi32>
        %and3A_1909 = arith.constant 63 : i32
        %and3A_1910 = vector.broadcast %and3A_1909 : i32 to vector<16xi32>
        %and3A_1911 = arith.andi %add3A_1908, %and3A_1910 : vector<16xi32>
        %gather3A_1912 = tpu.vector_load_idx %arg14[%add3A_1774, %and3A_1911] : memref<128x64xf32, #tpu.memory_space<vmem>>[vector<16xi32>, vector<16xi32>], vector<16xf32>,
        %gather3A_1913 = tpu.vector_load_idx %arg15[%add3A_1778, %and3A_1911] : memref<128x64xf32, #tpu.memory_space<vmem>>[vector<16xi32>, vector<16xi32>], vector<16xf32>,
        %gather3A_1914 = tpu.vector_load_idx %arg16[%add3A_1782, %and3A_1911] : memref<128x64xf32, #tpu.memory_space<vmem>>[vector<16xi32>, vector<16xi32>], vector<16xf32>,
        %mul3A_1915 = arith.mulf %gather3A_1912, %mul3A_1819 : vector<16xf32>
        %mul3A_1916 = arith.mulf %gather3A_1913, %mul3A_1850 : vector<16xf32>
        %add3A_1917 = arith.addf %mul3A_1915, %mul3A_1916 : vector<16xf32>
        %mul3A_1918 = arith.mulf %gather3A_1914, %mul3A_1881 : vector<16xf32>
        %sub3A_1919 = arith.subf %add3A_1917, %mul3A_1918 : vector<16xf32>
        %abs3A_1920 = math.absf %sub3A_1919 : vector<16xf32>
        %add3A_1921 = arith.addf %add3A_1904, %abs3A_1920 : vector<16xf32>
        %scan3A_1922 = arith.constant 2 : i32
        %scan3A_1923 = arith.addi %scan3A_1890, %scan3A_1922 : i32
        %add3A_1924 = vector.broadcast %scan3A_1923 : i32 to vector<16xi32>
        %add3A_1925 = arith.addi %iota3A, %add3A_1924 : vector<16xi32>
        %and3A_1926 = arith.constant 63 : i32
        %and3A_1927 = vector.broadcast %and3A_1926 : i32 to vector<16xi32>
        %and3A_1928 = arith.andi %add3A_1925, %and3A_1927 : vector<16xi32>
        %gather3A_1929 = tpu.vector_load_idx %arg14[%add3A_1774, %and3A_1928] : memref<128x64xf32, #tpu.memory_space<vmem>>[vector<16xi32>, vector<16xi32>], vector<16xf32>,
        %gather3A_1930 = tpu.vector_load_idx %arg15[%add3A_1778, %and3A_1928] : memref<128x64xf32, #tpu.memory_space<vmem>>[vector<16xi32>, vector<16xi32>], vector<16xf32>,
        %gather3A_1931 = tpu.vector_load_idx %arg16[%add3A_1782, %and3A_1928] : memref<128x64xf32, #tpu.memory_space<vmem>>[vector<16xi32>, vector<16xi32>], vector<16xf32>,
        %mul3A_1932 = arith.mulf %gather3A_1929, %mul3A_1819 : vector<16xf32>
        %mul3A_1933 = arith.mulf %gather3A_1930, %mul3A_1850 : vector<16xf32>
        %add3A_1934 = arith.addf %mul3A_1932, %mul3A_1933 : vector<16xf32>
        %mul3A_1935 = arith.mulf %gather3A_1931, %mul3A_1881 : vector<16xf32>
        %sub3A_1936 = arith.subf %add3A_1934, %mul3A_1935 : vector<16xf32>
        %abs3A_1937 = math.absf %sub3A_1936 : vector<16xf32>
        %add3A_1938 = arith.addf %add3A_1921, %abs3A_1937 : vector<16xf32>
        %scan3A_1939 = arith.constant 3 : i32
        %scan3A_1940 = arith.addi %scan3A_1890, %scan3A_1939 : i32
        %add3A_1941 = vector.broadcast %scan3A_1940 : i32 to vector<16xi32>
        %add3A_1942 = arith.addi %iota3A, %add3A_1941 : vector<16xi32>
        %and3A_1943 = arith.constant 63 : i32
        %and3A_1944 = vector.broadcast %and3A_1943 : i32 to vector<16xi32>
        %and3A_1945 = arith.andi %add3A_1942, %and3A_1944 : vector<16xi32>
        %gather3A_1946 = tpu.vector_load_idx %arg14[%add3A_1774, %and3A_1945] : memref<128x64xf32, #tpu.memory_space<vmem>>[vector<16xi32>, vector<16xi32>], vector<16xf32>,
        %gather3A_1947 = tpu.vector_load_idx %arg15[%add3A_1778, %and3A_1945] : memref<128x64xf32, #tpu.memory_space<vmem>>[vector<16xi32>, vector<16xi32>], vector<16xf32>,
        %gather3A_1948 = tpu.vector_load_idx %arg16[%add3A_1782, %and3A_1945] : memref<128x64xf32, #tpu.memory_space<vmem>>[vector<16xi32>, vector<16xi32>], vector<16xf32>,
        %mul3A_1949 = arith.mulf %gather3A_1946, %mul3A_1819 : vector<16xf32>
        %mul3A_1950 = arith.mulf %gather3A_1947, %mul3A_1850 : vector<16xf32>
        %add3A_1951 = arith.addf %mul3A_1949, %mul3A_1950 : vector<16xf32>
        %mul3A_1952 = arith.mulf %gather3A_1948, %mul3A_1881 : vector<16xf32>
        %sub3A_1953 = arith.subf %add3A_1951, %mul3A_1952 : vector<16xf32>
        %abs3A_1954 = math.absf %sub3A_1953 : vector<16xf32>
        %add3A_1955 = arith.addf %add3A_1938, %abs3A_1954 : vector<16xf32>
        %scan3A_1956 = arith.constant 4 : i32
        %scan3A_1957 = arith.addi %scan3A_1890, %scan3A_1956 : i32
        %add3A_1958 = vector.broadcast %scan3A_1957 : i32 to vector<16xi32>
        %add3A_1959 = arith.addi %iota3A, %add3A_1958 : vector<16xi32>
        %and3A_1960 = arith.constant 63 : i32
        %and3A_1961 = vector.broadcast %and3A_1960 : i32 to vector<16xi32>
        %and3A_1962 = arith.andi %add3A_1959, %and3A_1961 : vector<16xi32>
        %gather3A_1963 = tpu.vector_load_idx %arg14[%add3A_1774, %and3A_1962] : memref<128x64xf32, #tpu.memory_space<vmem>>[vector<16xi32>, vector<16xi32>], vector<16xf32>,
        %gather3A_1964 = tpu.vector_load_idx %arg15[%add3A_1778, %and3A_1962] : memref<128x64xf32, #tpu.memory_space<vmem>>[vector<16xi32>, vector<16xi32>], vector<16xf32>,
        %gather3A_1965 = tpu.vector_load_idx %arg16[%add3A_1782, %and3A_1962] : memref<128x64xf32, #tpu.memory_space<vmem>>[vector<16xi32>, vector<16xi32>], vector<16xf32>,
        %mul3A_1966 = arith.mulf %gather3A_1963, %mul3A_1819 : vector<16xf32>
        %mul3A_1967 = arith.mulf %gather3A_1964, %mul3A_1850 : vector<16xf32>
        %add3A_1968 = arith.addf %mul3A_1966, %mul3A_1967 : vector<16xf32>
        %mul3A_1969 = arith.mulf %gather3A_1965, %mul3A_1881 : vector<16xf32>
        %sub3A_1970 = arith.subf %add3A_1968, %mul3A_1969 : vector<16xf32>
        %abs3A_1971 = math.absf %sub3A_1970 : vector<16xf32>
        %add3A_1972 = arith.addf %add3A_1955, %abs3A_1971 : vector<16xf32>
        %scan3A_1973 = arith.constant 5 : i32
        %scan3A_1974 = arith.addi %scan3A_1890, %scan3A_1973 : i32
        %add3A_1975 = vector.broadcast %scan3A_1974 : i32 to vector<16xi32>
        %add3A_1976 = arith.addi %iota3A, %add3A_1975 : vector<16xi32>
        %and3A_1977 = arith.constant 63 : i32
        %and3A_1978 = vector.broadcast %and3A_1977 : i32 to vector<16xi32>
        %and3A_1979 = arith.andi %add3A_1976, %and3A_1978 : vector<16xi32>
        %gather3A_1980 = tpu.vector_load_idx %arg14[%add3A_1774, %and3A_1979] : memref<128x64xf32, #tpu.memory_space<vmem>>[vector<16xi32>, vector<16xi32>], vector<16xf32>,
        %gather3A_1981 = tpu.vector_load_idx %arg15[%add3A_1778, %and3A_1979] : memref<128x64xf32, #tpu.memory_space<vmem>>[vector<16xi32>, vector<16xi32>], vector<16xf32>,
        %gather3A_1982 = tpu.vector_load_idx %arg16[%add3A_1782, %and3A_1979] : memref<128x64xf32, #tpu.memory_space<vmem>>[vector<16xi32>, vector<16xi32>], vector<16xf32>,
        %mul3A_1983 = arith.mulf %gather3A_1980, %mul3A_1819 : vector<16xf32>
        %mul3A_1984 = arith.mulf %gather3A_1981, %mul3A_1850 : vector<16xf32>
        %add3A_1985 = arith.addf %mul3A_1983, %mul3A_1984 : vector<16xf32>
        %mul3A_1986 = arith.mulf %gather3A_1982, %mul3A_1881 : vector<16xf32>
        %sub3A_1987 = arith.subf %add3A_1985, %mul3A_1986 : vector<16xf32>
        %abs3A_1988 = math.absf %sub3A_1987 : vector<16xf32>
        %add3A_1989 = arith.addf %add3A_1972, %abs3A_1988 : vector<16xf32>
        %scan3A_1990 = arith.constant 6 : i32
        %scan3A_1991 = arith.addi %scan3A_1890, %scan3A_1990 : i32
        %add3A_1992 = vector.broadcast %scan3A_1991 : i32 to vector<16xi32>
        %add3A_1993 = arith.addi %iota3A, %add3A_1992 : vector<16xi32>
        %and3A_1994 = arith.constant 63 : i32
        %and3A_1995 = vector.broadcast %and3A_1994 : i32 to vector<16xi32>
        %and3A_1996 = arith.andi %add3A_1993, %and3A_1995 : vector<16xi32>
        %gather3A_1997 = tpu.vector_load_idx %arg14[%add3A_1774, %and3A_1996] : memref<128x64xf32, #tpu.memory_space<vmem>>[vector<16xi32>, vector<16xi32>], vector<16xf32>,
        %gather3A_1998 = tpu.vector_load_idx %arg15[%add3A_1778, %and3A_1996] : memref<128x64xf32, #tpu.memory_space<vmem>>[vector<16xi32>, vector<16xi32>], vector<16xf32>,
        %gather3A_1999 = tpu.vector_load_idx %arg16[%add3A_1782, %and3A_1996] : memref<128x64xf32, #tpu.memory_space<vmem>>[vector<16xi32>, vector<16xi32>], vector<16xf32>,
        %mul3A_2000 = arith.mulf %gather3A_1997, %mul3A_1819 : vector<16xf32>
        %mul3A_2001 = arith.mulf %gather3A_1998, %mul3A_1850 : vector<16xf32>
        %add3A_2002 = arith.addf %mul3A_2000, %mul3A_2001 : vector<16xf32>
        %mul3A_2003 = arith.mulf %gather3A_1999, %mul3A_1881 : vector<16xf32>
        %sub3A_2004 = arith.subf %add3A_2002, %mul3A_2003 : vector<16xf32>
        %abs3A_2005 = math.absf %sub3A_2004 : vector<16xf32>
        %add3A_2006 = arith.addf %add3A_1989, %abs3A_2005 : vector<16xf32>
        %scan3A_2007 = arith.constant 7 : i32
        %scan3A_2008 = arith.addi %scan3A_1890, %scan3A_2007 : i32
        %add3A_2009 = vector.broadcast %scan3A_2008 : i32 to vector<16xi32>
        %add3A_2010 = arith.addi %iota3A, %add3A_2009 : vector<16xi32>
        %and3A_2011 = arith.constant 63 : i32
        %and3A_2012 = vector.broadcast %and3A_2011 : i32 to vector<16xi32>
        %and3A_2013 = arith.andi %add3A_2010, %and3A_2012 : vector<16xi32>
        %gather3A_2014 = tpu.vector_load_idx %arg14[%add3A_1774, %and3A_2013] : memref<128x64xf32, #tpu.memory_space<vmem>>[vector<16xi32>, vector<16xi32>], vector<16xf32>,
        %gather3A_2015 = tpu.vector_load_idx %arg15[%add3A_1778, %and3A_2013] : memref<128x64xf32, #tpu.memory_space<vmem>>[vector<16xi32>, vector<16xi32>], vector<16xf32>,
        %gather3A_2016 = tpu.vector_load_idx %arg16[%add3A_1782, %and3A_2013] : memref<128x64xf32, #tpu.memory_space<vmem>>[vector<16xi32>, vector<16xi32>], vector<16xf32>,
        %mul3A_2017 = arith.mulf %gather3A_2014, %mul3A_1819 : vector<16xf32>
        %mul3A_2018 = arith.mulf %gather3A_2015, %mul3A_1850 : vector<16xf32>
        %add3A_2019 = arith.addf %mul3A_2017, %mul3A_2018 : vector<16xf32>
        %mul3A_2020 = arith.mulf %gather3A_2016, %mul3A_1881 : vector<16xf32>
        %sub3A_2021 = arith.subf %add3A_2019, %mul3A_2020 : vector<16xf32>
        %abs3A_2022 = math.absf %sub3A_2021 : vector<16xf32>
        %add3A_2023 = arith.addf %add3A_2006, %abs3A_2022 : vector<16xf32>
        scf.yield %add3A_2023 : vector<16xf32>
      }
      %scan3A_1887 = arith.constant 64 : i32
      %swap3A_1888 = arith.constant 0 : index
      %swap3A_1889 = tpu.vector_load %arg17[%swap3A_1888] {strides = array<i32>} : memref<16xf32, #tpu.memory_space<vmem>>, vector<16xf32>,
      tpu.vector_store %arg17[%swap3A_1888], %scan3A_1886 {strides = array<i32>} : memref<16xf32, #tpu.memory_space<vmem>>, vector<16xf32>,
      "tpu.region"() ({
        %run_scoped3A = tpu.sem_alloc : memref<!tpu.dma_semaphore, #tpu.memory_space<semaphore_mem>>
        %dma_start3A_1890 = tpu.memref_slice %arg7[%add3A_1765] : memref<16384xf32, #tpu.memory_space<hbm>> -> memref<16xf32, #tpu.memory_space<hbm>>
        %dma_start3A_1891 = tpu.memref_slice %arg7[%add3A_1765] : memref<16384xf32, #tpu.memory_space<hbm>> -> memref<16xf32, #tpu.memory_space<hbm>>
        tpu.enqueue_dma source(%arg17 : memref<16xf32, #tpu.memory_space<vmem>>) target(%dma_start3A_1891 : memref<16xf32, #tpu.memory_space<hbm>>) target_semaphore(%run_scoped3A : memref<!tpu.dma_semaphore, #tpu.memory_space<semaphore_mem>>)
        %dma_wait3A = tpu.memref_slice %arg7[%add3A_1765] : memref<16384xf32, #tpu.memory_space<hbm>> -> memref<16xf32, #tpu.memory_space<hbm>>
        %dma_wait3A_1892 = tpu.memref_slice %arg7[%add3A_1765] : memref<16384xf32, #tpu.memory_space<hbm>> -> memref<16xf32, #tpu.memory_space<hbm>>
        tpu.wait_dma2 semaphore(%run_scoped3A : memref<!tpu.dma_semaphore, #tpu.memory_space<semaphore_mem>>) src(%arg17 : memref<16xf32, #tpu.memory_space<vmem>>) dst(%dma_wait3A_1892 : memref<16xf32, #tpu.memory_space<hbm>>)
        tpu.yield
      }) : () -> ()
    }
    %scan3A_811 = arith.constant 16 : i32
    return
  }
}

</mosaic_0001>

<sc_bundles>
// kernel: kernel.3.cloned.1.call-start
scs
__scs_entry_jumppad:
0x0: {  	(pc) =	sbr.rel $0x88, $3  }
0x1: {  	(tag) =	ssettag $0x0;
	lr =	simm.s32 $0x1  }
0x2: {  	[smem:$0x3F9C] =	sst lr;
	_ =	strace $0xD0000000  }
0x3: {  	_ = 	snop  }
0x4: {  	_ = 	snop  }
0x5: {  	_ = 	snop  }
0x6: {  	_ = 	snop  }
0x7: {  	_ = 	snop  }
__scs_overlays_trampoline_lowered:
0x8: {  	[smem:$0x3FAB] =	sst s0  }
0x9: {  	[smem:$0x3FAC] =	sst s1  }
0xa: {  	[smem:$0x3FAD] =	sst s2  }
0xb: {  	[smem:$0x3FAE] =	sst s3  }
0xc: {  	[smem:$0x3FAF] =	sst s4  }
0xd: {  	[smem:$0x3FB0] =	sst s5  }
0xe: {  	[smem:$0x3FB1] =	sst s6  }
0xf: {  	[smem:$0x3FB2] =	sst s7  }
0x10: {  	[smem:$0x3FB3] =	sst s8  }
0x11: {  	[smem:$0x3FB4] =	sst s9;
	s0 =	simm.s32 @!p0 $0x0  }
0x12: {  	s1 =	sld [smem:$0x3F9A];
	s0 =	simm.s32 @p0 $0x1  }
0x13: {  	[smem:$0x3FB5] =	sst s0;
	s0 =	simm.s32 @!p1 $0x0  }
0x14: {  	s2 =	sld [smem:$0x3F99];
	s0 =	simm.s32 @p1 $0x1  }
0x15: {  	[smem:$0x3FB6] =	sst s0;
	s0 =	simm.s32 @!p2 $0x0  }
0x16: {  	s3 =	sld [smem:$0x3FDB];
	s0 =	simm.s32 @p2 $0x1  }
0x17: {  	s4 =	simm.s32 $0x1BF5;
	[smem:$0x3FB8] =	sst s0  }
0x18: {  	s0 =	sld [smem:$0x3F9B];
	_ =	swait.ge [sflag:s4], $0x0  }
0x19: {  	s7 =	sld [smem:$0x3F9C]  }
0x1a: {  	s8 =	sadd.s32 $0xFFFFE003, lr  }
0x1b: {  	s9 =	sadd.s32 $0xFFFFFEF7, lr;
	s5 =	simm.s32 $0xFFFFFFFF;
	p2 =	slt.u32 s8, $0xFFFFF086  }
0x1c: {  	p1 =	slt.u32 s9, $0xF7A;
	s5 =	simm.s32 @!p2 $0x0  }
0x1d: {  	s5 =	simm.s32 @p1 $0x1;
	p0 =	seq.s32 s7, s2  }
0x1e: {  	s7 =	smul.u32 @!p0 $0xF7A, s2;
	p2 =	seq.s32 @!p0 s5, $0x0  }
0x1f: {  	s9 =	smul.u32 $0xF7A, s1;
	s8 =	simm.s32 @!p0 $0x1BF5;
	p2 =	por !p2, p0  }
0x20: {  	[sflag:s8] =	ssyncset.s32 @!p0 $0xFFFFF086;
	s6 =	sadd.s32 @!p0 s3, s7;
	s7 =	simm.s32 @!p0 $0x108  }
0x21: {  	s3 =	sadd.s32 s3, s9;
	s6 =	sadd.s32 @!p0 $0x88, s6;
	s7 =	simm.s32 @p2 $0x1082  }
0x22: {  	[simem:s7], [sflag:s8] =	dma.local @!p0 [hbm:s6], $0xF7A  }
0x23: {  	s9 =	sor.u32 $0xD0000000, s2;
	s6 =	simm.s32 $0x108;
	_ =	swait.ge @!p0 [sflag:s8], $0x0  }
0x24: {  	s3 =	sadd.s32 $0x88, s3;
	s6 =	simm.s32 @!p1 $0x1082;
	[sflag:s4] =	ssyncset.s32 $0xFFFFF086  }
0x25: {  	[simem:s6], [sflag:s4] =	dma.local [hbm:s3], $0xF7A  }
0x26: {  	[smem:$0x3F9C] =	sst s1;
	(tag) =	ssettag s2;
	_ =	strace s9  }
0x27: {  	s1 =	sld [smem:$0x3FAC]  }
0x28: {  	s2 =	sld [smem:$0x3FAD]  }
0x29: {  	s4 =	sld [smem:$0x3FAF]  }
0x2a: {  	p0 =	seq.s32 s5, $0x0;
	s5 =	sld [smem:$0x3FB0]  }
0x2b: {  	s6 =	sld [smem:$0x3FB1]  }
0x2c: {  	s7 =	sld [smem:$0x3FB2]  }
0x2d: {  	s3 =	simm.s32 $0x108;
	s8 =	sld [smem:$0x3FB3]  }
0x2e: {  	s3 =	simm.s32 @!p0 $0x1082;
	s9 =	sld [smem:$0x3FB4]  }
0x2f: {  	lr =	sadd.s32 s0, s3;
	s0 =	sld [smem:$0x3FAB]  }
0x30: {  	s3 =	sld [smem:$0x3FAE]  }
0x31: {  	[smem:$0x3FB7] =	sst s10  }
0x32: {  	s10 =	sld [smem:$0x3FB5];
	_ =	sdelay $0x3  }
0x33: {  	p0 =	seq.s32 s10, $0x1;
	s10 =	sld [smem:$0x3FB7];
	_ =	sdelay $0x3  }
0x34: {  	[smem:$0x3FB7] =	sst s10  }
0x35: {  	s10 =	sld [smem:$0x3FB6];
	_ =	sdelay $0x3  }
0x36: {  	p1 =	seq.s32 s10, $0x1;
	s10 =	sld [smem:$0x3FB7];
	_ =	sdelay $0x3  }
0x37: {  	[smem:$0x3FB7] =	sst s10  }
0x38: {  	s10 =	sld [smem:$0x3FB8]  }
0x39: {  	_ = 	snop;
	(pc) =	sbr.ind lr, $3  }
0x3a: {  	_ = 	snop  }
0x3b: {  	_ = 	snop  }
0x3c: {  	p2 =	seq.s32 s10, $0x1;
	s10 =	sld [smem:$0x3FB7]  }
0x3d: {  	_ =	shalt  }
0x3e: {  	_ =	shalt  }
0x3f: {  	_ =	shalt  }
0x40: {  	_ =	shalt  }
0x41: {  	_ =	shalt  }
0x42: {  	_ =	shalt  }
0x43: {  	_ =	shalt  }
0x44: {  	_ =	shalt  }
0x45: {  	_ =	shalt  }
0x46: {  	_ =	shalt  }
0x47: {  	_ =	shalt  }
0x48: {  	_ =	shalt  }
0x49: {  	_ =	shalt  }
0x4a: {  	_ =	shalt  }
0x4b: {  	_ =	shalt  }
0x4c: {  	_ =	shalt  }
0x4d: {  	_ =	shalt  }
0x4e: {  	_ =	shalt  }
0x4f: {  	_ =	shalt  }
0x50: {  	_ =	shalt  }
0x51: {  	_ =	shalt  }
0x52: {  	_ =	shalt  }
0x53: {  	_ =	shalt  }
0x54: {  	_ =	shalt  }
0x55: {  	_ =	shalt  }
0x56: {  	_ =	shalt  }
0x57: {  	_ =	shalt  }
0x58: {  	_ =	shalt  }
0x59: {  	_ =	shalt  }
0x5a: {  	_ =	shalt  }
0x5b: {  	_ =	shalt  }
0x5c: {  	_ =	shalt  }
0x5d: {  	_ =	shalt  }
0x5e: {  	_ =	shalt  }
0x5f: {  	_ =	shalt  }
0x60: {  	_ =	shalt  }
0x61: {  	_ =	shalt  }
0x62: {  	_ =	shalt  }
0x63: {  	_ =	shalt  }
0x64: {  	_ =	shalt  }
0x65: {  	_ =	shalt  }
0x66: {  	_ =	shalt  }
0x67: {  	_ =	shalt  }
0x68: {  	_ =	shalt  }
0x69: {  	_ =	shalt  }
0x6a: {  	_ =	shalt  }
0x6b: {  	_ =	shalt  }
0x6c: {  	_ =	shalt  }
0x6d: {  	_ =	shalt  }
0x6e: {  	_ =	shalt  }
0x6f: {  	_ =	shalt  }
0x70: {  	_ =	shalt  }
0x71: {  	_ =	shalt  }
0x72: {  	_ =	shalt  }
0x73: {  	_ =	shalt  }
0x74: {  	_ =	shalt  }
0x75: {  	_ =	shalt  }
0x76: {  	_ =	shalt  }
0x77: {  	_ =	shalt  }
0x78: {  	_ =	shalt  }
0x79: {  	_ =	shalt  }
0x7a: {  	_ =	shalt  }
0x7b: {  	_ =	shalt  }
0x7c: {  	_ =	shalt  }
0x7d: {  	_ =	shalt  }
0x7e: {  	_ =	shalt  }
0x7f: {  	_ =	shalt  }
0x80: {  	_ =	shalt  }
0x81: {  	_ =	shalt  }
0x82: {  	_ =	shalt  }
0x83: {  	_ =	shalt  }
0x84: {  	_ =	shalt  }
0x85: {  	_ =	shalt  }
0x86: {  	_ =	shalt  }
0x87: {  	_ =	shalt  }
.Lfunc_end0:
.L_simem_size_0:
called_computation_lowered:
.L_overlay_start_0:
0x88: {  	s2 =	sld [smem:$0x3FD9]  }
0x89: {  	s3 =	sld [smem:$0x3FFE];
	_ =	sdelay $0x1  }
0x8a: {  	s1 =	srdreg.scid  }
0x8b: {  	s0 =	sand.u32 $0x1, s1  }
0x8c: {  	s17 =	sshll.u32 s0, $0xA;
	s2 =	sadd.s32 s3, s2  }
0x8d: {  	s2 =	sadd.s32 s2, s17  }
0x8e: {  	[smem:$0x3FC3] =	sst s2  }
0x8f: {  	_ = 	snop  }
0x90: {  	s2 =	sld [smem:$0x3FC9]  }
0x91: {  	s18 =	sld [smem:$0x3FC8]  }
0x92: {  	s4 =	sld [smem:$0x3FC7]  }
0x93: {  	s5 =	sld [smem:$0x3FD0];
	(tm) =	ssettm $0x1  }
0x94: {  	s6 =	sld [smem:$0x3FFB];
	_ =	sdelay $0x3  }
0x95: {  	_ =	strace s6  }
0x96: {  	s6 =	sld [smem:$0x3FFC];
	_ =	sdelay $0x3  }
0x97: {  	_ =	strace s6  }
0x98: {  	s6 =	sld [smem:$0x3FFD];
	_ =	sdelay $0x3  }
0x99: {  	_ =	strace s6  }
0x9a: {  	_ =	strace $0x8FFFFFFF  }
0x9b: {  	s19 =	sld [smem:$0x3FDB];
	_ =	sdelay $0x1  }
0x9c: {  	s7 =	simm.s32 $_scs_section_size  }
0x9d: {  	s8 =	simm.s32 $_size__tile_overlayer_lowered;
	s9 =	simm.s32 $_tile_overlayer_lowered  }
0x9e: {  	s22 =	simm.s32 $0x1BFF;
	s21 =	sshll.u32 s9, $0x1;
	s6 =	sadd.s32 s7, s19  }
0x9f: {  	s10 =	simm.s32 $0x0;
	s20 =	sshll.u32 s8, $0x1;
	s8 =	sadd.s32 s21, s6  }
0xa0: {  	[timem:s10], [sflag:s22] =	dma.local [hbm:s8], s20  }
0xa1: {  	_ =	swait.ge [sflag:s22], s20  }
0xa2: {  	s7 =	ssub.s32 $0x0, s20;
	[sflag:s22] =	ssyncset.done $0x0  }
0xa3: {  	[sflag:s22] =	ssyncadd.s32 s7;
	_ =	sdelay $0x1  }
0xa4: {  	s23 =	simm.s32 $0x1B8B  }
0xa5: {  	_ =	swait.ge [sflag:s23], $0x1  }
0xa6: {  	[sflag:s23] =	ssyncset.done $0x0  }
0xa7: {  	s25 =	simm.s32 $0x1B8E;
	s24 =	sld [smem:$0x3FFE];
	[sflag:s23] =	ssyncadd.s32 $0xFFFFFFFF  }
0xa8: {  	s26 =	simm.s32 $execute0_lowered;
	[smem:$0x3FD2] =	sst s25  }
0xa9: {  	s8 =	sshll.u32 s26, $0x1;
	_ =	strace $0x80000046;
	[dreg:$0x1] =	wrdreg $0xFFFFFFFF  }
0xaa: {  	s28 =	simm.s32 $_size_execute0_lowered;
	s6 =	sadd.s32 s6, s8;
	[dreg:$0x0] =	wrdreg $0x0  }
0xab: {  	s8 =	sshll.u32 s28, $0x1;
	[dreg:$0x2] =	wrdreg s6  }
0xac: {  	[dreg:$0x3] =	wrdreg s8  }
0xad: {  	[dreg:$0x4] =	wrdreg $0xC0  }
0xae: {  	_ =	task [dreg:s10], $0x5FFFF  }
0xaf: {  	[dreg:$0x1] =	wrdreg $0xFFFFFFFF  }
0xb0: {  	[dreg:$0x0] =	wrdreg $0x60  }
0xb1: {  	[dreg:$0x2] =	wrdreg s2  }
0xb2: {  	[dreg:$0x3] =	wrdreg s18  }
0xb3: {  	[dreg:$0x4] =	wrdreg s4  }
0xb4: {  	[dreg:$0x5] =	wrdreg s24  }
0xb5: {  	[dreg:$0x6] =	wrdreg s5  }
0xb6: {  	[dreg:$0x7] =	wrdreg $0x9  }
0xb7: {  	_ =	task.clear_ibuf [dreg:s10], $0x8FFFF;
	_ =	strace $0x90000046  }
0xb8: {  	s29 =	simm.s32 $0x9;
	_ =	strace $0x80000048  }
0xb9: {  	_ =	swait.ge [sflag:s29], $0x1  }
0xba: {  	[sflag:s29] =	ssyncadd.s32 $0xFFFFFFFF  }
0xbb: {  	_ =	strace $0x90000048  }
0xbc: {  	_ =	sfence  }
0xbd: {  	s30 =	sld [smem:$0x0];
	_ =	sdelay $0x2  }
0xbe: {  	s31 =	sshll.u32 s1, $0xD;
	s1 =	sshrl.u32 s1, $0x2  }
0xbf: {  	s3 =	sand.u32 $0x4000, s31;
	s1 =	sadd.s32 s1, s30  }
0xc0: {  	s0 =	sor.u32 s3, s0;
	s1 =	sshll.u32 s1, $0x11  }
0xc1: {  	s0 =	sor.u32 s1, s0  }
0xc2: {  	s0 =	sadd.s32 $0x8F2B, s0  }
0xc3: {  	[sflag:s0] =	ssyncadd.remote.s32 $0x1  }
0xc4: {  	_ =	sfence.sel $0xFFFF  }
0xc5: {  	[dreg:$0x0] =	wrdreg $0xFFFFFFFF;
	(pc) =	sbr.abs _section_cstart, $3  }
0xc6: {  	[dreg:$0x1] =	wrdreg $0xFFFFFFFF  }
0xc7: {  	_ =	task.clear_ibuf [dreg:s10], $0x2FFFF;
	_ =	strace $0x9FFFFFFF  }
0xc8: {  	(tm) =	ssettm $0x7FFFFFFF  }
0xc9: {  	_ =	shalt  }
tec
execute0_lowered:
.L_overlay_start_1:
0x0: {  	(tag) =	ssettag $0x1  }
0x1: {  	s0 =	rddreg [dreg:$0x0]  }
0x2: {  	s2 =	rddreg [dreg:$0x1]  }
0x3: {  	s7 =	rddreg [dreg:$0x2]  }
0x4: {  	s6 =	rddreg [dreg:$0x3]  }
0x5: {  	s1 =	rddreg [dreg:$0x4];
	s3 =	simm.s32 $0x0;
	s4 =	srdreg.scid  }
0x6: {  	s8 =	stileid.u32;
	s11 =	simm.s32 $0x3;
	s14 =	simm.s32 $0x600  }
0x7: {  	s15 =	simm.s32 $0x4600;
	s16 =	simm.s32 $0x8600;
	s18 =	simm.s32 $0xC600  }
0x8: {  	s19 =	simm.s32 $0x10600;
	s20 =	simm.s32 $0x14600;
	s21 =	simm.s32 $0x17A00  }
0x9: {  	s22 =	simm.s32 $0xFE00;
	s28 =	simm.s32 $0x18200;
	s5 =	sand.u32 $0x1, s4  }
0xa: {  	s29 =	simm.s32 $0x1;
	s8 =	sshll.u32 s8, $0xA;
	s9 =	sshll.u32 s5, $0x9  }
0xb: {  	s30 =	simm.s32 $0x18600;
	s10 =	ssub.s32 $0x2, s5;
	s5 =	sor.u32 s9, s8  }
0xc: {  	s31 =	simm.s32 $0x2;
	[smem:$0x7FF] =	sst s3;
	s9 =	sshrl.u32 s5, $0x3  }
0xd: {  	s4 =	sadd.s32 $0x4400, s6;
	_ =	strace $0x80000047;
	s0 =	sadd.s32 s0, s9  }
0xe: {  	s23 =	sshrl.u32 s10, $0x1;
	s24 =	sadd.s32 s2, s9;
	[dreg:$0x6] =	wrdreg s0  }
0xf: {  	s8 =	ssub.s32 s10, s23;
	s25 =	sadd.s32 s7, s9;
	[dreg:$0x7] =	wrdreg s24  }
0x10: {  	s6 =	sadd.s32 $0x400, s6;
	s26 =	smax.u32 s8, $0x1;
	[dreg:$0x8] =	wrdreg s25  }
0x11: {  	v0 =	vlaneseq.u32;
	s23 =	simm.s32 $0x13E00;
	s2 =	simm.s32 $0x0;
	[dreg:$0x9] =	wrdreg s26  }
0x12: {  	v1 =	vmul.u32 $0x400, v0;
	s24 =	simm.s32 $0x17E00;
	s25 =	simm.s32 $0x10200;
	s26 =	simm.s32 $0x14200  }
.LBB2_1:
0x13: {  	[dreg:$0xa] =	wrdreg s2  }
0x14: {  	s0 =	rddreg [dreg:$0x6]  }
0x15: {  	[tilespmem:s3], [sflag:$0x3] =	stream.linear.gather [hbm4b:s0+s3], $0x200, $0x38;
	[tilespmem:$0x18680] =	vst v63  }
0x16: {  	_ =	swait.ge [sflag:s11], $0x200  }
0x17: {  	[sflag:s11] =	ssyncset.done $0x0  }
0x18: {  	s17 =	simm.s32 $0x200;
	s13 =	rddreg [dreg:$0x7];
	[sflag:s11] =	ssyncadd.s32 $0xFFFFFE00  }
0x19: {  	[tilespmem:s17], [sflag:$0x3] =	stream.linear.gather [hbm4b:s13+s3], $0x200, $0x38;
	[tilespmem:$0x18680] =	vst v63  }
0x1a: {  	_ =	swait.ge [sflag:s11], $0x200  }
0x1b: {  	[sflag:s11] =	ssyncset.done $0x0  }
0x1c: {  	s8 =	simm.s32 $0x400;
	s7 =	rddreg [dreg:$0x8];
	[sflag:s11] =	ssyncadd.s32 $0xFFFFFE00  }
0x1d: {  	[tilespmem:s8], [sflag:$0x3] =	stream.linear.gather [hbm4b:s7+s3], $0x200, $0x38;
	[tilespmem:$0x18680] =	vst v63  }
0x1e: {  	_ =	swait.ge [sflag:s11], $0x200  }
0x1f: {  	[sflag:s11] =	ssyncset.done $0x0  }
0x20: {  	[sflag:s11] =	ssyncadd.s32 $0xFFFFFE00  }
0x21: {  	v2 =	vld [tilespmem:$0x0];
	_ =	sdelay $0x1  }
0x22: {  	v3 =	vld [tilespmem:$0x200];
	_ =	sdelay $0x2  }
0x23: {  	v4 =	vshll.u32 v2, $0x4  }
0x24: {  	(v2sf) =	vpush v4, $0x0  }
0x25: {  	v2 =	vld [tilespmem:$0x400];
	v3 =	vshll.u32 v3, $0x4  }
0x26: {  	(v2sf) =	vpush v3, $0x0;
	_ =	sdelay $0x3  }
0x27: {  	v2 =	vshll.u32 v2, $0x4  }
0x28: {  	(v2sf) =	vpush v2, $0x0;
	_ =	sdelay $0x1  }
0x29: {  	(v2sf) =	vpush v4, $0x1;
	_ =	sdelay $0x5  }
0x2a: {  	s9 =	spop (v2sf);
	(v2sf) =	vpush v3, $0x1;
	_ =	sdelay $0x1  }
0x2b: {  	s10 =	spop (v2sf);
	(v2sf) =	vpush v2, $0x1;
	_ =	sdelay $0x4  }
0x2c: {  	s12 =	spop (v2sf);
	(v2sf) =	vpush v4, $0x2;
	_ =	sdelay $0x1  }
0x2d: {  	s13 =	spop (v2sf);
	(v2sf) =	vpush v3, $0x2;
	_ =	sdelay $0x4  }
0x2e: {  	s0 =	sand.u32 $0x1FFFFF80, s9  }
0x2f: {  	s0 =	sadd.s32 s4, s0;
	s2 =	spop (v2sf);
	(v2sf) =	vpush v2, $0x2  }
0x30: {  	[tilespmem:s14], [sflag:$0x1] =	stream.linear.gather [hbm4b:s0+s3], $0x400, $0x38;
	[tilespmem:$0x18680] =	vst v63  }
0x31: {  	s8 =	spop (v2sf);
	(v2sf) =	vpush v4, $0x3  }
0x32: {  	s0 =	sand.u32 $0x1FFFFF80, s10  }
0x33: {  	s0 =	sadd.s32 s6, s0  }
0x34: {  	[tilespmem:s15], [sflag:$0x1] =	stream.linear.gather [hbm4b:s0+s3], $0x400, $0x38;
	[tilespmem:$0x18680] =	vst v63  }
0x35: {  	s0 =	sand.u32 $0x1FFFFF80, s12  }
0x36: {  	s0 =	sadd.s32 s4, s0;
	s10 =	spop (v2sf);
	(v2sf) =	vpush v3, $0x3  }
0x37: {  	[tilespmem:s16], [sflag:$0x1] =	stream.linear.gather [hbm4b:s0+s3], $0x400, $0x38;
	[tilespmem:$0x18680] =	vst v63  }
0x38: {  	s0 =	sand.u32 $0x1FFFFF80, s13;
	s13 =	spop (v2sf);
	(v2sf) =	vpush v2, $0x3;
	_ =	sdelay $0x2  }
0x39: {  	s17 =	simm.s32 $0xA00;
	s0 =	sadd.s32 s4, s0  }
0x3a: {  	[tilespmem:s17], [sflag:$0x1] =	stream.linear.gather [hbm4b:s0+s3], $0x400, $0x38;
	[tilespmem:$0x18680] =	vst v63  }
0x3b: {  	s0 =	sand.u32 $0x1FFFFF80, s2  }
0x3c: {  	s7 =	simm.s32 $0x4A00;
	s0 =	sadd.s32 s6, s0;
	s2 =	spop (v2sf);
	(v2sf) =	vpush v4, $0x4  }
0x3d: {  	[tilespmem:s7], [sflag:$0x1] =	stream.linear.gather [hbm4b:s0+s3], $0x400, $0x38;
	[tilespmem:$0x18680] =	vst v63  }
0x3e: {  	s0 =	sand.u32 $0x1FFFFF80, s8;
	s8 =	spop (v2sf);
	(v2sf) =	vpush v3, $0x4;
	_ =	sdelay $0x1  }
0x3f: {  	s9 =	simm.s32 $0x8A00;
	s0 =	sadd.s32 s4, s0  }
0x40: {  	[tilespmem:s9], [sflag:$0x1] =	stream.linear.gather [hbm4b:s0+s3], $0x400, $0x38;
	[tilespmem:$0x18680] =	vst v63  }
0x41: {  	s0 =	sand.u32 $0x1FFFFF80, s10  }
0x42: {  	s12 =	simm.s32 $0xE00;
	s0 =	sadd.s32 s4, s0;
	s10 =	spop (v2sf);
	(v2sf) =	vpush v2, $0x4  }
0x43: {  	[tilespmem:s12], [sflag:$0x1] =	stream.linear.gather [hbm4b:s0+s3], $0x400, $0x38;
	[tilespmem:$0x18680] =	vst v63  }
0x44: {  	s0 =	sand.u32 $0x1FFFFF80, s13;
	s13 =	spop (v2sf);
	(v2sf) =	vpush v4, $0x5;
	_ =	sdelay $0x2  }
0x45: {  	s17 =	simm.s32 $0x4E00;
	s0 =	sadd.s32 s6, s0  }
0x46: {  	[tilespmem:s17], [sflag:$0x1] =	stream.linear.gather [hbm4b:s0+s3], $0x400, $0x38;
	[tilespmem:$0x18680] =	vst v63  }
0x47: {  	s0 =	sand.u32 $0x1FFFFF80, s2  }
0x48: {  	s7 =	simm.s32 $0x8E00;
	s0 =	sadd.s32 s4, s0;
	s2 =	spop (v2sf);
	(v2sf) =	vpush v3, $0x5  }
0x49: {  	[tilespmem:s7], [sflag:$0x1] =	stream.linear.gather [hbm4b:s0+s3], $0x400, $0x38;
	[tilespmem:$0x18680] =	vst v63  }
0x4a: {  	s0 =	sand.u32 $0x1FFFFF80, s8;
	s8 =	spop (v2sf);
	(v2sf) =	vpush v2, $0x5;
	_ =	sdelay $0x1  }
0x4b: {  	s9 =	simm.s32 $0x1200;
	s0 =	sadd.s32 s4, s0  }
0x4c: {  	[tilespmem:s9], [sflag:$0x1] =	stream.linear.gather [hbm4b:s0+s3], $0x400, $0x38;
	[tilespmem:$0x18680] =	vst v63  }
0x4d: {  	s0 =	sand.u32 $0x1FFFFF80, s10  }
0x4e: {  	s12 =	simm.s32 $0x5200;
	s0 =	sadd.s32 s6, s0;
	s10 =	spop (v2sf);
	(v2sf) =	vpush v4, $0x6  }
0x4f: {  	[tilespmem:s12], [sflag:$0x1] =	stream.linear.gather [hbm4b:s0+s3], $0x400, $0x38;
	[tilespmem:$0x18680] =	vst v63  }
0x50: {  	s0 =	sand.u32 $0x1FFFFF80, s13;
	s13 =	spop (v2sf);
	(v2sf) =	vpush v3, $0x6;
	_ =	sdelay $0x2  }
0x51: {  	s17 =	simm.s32 $0x9200;
	s0 =	sadd.s32 s4, s0  }
0x52: {  	[tilespmem:s17], [sflag:$0x1] =	stream.linear.gather [hbm4b:s0+s3], $0x400, $0x38;
	[tilespmem:$0x18680] =	vst v63  }
0x53: {  	s0 =	sand.u32 $0x1FFFFF80, s2  }
0x54: {  	s7 =	simm.s32 $0x1600;
	s0 =	sadd.s32 s4, s0;
	s2 =	spop (v2sf);
	(v2sf) =	vpush v2, $0x6  }
0x55: {  	[tilespmem:s7], [sflag:$0x1] =	stream.linear.gather [hbm4b:s0+s3], $0x400, $0x38;
	[tilespmem:$0x18680] =	vst v63  }
0x56: {  	s0 =	sand.u32 $0x1FFFFF80, s8;
	s8 =	spop (v2sf);
	(v2sf) =	vpush v4, $0x7;
	_ =	sdelay $0x1  }
0x57: {  	s9 =	simm.s32 $0x5600;
	s0 =	sadd.s32 s6, s0  }
0x58: {  	[tilespmem:s9], [sflag:$0x1] =	stream.linear.gather [hbm4b:s0+s3], $0x400, $0x38;
	[tilespmem:$0x18680] =	vst v63  }
0x59: {  	s0 =	sand.u32 $0x1FFFFF80, s10  }
0x5a: {  	s12 =	simm.s32 $0x9600;
	s0 =	sadd.s32 s4, s0;
	s10 =	spop (v2sf);
	(v2sf) =	vpush v3, $0x7  }
0x5b: {  	[tilespmem:s12], [sflag:$0x1] =	stream.linear.gather [hbm4b:s0+s3], $0x400, $0x38;
	[tilespmem:$0x18680] =	vst v63  }
0x5c: {  	s0 =	sand.u32 $0x1FFFFF80, s13;
	s13 =	spop (v2sf);
	(v2sf) =	vpush v2, $0x7  }
0x5d: {  	s17 =	simm.s32 $0x1A00;
	s0 =	sadd.s32 s4, s0  }
0x5e: {  	[tilespmem:s17], [sflag:$0x1] =	stream.linear.gather [hbm4b:s0+s3], $0x400, $0x38;
	[tilespmem:$0x18680] =	vst v63  }
0x5f: {  	s0 =	sand.u32 $0x1FFFFF80, s2  }
0x60: {  	s7 =	simm.s32 $0x5A00;
	s0 =	sadd.s32 s6, s0  }
0x61: {  	[tilespmem:s7], [sflag:$0x1] =	stream.linear.gather [hbm4b:s0+s3], $0x400, $0x38;
	[tilespmem:$0x18680] =	vst v63  }
0x62: {  	s2 =	spop (v2sf);
	(v2sf) =	vpush v4, $0x8  }
0x63: {  	s0 =	sand.u32 $0x1FFFFF80, s8  }
0x64: {  	s9 =	simm.s32 $0x9A00;
	s0 =	sadd.s32 s4, s0;
	s8 =	spop (v2sf);
	(v2sf) =	vpush v3, $0x8  }
0x65: {  	[tilespmem:s9], [sflag:$0x1] =	stream.linear.gather [hbm4b:s0+s3], $0x400, $0x38;
	[tilespmem:$0x18680] =	vst v63  }
0x66: {  	s0 =	sand.u32 $0x1FFFFF80, s10  }
0x67: {  	s12 =	simm.s32 $0x1E00;
	s0 =	sadd.s32 s4, s0  }
0x68: {  	[tilespmem:s12], [sflag:$0x1] =	stream.linear.gather [hbm4b:s0+s3], $0x400, $0x38;
	[tilespmem:$0x18680] =	vst v63  }
0x69: {  	s10 =	spop (v2sf);
	(v2sf) =	vpush v2, $0x8  }
0x6a: {  	s0 =	sand.u32 $0x1FFFFF80, s13  }
0x6b: {  	s17 =	simm.s32 $0x5E00;
	s0 =	sadd.s32 s6, s0;
	s13 =	spop (v2sf);
	(v2sf) =	vpush v4, $0x9  }
0x6c: {  	[tilespmem:s17], [sflag:$0x1] =	stream.linear.gather [hbm4b:s0+s3], $0x400, $0x38;
	[tilespmem:$0x18680] =	vst v63  }
0x6d: {  	s0 =	sand.u32 $0x1FFFFF80, s2  }
0x6e: {  	s7 =	simm.s32 $0x9E00;
	s0 =	sadd.s32 s4, s0  }
0x6f: {  	[tilespmem:s7], [sflag:$0x1] =	stream.linear.gather [hbm4b:s0+s3], $0x400, $0x38;
	[tilespmem:$0x18680] =	vst v63  }
0x70: {  	s0 =	sand.u32 $0x1FFFFF80, s8  }
0x71: {  	s9 =	simm.s32 $0x2200;
	s0 =	sadd.s32 s4, s0;
	s2 =	spop (v2sf);
	(v2sf) =	vpush v3, $0x9  }
0x72: {  	[tilespmem:s9], [sflag:$0x1] =	stream.linear.gather [hbm4b:s0+s3], $0x400, $0x38;
	[tilespmem:$0x18680] =	vst v63  }
0x73: {  	s8 =	spop (v2sf);
	(v2sf) =	vpush v2, $0x9  }
0x74: {  	s0 =	sand.u32 $0x1FFFFF80, s10  }
0x75: {  	s12 =	simm.s32 $0x6200;
	s0 =	sadd.s32 s6, s0  }
0x76: {  	[tilespmem:s12], [sflag:$0x1] =	stream.linear.gather [hbm4b:s0+s3], $0x400, $0x38;
	[tilespmem:$0x18680] =	vst v63  }
0x77: {  	s0 =	sand.u32 $0x1FFFFF80, s13  }
0x78: {  	s17 =	simm.s32 $0xA200;
	s0 =	sadd.s32 s4, s0;
	s10 =	spop (v2sf);
	(v2sf) =	vpush v4, $0xA  }
0x79: {  	[tilespmem:s17], [sflag:$0x1] =	stream.linear.gather [hbm4b:s0+s3], $0x400, $0x38;
	[tilespmem:$0x18680] =	vst v63  }
0x7a: {  	s0 =	sand.u32 $0x1FFFFF80, s2;
	s13 =	spop (v2sf);
	(v2sf) =	vpush v3, $0xA  }
0x7b: {  	s7 =	simm.s32 $0x2600;
	s0 =	sadd.s32 s4, s0  }
0x7c: {  	[tilespmem:s7], [sflag:$0x1] =	stream.linear.gather [hbm4b:s0+s3], $0x400, $0x38;
	[tilespmem:$0x18680] =	vst v63  }
0x7d: {  	s0 =	sand.u32 $0x1FFFFF80, s8  }
0x7e: {  	s9 =	simm.s32 $0x6600;
	s0 =	sadd.s32 s6, s0  }
0x7f: {  	[tilespmem:s9], [sflag:$0x1] =	stream.linear.gather [hbm4b:s0+s3], $0x400, $0x38;
	[tilespmem:$0x18680] =	vst v63  }
0x80: {  	s2 =	spop (v2sf);
	(v2sf) =	vpush v2, $0xA  }
0x81: {  	s0 =	sand.u32 $0x1FFFFF80, s10  }
0x82: {  	s12 =	simm.s32 $0xA600;
	s0 =	sadd.s32 s4, s0;
	s8 =	spop (v2sf);
	(v2sf) =	vpush v4, $0xB  }
0x83: {  	[tilespmem:s12], [sflag:$0x1] =	stream.linear.gather [hbm4b:s0+s3], $0x400, $0x38;
	[tilespmem:$0x18680] =	vst v63  }
0x84: {  	s0 =	sand.u32 $0x1FFFFF80, s13  }
0x85: {  	s17 =	simm.s32 $0x2A00;
	s0 =	sadd.s32 s4, s0  }
0x86: {  	[tilespmem:s17], [sflag:$0x1] =	stream.linear.gather [hbm4b:s0+s3], $0x400, $0x38;
	[tilespmem:$0x18680] =	vst v63  }
0x87: {  	s10 =	spop (v2sf);
	(v2sf) =	vpush v3, $0xB  }
0x88: {  	s0 =	sand.u32 $0x1FFFFF80, s2  }
0x89: {  	s7 =	simm.s32 $0x6A00;
	s0 =	sadd.s32 s6, s0;
	s13 =	spop (v2sf);
	(v2sf) =	vpush v2, $0xB  }
0x8a: {  	[tilespmem:s7], [sflag:$0x1] =	stream.linear.gather [hbm4b:s0+s3], $0x400, $0x38;
	[tilespmem:$0x18680] =	vst v63  }
0x8b: {  	s0 =	sand.u32 $0x1FFFFF80, s8  }
0x8c: {  	s9 =	simm.s32 $0xAA00;
	s0 =	sadd.s32 s4, s0  }
0x8d: {  	[tilespmem:s9], [sflag:$0x1] =	stream.linear.gather [hbm4b:s0+s3], $0x400, $0x38;
	[tilespmem:$0x18680] =	vst v63  }
0x8e: {  	s0 =	sand.u32 $0x1FFFFF80, s10  }
0x8f: {  	s12 =	simm.s32 $0x2E00;
	s0 =	sadd.s32 s4, s0;
	s2 =	spop (v2sf);
	(v2sf) =	vpush v4, $0xC  }
0x90: {  	[tilespmem:s12], [sflag:$0x1] =	stream.linear.gather [hbm4b:s0+s3], $0x400, $0x38;
	[tilespmem:$0x18680] =	vst v63  }
0x91: {  	s8 =	spop (v2sf);
	(v2sf) =	vpush v3, $0xC  }
0x92: {  	s0 =	sand.u32 $0x1FFFFF80, s13  }
0x93: {  	s17 =	simm.s32 $0x6E00;
	s0 =	sadd.s32 s6, s0  }
0x94: {  	[tilespmem:s17], [sflag:$0x1] =	stream.linear.gather [hbm4b:s0+s3], $0x400, $0x38;
	[tilespmem:$0x18680] =	vst v63  }
0x95: {  	s0 =	sand.u32 $0x1FFFFF80, s2  }
0x96: {  	s7 =	simm.s32 $0xAE00;
	s0 =	sadd.s32 s4, s0;
	s10 =	spop (v2sf);
	(v2sf) =	vpush v2, $0xC  }
0x97: {  	[tilespmem:s7], [sflag:$0x1] =	stream.linear.gather [hbm4b:s0+s3], $0x400, $0x38;
	[tilespmem:$0x18680] =	vst v63  }
0x98: {  	s0 =	sand.u32 $0x1FFFFF80, s8;
	s13 =	spop (v2sf);
	(v2sf) =	vpush v4, $0xD  }
0x99: {  	s9 =	simm.s32 $0x3200;
	s0 =	sadd.s32 s4, s0  }
0x9a: {  	[tilespmem:s9], [sflag:$0x1] =	stream.linear.gather [hbm4b:s0+s3], $0x400, $0x38;
	[tilespmem:$0x18680] =	vst v63  }
0x9b: {  	s0 =	sand.u32 $0x1FFFFF80, s10  }
0x9c: {  	s12 =	simm.s32 $0x7200;
	s0 =	sadd.s32 s6, s0  }
0x9d: {  	[tilespmem:s12], [sflag:$0x1] =	stream.linear.gather [hbm4b:s0+s3], $0x400, $0x38;
	[tilespmem:$0x18680] =	vst v63  }
0x9e: {  	s2 =	spop (v2sf);
	(v2sf) =	vpush v3, $0xD  }
0x9f: {  	s0 =	sand.u32 $0x1FFFFF80, s13  }
0xa0: {  	s17 =	simm.s32 $0xB200;
	s0 =	sadd.s32 s4, s0;
	s8 =	spop (v2sf);
	(v2sf) =	vpush v2, $0xD  }
0xa1: {  	[tilespmem:s17], [sflag:$0x1] =	stream.linear.gather [hbm4b:s0+s3], $0x400, $0x38;
	[tilespmem:$0x18680] =	vst v63  }
0xa2: {  	s0 =	sand.u32 $0x1FFFFF80, s2  }
0xa3: {  	s7 =	simm.s32 $0x3600;
	s0 =	sadd.s32 s4, s0  }
0xa4: {  	[tilespmem:s7], [sflag:$0x1] =	stream.linear.gather [hbm4b:s0+s3], $0x400, $0x38;
	[tilespmem:$0x18680] =	vst v63  }
0xa5: {  	s10 =	spop (v2sf);
	(v2sf) =	vpush v4, $0xE  }
0xa6: {  	s0 =	sand.u32 $0x1FFFFF80, s8  }
0xa7: {  	s9 =	simm.s32 $0x7600;
	s0 =	sadd.s32 s6, s0;
	s13 =	spop (v2sf);
	(v2sf) =	vpush v3, $0xE  }
0xa8: {  	[tilespmem:s9], [sflag:$0x1] =	stream.linear.gather [hbm4b:s0+s3], $0x400, $0x38;
	[tilespmem:$0x18680] =	vst v63  }
0xa9: {  	s0 =	sand.u32 $0x1FFFFF80, s10  }
0xaa: {  	s12 =	simm.s32 $0xB600;
	s0 =	sadd.s32 s4, s0  }
0xab: {  	[tilespmem:s12], [sflag:$0x1] =	stream.linear.gather [hbm4b:s0+s3], $0x400, $0x38;
	[tilespmem:$0x18680] =	vst v63  }
0xac: {  	s0 =	sand.u32 $0x1FFFFF80, s13  }
0xad: {  	s17 =	simm.s32 $0x3A00;
	s0 =	sadd.s32 s4, s0;
	s2 =	spop (v2sf);
	(v2sf) =	vpush v2, $0xE  }
0xae: {  	[tilespmem:s17], [sflag:$0x1] =	stream.linear.gather [hbm4b:s0+s3], $0x400, $0x38;
	[tilespmem:$0x18680] =	vst v63  }
0xaf: {  	s8 =	spop (v2sf);
	(v2sf) =	vpush v4, $0xF  }
0xb0: {  	s0 =	sand.u32 $0x1FFFFF80, s2  }
0xb1: {  	s7 =	simm.s32 $0x7A00;
	s0 =	sadd.s32 s6, s0  }
0xb2: {  	[tilespmem:s7], [sflag:$0x1] =	stream.linear.gather [hbm4b:s0+s3], $0x400, $0x38;
	[tilespmem:$0x18680] =	vst v63  }
0xb3: {  	s0 =	sand.u32 $0x1FFFFF80, s8  }
0xb4: {  	s9 =	simm.s32 $0xBA00;
	s0 =	sadd.s32 s4, s0;
	s10 =	spop (v2sf);
	(v2sf) =	vpush v3, $0xF  }
0xb5: {  	[tilespmem:s9], [sflag:$0x1] =	stream.linear.gather [hbm4b:s0+s3], $0x400, $0x38;
	[tilespmem:$0x18680] =	vst v63  }
0xb6: {  	s0 =	sand.u32 $0x1FFFFF80, s10;
	s13 =	spop (v2sf);
	(v2sf) =	vpush v2, $0xF  }
0xb7: {  	s12 =	simm.s32 $0x3E00;
	s0 =	sadd.s32 s4, s0  }
0xb8: {  	[tilespmem:s12], [sflag:$0x1] =	stream.linear.gather [hbm4b:s0+s3], $0x400, $0x38;
	[tilespmem:$0x18680] =	vst v63  }
0xb9: {  	s0 =	sand.u32 $0x1FFFFF80, s13  }
0xba: {  	s17 =	simm.s32 $0x7E00;
	s0 =	sadd.s32 s6, s0  }
0xbb: {  	[tilespmem:s17], [sflag:$0x1] =	stream.linear.gather [hbm4b:s0+s3], $0x400, $0x38;
	[tilespmem:$0x18680] =	vst v63  }
0xbc: {  	s2 =	spop (v2sf)  }
0xbd: {  	s0 =	sand.u32 $0x1FFFFF80, s2  }
0xbe: {  	s7 =	simm.s32 $0xBE00;
	s8 =	spop (v2sf);
	s0 =	sadd.s32 s4, s0  }
0xbf: {  	[tilespmem:s7], [sflag:$0x1] =	stream.linear.gather [hbm4b:s0+s3], $0x400, $0x38;
	[tilespmem:$0x18680] =	vst v63  }
0xc0: {  	s0 =	sand.u32 $0x1FFFFF80, s8  }
0xc1: {  	s9 =	simm.s32 $0x4200;
	s0 =	sadd.s32 s4, s0  }
0xc2: {  	[tilespmem:s9], [sflag:$0x1] =	stream.linear.gather [hbm4b:s0+s3], $0x400, $0x38;
	[tilespmem:$0x18680] =	vst v63  }
0xc3: {  	s10 =	spop (v2sf)  }
0xc4: {  	s0 =	sand.u32 $0x1FFFFF80, s10  }
0xc5: {  	s12 =	simm.s32 $0x8200;
	s13 =	spop (v2sf);
	s0 =	sadd.s32 s6, s0  }
0xc6: {  	[tilespmem:s12], [sflag:$0x1] =	stream.linear.gather [hbm4b:s0+s3], $0x400, $0x38;
	[tilespmem:$0x18680] =	vst v63  }
0xc7: {  	s0 =	sand.u32 $0x1FFFFF80, s13  }
0xc8: {  	s17 =	simm.s32 $0xC200;
	s0 =	sadd.s32 s4, s0  }
0xc9: {  	[tilespmem:s17], [sflag:$0x1] =	stream.linear.gather [hbm4b:s0+s3], $0x400, $0x38;
	[tilespmem:$0x18680] =	vst v63  }
0xca: {  	s0 =	simm.s32 $0x0  }
.LBB2_2:
0xcb: {  	s12 =	sshll.u32 s0, $0x5  }
0xcc: {  	v2 =	vld [tilespmem:s12+$0x10]  }
0xcd: {  	v3 =	vld [tilespmem:s12+$0x210];
	_ =	sdelay $0x3  }
0xce: {  	v4 =	vshll.u32 v2, $0x4  }
0xcf: {  	v3 =	vshll.u32 v3, $0x4;
	(v2sf) =	vpush v4, $0x0  }
0xd0: {  	(v2sf) =	vpush v3, $0x0  }
0xd1: {  	v2 =	vld [tilespmem:s12+$0x410];
	_ =	sdelay $0x4  }
0xd2: {  	v2 =	vshll.u32 v2, $0x4  }
0xd3: {  	(v2sf) =	vpush v2, $0x0  }
0xd4: {  	(v2sf) =	vpush v4, $0x1;
	_ =	sdelay $0x5  }
0xd5: {  	s2 =	spop (v2sf);
	(v2sf) =	vpush v3, $0x1  }
0xd6: {  	s8 =	spop (v2sf);
	(v2sf) =	vpush v2, $0x1  }
0xd7: {  	s2 =	sand.u32 $0x1FFFFF80, s2  }
0xd8: {  	s2 =	sadd.s32 s4, s2  }
0xd9: {  	[tilespmem:s18], [sflag:$0x2] =	stream.linear.gather [hbm4b:s2+s3], $0x400, $0x38;
	[tilespmem:$0x18680] =	vst v63  }
0xda: {  	s2 =	sand.u32 $0x1FFFFF80, s8  }
0xdb: {  	s2 =	sadd.s32 s6, s2  }
0xdc: {  	(v2sf) =	vpush v4, $0x2;
	[tilespmem:s19], [sflag:$0x2] =	stream.linear.gather [hbm4b:s2+s3], $0x400, $0x38;
	[tilespmem:$0x18680] =	vst v63  }
0xdd: {  	s9 =	spop (v2sf)  }
0xde: {  	s2 =	sand.u32 $0x1FFFFF80, s9;
	s10 =	spop (v2sf);
	(v2sf) =	vpush v3, $0x2  }
0xdf: {  	s2 =	sadd.s32 s4, s2  }
0xe0: {  	[tilespmem:s20], [sflag:$0x2] =	stream.linear.gather [hbm4b:s2+s3], $0x400, $0x38;
	[tilespmem:$0x18680] =	vst v63  }
0xe1: {  	s2 =	sand.u32 $0x1FFFFF80, s10  }
0xe2: {  	s7 =	simm.s32 $0xCA00;
	s2 =	sadd.s32 s4, s2  }
0xe3: {  	[tilespmem:s7], [sflag:$0x2] =	stream.linear.gather [hbm4b:s2+s3], $0x400, $0x38;
	[tilespmem:$0x18680] =	vst v63  }
0xe4: {  	s13 =	spop (v2sf);
	(v2sf) =	vpush v2, $0x2  }
0xe5: {  	s7 =	spop (v2sf);
	(v2sf) =	vpush v4, $0x3;
	_ =	sdelay $0x5  }
0xe6: {  	s9 =	spop (v2sf);
	(v2sf) =	vpush v3, $0x3;
	_ =	sdelay $0x1  }
0xe7: {  	s2 =	sand.u32 $0x1FFFFF80, s13;
	s13 =	spop (v2sf);
	(v2sf) =	vpush v2, $0x3  }
0xe8: {  	s17 =	simm.s32 $0x10A00;
	s2 =	sadd.s32 s6, s2  }
0xe9: {  	[tilespmem:s17], [sflag:$0x2] =	stream.linear.gather [hbm4b:s2+s3], $0x400, $0x38;
	[tilespmem:$0x18680] =	vst v63  }
0xea: {  	s2 =	sand.u32 $0x1FFFFF80, s7  }
0xeb: {  	s8 =	simm.s32 $0x14A00;
	s2 =	sadd.s32 s4, s2  }
0xec: {  	[tilespmem:s8], [sflag:$0x2] =	stream.linear.gather [hbm4b:s2+s3], $0x400, $0x38;
	[tilespmem:$0x18680] =	vst v63  }
0xed: {  	s7 =	spop (v2sf);
	(v2sf) =	vpush v4, $0x4  }
0xee: {  	s2 =	sand.u32 $0x1FFFFF80, s9;
	s9 =	spop (v2sf);
	(v2sf) =	vpush v3, $0x4;
	_ =	sdelay $0x2  }
0xef: {  	s10 =	simm.s32 $0xCE00;
	s2 =	sadd.s32 s4, s2  }
0xf0: {  	[tilespmem:s10], [sflag:$0x2] =	stream.linear.gather [hbm4b:s2+s3], $0x400, $0x38;
	[tilespmem:$0x18680] =	vst v63  }
0xf1: {  	s2 =	sand.u32 $0x1FFFFF80, s13  }
0xf2: {  	s17 =	simm.s32 $0x10E00;
	s2 =	sadd.s32 s6, s2;
	s13 =	spop (v2sf);
	(v2sf) =	vpush v2, $0x4  }
0xf3: {  	[tilespmem:s17], [sflag:$0x2] =	stream.linear.gather [hbm4b:s2+s3], $0x400, $0x38;
	[tilespmem:$0x18680] =	vst v63  }
0xf4: {  	s2 =	sand.u32 $0x1FFFFF80, s7;
	s7 =	spop (v2sf);
	(v2sf) =	vpush v4, $0x5  }
0xf5: {  	s8 =	simm.s32 $0x14E00;
	s2 =	sadd.s32 s4, s2  }
0xf6: {  	[tilespmem:s8], [sflag:$0x2] =	stream.linear.gather [hbm4b:s2+s3], $0x400, $0x38;
	[tilespmem:$0x18680] =	vst v63  }
0xf7: {  	s2 =	sand.u32 $0x1FFFFF80, s9  }
0xf8: {  	s10 =	simm.s32 $0xD200;
	s2 =	sadd.s32 s4, s2  }
0xf9: {  	[tilespmem:s10], [sflag:$0x2] =	stream.linear.gather [hbm4b:s2+s3], $0x400, $0x38;
	[tilespmem:$0x18680] =	vst v63  }
0xfa: {  	s9 =	spop (v2sf);
	(v2sf) =	vpush v3, $0x5  }
0xfb: {  	s2 =	sand.u32 $0x1FFFFF80, s13;
	s13 =	spop (v2sf);
	(v2sf) =	vpush v2, $0x5;
	_ =	sdelay $0x2  }
0xfc: {  	s17 =	simm.s32 $0x11200;
	s2 =	sadd.s32 s6, s2  }
0xfd: {  	[tilespmem:s17], [sflag:$0x2] =	stream.linear.gather [hbm4b:s2+s3], $0x400, $0x38;
	[tilespmem:$0x18680] =	vst v63  }
0xfe: {  	s2 =	sand.u32 $0x1FFFFF80, s7  }
0xff: {  	s8 =	simm.s32 $0x15200;
	s2 =	sadd.s32 s4, s2;
	s7 =	spop (v2sf);
	(v2sf) =	vpush v4, $0x6  }
0x100: {  	[tilespmem:s8], [sflag:$0x2] =	stream.linear.gather [hbm4b:s2+s3], $0x400, $0x38;
	[tilespmem:$0x18680] =	vst v63  }
0x101: {  	s2 =	sand.u32 $0x1FFFFF80, s9;
	s9 =	spop (v2sf);
	(v2sf) =	vpush v3, $0x6  }
0x102: {  	s10 =	simm.s32 $0xD600;
	s2 =	sadd.s32 s4, s2  }
0x103: {  	[tilespmem:s10], [sflag:$0x2] =	stream.linear.gather [hbm4b:s2+s3], $0x400, $0x38;
	[tilespmem:$0x18680] =	vst v63  }
0x104: {  	s2 =	sand.u32 $0x1FFFFF80, s13  }
0x105: {  	s17 =	simm.s32 $0x11600;
	s2 =	sadd.s32 s6, s2  }
0x106: {  	[tilespmem:s17], [sflag:$0x2] =	stream.linear.gather [hbm4b:s2+s3], $0x400, $0x38;
	[tilespmem:$0x18680] =	vst v63  }
0x107: {  	s13 =	spop (v2sf);
	(v2sf) =	vpush v2, $0x6  }
0x108: {  	s2 =	sand.u32 $0x1FFFFF80, s7;
	s7 =	spop (v2sf);
	(v2sf) =	vpush v4, $0x7;
	_ =	sdelay $0x2  }
0x109: {  	s8 =	simm.s32 $0x15600;
	s2 =	sadd.s32 s4, s2  }
0x10a: {  	[tilespmem:s8], [sflag:$0x2] =	stream.linear.gather [hbm4b:s2+s3], $0x400, $0x38;
	[tilespmem:$0x18680] =	vst v63  }
0x10b: {  	s2 =	sand.u32 $0x1FFFFF80, s9  }
0x10c: {  	s10 =	simm.s32 $0xDA00;
	s2 =	sadd.s32 s4, s2;
	s9 =	spop (v2sf);
	(v2sf) =	vpush v3, $0x7  }
0x10d: {  	[tilespmem:s10], [sflag:$0x2] =	stream.linear.gather [hbm4b:s2+s3], $0x400, $0x38;
	[tilespmem:$0x18680] =	vst v63  }
0x10e: {  	s2 =	sand.u32 $0x1FFFFF80, s13;
	s13 =	spop (v2sf);
	(v2sf) =	vpush v2, $0x7  }
0x10f: {  	s17 =	simm.s32 $0x11A00;
	s2 =	sadd.s32 s6, s2  }
0x110: {  	[tilespmem:s17], [sflag:$0x2] =	stream.linear.gather [hbm4b:s2+s3], $0x400, $0x38;
	[tilespmem:$0x18680] =	vst v63  }
0x111: {  	s2 =	sand.u32 $0x1FFFFF80, s7  }
0x112: {  	s8 =	simm.s32 $0x15A00;
	s2 =	sadd.s32 s4, s2  }
0x113: {  	[tilespmem:s8], [sflag:$0x2] =	stream.linear.gather [hbm4b:s2+s3], $0x400, $0x38;
	[tilespmem:$0x18680] =	vst v63  }
0x114: {  	s7 =	spop (v2sf);
	(v2sf) =	vpush v4, $0x8  }
0x115: {  	s2 =	sand.u32 $0x1FFFFF80, s9;
	s9 =	spop (v2sf);
	(v2sf) =	vpush v3, $0x8;
	_ =	sdelay $0x2  }
0x116: {  	s10 =	simm.s32 $0xDE00;
	s2 =	sadd.s32 s4, s2  }
0x117: {  	[tilespmem:s10], [sflag:$0x2] =	stream.linear.gather [hbm4b:s2+s3], $0x400, $0x38;
	[tilespmem:$0x18680] =	vst v63  }
0x118: {  	s2 =	sand.u32 $0x1FFFFF80, s13  }
0x119: {  	s17 =	simm.s32 $0x11E00;
	s2 =	sadd.s32 s6, s2;
	s13 =	spop (v2sf);
	(v2sf) =	vpush v2, $0x8  }
0x11a: {  	[tilespmem:s17], [sflag:$0x2] =	stream.linear.gather [hbm4b:s2+s3], $0x400, $0x38;
	[tilespmem:$0x18680] =	vst v63  }
0x11b: {  	s2 =	sand.u32 $0x1FFFFF80, s7;
	s7 =	spop (v2sf);
	(v2sf) =	vpush v4, $0x9  }
0x11c: {  	s8 =	simm.s32 $0x15E00;
	s2 =	sadd.s32 s4, s2  }
0x11d: {  	[tilespmem:s8], [sflag:$0x2] =	stream.linear.gather [hbm4b:s2+s3], $0x400, $0x38;
	[tilespmem:$0x18680] =	vst v63  }
0x11e: {  	s2 =	sand.u32 $0x1FFFFF80, s9  }
0x11f: {  	s10 =	simm.s32 $0xE200;
	s2 =	sadd.s32 s4, s2  }
0x120: {  	[tilespmem:s10], [sflag:$0x2] =	stream.linear.gather [hbm4b:s2+s3], $0x400, $0x38;
	[tilespmem:$0x18680] =	vst v63  }
0x121: {  	s9 =	spop (v2sf);
	(v2sf) =	vpush v3, $0x9  }
0x122: {  	s2 =	sand.u32 $0x1FFFFF80, s13;
	s13 =	spop (v2sf);
	(v2sf) =	vpush v2, $0x9;
	_ =	sdelay $0x2  }
0x123: {  	s17 =	simm.s32 $0x12200;
	s2 =	sadd.s32 s6, s2  }
0x124: {  	[tilespmem:s17], [sflag:$0x2] =	stream.linear.gather [hbm4b:s2+s3], $0x400, $0x38;
	[tilespmem:$0x18680] =	vst v63  }
0x125: {  	s2 =	sand.u32 $0x1FFFFF80, s7  }
0x126: {  	s8 =	simm.s32 $0x16200;
	s2 =	sadd.s32 s4, s2;
	s7 =	spop (v2sf);
	(v2sf) =	vpush v4, $0xA  }
0x127: {  	[tilespmem:s8], [sflag:$0x2] =	stream.linear.gather [hbm4b:s2+s3], $0x400, $0x38;
	[tilespmem:$0x18680] =	vst v63  }
0x128: {  	s2 =	sand.u32 $0x1FFFFF80, s9;
	s9 =	spop (v2sf);
	(v2sf) =	vpush v3, $0xA  }
0x129: {  	s10 =	simm.s32 $0xE600;
	s2 =	sadd.s32 s4, s2  }
0x12a: {  	[tilespmem:s10], [sflag:$0x2] =	stream.linear.gather [hbm4b:s2+s3], $0x400, $0x38;
	[tilespmem:$0x18680] =	vst v63  }
0x12b: {  	s2 =	sand.u32 $0x1FFFFF80, s13  }
0x12c: {  	s17 =	simm.s32 $0x12600;
	s2 =	sadd.s32 s6, s2  }
0x12d: {  	[tilespmem:s17], [sflag:$0x2] =	stream.linear.gather [hbm4b:s2+s3], $0x400, $0x38;
	[tilespmem:$0x18680] =	vst v63  }
0x12e: {  	s13 =	spop (v2sf);
	(v2sf) =	vpush v2, $0xA  }
0x12f: {  	s2 =	sand.u32 $0x1FFFFF80, s7;
	s7 =	spop (v2sf);
	(v2sf) =	vpush v4, $0xB;
	_ =	sdelay $0x2  }
0x130: {  	s8 =	simm.s32 $0x16600;
	s2 =	sadd.s32 s4, s2  }
0x131: {  	[tilespmem:s8], [sflag:$0x2] =	stream.linear.gather [hbm4b:s2+s3], $0x400, $0x38;
	[tilespmem:$0x18680] =	vst v63  }
0x132: {  	s2 =	sand.u32 $0x1FFFFF80, s9  }
0x133: {  	s10 =	simm.s32 $0xEA00;
	s2 =	sadd.s32 s4, s2;
	s9 =	spop (v2sf);
	(v2sf) =	vpush v3, $0xB  }
0x134: {  	[tilespmem:s10], [sflag:$0x2] =	stream.linear.gather [hbm4b:s2+s3], $0x400, $0x38;
	[tilespmem:$0x18680] =	vst v63  }
0x135: {  	s2 =	sand.u32 $0x1FFFFF80, s13;
	s13 =	spop (v2sf);
	(v2sf) =	vpush v2, $0xB  }
0x136: {  	s17 =	simm.s32 $0x12A00;
	s2 =	sadd.s32 s6, s2  }
0x137: {  	[tilespmem:s17], [sflag:$0x2] =	stream.linear.gather [hbm4b:s2+s3], $0x400, $0x38;
	[tilespmem:$0x18680] =	vst v63  }
0x138: {  	s2 =	sand.u32 $0x1FFFFF80, s7  }
0x139: {  	s8 =	simm.s32 $0x16A00;
	s2 =	sadd.s32 s4, s2  }
0x13a: {  	[tilespmem:s8], [sflag:$0x2] =	stream.linear.gather [hbm4b:s2+s3], $0x400, $0x38;
	[tilespmem:$0x18680] =	vst v63  }
0x13b: {  	s2 =	sand.u32 $0x1FFFFF80, s9;
	s7 =	spop (v2sf);
	(v2sf) =	vpush v4, $0xC  }
0x13c: {  	s10 =	simm.s32 $0xEE00;
	s2 =	sadd.s32 s4, s2;
	s9 =	spop (v2sf);
	(v2sf) =	vpush v3, $0xC  }
0x13d: {  	[tilespmem:s10], [sflag:$0x2] =	stream.linear.gather [hbm4b:s2+s3], $0x400, $0x38;
	[tilespmem:$0x18680] =	vst v63  }
0x13e: {  	s2 =	sand.u32 $0x1FFFFF80, s13  }
0x13f: {  	s17 =	simm.s32 $0x12E00;
	s2 =	sadd.s32 s6, s2  }
0x140: {  	[tilespmem:s17], [sflag:$0x2] =	stream.linear.gather [hbm4b:s2+s3], $0x400, $0x38;
	[tilespmem:$0x18680] =	vst v63  }
0x141: {  	s2 =	sand.u32 $0x1FFFFF80, s7  }
0x142: {  	s8 =	simm.s32 $0x16E00;
	s2 =	sadd.s32 s4, s2;
	s13 =	spop (v2sf);
	(v2sf) =	vpush v2, $0xC  }
0x143: {  	[tilespmem:s8], [sflag:$0x2] =	stream.linear.gather [hbm4b:s2+s3], $0x400, $0x38;
	[tilespmem:$0x18680] =	vst v63  }
0x144: {  	s2 =	sand.u32 $0x1FFFFF80, s9;
	s7 =	spop (v2sf);
	(v2sf) =	vpush v4, $0xD  }
0x145: {  	s10 =	simm.s32 $0xF200;
	s2 =	sadd.s32 s4, s2  }
0x146: {  	[tilespmem:s10], [sflag:$0x2] =	stream.linear.gather [hbm4b:s2+s3], $0x400, $0x38;
	[tilespmem:$0x18680] =	vst v63  }
0x147: {  	s2 =	sand.u32 $0x1FFFFF80, s13  }
0x148: {  	s17 =	simm.s32 $0x13200;
	s2 =	sadd.s32 s6, s2  }
0x149: {  	[tilespmem:s17], [sflag:$0x2] =	stream.linear.gather [hbm4b:s2+s3], $0x400, $0x38;
	[tilespmem:$0x18680] =	vst v63  }
0x14a: {  	s2 =	sand.u32 $0x1FFFFF80, s7;
	s9 =	spop (v2sf);
	(v2sf) =	vpush v3, $0xD  }
0x14b: {  	s8 =	simm.s32 $0x17200;
	s2 =	sadd.s32 s4, s2;
	s13 =	spop (v2sf);
	(v2sf) =	vpush v2, $0xD  }
0x14c: {  	[tilespmem:s8], [sflag:$0x2] =	stream.linear.gather [hbm4b:s2+s3], $0x400, $0x38;
	[tilespmem:$0x18680] =	vst v63  }
0x14d: {  	s2 =	sand.u32 $0x1FFFFF80, s9;
	(v2sf) =	vpush v4, $0xE  }
0x14e: {  	s10 =	simm.s32 $0xF600;
	s2 =	sadd.s32 s4, s2  }
0x14f: {  	[tilespmem:s10], [sflag:$0x2] =	stream.linear.gather [hbm4b:s2+s3], $0x400, $0x38;
	[tilespmem:$0x18680] =	vst v63  }
0x150: {  	s2 =	sand.u32 $0x1FFFFF80, s13  }
0x151: {  	s17 =	simm.s32 $0x13600;
	s7 =	spop (v2sf);
	s2 =	sadd.s32 s6, s2  }
0x152: {  	(v2sf) =	vpush v3, $0xE;
	[tilespmem:s17], [sflag:$0x2] =	stream.linear.gather [hbm4b:s2+s3], $0x400, $0x38;
	[tilespmem:$0x18680] =	vst v63  }
0x153: {  	s2 =	sand.u32 $0x1FFFFF80, s7;
	s9 =	spop (v2sf);
	(v2sf) =	vpush v2, $0xE  }
0x154: {  	s8 =	simm.s32 $0x17600;
	s2 =	sadd.s32 s4, s2  }
0x155: {  	[tilespmem:s8], [sflag:$0x2] =	stream.linear.gather [hbm4b:s2+s3], $0x400, $0x38;
	[tilespmem:$0x18680] =	vst v63  }
0x156: {  	s2 =	sand.u32 $0x1FFFFF80, s9  }
0x157: {  	s10 =	simm.s32 $0xFA00;
	s2 =	sadd.s32 s4, s2  }
0x158: {  	[tilespmem:s10], [sflag:$0x2] =	stream.linear.gather [hbm4b:s2+s3], $0x400, $0x38;
	[tilespmem:$0x18680] =	vst v63  }
0x159: {  	s13 =	spop (v2sf);
	(v2sf) =	vpush v4, $0xF  }
0x15a: {  	s8 =	spop (v2sf);
	(v2sf) =	vpush v3, $0xF  }
0x15b: {  	s2 =	sand.u32 $0x1FFFFF80, s13  }
0x15c: {  	s17 =	simm.s32 $0x13A00;
	s2 =	sadd.s32 s6, s2;
	s9 =	spop (v2sf)  }
0x15d: {  	(v2sf) =	vpush v2, $0xF;
	[tilespmem:s17], [sflag:$0x2] =	stream.linear.gather [hbm4b:s2+s3], $0x400, $0x38;
	[tilespmem:$0x18680] =	vst v63  }
0x15e: {  	s2 =	sand.u32 $0x1FFFFF80, s8  }
0x15f: {  	s2 =	sadd.s32 s4, s2  }
0x160: {  	[tilespmem:s21], [sflag:$0x2] =	stream.linear.gather [hbm4b:s2+s3], $0x400, $0x38;
	[tilespmem:$0x18680] =	vst v63  }
0x161: {  	s10 =	spop (v2sf);
	s2 =	sand.u32 $0x1FFFFF80, s9  }
0x162: {  	s13 =	sand.u32 $0x1FFFFF80, s10;
	s2 =	sadd.s32 s4, s2;
	s17 =	spop (v2sf)  }
0x163: {  	[tilespmem:s22], [sflag:$0x2] =	stream.linear.gather [hbm4b:s2+s3], $0x400, $0x38;
	[tilespmem:$0x18680] =	vst v63  }
0x164: {  	s2 =	sadd.s32 s6, s13;
	s7 =	sand.u32 $0x1FFFFF80, s17  }
0x165: {  	[tilespmem:s23], [sflag:$0x2] =	stream.linear.gather [hbm4b:s2+s3], $0x400, $0x38;
	[tilespmem:$0x18680] =	vst v63  }
0x166: {  	s2 =	sadd.s32 s4, s7  }
0x167: {  	[tilespmem:s24], [sflag:$0x2] =	stream.linear.gather [hbm4b:s2+s3], $0x400, $0x38;
	[tilespmem:$0x18680] =	vst v63  }
0x168: {  	s8 =	spop (v2sf)  }
0x169: {  	s9 =	sand.u32 $0x1FFFFF80, s8;
	s10 =	spop (v2sf)  }
0x16a: {  	s2 =	sadd.s32 s4, s9;
	s13 =	sand.u32 $0x1FFFFF80, s10  }
0x16b: {  	[tilespmem:s25], [sflag:$0x2] =	stream.linear.gather [hbm4b:s2+s3], $0x400, $0x38;
	[tilespmem:$0x18680] =	vst v63  }
0x16c: {  	s17 =	spop (v2sf);
	s2 =	sadd.s32 s6, s13  }
0x16d: {  	[tilespmem:s26], [sflag:$0x2] =	stream.linear.gather [hbm4b:s2+s3], $0x400, $0x38;
	[tilespmem:$0x18680] =	vst v63  }
0x16e: {  	s2 =	sand.u32 $0x1FFFFF80, s17  }
0x16f: {  	s2 =	sadd.s32 s4, s2  }
0x170: {  	[tilespmem:s28], [sflag:$0x2] =	stream.linear.gather [hbm4b:s2+s3], $0x400, $0x38;
	[tilespmem:$0x18680] =	vst v63  }
0x171: {  	_ =	swait.ge [sflag:s29], $0x400  }
0x172: {  	[sflag:s29] =	ssyncset.done $0x0  }
0x173: {  	[sflag:s29] =	ssyncadd.s32 $0xFFFFFC00  }
0x174: {  	_ =	swait.ge [sflag:s29], $0x400  }
0x175: {  	[sflag:s29] =	ssyncset.done $0x0  }
0x176: {  	[sflag:s29] =	ssyncadd.s32 $0xFFFFFC00  }
0x177: {  	_ =	swait.ge [sflag:s29], $0x400  }
0x178: {  	s7 =	simm.s32 $0xF;
	s2 =	sor.u32 $0x10, s12;
	[sflag:s29] =	ssyncset.done $0x0  }
.LBB2_3:
0x179: {  	p0 =	sne.s32 s7, $0x1;
	s7 =	sadd.s32 $0xFFFFFFFF, s7;
	[sflag:s29] =	ssyncadd.s32 $0xFFFFFC00  }
0x17a: {  	_ =	swait.ge [sflag:s29], $0x400  }
0x17b: {  	[sflag:s29] =	ssyncset.done $0x0  }
0x17c: {  	[sflag:s29] =	ssyncadd.s32 $0xFFFFFC00  }
.Ltmp0:
0x17d: {  	_ =	swait.ge [sflag:s29], $0x400;
	(pc) =	sbr.rel @p0 .LBB2_3-.Ltmp0, $4  }
0x17e: {  	[sflag:s29] =	ssyncset.done $0x0  }
0x17f: {  	[sflag:s29] =	ssyncadd.s32 $0xFFFFFC00  }
0x180: {  	_ =	swait.ge [sflag:s29], $0x400  }
0x181: {  	[sflag:s29] =	ssyncset.done $0x0  }
0x182: {  	[sflag:s29] =	ssyncadd.s32 $0xFFFFFC00  }
0x183: {  	v2 =	vld [tilespmem:s12+$0x0]  }
0x184: {  	v3 =	vld [tilespmem:s12+$0x200]  }
0x185: {  	v4 =	vld [tilespmem:s12+$0x400];
	_ =	sdelay $0x2  }
0x186: {  	s7 =	simm.s32 $0x0  }
0x187: {  	v7 =	vimm.f32 $0.0e+00;
	v6 =	vadd.s32 s7, v0  }
0x188: {  	v2 =	vand.u32 $0x7, v2;
	v3 =	vand.u32 $0x7, v3;
	v4 =	vand.u32 $0x7, v4  }
0x189: {  	v2 =	vshll.u32 v2, $0x7;
	v3 =	vshll.u32 v3, $0x7;
	v5 =	vshll.u32 v4, $0x7  }
0x18a: {  	s13 =	simm.s32 $0x7;
	v4 =	vor.u32 v1, v2;
	v2 =	vor.u32 v1, v5;
	v5 =	vand.u32 $0x3F, v6  }
0x18b: {  	s8 =	simm.s32 $0x4;
	s17 =	simm.s32 $0x5;
	v8 =	vadd.s32 s13, v0;
	v3 =	vor.u32 v1, v3;
	v11 =	vor.u32 v4, v5  }
0x18c: {  	s10 =	simm.s32 $0x6;
	v10 =	vadd.s32 s8, v0;
	v9 =	vadd.s32 s17, v0;
	v12 =	vor.u32 v3, v5  }
0x18d: {  	s9 =	simm.s32 $0x2;
	v8 =	vand.u32 $0x3F, v8;
	v6 =	vadd.s32 s10, v0;
	v21 =	vor.u32 v2, v5  }
0x18e: {  	v16 =	vadd.s32 s9, v0;
	v6 =	vand.u32 $0x3F, v6;
	v5 =	vor.u32 v4, v8  }
0x18f: {  	s17 =	simm.s32 $0x1;
	v9 =	vand.u32 $0x3F, v9;
	v14 =	vand.u32 $0x3F, v10;
	s10 =	simm.s32 $0x3;
	v10 =	vor.u32 v4, v6  }
0x190: {  	v22 =	vadd.s32 s17, v0;
	v13 =	vadd.s32 s10, v0;
	v20 =	vor.u32 v4, v9;
	v15 =	vld.idx.msk [tilespmem:v11+s14+$0x0], $0xffff  }
0x191: {  	v18 =	vand.u32 $0x3F, v16;
	v19 =	vor.u32 v4, v14;
	v17 =	vand.u32 $0x3F, v13;
	v13 =	vld.idx.msk [tilespmem:v12+s15+$0x0], $0xffff  }
0x192: {  	s7 =	simm.s32 $0x8;
	v16 =	vld.idx.msk [tilespmem:v21+s16+$0x0], $0xffff;
	v21 =	vor.u32 v4, v17;
	v12 =	vimm.f32 $0.0e+00;
	v11 =	vimm.f32 $0.0e+00  }
.LBB2_5:
0x193: {  	p0 =	slt.u32 s7, $0x38;
	v22 =	vand.u32 $0x3F, v22;
	v23 =	vor.u32 v4, v18;
	v24 =	vld.idx.msk [tilespmem:v5+s14+$0x0], $0xffff  }
0x194: {  	v5 =	vadd.s32 s7, v0;
	s8 =	sadd.s32 $0x6, s7;
	s13 =	sadd.s32 $0x7, s7;
	v25 =	vor.u32 v4, v22;
	v26 =	vld.idx.msk [tilespmem:v10+s14+$0x0], $0xffff  }
0x195: {  	s9 =	sadd.s32 $0x4, s7;
	s10 =	sadd.s32 $0x5, s7;
	v10 =	vadd.s32 s8, v0;
	v27 =	vadd.s32 s13, v0;
	v28 =	vor.u32 v3, v22;
	v20 =	vld.idx.msk [tilespmem:v20+s14+$0x0], $0xffff  }
0x196: {  	s8 =	sadd.s32 $0x2, s7;
	s13 =	sadd.s32 $0x3, s7;
	v29 =	vadd.s32 s9, v0;
	v30 =	vadd.s32 s10, v0;
	v22 =	vor.u32 v2, v22;
	v19 =	vld.idx.msk [tilespmem:v19+s14+$0x0], $0xffff  }
0x197: {  	v33 =	vor.u32 v3, v18;
	v31 =	vadd.s32 s8, v0;
	v32 =	vadd.s32 s13, v0;
	v21 =	vld.idx.msk [tilespmem:v21+s14+$0x0], $0xffff  }
0x198: {  	v18 =	vor.u32 v2, v18;
	v5 =	vand.u32 $0x3F, v5;
	v27 =	vand.u32 $0x3F, v27;
	v23 =	vld.idx.msk [tilespmem:v23+s14+$0x0], $0xffff  }
0x199: {  	v35 =	vor.u32 v3, v17;
	v30 =	vand.u32 $0x3F, v30;
	v34 =	vand.u32 $0x3F, v10;
	v25 =	vld.idx.msk [tilespmem:v25+s14+$0x0], $0xffff  }
0x19a: {  	v17 =	vor.u32 v2, v17;
	v36 =	vor.u32 v4, v5;
	v29 =	vand.u32 $0x3F, v29;
	v28 =	vld.idx.msk [tilespmem:v28+s15+$0x0], $0xffff  }
0x19b: {  	v39 =	vor.u32 v3, v14;
	v37 =	vor.u32 v3, v5;
	v38 =	vor.u32 v2, v5;
	v22 =	vld.idx.msk [tilespmem:v22+s16+$0x0], $0xffff  }
0x19c: {  	v14 =	vor.u32 v2, v14;
	v40 =	vor.u32 v3, v8;
	v5 =	vor.u32 v4, v27;
	v33 =	vld.idx.msk [tilespmem:v33+s15+$0x0], $0xffff  }
0x19d: {  	v41 =	vor.u32 v3, v9;
	v8 =	vor.u32 v2, v8;
	v10 =	vor.u32 v4, v34;
	v18 =	vld.idx.msk [tilespmem:v18+s16+$0x0], $0xffff  }
0x19e: {  	v9 =	vor.u32 v2, v9;
	v42 =	vor.u32 v3, v6;
	v15 =	vmul.f32 v15, v15;
	v35 =	vld.idx.msk [tilespmem:v35+s15+$0x0], $0xffff  }
0x19f: {  	v6 =	vor.u32 v2, v6;
	v13 =	vmul.f32 v13, v13;
	v16 =	vmul.f32 v16, v16;
	v17 =	vld.idx.msk [tilespmem:v17+s16+$0x0], $0xffff  }
0x1a0: {  	v7 =	vadd.f32 v15, v7;
	v15 =	vmul.f32 v25, v25;
	v25 =	vmul.f32 v28, v28;
	v28 =	vld.idx.msk [tilespmem:v39+s15+$0x0], $0xffff  }
0x1a1: {  	v12 =	vadd.f32 v13, v12;
	v11 =	vadd.f32 v16, v11;
	v13 =	vmul.f32 v22, v22;
	v14 =	vld.idx.msk [tilespmem:v14+s16+$0x0], $0xffff  }
0x1a2: {  	v7 =	vadd.f32 v15, v7;
	v15 =	vmul.f32 v23, v23;
	v16 =	vmul.f32 v33, v33;
	v22 =	vld.idx.msk [tilespmem:v41+s15+$0x0], $0xffff  }
0x1a3: {  	v12 =	vadd.f32 v25, v12;
	v11 =	vadd.f32 v13, v11;
	v13 =	vmul.f32 v18, v18;
	v9 =	vld.idx.msk [tilespmem:v9+s16+$0x0], $0xffff  }
0x1a4: {  	v7 =	vadd.f32 v15, v7;
	v15 =	vmul.f32 v21, v21;
	v18 =	vmul.f32 v35, v35;
	v21 =	vld.idx.msk [tilespmem:v42+s15+$0x0], $0xffff  }
0x1a5: {  	v12 =	vadd.f32 v16, v12;
	v11 =	vadd.f32 v13, v11;
	v13 =	vmul.f32 v17, v17;
	v16 =	vld.idx.msk [tilespmem:v6+s16+$0x0], $0xffff  }
0x1a6: {  	v6 =	vadd.f32 v15, v7;
	v7 =	vmul.f32 v19, v19;
	v15 =	vmul.f32 v28, v28;
	v17 =	vld.idx.msk [tilespmem:v40+s15+$0x0], $0xffff  }
0x1a7: {  	v12 =	vadd.f32 v18, v12;
	v11 =	vadd.f32 v13, v11;
	v13 =	vmul.f32 v14, v14;
	v18 =	vld.idx.msk [tilespmem:v8+s16+$0x0], $0xffff  }
0x1a8: {  	v23 =	vadd.f32 v7, v6;
	v7 =	vmul.f32 v20, v20;
	v20 =	vmul.f32 v22, v22;
	v8 =	vmovc v27  }
0x1a9: {  	v12 =	vadd.f32 v15, v12;
	v11 =	vadd.f32 v13, v11;
	v13 =	vmul.f32 v9, v9;
	v9 =	vmovc v30  }
0x1aa: {  	v15 =	vmul.f32 v26, v26;
	v7 =	vadd.f32 v7, v23;
	v19 =	vmul.f32 v21, v21;
	v6 =	vmovc v34  }
0x1ab: {  	v14 =	vmovc v29;
	v12 =	vadd.f32 v20, v12;
	v11 =	vadd.f32 v13, v11;
	v13 =	vmul.f32 v16, v16  }
.Ltmp1:
0x1ac: {  	v16 =	vmul.f32 v24, v24;
	v7 =	vadd.f32 v15, v7;
	v21 =	vmul.f32 v17, v17;
	(pc) =	sbr.rel @p0 .LBB2_5-.Ltmp1, $4  }
0x1ad: {  	v12 =	vadd.f32 v19, v12;
	v11 =	vadd.f32 v13, v11;
	v18 =	vmul.f32 v18, v18  }
0x1ae: {  	v20 =	vor.u32 v4, v9;
	v17 =	vand.u32 $0x3F, v32;
	v7 =	vadd.f32 v16, v7;
	v15 =	vld.idx.msk [tilespmem:v36+s14+$0x0], $0xffff  }
0x1af: {  	s8 =	sadd.s32 $0x1, s7;
	v19 =	vor.u32 v4, v14;
	v12 =	vadd.f32 v21, v12;
	v11 =	vadd.f32 v18, v11;
	v13 =	vld.idx.msk [tilespmem:v37+s15+$0x0], $0xffff  }
0x1b0: {  	s7 =	sadd.s32 $0x8, s7;
	v22 =	vadd.s32 s8, v0;
	v21 =	vor.u32 v4, v17;
	v18 =	vand.u32 $0x3F, v31;
	v16 =	vld.idx.msk [tilespmem:v38+s16+$0x0], $0xffff  }
0x1b1: {  	_ =	sdelay $0x3  }
0x1b2: {  	v22 =	vand.u32 $0x3F, v22;
	v23 =	vor.u32 v4, v18;
	v10 =	vld.idx.msk [tilespmem:v10+s14+$0x0], $0xffff  }
0x1b3: {  	v20 =	vld.idx.msk [tilespmem:v20+s14+$0x0], $0xffff;
	v24 =	vor.u32 v4, v22  }
0x1b4: {  	v19 =	vld.idx.msk [tilespmem:v19+s14+$0x0], $0xffff;
	v25 =	vor.u32 v3, v22  }
0x1b5: {  	v21 =	vld.idx.msk [tilespmem:v21+s14+$0x0], $0xffff;
	v22 =	vor.u32 v2, v22  }
0x1b6: {  	v26 =	vor.u32 v3, v18;
	v5 =	vld.idx.msk [tilespmem:v5+s14+$0x0], $0xffff  }
0x1b7: {  	v18 =	vor.u32 v2, v18;
	v23 =	vld.idx.msk [tilespmem:v23+s14+$0x0], $0xffff  }
0x1b8: {  	v27 =	vor.u32 v3, v17;
	v24 =	vld.idx.msk [tilespmem:v24+s14+$0x0], $0xffff  }
0x1b9: {  	v28 =	vor.u32 v3, v14;
	v25 =	vld.idx.msk [tilespmem:v25+s15+$0x0], $0xffff  }
0x1ba: {  	v17 =	vor.u32 v2, v17;
	v14 =	vor.u32 v2, v14;
	v29 =	vor.u32 v3, v8;
	v22 =	vld.idx.msk [tilespmem:v22+s16+$0x0], $0xffff  }
0x1bb: {  	v30 =	vor.u32 v3, v9;
	v9 =	vor.u32 v2, v9;
	v15 =	vmul.f32 v15, v15;
	v26 =	vld.idx.msk [tilespmem:v26+s15+$0x0], $0xffff  }
0x1bc: {  	v31 =	vor.u32 v3, v6;
	v13 =	vmul.f32 v13, v13;
	v16 =	vmul.f32 v16, v16;
	v18 =	vld.idx.msk [tilespmem:v18+s16+$0x0], $0xffff  }
0x1bd: {  	v6 =	vor.u32 v2, v6;
	v7 =	vadd.f32 v15, v7;
	v27 =	vld.idx.msk [tilespmem:v27+s15+$0x0], $0xffff;
	v15 =	vmul.f32 v24, v24  }
0x1be: {  	v47 =	vld.idx.msk [tilespmem:v28+s15+$0x0], $0xffff;
	v12 =	vadd.f32 v13, v12;
	v11 =	vadd.f32 v16, v11;
	v46 =	vmul.f32 v25, v25  }
0x1bf: {  	v17 =	vld.idx.msk [tilespmem:v17+s16+$0x0], $0xffff;
	v13 =	vmul.f32 v23, v23;
	v7 =	vadd.f32 v15, v7;
	v15 =	vmul.f32 v22, v22  }
0x1c0: {  	v8 =	vor.u32 v2, v8;
	v14 =	vld.idx.msk [tilespmem:v14+s16+$0x0], $0xffff;
	v16 =	vmul.f32 v26, v26;
	v12 =	vadd.f32 v46, v12  }
0x1c1: {  	v22 =	vld.idx.msk [tilespmem:v30+s15+$0x0], $0xffff;
	v7 =	vadd.f32 v13, v7;
	v13 =	vmul.f32 v21, v21;
	v11 =	vadd.f32 v15, v11  }
0x1c2: {  	v9 =	vld.idx.msk [tilespmem:v9+s16+$0x0], $0xffff;
	v15 =	vmul.f32 v18, v18;
	v18 =	vmul.f32 v27, v27;
	v12 =	vadd.f32 v16, v12  }
0x1c3: {  	v21 =	vld.idx.msk [tilespmem:v31+s15+$0x0], $0xffff;
	v16 =	vmul.f32 v47, v47;
	v7 =	vadd.f32 v13, v7;
	v13 =	vmul.f32 v19, v19  }
0x1c4: {  	v6 =	vld.idx.msk [tilespmem:v6+s16+$0x0], $0xffff;
	v11 =	vadd.f32 v15, v11;
	v15 =	vmul.f32 v17, v17;
	v12 =	vadd.f32 v18, v12  }
0x1c5: {  	v14 =	vmul.f32 v14, v14;
	v17 =	vld.idx.msk [tilespmem:v29+s15+$0x0], $0xffff;
	v7 =	vadd.f32 v13, v7;
	v13 =	vmul.f32 v20, v20  }
0x1c6: {  	v11 =	vadd.f32 v15, v11;
	v15 =	vmul.f32 v22, v22;
	v12 =	vadd.f32 v16, v12  }
0x1c7: {  	v8 =	vld.idx.msk [tilespmem:v8+s16+$0x0], $0xffff;
	v10 =	vmul.f32 v10, v10;
	v9 =	vmul.f32 v9, v9;
	v7 =	vadd.f32 v13, v7  }
0x1c8: {  	v11 =	vadd.f32 v14, v11;
	v13 =	vmul.f32 v21, v21;
	v12 =	vadd.f32 v15, v12  }
0x1c9: {  	v5 =	vmul.f32 v5, v5;
	v6 =	vmul.f32 v6, v6;
	v7 =	vadd.f32 v10, v7  }
0x1ca: {  	v9 =	vadd.f32 v9, v11;
	v10 =	vmul.f32 v17, v17;
	v11 =	vadd.f32 v13, v12  }
0x1cb: {  	v5 =	vadd.f32 v5, v7  }
0x1cc: {  	v6 =	vadd.f32 v6, v9;
	v7 =	vmul.f32 v8, v8;
	v8 =	vadd.f32 v10, v11  }
0x1cd: {  	v5 =	vmax.f32 v5, $1.000000020e-24  }
0x1ce: {  	v6 =	vadd.f32 v7, v6;
	v8 =	vmax.f32 v8, $1.000000020e-24;
	v7 =	vshra.s32 v5, $0x1  }
0x1cf: {  	v5 =	vmul.f32 $-5.000000000e-01, v5;
	v9 =	vshra.s32 v8, $0x1;
	v8 =	vmul.f32 $-5.000000000e-01, v8  }
0x1d0: {  	v7 =	vsub.s32 $0x5F3759DF, v7;
	v6 =	vmax.f32 v6, $1.000000020e-24;
	v9 =	vsub.s32 $0x5F3759DF, v9  }
0x1d1: {  	v10 =	vshra.s32 v6, $0x1;
	v6 =	vmul.f32 $-5.000000000e-01, v6;
	v11 =	vmul.f32 v7, v5  }
0x1d2: {  	v12 =	vmul.f32 v9, v8;
	v10 =	vsub.s32 $0x5F3759DF, v10  }
0x1d3: {  	v13 =	vmul.f32 v10, v6;
	v11 =	vmul.f32 v7, v11  }
0x1d4: {  	v12 =	vmul.f32 v9, v12  }
0x1d5: {  	v13 =	vmul.f32 v10, v13;
	v11 =	vadd.f32 $1.500000000e+00, v11  }
0x1d6: {  	v12 =	vadd.f32 $1.500000000e+00, v12  }
0x1d7: {  	v13 =	vadd.f32 $1.500000000e+00, v13;
	v7 =	vmul.f32 v7, v11  }
0x1d8: {  	v9 =	vmul.f32 v9, v12  }
0x1d9: {  	v10 =	vmul.f32 v10, v13;
	v11 =	vmul.f32 v7, v5  }
0x1da: {  	v12 =	vmul.f32 v9, v8  }
0x1db: {  	v13 =	vmul.f32 v10, v6;
	v11 =	vmul.f32 v11, v7  }
0x1dc: {  	v12 =	vmul.f32 v12, v9  }
0x1dd: {  	v13 =	vmul.f32 v13, v10;
	v11 =	vadd.f32 $1.500000000e+00, v11  }
0x1de: {  	v12 =	vadd.f32 $1.500000000e+00, v12  }
0x1df: {  	v13 =	vadd.f32 $1.500000000e+00, v13;
	v7 =	vmul.f32 v11, v7  }
0x1e0: {  	v9 =	vmul.f32 v12, v9  }
0x1e1: {  	s10 =	simm.s32 $0x3;
	v10 =	vmul.f32 v13, v10;
	v5 =	vmul.f32 v7, v5  }
0x1e2: {  	v15 =	vadd.s32 s10, v0;
	v8 =	vmul.f32 v9, v8  }
0x1e3: {  	s13 =	simm.s32 $0x2;
	v15 =	vand.u32 $0x3F, v15;
	v6 =	vmul.f32 v10, v6;
	v5 =	vmul.f32 v5, v7  }
0x1e4: {  	v17 =	vadd.s32 s13, v0;
	v23 =	vor.u32 v4, v15;
	v8 =	vmul.f32 v8, v9  }
0x1e5: {  	s7 =	simm.s32 $0x0;
	v17 =	vand.u32 $0x3F, v17;
	v6 =	vmul.f32 v6, v10;
	v5 =	vadd.f32 $1.500000000e+00, v5  }
0x1e6: {  	v34 =	vor.u32 v4, v17;
	v11 =	vadd.s32 s7, v0;
	v8 =	vadd.f32 $1.500000000e+00, v8  }
0x1e7: {  	s17 =	simm.s32 $0x6;
	v11 =	vand.u32 $0x3F, v11;
	v12 =	vadd.f32 $1.500000000e+00, v6;
	v6 =	vmul.f32 v5, v7  }
0x1e8: {  	v7 =	vmul.f32 v8, v9;
	v8 =	vor.u32 v2, v11;
	v9 =	vadd.s32 s17, v0  }
0x1e9: {  	v13 =	vand.u32 $0x3F, v9;
	v9 =	vor.u32 v3, v11  }
0x1ea: {  	s17 =	simm.s32 $0x1;
	v5 =	vmul.f32 v12, v10;
	v10 =	vor.u32 v4, v11  }
0x1eb: {  	v23 =	vld.idx.msk [tilespmem:v23+s14+$0x0], $0xffff;
	v20 =	vadd.s32 s17, v0;
	v14 =	vor.u32 v2, v13  }
0x1ec: {  	v34 =	vld.idx.msk [tilespmem:v34+s14+$0x0], $0xffff;
	v20 =	vand.u32 $0x3F, v20;
	v39 =	vor.u32 v4, v13;
	v13 =	vor.u32 v3, v13  }
0x1ed: {  	s8 =	simm.s32 $0x5;
	v21 =	vimm.f32 $0.0e+00;
	s13 =	simm.s32 $0x8;
	v49 =	vor.u32 v2, v20;
	v18 =	vld.idx.msk [tilespmem:v8+s16+$0x0], $0xffff  }
0x1ee: {  	s9 =	simm.s32 $0x4;
	v48 =	vadd.s32 s13, v0;
	v12 =	vadd.s32 s8, v0;
	v51 =	vor.u32 v4, v20;
	v22 =	vld.idx.msk [tilespmem:v9+s15+$0x0], $0xffff  }
0x1ef: {  	v11 =	vadd.s32 s9, v0;
	v12 =	vand.u32 $0x3F, v12;
	v20 =	vor.u32 v3, v20;
	v19 =	vld.idx.msk [tilespmem:v10+s14+$0x0], $0xffff  }
0x1f0: {  	v24 =	vand.u32 $0x3F, v48;
	v16 =	vand.u32 $0x3F, v11;
	v11 =	vor.u32 v2, v12;
	v14 =	vld.idx.msk [tilespmem:v14+s16+$0x0], $0xffff  }
0x1f1: {  	v57 =	vor.u32 v4, v24;
	v36 =	vor.u32 v2, v24;
	v8 =	vor.u32 v2, v16;
	v13 =	vld.idx.msk [tilespmem:v13+s15+$0x0], $0xffff  }
0x1f2: {  	v24 =	vor.u32 v3, v24;
	s17 =	simm.s32 $0x7;
	v56 =	vor.u32 v4, v16;
	v16 =	vor.u32 v3, v16;
	v25 =	vld.idx.msk [tilespmem:v49+s16+$0x0], $0xffff  }
0x1f3: {  	s9 =	simm.s32 $0xC;
	v52 =	vadd.s32 s17, v0;
	s17 =	simm.s32 $0xB;
	v34 =	vmul.f32 v34, v6;
	v9 =	vor.u32 v2, v17;
	v27 =	vld.idx.msk [tilespmem:v51+s14+$0x0], $0xffff  }
0x1f4: {  	v54 =	vadd.s32 s9, v0;
	v33 =	vadd.s32 s17, v0;
	v17 =	vor.u32 v3, v17;
	v20 =	vld.idx.msk [tilespmem:v20+s15+$0x0], $0xffff  }
0x1f5: {  	v28 =	vand.u32 $0x3F, v52;
	v10 =	vor.u32 v2, v15;
	v15 =	vor.u32 v3, v15;
	v50 =	vld.idx.msk [tilespmem:v11+s16+$0x0], $0xffff  }
0x1f6: {  	s8 =	simm.s32 $0xE;
	v37 =	vor.u32 v4, v12;
	v38 =	vor.u32 v4, v28;
	v12 =	vor.u32 v3, v12;
	v53 =	vld.idx.msk [tilespmem:v8+s16+$0x0], $0xffff  }
0x1f7: {  	s10 =	simm.s32 $0xD;
	v40 =	vor.u32 v3, v28;
	v28 =	vor.u32 v2, v28;
	v11 =	vadd.s32 s8, v0;
	s8 =	simm.s32 $0xA;
	v16 =	vld.idx.msk [tilespmem:v16+s15+$0x0], $0xffff  }
0x1f8: {  	v8 =	vadd.s32 s10, v0;
	v32 =	vadd.s32 s8, v0;
	v18 =	vmul.f32 v18, v5;
	v35 =	vld.idx.msk [tilespmem:v9+s16+$0x0], $0xffff  }
0x1f9: {  	v9 =	vand.u32 $0x3F, v11;
	v17 =	vld.idx.msk [tilespmem:v17+s15+$0x0], $0xffff;
	v22 =	vmul.f32 v22, v7;
	v19 =	vmul.f32 v19, v6  }
0x1fa: {  	v11 =	vand.u32 $0x3F, v54;
	v14 =	vmul.f32 v14, v5;
	v15 =	vld.idx.msk [tilespmem:v15+s15+$0x0], $0xffff;
	v13 =	vmul.f32 v13, v7  }
0x1fb: {  	v55 =	vld.idx.msk [tilespmem:v10+s16+$0x0], $0xffff;
	v10 =	vand.u32 $0x3F, v8;
	v20 =	vmul.f32 v20, v7;
	v25 =	vmul.f32 v25, v5  }
0x1fc: {  	v30 =	vld.idx.msk [tilespmem:v56+s14+$0x0], $0xffff;
	v19 =	vadd.f32 v22, v19;
	v22 =	vmul.f32 v27, v6;
	v29 =	vmul.f32 v53, v5  }
0x1fd: {  	v58 =	vld.idx.msk [tilespmem:v37+s14+$0x0], $0xffff;
	v8 =	vand.u32 $0x3F, v33;
	v16 =	vmul.f32 v16, v7;
	v35 =	vmul.f32 v35, v5  }
0x1fe: {  	v59 =	vld.idx.msk [tilespmem:v12+s15+$0x0], $0xffff;
	v18 =	vsub.f32 v19, v18;
	v19 =	vadd.f32 v20, v22;
	v17 =	vmul.f32 v17, v7  }
0x1ff: {  	v12 =	vor.u32 v2, v9;
	v22 =	vmul.f32 v23, v6;
	v15 =	vmul.f32 v15, v7  }
0x200: {  	v20 =	vld.idx.msk [tilespmem:v39+s14+$0x0], $0xffff;
	v18 =	vand.u32 $0x7FFFFFFF, v18;
	v19 =	vsub.f32 v19, v25;
	v17 =	vadd.f32 v17, v34  }
0x201: {  	v60 =	vld.idx.msk [tilespmem:v40+s15+$0x0], $0xffff;
	v31 =	vmul.f32 v55, v5;
	v18 =	vadd.f32 v18, v21;
	v21 =	vmul.f32 v30, v6  }
0x202: {  	v23 =	vld.idx.msk [tilespmem:v38+s14+$0x0], $0xffff;
	v15 =	vadd.f32 v15, v22;
	v19 =	vand.u32 $0x7FFFFFFF, v19;
	v17 =	vsub.f32 v17, v35  }
0x203: {  	v22 =	vmul.f32 v59, v7;
	v18 =	vadd.f32 v19, v18;
	v19 =	vmul.f32 v58, v6  }
0x204: {  	v61 =	vld.idx.msk [tilespmem:v28+s16+$0x0], $0xffff;
	v15 =	vsub.f32 v15, v31;
	v16 =	vadd.f32 v16, v21;
	v17 =	vand.u32 $0x7FFFFFFF, v17  }
0x205: {  	v26 =	vmul.f32 v50, v5;
	v17 =	vadd.f32 v17, v18;
	v18 =	vmul.f32 v20, v6  }
0x206: {  	v15 =	vand.u32 $0x7FFFFFFF, v15;
	v16 =	vsub.f32 v16, v29;
	v19 =	vadd.f32 v22, v19  }
0x207: {  	v21 =	vmul.f32 v60, v7;
	v20 =	vmul.f32 v23, v6;
	v15 =	vadd.f32 v15, v17  }
0x208: {  	v16 =	vand.u32 $0x7FFFFFFF, v16;
	v19 =	vsub.f32 v19, v26;
	v13 =	vadd.f32 v13, v18  }
0x209: {  	v22 =	vmul.f32 v61, v5;
	v17 =	vor.u32 v2, v10;
	v15 =	vadd.f32 v16, v15  }
0x20a: {  	v20 =	vadd.f32 v21, v20;
	v18 =	vand.u32 $0x7FFFFFFF, v19;
	v23 =	vsub.f32 v13, v14  }
0x20b: {  	v13 =	vld.idx.msk [tilespmem:v36+s16+$0x0], $0xffff;
	v16 =	vand.u32 $0x3F, v32;
	v19 =	vor.u32 v2, v11;
	v62 =	vadd.f32 v18, v15  }
0x20c: {  	s17 =	simm.s32 $0x9;
	v14 =	vld.idx.msk [tilespmem:v57+s14+$0x0], $0xffff;
	v21 =	vsub.f32 v20, v22;
	v18 =	vor.u32 v2, v8;
	v63 =	vand.u32 $0x7FFFFFFF, v23  }
0x20d: {  	s7 =	simm.s32 $0x10;
	v20 =	vor.u32 v2, v16;
	v15 =	vld.idx.msk [tilespmem:v24+s15+$0x0], $0xffff;
	v23 =	vadd.s32 s17, v0;
	v22 =	vadd.f32 v63, v62  }
.LBB2_7:
0x20e: {  	p0 =	slt.u32 s7, $0x38;
	v23 =	vand.u32 $0x3F, v23;
	v24 =	vor.u32 v4, v8;
	v12 =	vld.idx.msk [tilespmem:v12+s16+$0x0], $0xffff;
	v21 =	vand.u32 $0x7FFFFFFF, v21  }
0x20f: {  	v25 =	vadd.s32 s7, v0;
	s8 =	sadd.s32 $0x6, s7;
	s9 =	sadd.s32 $0x7, s13;
	s13 =	smov.u32 s7;
	v26 =	vor.u32 v2, v23;
	v17 =	vld.idx.msk [tilespmem:v17+s16+$0x0], $0xffff;
	v21 =	vadd.f32 v21, v22  }
0x210: {  	s10 =	sadd.s32 $0x4, s7;
	s17 =	sadd.s32 $0x5, s7;
	v22 =	vadd.s32 s8, v0;
	v27 =	vor.u32 v4, v23;
	v28 =	vadd.s32 s9, v0;
	v19 =	vld.idx.msk [tilespmem:v19+s16+$0x0], $0xffff  }
0x211: {  	s8 =	sadd.s32 $0x2, s7;
	s9 =	sadd.s32 $0x3, s7;
	v29 =	vadd.s32 s10, v0;
	v30 =	vadd.s32 s17, v0;
	v23 =	vor.u32 v3, v23;
	v18 =	vld.idx.msk [tilespmem:v18+s16+$0x0], $0xffff  }
0x212: {  	v33 =	vor.u32 v4, v16;
	v31 =	vadd.s32 s8, v0;
	v32 =	vadd.s32 s9, v0;
	v20 =	vld.idx.msk [tilespmem:v20+s16+$0x0], $0xffff  }
0x213: {  	v16 =	vor.u32 v3, v16;
	v25 =	vand.u32 $0x3F, v25;
	v28 =	vand.u32 $0x3F, v28;
	v24 =	vld.idx.msk [tilespmem:v24+s14+$0x0], $0xffff  }
0x214: {  	v34 =	vor.u32 v3, v8;
	v30 =	vand.u32 $0x3F, v30;
	v22 =	vand.u32 $0x3F, v22;
	v26 =	vld.idx.msk [tilespmem:v26+s16+$0x0], $0xffff  }
0x215: {  	v29 =	vand.u32 $0x3F, v29;
	v8 =	vand.u32 $0x3F, v32;
	v32 =	vor.u32 v4, v11;
	v27 =	vld.idx.msk [tilespmem:v27+s14+$0x0], $0xffff  }
0x216: {  	v35 =	vor.u32 v4, v25;
	v36 =	vor.u32 v2, v25;
	v11 =	vor.u32 v3, v11;
	v23 =	vld.idx.msk [tilespmem:v23+s15+$0x0], $0xffff  }
0x217: {  	v37 =	vor.u32 v4, v10;
	v25 =	vor.u32 v3, v25;
	v38 =	vor.u32 v4, v28;
	v33 =	vld.idx.msk [tilespmem:v33+s14+$0x0], $0xffff  }
0x218: {  	v10 =	vor.u32 v3, v10;
	v13 =	vmul.f32 v13, v5;
	v14 =	vmul.f32 v14, v6;
	v16 =	vld.idx.msk [tilespmem:v16+s15+$0x0], $0xffff  }
0x219: {  	v39 =	vor.u32 v4, v9;
	v15 =	vmul.f32 v15, v7;
	v40 =	vmul.f32 v12, v5;
	v34 =	vld.idx.msk [tilespmem:v34+s15+$0x0], $0xffff  }
0x21a: {  	v9 =	vor.u32 v3, v9;
	v17 =	vmul.f32 v17, v5;
	v19 =	vmul.f32 v19, v5;
	v32 =	vld.idx.msk [tilespmem:v32+s14+$0x0], $0xffff  }
0x21b: {  	v41 =	vor.u32 v3, v28;
	v18 =	vmul.f32 v18, v5;
	v20 =	vmul.f32 v20, v5;
	v11 =	vld.idx.msk [tilespmem:v11+s15+$0x0], $0xffff  }
0x21c: {  	v12 =	vadd.f32 v15, v14;
	v14 =	vmul.f32 v27, v6;
	v15 =	vmul.f32 v23, v7;
	v23 =	vld.idx.msk [tilespmem:v37+s14+$0x0], $0xffff  }
0x21d: {  	v28 =	vor.u32 v2, v28;
	v26 =	vmul.f32 v26, v5;
	v27 =	vmul.f32 v33, v6;
	v33 =	vld.idx.msk [tilespmem:v10+s15+$0x0], $0xffff  }
0x21e: {  	v37 =	vsub.f32 v12, v13;
	v13 =	vadd.f32 v15, v14;
	v14 =	vmul.f32 v16, v7;
	v15 =	vld.idx.msk [tilespmem:v39+s14+$0x0], $0xffff  }
0x21f: {  	v12 =	vor.u32 v2, v22;
	v16 =	vmul.f32 v24, v6;
	v24 =	vmul.f32 v34, v7;
	v34 =	vld.idx.msk [tilespmem:v9+s15+$0x0], $0xffff  }
0x220: {  	v10 =	vmovc v30;
	v37 =	vand.u32 $0x7FFFFFFF, v37;
	v13 =	vsub.f32 v13, v26;
	v14 =	vadd.f32 v14, v27;
	v26 =	vld.idx.msk [tilespmem:v38+s14+$0x0], $0xffff  }
0x221: {  	v21 =	vadd.f32 v37, v21;
	v27 =	vmul.f32 v32, v6;
	v30 =	vmul.f32 v11, v7;
	v32 =	vld.idx.msk [tilespmem:v41+s15+$0x0], $0xffff  }
0x222: {  	v9 =	vmovc v22;
	v16 =	vadd.f32 v24, v16;
	v11 =	vmovc v29;
	v13 =	vand.u32 $0x7FFFFFFF, v13;
	v14 =	vsub.f32 v14, v20  }
0x223: {  	v20 =	vmul.f32 v23, v6;
	v13 =	vadd.f32 v13, v21;
	v21 =	vmul.f32 v33, v7;
	v22 =	vld.idx.msk [tilespmem:v28+s16+$0x0], $0xffff  }
0x224: {  	v16 =	vsub.f32 v16, v18;
	v18 =	vadd.f32 v30, v27;
	v14 =	vand.u32 $0x7FFFFFFF, v14  }
0x225: {  	v13 =	vadd.f32 v14, v13;
	v14 =	vmul.f32 v15, v6;
	v15 =	vmul.f32 v34, v7  }
0x226: {  	v16 =	vand.u32 $0x7FFFFFFF, v16;
	v18 =	vsub.f32 v18, v19;
	v19 =	vadd.f32 v21, v20  }
0x227: {  	v13 =	vadd.f32 v16, v13;
	v16 =	vmul.f32 v26, v6;
	v20 =	vmul.f32 v32, v7  }
0x228: {  	v18 =	vand.u32 $0x7FFFFFFF, v18;
	v19 =	vsub.f32 v19, v17;
	v14 =	vadd.f32 v15, v14  }
.Ltmp2:
0x229: {  	v17 =	vor.u32 v2, v10;
	v15 =	vadd.f32 v18, v13;
	v21 =	vmul.f32 v22, v5;
	(pc) =	sbr.rel @p0 .LBB2_7-.Ltmp2, $4  }
0x22a: {  	v18 =	vand.u32 $0x7FFFFFFF, v19;
	v22 =	vsub.f32 v14, v40;
	v20 =	vadd.f32 v20, v16  }
0x22b: {  	v16 =	vand.u32 $0x3F, v31;
	v19 =	vor.u32 v2, v11;
	v24 =	vadd.f32 v18, v15;
	v13 =	vld.idx.msk [tilespmem:v36+s16+$0x0], $0xffff  }
0x22c: {  	s8 =	sadd.s32 $0x1, s7;
	v18 =	vor.u32 v2, v8;
	v22 =	vand.u32 $0x7FFFFFFF, v22;
	v21 =	vsub.f32 v20, v21;
	v14 =	vld.idx.msk [tilespmem:v35+s14+$0x0], $0xffff  }
0x22d: {  	s7 =	sadd.s32 $0x8, s7;
	v23 =	vadd.s32 s8, v0;
	v20 =	vor.u32 v2, v16;
	v22 =	vadd.f32 v22, v24;
	v15 =	vld.idx.msk [tilespmem:v25+s15+$0x0], $0xffff  }
0x22e: {  	_ =	sdelay $0x3  }
0x22f: {  	v24 =	vor.u32 v4, v8;
	v12 =	vld.idx.msk [tilespmem:v12+s16+$0x0], $0xffff  }
0x230: {  	v23 =	vand.u32 $0x3F, v23;
	v17 =	vld.idx.msk [tilespmem:v17+s16+$0x0], $0xffff;
	v27 =	vor.u32 v4, v16  }
0x231: {  	v19 =	vld.idx.msk [tilespmem:v19+s16+$0x0], $0xffff;
	v26 =	vor.u32 v4, v23  }
0x232: {  	v18 =	vld.idx.msk [tilespmem:v18+s16+$0x0], $0xffff;
	v25 =	vor.u32 v2, v23;
	v23 =	vor.u32 v3, v23  }
0x233: {  	v20 =	vld.idx.msk [tilespmem:v20+s16+$0x0], $0xffff;
	v46 =	vor.u32 v3, v16  }
0x234: {  	v24 =	vld.idx.msk [tilespmem:v24+s14+$0x0], $0xffff  }
0x235: {  	v21 =	vand.u32 $0x7FFFFFFF, v21;
	v47 =	vor.u32 v3, v8;
	v27 =	vld.idx.msk [tilespmem:v27+s14+$0x0], $0xffff  }
0x236: {  	v28 =	vor.u32 v4, v11;
	v49 =	vor.u32 v3, v11;
	v29 =	vor.u32 v4, v10;
	v26 =	vld.idx.msk [tilespmem:v26+s14+$0x0], $0xffff  }
0x237: {  	s7 =	sadd.s32 $0x7, s13;
	v50 =	vor.u32 v3, v10;
	v51 =	vor.u32 v4, v9;
	v52 =	vor.u32 v3, v9;
	v23 =	vld.idx.msk [tilespmem:v23+s15+$0x0], $0xffff  }
0x238: {  	v21 =	vadd.f32 v21, v22;
	v48 =	vadd.s32 s7, v0;
	v13 =	vmul.f32 v13, v5;
	v16 =	vld.idx.msk [tilespmem:v46+s15+$0x0], $0xffff  }
0x239: {  	v22 =	vand.u32 $0x3F, v48;
	v14 =	vmul.f32 v14, v6;
	v15 =	vmul.f32 v15, v7;
	v25 =	vld.idx.msk [tilespmem:v25+s16+$0x0], $0xffff  }
0x23a: {  	v30 =	vor.u32 v4, v22;
	v12 =	vmul.f32 v12, v5;
	v8 =	vld.idx.msk [tilespmem:v47+s15+$0x0], $0xffff;
	v19 =	vmul.f32 v19, v5  }
0x23b: {  	v17 =	vmul.f32 v17, v5;
	v28 =	vld.idx.msk [tilespmem:v28+s14+$0x0], $0xffff;
	v20 =	vmul.f32 v20, v5;
	v14 =	vadd.f32 v15, v14  }
0x23c: {  	v3 =	vor.u32 v3, v22;
	v11 =	vld.idx.msk [tilespmem:v49+s15+$0x0], $0xffff;
	v53 =	vmul.f32 v26, v6;
	v23 =	vmul.f32 v23, v7  }
0x23d: {  	v18 =	vmul.f32 v18, v5;
	v54 =	vld.idx.msk [tilespmem:v29+s14+$0x0], $0xffff;
	v13 =	vsub.f32 v14, v13;
	v27 =	vmul.f32 v27, v6  }
0x23e: {  	v10 =	vld.idx.msk [tilespmem:v50+s15+$0x0], $0xffff;
	v56 =	vmul.f32 v16, v7;
	v25 =	vmul.f32 v25, v5;
	v55 =	vadd.f32 v23, v53  }
0x23f: {  	v2 =	vor.u32 v2, v22;
	v4 =	vld.idx.msk [tilespmem:v51+s14+$0x0], $0xffff;
	v57 =	vmul.f32 v24, v6;
	v8 =	vmul.f32 v8, v7  }
0x240: {  	v9 =	vld.idx.msk [tilespmem:v52+s15+$0x0], $0xffff;
	v13 =	vand.u32 $0x7FFFFFFF, v13;
	v15 =	vadd.f32 v56, v27;
	v14 =	vsub.f32 v55, v25  }
0x241: {  	v59 =	vmul.f32 v28, v6;
	v11 =	vmul.f32 v11, v7;
	v13 =	vadd.f32 v13, v21  }
0x242: {  	v58 =	vld.idx.msk [tilespmem:v30+s14+$0x0], $0xffff;
	v8 =	vadd.f32 v8, v57;
	v15 =	vsub.f32 v15, v20;
	v14 =	vand.u32 $0x7FFFFFFF, v14  }
0x243: {  	v3 =	vld.idx.msk [tilespmem:v3+s15+$0x0], $0xffff;
	v60 =	vmul.f32 v54, v6;
	v10 =	vmul.f32 v10, v7;
	v13 =	vadd.f32 v14, v13  }
0x244: {  	v2 =	vld.idx.msk [tilespmem:v2+s16+$0x0], $0xffff;
	v11 =	vadd.f32 v11, v59;
	v8 =	vsub.f32 v8, v18;
	v15 =	vand.u32 $0x7FFFFFFF, v15  }
0x245: {  	v4 =	vmul.f32 v4, v6;
	v9 =	vmul.f32 v9, v7;
	v13 =	vadd.f32 v15, v13  }
0x246: {  	v10 =	vadd.f32 v10, v60;
	v11 =	vsub.f32 v11, v19;
	v8 =	vand.u32 $0x7FFFFFFF, v8  }
0x247: {  	v4 =	vadd.f32 v9, v4;
	v61 =	vmul.f32 v58, v6;
	v8 =	vadd.f32 v8, v13  }
0x248: {  	v3 =	vmul.f32 v3, v7;
	v10 =	vsub.f32 v10, v17;
	v62 =	vand.u32 $0x7FFFFFFF, v11  }
0x249: {  	v2 =	vmul.f32 v2, v5;
	v7 =	vadd.f32 v62, v8  }
0x24a: {  	v4 =	vsub.f32 v4, v12;
	v3 =	vadd.f32 v3, v61;
	v63 =	vand.u32 $0x7FFFFFFF, v10  }
0x24b: {  	v5 =	vadd.f32 v63, v7  }
0x24c: {  	v4 =	vand.u32 $0x7FFFFFFF, v4;
	v2 =	vsub.f32 v3, v2  }
0x24d: {  	v3 =	vadd.f32 v4, v5  }
0x24e: {  	v2 =	vand.u32 $0x7FFFFFFF, v2  }
0x24f: {  	s17 =	sor.u32 s5, s12;
	v2 =	vadd.f32 v2, v3  }
0x250: {  	p0 =	seq.s32 s0, $0xF;
	s7 =	sshrl.u32 s17, $0x3  }
.Ltmp3:
0x251: {  	s7 =	sadd.s32 s1, s7;
	[tilespmem:$0x18600] =	vst v2;
	(pc) =	sbr.rel @p0 .LBB2_10-.Ltmp3, $4  }
0x252: {  	[hbm4b:s7+s3] =	stream.linear.scatter [tilespmem:s30], [sflag:$0x3], $0x10, $0x38;
	[tilespmem:$0x18680] =	vst v63  }
0x253: {  	_ =	swait.ge [sflag:s11], $0x10  }
0x254: {  	[sflag:s11] =	ssyncset.done $0x0  }
0x255: {  	[sflag:s11] =	ssyncadd.s32 $0xFFFFFFF0  }
0x256: {  	v2 =	vld [tilespmem:s12+$0x20];
	_ =	sdelay $0x1  }
0x257: {  	v3 =	vld [tilespmem:s12+$0x220];
	_ =	sdelay $0x2  }
0x258: {  	v4 =	vshll.u32 v2, $0x4  }
0x259: {  	(v2sf) =	vpush v4, $0x0  }
0x25a: {  	v2 =	vld [tilespmem:s12+$0x420];
	v3 =	vshll.u32 v3, $0x4  }
0x25b: {  	(v2sf) =	vpush v3, $0x0;
	_ =	sdelay $0x3  }
0x25c: {  	v2 =	vshll.u32 v2, $0x4  }
0x25d: {  	(v2sf) =	vpush v2, $0x0;
	_ =	sdelay $0x1  }
0x25e: {  	(v2sf) =	vpush v4, $0x1;
	_ =	sdelay $0x5  }
0x25f: {  	s7 =	spop (v2sf);
	(v2sf) =	vpush v3, $0x1;
	_ =	sdelay $0x1  }
0x260: {  	s17 =	spop (v2sf);
	(v2sf) =	vpush v2, $0x1;
	_ =	sdelay $0x4  }
0x261: {  	s8 =	spop (v2sf);
	(v2sf) =	vpush v4, $0x2;
	_ =	sdelay $0x1  }
0x262: {  	s7 =	sand.u32 $0x1FFFFF80, s7;
	s9 =	spop (v2sf);
	(v2sf) =	vpush v3, $0x2  }
0x263: {  	s7 =	sadd.s32 s4, s7  }
0x264: {  	[tilespmem:s14], [sflag:$0x1] =	stream.linear.gather [hbm4b:s7+s3], $0x400, $0x38;
	[tilespmem:$0x18680] =	vst v63  }
0x265: {  	s7 =	sand.u32 $0x1FFFFF80, s17  }
0x266: {  	s7 =	sadd.s32 s6, s7  }
0x267: {  	[tilespmem:s15], [sflag:$0x1] =	stream.linear.gather [hbm4b:s7+s3], $0x400, $0x38;
	[tilespmem:$0x18680] =	vst v63  }
0x268: {  	s10 =	spop (v2sf);
	(v2sf) =	vpush v2, $0x2  }
0x269: {  	s7 =	sand.u32 $0x1FFFFF80, s8  }
0x26a: {  	s7 =	sadd.s32 s4, s7;
	s13 =	spop (v2sf);
	(v2sf) =	vpush v4, $0x3  }
0x26b: {  	[tilespmem:s16], [sflag:$0x1] =	stream.linear.gather [hbm4b:s7+s3], $0x400, $0x38;
	[tilespmem:$0x18680] =	vst v63  }
0x26c: {  	s7 =	sand.u32 $0x1FFFFF80, s9  }
0x26d: {  	s8 =	simm.s32 $0xA00;
	s7 =	sadd.s32 s4, s7  }
0x26e: {  	[tilespmem:s8], [sflag:$0x1] =	stream.linear.gather [hbm4b:s7+s3], $0x400, $0x38;
	[tilespmem:$0x18680] =	vst v63  }
0x26f: {  	s8 =	spop (v2sf);
	(v2sf) =	vpush v3, $0x3;
	_ =	sdelay $0x1  }
0x270: {  	s7 =	sand.u32 $0x1FFFFF80, s10;
	s10 =	spop (v2sf);
	(v2sf) =	vpush v2, $0x3;
	_ =	sdelay $0x2  }
0x271: {  	s12 =	simm.s32 $0x4A00;
	s7 =	sadd.s32 s6, s7  }
0x272: {  	[tilespmem:s12], [sflag:$0x1] =	stream.linear.gather [hbm4b:s7+s3], $0x400, $0x38;
	[tilespmem:$0x18680] =	vst v63  }
0x273: {  	s7 =	sand.u32 $0x1FFFFF80, s13  }
0x274: {  	s17 =	simm.s32 $0x8A00;
	s7 =	sadd.s32 s4, s7;
	s13 =	spop (v2sf);
	(v2sf) =	vpush v4, $0x4  }
0x275: {  	[tilespmem:s17], [sflag:$0x1] =	stream.linear.gather [hbm4b:s7+s3], $0x400, $0x38;
	[tilespmem:$0x18680] =	vst v63  }
0x276: {  	s7 =	sand.u32 $0x1FFFFF80, s8;
	s8 =	spop (v2sf);
	(v2sf) =	vpush v3, $0x4;
	_ =	sdelay $0x1  }
0x277: {  	s9 =	simm.s32 $0xE00;
	s7 =	sadd.s32 s4, s7  }
0x278: {  	[tilespmem:s9], [sflag:$0x1] =	stream.linear.gather [hbm4b:s7+s3], $0x400, $0x38;
	[tilespmem:$0x18680] =	vst v63  }
0x279: {  	s7 =	sand.u32 $0x1FFFFF80, s10  }
0x27a: {  	s12 =	simm.s32 $0x4E00;
	s7 =	sadd.s32 s6, s7;
	s10 =	spop (v2sf);
	(v2sf) =	vpush v2, $0x4  }
0x27b: {  	[tilespmem:s12], [sflag:$0x1] =	stream.linear.gather [hbm4b:s7+s3], $0x400, $0x38;
	[tilespmem:$0x18680] =	vst v63  }
0x27c: {  	s7 =	sand.u32 $0x1FFFFF80, s13;
	s13 =	spop (v2sf);
	(v2sf) =	vpush v4, $0x5;
	_ =	sdelay $0x2  }
0x27d: {  	s17 =	simm.s32 $0x8E00;
	s7 =	sadd.s32 s4, s7  }
0x27e: {  	[tilespmem:s17], [sflag:$0x1] =	stream.linear.gather [hbm4b:s7+s3], $0x400, $0x38;
	[tilespmem:$0x18680] =	vst v63  }
0x27f: {  	s7 =	sand.u32 $0x1FFFFF80, s8  }
0x280: {  	s9 =	simm.s32 $0x1200;
	s7 =	sadd.s32 s4, s7;
	s8 =	spop (v2sf);
	(v2sf) =	vpush v3, $0x5  }
0x281: {  	[tilespmem:s9], [sflag:$0x1] =	stream.linear.gather [hbm4b:s7+s3], $0x400, $0x38;
	[tilespmem:$0x18680] =	vst v63  }
0x282: {  	s7 =	sand.u32 $0x1FFFFF80, s10;
	s10 =	spop (v2sf);
	(v2sf) =	vpush v2, $0x5;
	_ =	sdelay $0x1  }
0x283: {  	s12 =	simm.s32 $0x5200;
	s7 =	sadd.s32 s6, s7  }
0x284: {  	[tilespmem:s12], [sflag:$0x1] =	stream.linear.gather [hbm4b:s7+s3], $0x400, $0x38;
	[tilespmem:$0x18680] =	vst v63  }
0x285: {  	s7 =	sand.u32 $0x1FFFFF80, s13  }
0x286: {  	s17 =	simm.s32 $0x9200;
	s7 =	sadd.s32 s4, s7;
	s13 =	spop (v2sf);
	(v2sf) =	vpush v4, $0x6  }
0x287: {  	[tilespmem:s17], [sflag:$0x1] =	stream.linear.gather [hbm4b:s7+s3], $0x400, $0x38;
	[tilespmem:$0x18680] =	vst v63  }
0x288: {  	s7 =	sand.u32 $0x1FFFFF80, s8;
	s8 =	spop (v2sf);
	(v2sf) =	vpush v3, $0x6;
	_ =	sdelay $0x2  }
0x289: {  	s9 =	simm.s32 $0x1600;
	s7 =	sadd.s32 s4, s7  }
0x28a: {  	[tilespmem:s9], [sflag:$0x1] =	stream.linear.gather [hbm4b:s7+s3], $0x400, $0x38;
	[tilespmem:$0x18680] =	vst v63  }
0x28b: {  	s7 =	sand.u32 $0x1FFFFF80, s10  }
0x28c: {  	s12 =	simm.s32 $0x5600;
	s7 =	sadd.s32 s6, s7;
	s10 =	spop (v2sf);
	(v2sf) =	vpush v2, $0x6  }
0x28d: {  	[tilespmem:s12], [sflag:$0x1] =	stream.linear.gather [hbm4b:s7+s3], $0x400, $0x38;
	[tilespmem:$0x18680] =	vst v63  }
0x28e: {  	s7 =	sand.u32 $0x1FFFFF80, s13;
	s13 =	spop (v2sf);
	(v2sf) =	vpush v4, $0x7;
	_ =	sdelay $0x1  }
0x28f: {  	s17 =	simm.s32 $0x9600;
	s7 =	sadd.s32 s4, s7  }
0x290: {  	[tilespmem:s17], [sflag:$0x1] =	stream.linear.gather [hbm4b:s7+s3], $0x400, $0x38;
	[tilespmem:$0x18680] =	vst v63  }
0x291: {  	s7 =	sand.u32 $0x1FFFFF80, s8  }
0x292: {  	s9 =	simm.s32 $0x1A00;
	s7 =	sadd.s32 s4, s7;
	s8 =	spop (v2sf);
	(v2sf) =	vpush v3, $0x7  }
0x293: {  	[tilespmem:s9], [sflag:$0x1] =	stream.linear.gather [hbm4b:s7+s3], $0x400, $0x38;
	[tilespmem:$0x18680] =	vst v63  }
0x294: {  	s7 =	sand.u32 $0x1FFFFF80, s10;
	s10 =	spop (v2sf);
	(v2sf) =	vpush v2, $0x7;
	_ =	sdelay $0x2  }
0x295: {  	s12 =	simm.s32 $0x5A00;
	s7 =	sadd.s32 s6, s7  }
0x296: {  	[tilespmem:s12], [sflag:$0x1] =	stream.linear.gather [hbm4b:s7+s3], $0x400, $0x38;
	[tilespmem:$0x18680] =	vst v63  }
0x297: {  	s7 =	sand.u32 $0x1FFFFF80, s13  }
0x298: {  	s17 =	simm.s32 $0x9A00;
	s7 =	sadd.s32 s4, s7;
	s13 =	spop (v2sf);
	(v2sf) =	vpush v4, $0x8  }
0x299: {  	[tilespmem:s17], [sflag:$0x1] =	stream.linear.gather [hbm4b:s7+s3], $0x400, $0x38;
	[tilespmem:$0x18680] =	vst v63  }
0x29a: {  	s7 =	sand.u32 $0x1FFFFF80, s8;
	s8 =	spop (v2sf);
	(v2sf) =	vpush v3, $0x8;
	_ =	sdelay $0x1  }
0x29b: {  	s9 =	simm.s32 $0x1E00;
	s7 =	sadd.s32 s4, s7  }
0x29c: {  	[tilespmem:s9], [sflag:$0x1] =	stream.linear.gather [hbm4b:s7+s3], $0x400, $0x38;
	[tilespmem:$0x18680] =	vst v63  }
0x29d: {  	s7 =	sand.u32 $0x1FFFFF80, s10  }
0x29e: {  	s12 =	simm.s32 $0x5E00;
	s7 =	sadd.s32 s6, s7;
	s10 =	spop (v2sf);
	(v2sf) =	vpush v2, $0x8  }
0x29f: {  	[tilespmem:s12], [sflag:$0x1] =	stream.linear.gather [hbm4b:s7+s3], $0x400, $0x38;
	[tilespmem:$0x18680] =	vst v63  }
0x2a0: {  	s7 =	sand.u32 $0x1FFFFF80, s13;
	s13 =	spop (v2sf);
	(v2sf) =	vpush v4, $0x9;
	_ =	sdelay $0x2  }
0x2a1: {  	s17 =	simm.s32 $0x9E00;
	s7 =	sadd.s32 s4, s7  }
0x2a2: {  	[tilespmem:s17], [sflag:$0x1] =	stream.linear.gather [hbm4b:s7+s3], $0x400, $0x38;
	[tilespmem:$0x18680] =	vst v63  }
0x2a3: {  	s7 =	sand.u32 $0x1FFFFF80, s8  }
0x2a4: {  	s9 =	simm.s32 $0x2200;
	s7 =	sadd.s32 s4, s7;
	s8 =	spop (v2sf);
	(v2sf) =	vpush v3, $0x9  }
0x2a5: {  	[tilespmem:s9], [sflag:$0x1] =	stream.linear.gather [hbm4b:s7+s3], $0x400, $0x38;
	[tilespmem:$0x18680] =	vst v63  }
0x2a6: {  	s7 =	sand.u32 $0x1FFFFF80, s10;
	s10 =	spop (v2sf);
	(v2sf) =	vpush v2, $0x9;
	_ =	sdelay $0x1  }
0x2a7: {  	s12 =	simm.s32 $0x6200;
	s7 =	sadd.s32 s6, s7  }
0x2a8: {  	[tilespmem:s12], [sflag:$0x1] =	stream.linear.gather [hbm4b:s7+s3], $0x400, $0x38;
	[tilespmem:$0x18680] =	vst v63  }
0x2a9: {  	s7 =	sand.u32 $0x1FFFFF80, s13  }
0x2aa: {  	s17 =	simm.s32 $0xA200;
	s7 =	sadd.s32 s4, s7;
	s13 =	spop (v2sf);
	(v2sf) =	vpush v4, $0xA  }
0x2ab: {  	[tilespmem:s17], [sflag:$0x1] =	stream.linear.gather [hbm4b:s7+s3], $0x400, $0x38;
	[tilespmem:$0x18680] =	vst v63  }
0x2ac: {  	s7 =	sand.u32 $0x1FFFFF80, s8;
	s8 =	spop (v2sf);
	(v2sf) =	vpush v3, $0xA  }
0x2ad: {  	s9 =	simm.s32 $0x2600;
	s7 =	sadd.s32 s4, s7  }
0x2ae: {  	[tilespmem:s9], [sflag:$0x1] =	stream.linear.gather [hbm4b:s7+s3], $0x400, $0x38;
	[tilespmem:$0x18680] =	vst v63  }
0x2af: {  	s7 =	sand.u32 $0x1FFFFF80, s10  }
0x2b0: {  	s12 =	simm.s32 $0x6600;
	s7 =	sadd.s32 s6, s7  }
0x2b1: {  	[tilespmem:s12], [sflag:$0x1] =	stream.linear.gather [hbm4b:s7+s3], $0x400, $0x38;
	[tilespmem:$0x18680] =	vst v63  }
0x2b2: {  	s10 =	spop (v2sf);
	(v2sf) =	vpush v2, $0xA  }
0x2b3: {  	s7 =	sand.u32 $0x1FFFFF80, s13  }
0x2b4: {  	s17 =	simm.s32 $0xA600;
	s7 =	sadd.s32 s4, s7;
	s13 =	spop (v2sf);
	(v2sf) =	vpush v4, $0xB  }
0x2b5: {  	[tilespmem:s17], [sflag:$0x1] =	stream.linear.gather [hbm4b:s7+s3], $0x400, $0x38;
	[tilespmem:$0x18680] =	vst v63  }
0x2b6: {  	s7 =	sand.u32 $0x1FFFFF80, s8  }
0x2b7: {  	s9 =	simm.s32 $0x2A00;
	s7 =	sadd.s32 s4, s7  }
0x2b8: {  	[tilespmem:s9], [sflag:$0x1] =	stream.linear.gather [hbm4b:s7+s3], $0x400, $0x38;
	[tilespmem:$0x18680] =	vst v63  }
0x2b9: {  	s8 =	spop (v2sf);
	(v2sf) =	vpush v3, $0xB  }
0x2ba: {  	s7 =	sand.u32 $0x1FFFFF80, s10  }
0x2bb: {  	s12 =	simm.s32 $0x6A00;
	s7 =	sadd.s32 s6, s7;
	s10 =	spop (v2sf);
	(v2sf) =	vpush v2, $0xB  }
0x2bc: {  	[tilespmem:s12], [sflag:$0x1] =	stream.linear.gather [hbm4b:s7+s3], $0x400, $0x38;
	[tilespmem:$0x18680] =	vst v63  }
0x2bd: {  	s7 =	sand.u32 $0x1FFFFF80, s13  }
0x2be: {  	s17 =	simm.s32 $0xAA00;
	s7 =	sadd.s32 s4, s7  }
0x2bf: {  	[tilespmem:s17], [sflag:$0x1] =	stream.linear.gather [hbm4b:s7+s3], $0x400, $0x38;
	[tilespmem:$0x18680] =	vst v63  }
0x2c0: {  	s7 =	sand.u32 $0x1FFFFF80, s8  }
0x2c1: {  	s9 =	simm.s32 $0x2E00;
	s7 =	sadd.s32 s4, s7;
	s13 =	spop (v2sf);
	(v2sf) =	vpush v4, $0xC  }
0x2c2: {  	[tilespmem:s9], [sflag:$0x1] =	stream.linear.gather [hbm4b:s7+s3], $0x400, $0x38;
	[tilespmem:$0x18680] =	vst v63  }
0x2c3: {  	s8 =	spop (v2sf);
	(v2sf) =	vpush v3, $0xC  }
0x2c4: {  	s7 =	sand.u32 $0x1FFFFF80, s10  }
0x2c5: {  	s12 =	simm.s32 $0x6E00;
	s7 =	sadd.s32 s6, s7  }
0x2c6: {  	[tilespmem:s12], [sflag:$0x1] =	stream.linear.gather [hbm4b:s7+s3], $0x400, $0x38;
	[tilespmem:$0x18680] =	vst v63  }
0x2c7: {  	s7 =	sand.u32 $0x1FFFFF80, s13  }
0x2c8: {  	s17 =	simm.s32 $0xAE00;
	s7 =	sadd.s32 s4, s7;
	s10 =	spop (v2sf);
	(v2sf) =	vpush v2, $0xC  }
0x2c9: {  	[tilespmem:s17], [sflag:$0x1] =	stream.linear.gather [hbm4b:s7+s3], $0x400, $0x38;
	[tilespmem:$0x18680] =	vst v63  }
0x2ca: {  	s7 =	sand.u32 $0x1FFFFF80, s8;
	s13 =	spop (v2sf);
	(v2sf) =	vpush v4, $0xD  }
0x2cb: {  	s9 =	simm.s32 $0x3200;
	s7 =	sadd.s32 s4, s7  }
0x2cc: {  	[tilespmem:s9], [sflag:$0x1] =	stream.linear.gather [hbm4b:s7+s3], $0x400, $0x38;
	[tilespmem:$0x18680] =	vst v63  }
0x2cd: {  	s7 =	sand.u32 $0x1FFFFF80, s10  }
0x2ce: {  	s12 =	simm.s32 $0x7200;
	s7 =	sadd.s32 s6, s7  }
0x2cf: {  	[tilespmem:s12], [sflag:$0x1] =	stream.linear.gather [hbm4b:s7+s3], $0x400, $0x38;
	[tilespmem:$0x18680] =	vst v63  }
0x2d0: {  	s8 =	spop (v2sf);
	(v2sf) =	vpush v3, $0xD  }
0x2d1: {  	s7 =	sand.u32 $0x1FFFFF80, s13  }
0x2d2: {  	s17 =	simm.s32 $0xB200;
	s7 =	sadd.s32 s4, s7;
	s10 =	spop (v2sf);
	(v2sf) =	vpush v2, $0xD  }
0x2d3: {  	[tilespmem:s17], [sflag:$0x1] =	stream.linear.gather [hbm4b:s7+s3], $0x400, $0x38;
	[tilespmem:$0x18680] =	vst v63  }
0x2d4: {  	s7 =	sand.u32 $0x1FFFFF80, s8  }
0x2d5: {  	s9 =	simm.s32 $0x3600;
	s7 =	sadd.s32 s4, s7  }
0x2d6: {  	[tilespmem:s9], [sflag:$0x1] =	stream.linear.gather [hbm4b:s7+s3], $0x400, $0x38;
	[tilespmem:$0x18680] =	vst v63  }
0x2d7: {  	s13 =	spop (v2sf);
	(v2sf) =	vpush v4, $0xE  }
0x2d8: {  	s7 =	sand.u32 $0x1FFFFF80, s10  }
0x2d9: {  	s12 =	simm.s32 $0x7600;
	s7 =	sadd.s32 s6, s7;
	s8 =	spop (v2sf);
	(v2sf) =	vpush v3, $0xE  }
0x2da: {  	[tilespmem:s12], [sflag:$0x1] =	stream.linear.gather [hbm4b:s7+s3], $0x400, $0x38;
	[tilespmem:$0x18680] =	vst v63  }
0x2db: {  	s7 =	sand.u32 $0x1FFFFF80, s13  }
0x2dc: {  	s17 =	simm.s32 $0xB600;
	s7 =	sadd.s32 s4, s7  }
0x2dd: {  	[tilespmem:s17], [sflag:$0x1] =	stream.linear.gather [hbm4b:s7+s3], $0x400, $0x38;
	[tilespmem:$0x18680] =	vst v63  }
0x2de: {  	s7 =	sand.u32 $0x1FFFFF80, s8  }
0x2df: {  	s9 =	simm.s32 $0x3A00;
	s7 =	sadd.s32 s4, s7;
	s10 =	spop (v2sf);
	(v2sf) =	vpush v2, $0xE  }
0x2e0: {  	[tilespmem:s9], [sflag:$0x1] =	stream.linear.gather [hbm4b:s7+s3], $0x400, $0x38;
	[tilespmem:$0x18680] =	vst v63  }
0x2e1: {  	s13 =	spop (v2sf);
	(v2sf) =	vpush v4, $0xF  }
0x2e2: {  	s7 =	sand.u32 $0x1FFFFF80, s10  }
0x2e3: {  	s12 =	simm.s32 $0x7A00;
	s7 =	sadd.s32 s6, s7  }
0x2e4: {  	[tilespmem:s12], [sflag:$0x1] =	stream.linear.gather [hbm4b:s7+s3], $0x400, $0x38;
	[tilespmem:$0x18680] =	vst v63  }
0x2e5: {  	s7 =	sand.u32 $0x1FFFFF80, s13  }
0x2e6: {  	s17 =	simm.s32 $0xBA00;
	s7 =	sadd.s32 s4, s7;
	s8 =	spop (v2sf);
	(v2sf) =	vpush v3, $0xF  }
0x2e7: {  	[tilespmem:s17], [sflag:$0x1] =	stream.linear.gather [hbm4b:s7+s3], $0x400, $0x38;
	[tilespmem:$0x18680] =	vst v63  }
0x2e8: {  	s7 =	sand.u32 $0x1FFFFF80, s8;
	s10 =	spop (v2sf);
	(v2sf) =	vpush v2, $0xF  }
0x2e9: {  	s9 =	simm.s32 $0x3E00;
	s7 =	sadd.s32 s4, s7  }
0x2ea: {  	[tilespmem:s9], [sflag:$0x1] =	stream.linear.gather [hbm4b:s7+s3], $0x400, $0x38;
	[tilespmem:$0x18680] =	vst v63  }
0x2eb: {  	s7 =	sand.u32 $0x1FFFFF80, s10  }
0x2ec: {  	s12 =	simm.s32 $0x7E00;
	s7 =	sadd.s32 s6, s7  }
0x2ed: {  	[tilespmem:s12], [sflag:$0x1] =	stream.linear.gather [hbm4b:s7+s3], $0x400, $0x38;
	[tilespmem:$0x18680] =	vst v63  }
0x2ee: {  	s13 =	spop (v2sf)  }
0x2ef: {  	s7 =	sand.u32 $0x1FFFFF80, s13  }
0x2f0: {  	s17 =	simm.s32 $0xBE00;
	s8 =	spop (v2sf);
	s7 =	sadd.s32 s4, s7  }
0x2f1: {  	[tilespmem:s17], [sflag:$0x1] =	stream.linear.gather [hbm4b:s7+s3], $0x400, $0x38;
	[tilespmem:$0x18680] =	vst v63  }
0x2f2: {  	s7 =	sand.u32 $0x1FFFFF80, s8  }
0x2f3: {  	s9 =	simm.s32 $0x4200;
	s7 =	sadd.s32 s4, s7  }
0x2f4: {  	[tilespmem:s9], [sflag:$0x1] =	stream.linear.gather [hbm4b:s7+s3], $0x400, $0x38;
	[tilespmem:$0x18680] =	vst v63  }
0x2f5: {  	s10 =	spop (v2sf)  }
0x2f6: {  	s7 =	sand.u32 $0x1FFFFF80, s10  }
0x2f7: {  	s12 =	simm.s32 $0x8200;
	s13 =	spop (v2sf);
	s7 =	sadd.s32 s6, s7  }
0x2f8: {  	[tilespmem:s12], [sflag:$0x1] =	stream.linear.gather [hbm4b:s7+s3], $0x400, $0x38;
	[tilespmem:$0x18680] =	vst v63  }
0x2f9: {  	s7 =	sand.u32 $0x1FFFFF80, s13  }
0x2fa: {  	s17 =	simm.s32 $0xC200;
	s7 =	sadd.s32 s4, s7  }
0x2fb: {  	[tilespmem:s17], [sflag:$0x1] =	stream.linear.gather [hbm4b:s7+s3], $0x400, $0x38;
	[tilespmem:$0x18680] =	vst v63  }
.LBB2_10:
0x2fc: {  	_ =	swait.ge [sflag:s31], $0x400  }
0x2fd: {  	[sflag:s31] =	ssyncset.done $0x0  }
0x2fe: {  	[sflag:s31] =	ssyncadd.s32 $0xFFFFFC00  }
0x2ff: {  	_ =	swait.ge [sflag:s31], $0x400  }
0x300: {  	[sflag:s31] =	ssyncset.done $0x0  }
0x301: {  	[sflag:s31] =	ssyncadd.s32 $0xFFFFFC00  }
0x302: {  	_ =	swait.ge [sflag:s31], $0x400  }
0x303: {  	s7 =	simm.s32 $0xF;
	[sflag:s31] =	ssyncset.done $0x0  }
.LBB2_11:
0x304: {  	p0 =	sne.s32 s7, $0x1;
	s7 =	sadd.s32 $0xFFFFFFFF, s7;
	[sflag:s31] =	ssyncadd.s32 $0xFFFFFC00  }
0x305: {  	_ =	swait.ge [sflag:s31], $0x400  }
0x306: {  	[sflag:s31] =	ssyncset.done $0x0  }
0x307: {  	[sflag:s31] =	ssyncadd.s32 $0xFFFFFC00  }
.Ltmp4:
0x308: {  	_ =	swait.ge [sflag:s31], $0x400;
	(pc) =	sbr.rel @p0 .LBB2_11-.Ltmp4, $4  }
0x309: {  	[sflag:s31] =	ssyncset.done $0x0  }
0x30a: {  	[sflag:s31] =	ssyncadd.s32 $0xFFFFFC00  }
0x30b: {  	_ =	swait.ge [sflag:s31], $0x400  }
0x30c: {  	[sflag:s31] =	ssyncset.done $0x0  }
0x30d: {  	[sflag:s31] =	ssyncadd.s32 $0xFFFFFC00  }
0x30e: {  	v2 =	vld [tilespmem:s2+$0x0]  }
0x30f: {  	v3 =	vld [tilespmem:s2+$0x200]  }
0x310: {  	v4 =	vld [tilespmem:s2+$0x400];
	_ =	sdelay $0x2  }
0x311: {  	s7 =	simm.s32 $0x0  }
0x312: {  	v7 =	vimm.f32 $0.0e+00;
	v6 =	vadd.s32 s7, v0  }
0x313: {  	v2 =	vand.u32 $0x7, v2;
	v3 =	vand.u32 $0x7, v3;
	v4 =	vand.u32 $0x7, v4  }
0x314: {  	v2 =	vshll.u32 v2, $0x7;
	v3 =	vshll.u32 v3, $0x7;
	v5 =	vshll.u32 v4, $0x7  }
0x315: {  	s8 =	simm.s32 $0x7;
	v4 =	vor.u32 v1, v2;
	v2 =	vor.u32 v1, v5;
	v5 =	vand.u32 $0x3F, v6  }
0x316: {  	s9 =	simm.s32 $0x4;
	s10 =	simm.s32 $0x5;
	v8 =	vadd.s32 s8, v0;
	v3 =	vor.u32 v1, v3;
	v11 =	vor.u32 v4, v5  }
0x317: {  	s17 =	simm.s32 $0x6;
	v10 =	vadd.s32 s9, v0;
	v9 =	vadd.s32 s10, v0;
	v12 =	vor.u32 v3, v5  }
0x318: {  	s13 =	simm.s32 $0x3;
	v8 =	vand.u32 $0x3F, v8;
	v6 =	vadd.s32 s17, v0;
	v21 =	vor.u32 v2, v5  }
0x319: {  	v13 =	vadd.s32 s13, v0;
	v6 =	vand.u32 $0x3F, v6;
	v5 =	vor.u32 v4, v8  }
0x31a: {  	s12 =	simm.s32 $0x2;
	v9 =	vand.u32 $0x3F, v9;
	v14 =	vand.u32 $0x3F, v10;
	v10 =	vor.u32 v4, v6  }
0x31b: {  	v16 =	vadd.s32 s12, v0;
	v17 =	vand.u32 $0x3F, v13;
	s17 =	simm.s32 $0x1;
	v20 =	vor.u32 v4, v9;
	v15 =	vld.idx.msk [tilespmem:v11+s18+$0x0], $0xffff  }
0x31c: {  	v18 =	vand.u32 $0x3F, v16;
	v19 =	vor.u32 v4, v14;
	v22 =	vadd.s32 s17, v0;
	v13 =	vld.idx.msk [tilespmem:v12+s19+$0x0], $0xffff  }
0x31d: {  	s7 =	simm.s32 $0x8;
	v16 =	vld.idx.msk [tilespmem:v21+s20+$0x0], $0xffff;
	v21 =	vor.u32 v4, v17;
	v12 =	vimm.f32 $0.0e+00;
	v11 =	vimm.f32 $0.0e+00  }
.LBB2_13:
0x31e: {  	p0 =	slt.u32 s7, $0x38;
	v22 =	vand.u32 $0x3F, v22;
	v23 =	vor.u32 v4, v18;
	v24 =	vld.idx.msk [tilespmem:v5+s18+$0x0], $0xffff  }
0x31f: {  	v5 =	vadd.s32 s7, v0;
	s8 =	sadd.s32 $0x6, s7;
	s9 =	sadd.s32 $0x7, s7;
	v25 =	vor.u32 v4, v22;
	v26 =	vld.idx.msk [tilespmem:v10+s18+$0x0], $0xffff  }
0x320: {  	s10 =	sadd.s32 $0x4, s7;
	s12 =	sadd.s32 $0x5, s7;
	v10 =	vadd.s32 s8, v0;
	v27 =	vadd.s32 s9, v0;
	v28 =	vor.u32 v3, v22;
	v20 =	vld.idx.msk [tilespmem:v20+s18+$0x0], $0xffff  }
0x321: {  	s8 =	sadd.s32 $0x2, s7;
	s9 =	sadd.s32 $0x3, s7;
	v29 =	vadd.s32 s10, v0;
	v30 =	vadd.s32 s12, v0;
	v22 =	vor.u32 v2, v22;
	v19 =	vld.idx.msk [tilespmem:v19+s18+$0x0], $0xffff  }
0x322: {  	v33 =	vor.u32 v3, v18;
	v31 =	vadd.s32 s8, v0;
	v32 =	vadd.s32 s9, v0;
	v21 =	vld.idx.msk [tilespmem:v21+s18+$0x0], $0xffff  }
0x323: {  	v18 =	vor.u32 v2, v18;
	v5 =	vand.u32 $0x3F, v5;
	v27 =	vand.u32 $0x3F, v27;
	v23 =	vld.idx.msk [tilespmem:v23+s18+$0x0], $0xffff  }
0x324: {  	v35 =	vor.u32 v3, v17;
	v30 =	vand.u32 $0x3F, v30;
	v34 =	vand.u32 $0x3F, v10;
	v25 =	vld.idx.msk [tilespmem:v25+s18+$0x0], $0xffff  }
0x325: {  	v17 =	vor.u32 v2, v17;
	v36 =	vor.u32 v4, v5;
	v29 =	vand.u32 $0x3F, v29;
	v28 =	vld.idx.msk [tilespmem:v28+s19+$0x0], $0xffff  }
0x326: {  	v39 =	vor.u32 v3, v14;
	v37 =	vor.u32 v3, v5;
	v38 =	vor.u32 v2, v5;
	v22 =	vld.idx.msk [tilespmem:v22+s20+$0x0], $0xffff  }
0x327: {  	v14 =	vor.u32 v2, v14;
	v40 =	vor.u32 v3, v8;
	v5 =	vor.u32 v4, v27;
	v33 =	vld.idx.msk [tilespmem:v33+s19+$0x0], $0xffff  }
0x328: {  	v41 =	vor.u32 v3, v9;
	v8 =	vor.u32 v2, v8;
	v10 =	vor.u32 v4, v34;
	v18 =	vld.idx.msk [tilespmem:v18+s20+$0x0], $0xffff  }
0x329: {  	v9 =	vor.u32 v2, v9;
	v42 =	vor.u32 v3, v6;
	v15 =	vmul.f32 v15, v15;
	v35 =	vld.idx.msk [tilespmem:v35+s19+$0x0], $0xffff  }
0x32a: {  	v6 =	vor.u32 v2, v6;
	v13 =	vmul.f32 v13, v13;
	v16 =	vmul.f32 v16, v16;
	v17 =	vld.idx.msk [tilespmem:v17+s20+$0x0], $0xffff  }
0x32b: {  	v7 =	vadd.f32 v15, v7;
	v15 =	vmul.f32 v25, v25;
	v25 =	vmul.f32 v28, v28;
	v28 =	vld.idx.msk [tilespmem:v39+s19+$0x0], $0xffff  }
0x32c: {  	v12 =	vadd.f32 v13, v12;
	v11 =	vadd.f32 v16, v11;
	v13 =	vmul.f32 v22, v22;
	v14 =	vld.idx.msk [tilespmem:v14+s20+$0x0], $0xffff  }
0x32d: {  	v7 =	vadd.f32 v15, v7;
	v15 =	vmul.f32 v23, v23;
	v16 =	vmul.f32 v33, v33;
	v22 =	vld.idx.msk [tilespmem:v41+s19+$0x0], $0xffff  }
0x32e: {  	v12 =	vadd.f32 v25, v12;
	v11 =	vadd.f32 v13, v11;
	v13 =	vmul.f32 v18, v18;
	v9 =	vld.idx.msk [tilespmem:v9+s20+$0x0], $0xffff  }
0x32f: {  	v7 =	vadd.f32 v15, v7;
	v15 =	vmul.f32 v21, v21;
	v18 =	vmul.f32 v35, v35;
	v21 =	vld.idx.msk [tilespmem:v42+s19+$0x0], $0xffff  }
0x330: {  	v12 =	vadd.f32 v16, v12;
	v11 =	vadd.f32 v13, v11;
	v13 =	vmul.f32 v17, v17;
	v16 =	vld.idx.msk [tilespmem:v6+s20+$0x0], $0xffff  }
0x331: {  	v6 =	vadd.f32 v15, v7;
	v7 =	vmul.f32 v19, v19;
	v15 =	vmul.f32 v28, v28;
	v17 =	vld.idx.msk [tilespmem:v40+s19+$0x0], $0xffff  }
0x332: {  	v12 =	vadd.f32 v18, v12;
	v11 =	vadd.f32 v13, v11;
	v13 =	vmul.f32 v14, v14;
	v18 =	vld.idx.msk [tilespmem:v8+s20+$0x0], $0xffff  }
0x333: {  	v23 =	vadd.f32 v7, v6;
	v7 =	vmul.f32 v20, v20;
	v20 =	vmul.f32 v22, v22;
	v8 =	vmovc v27  }
0x334: {  	v12 =	vadd.f32 v15, v12;
	v11 =	vadd.f32 v13, v11;
	v13 =	vmul.f32 v9, v9;
	v9 =	vmovc v30  }
0x335: {  	v15 =	vmul.f32 v26, v26;
	v7 =	vadd.f32 v7, v23;
	v19 =	vmul.f32 v21, v21;
	v6 =	vmovc v34  }
0x336: {  	v14 =	vmovc v29;
	v12 =	vadd.f32 v20, v12;
	v11 =	vadd.f32 v13, v11;
	v13 =	vmul.f32 v16, v16  }
.Ltmp5:
0x337: {  	v16 =	vmul.f32 v24, v24;
	v7 =	vadd.f32 v15, v7;
	v21 =	vmul.f32 v17, v17;
	(pc) =	sbr.rel @p0 .LBB2_13-.Ltmp5, $4  }
0x338: {  	v12 =	vadd.f32 v19, v12;
	v11 =	vadd.f32 v13, v11;
	v18 =	vmul.f32 v18, v18  }
0x339: {  	v20 =	vor.u32 v4, v9;
	v17 =	vand.u32 $0x3F, v32;
	v7 =	vadd.f32 v16, v7;
	v15 =	vld.idx.msk [tilespmem:v36+s18+$0x0], $0xffff  }
0x33a: {  	s8 =	sadd.s32 $0x1, s7;
	v19 =	vor.u32 v4, v14;
	v12 =	vadd.f32 v21, v12;
	v11 =	vadd.f32 v18, v11;
	v13 =	vld.idx.msk [tilespmem:v37+s19+$0x0], $0xffff  }
0x33b: {  	s7 =	sadd.s32 $0x8, s7;
	v22 =	vadd.s32 s8, v0;
	v21 =	vor.u32 v4, v17;
	v18 =	vand.u32 $0x3F, v31;
	v16 =	vld.idx.msk [tilespmem:v38+s20+$0x0], $0xffff  }
0x33c: {  	_ =	sdelay $0x3  }
0x33d: {  	v22 =	vand.u32 $0x3F, v22;
	v23 =	vor.u32 v4, v18;
	v10 =	vld.idx.msk [tilespmem:v10+s18+$0x0], $0xffff  }
0x33e: {  	v20 =	vld.idx.msk [tilespmem:v20+s18+$0x0], $0xffff;
	v24 =	vor.u32 v4, v22  }
0x33f: {  	v19 =	vld.idx.msk [tilespmem:v19+s18+$0x0], $0xffff;
	v25 =	vor.u32 v3, v22  }
0x340: {  	v21 =	vld.idx.msk [tilespmem:v21+s18+$0x0], $0xffff;
	v22 =	vor.u32 v2, v22  }
0x341: {  	v26 =	vor.u32 v3, v18;
	v5 =	vld.idx.msk [tilespmem:v5+s18+$0x0], $0xffff  }
0x342: {  	v18 =	vor.u32 v2, v18;
	v23 =	vld.idx.msk [tilespmem:v23+s18+$0x0], $0xffff  }
0x343: {  	v27 =	vor.u32 v3, v17;
	v24 =	vld.idx.msk [tilespmem:v24+s18+$0x0], $0xffff  }
0x344: {  	v28 =	vor.u32 v3, v14;
	v25 =	vld.idx.msk [tilespmem:v25+s19+$0x0], $0xffff  }
0x345: {  	v17 =	vor.u32 v2, v17;
	v14 =	vor.u32 v2, v14;
	v29 =	vor.u32 v3, v8;
	v22 =	vld.idx.msk [tilespmem:v22+s20+$0x0], $0xffff  }
0x346: {  	v30 =	vor.u32 v3, v9;
	v9 =	vor.u32 v2, v9;
	v15 =	vmul.f32 v15, v15;
	v26 =	vld.idx.msk [tilespmem:v26+s19+$0x0], $0xffff  }
0x347: {  	v31 =	vor.u32 v3, v6;
	v13 =	vmul.f32 v13, v13;
	v16 =	vmul.f32 v16, v16;
	v18 =	vld.idx.msk [tilespmem:v18+s20+$0x0], $0xffff  }
0x348: {  	v6 =	vor.u32 v2, v6;
	v7 =	vadd.f32 v15, v7;
	v27 =	vld.idx.msk [tilespmem:v27+s19+$0x0], $0xffff;
	v15 =	vmul.f32 v24, v24  }
0x349: {  	v47 =	vld.idx.msk [tilespmem:v28+s19+$0x0], $0xffff;
	v12 =	vadd.f32 v13, v12;
	v11 =	vadd.f32 v16, v11;
	v46 =	vmul.f32 v25, v25  }
0x34a: {  	v17 =	vld.idx.msk [tilespmem:v17+s20+$0x0], $0xffff;
	v13 =	vmul.f32 v23, v23;
	v7 =	vadd.f32 v15, v7;
	v15 =	vmul.f32 v22, v22  }
0x34b: {  	v8 =	vor.u32 v2, v8;
	v14 =	vld.idx.msk [tilespmem:v14+s20+$0x0], $0xffff;
	v16 =	vmul.f32 v26, v26;
	v12 =	vadd.f32 v46, v12  }
0x34c: {  	v22 =	vld.idx.msk [tilespmem:v30+s19+$0x0], $0xffff;
	v7 =	vadd.f32 v13, v7;
	v13 =	vmul.f32 v21, v21;
	v11 =	vadd.f32 v15, v11  }
0x34d: {  	v9 =	vld.idx.msk [tilespmem:v9+s20+$0x0], $0xffff;
	v15 =	vmul.f32 v18, v18;
	v18 =	vmul.f32 v27, v27;
	v12 =	vadd.f32 v16, v12  }
0x34e: {  	v21 =	vld.idx.msk [tilespmem:v31+s19+$0x0], $0xffff;
	v16 =	vmul.f32 v47, v47;
	v7 =	vadd.f32 v13, v7;
	v13 =	vmul.f32 v19, v19  }
0x34f: {  	v6 =	vld.idx.msk [tilespmem:v6+s20+$0x0], $0xffff;
	v11 =	vadd.f32 v15, v11;
	v15 =	vmul.f32 v17, v17;
	v12 =	vadd.f32 v18, v12  }
0x350: {  	v14 =	vmul.f32 v14, v14;
	v17 =	vld.idx.msk [tilespmem:v29+s19+$0x0], $0xffff;
	v7 =	vadd.f32 v13, v7;
	v13 =	vmul.f32 v20, v20  }
0x351: {  	v11 =	vadd.f32 v15, v11;
	v15 =	vmul.f32 v22, v22;
	v12 =	vadd.f32 v16, v12  }
0x352: {  	v8 =	vld.idx.msk [tilespmem:v8+s20+$0x0], $0xffff;
	v10 =	vmul.f32 v10, v10;
	v9 =	vmul.f32 v9, v9;
	v7 =	vadd.f32 v13, v7  }
0x353: {  	v11 =	vadd.f32 v14, v11;
	v13 =	vmul.f32 v21, v21;
	v12 =	vadd.f32 v15, v12  }
0x354: {  	v5 =	vmul.f32 v5, v5;
	v6 =	vmul.f32 v6, v6;
	v7 =	vadd.f32 v10, v7  }
0x355: {  	v9 =	vadd.f32 v9, v11;
	v10 =	vmul.f32 v17, v17;
	v11 =	vadd.f32 v13, v12  }
0x356: {  	v5 =	vadd.f32 v5, v7  }
0x357: {  	v6 =	vadd.f32 v6, v9;
	v7 =	vmul.f32 v8, v8;
	v8 =	vadd.f32 v10, v11  }
0x358: {  	v5 =	vmax.f32 v5, $1.000000020e-24  }
0x359: {  	v6 =	vadd.f32 v7, v6;
	v8 =	vmax.f32 v8, $1.000000020e-24;
	v7 =	vshra.s32 v5, $0x1  }
0x35a: {  	v5 =	vmul.f32 $-5.000000000e-01, v5;
	v9 =	vshra.s32 v8, $0x1;
	v8 =	vmul.f32 $-5.000000000e-01, v8  }
0x35b: {  	v7 =	vsub.s32 $0x5F3759DF, v7;
	v6 =	vmax.f32 v6, $1.000000020e-24;
	v9 =	vsub.s32 $0x5F3759DF, v9  }
0x35c: {  	v10 =	vshra.s32 v6, $0x1;
	v6 =	vmul.f32 $-5.000000000e-01, v6;
	v11 =	vmul.f32 v7, v5  }
0x35d: {  	v12 =	vmul.f32 v9, v8;
	v10 =	vsub.s32 $0x5F3759DF, v10  }
0x35e: {  	v13 =	vmul.f32 v10, v6;
	v11 =	vmul.f32 v7, v11  }
0x35f: {  	v12 =	vmul.f32 v9, v12  }
0x360: {  	v13 =	vmul.f32 v10, v13;
	v11 =	vadd.f32 $1.500000000e+00, v11  }
0x361: {  	v12 =	vadd.f32 $1.500000000e+00, v12  }
0x362: {  	v13 =	vadd.f32 $1.500000000e+00, v13;
	v7 =	vmul.f32 v7, v11  }
0x363: {  	v9 =	vmul.f32 v9, v12  }
0x364: {  	v10 =	vmul.f32 v10, v13;
	v11 =	vmul.f32 v7, v5  }
0x365: {  	v12 =	vmul.f32 v9, v8  }
0x366: {  	v13 =	vmul.f32 v10, v6;
	v11 =	vmul.f32 v11, v7  }
0x367: {  	v12 =	vmul.f32 v12, v9  }
0x368: {  	v13 =	vmul.f32 v13, v10;
	v11 =	vadd.f32 $1.500000000e+00, v11  }
0x369: {  	s12 =	simm.s32 $0x1;
	v12 =	vadd.f32 $1.500000000e+00, v12  }
0x36a: {  	s9 =	simm.s32 $0x3;
	v20 =	vadd.s32 s12, v0;
	v13 =	vadd.f32 $1.500000000e+00, v13;
	v7 =	vmul.f32 v11, v7  }
0x36b: {  	v20 =	vand.u32 $0x3F, v20;
	v15 =	vadd.s32 s9, v0;
	v9 =	vmul.f32 v12, v9  }
0x36c: {  	v49 =	vor.u32 v2, v20;
	v10 =	vmul.f32 v13, v10;
	v5 =	vmul.f32 v7, v5  }
0x36d: {  	v51 =	vor.u32 v4, v20;
	v20 =	vor.u32 v3, v20;
	v8 =	vmul.f32 v9, v8  }
0x36e: {  	s10 =	simm.s32 $0x2;
	v15 =	vand.u32 $0x3F, v15;
	v6 =	vmul.f32 v10, v6;
	v5 =	vmul.f32 v5, v7  }
0x36f: {  	v17 =	vadd.s32 s10, v0;
	v23 =	vor.u32 v4, v15;
	v8 =	vmul.f32 v8, v9  }
0x370: {  	s7 =	simm.s32 $0x0;
	v17 =	vand.u32 $0x3F, v17;
	v6 =	vmul.f32 v6, v10;
	v5 =	vadd.f32 $1.500000000e+00, v5  }
0x371: {  	v34 =	vor.u32 v4, v17;
	v11 =	vadd.s32 s7, v0;
	v8 =	vadd.f32 $1.500000000e+00, v8  }
0x372: {  	s13 =	simm.s32 $0x6;
	v11 =	vand.u32 $0x3F, v11;
	v12 =	vadd.f32 $1.500000000e+00, v6;
	v6 =	vmul.f32 v5, v7  }
0x373: {  	s12 =	simm.s32 $0x8;
	v25 =	vld.idx.msk [tilespmem:v49+s20+$0x0], $0xffff;
	v7 =	vmul.f32 v8, v9;
	v8 =	vor.u32 v2, v11;
	v9 =	vadd.s32 s13, v0  }
0x374: {  	v48 =	vadd.s32 s12, v0;
	v27 =	vld.idx.msk [tilespmem:v51+s18+$0x0], $0xffff;
	v13 =	vand.u32 $0x3F, v9;
	v9 =	vor.u32 v3, v11  }
0x375: {  	s8 =	simm.s32 $0x5;
	s17 =	simm.s32 $0x4;
	v21 =	vimm.f32 $0.0e+00;
	v20 =	vld.idx.msk [tilespmem:v20+s19+$0x0], $0xffff;
	v5 =	vmul.f32 v12, v10;
	v10 =	vor.u32 v4, v11  }
0x376: {  	v23 =	vld.idx.msk [tilespmem:v23+s18+$0x0], $0xffff;
	v12 =	vadd.s32 s8, v0;
	v11 =	vadd.s32 s17, v0;
	v14 =	vor.u32 v2, v13  }
0x377: {  	v34 =	vld.idx.msk [tilespmem:v34+s18+$0x0], $0xffff;
	v39 =	vor.u32 v4, v13;
	v13 =	vor.u32 v3, v13;
	v12 =	vand.u32 $0x3F, v12  }
0x378: {  	s9 =	simm.s32 $0xC;
	v24 =	vand.u32 $0x3F, v48;
	v16 =	vand.u32 $0x3F, v11;
	v11 =	vor.u32 v2, v12;
	v18 =	vld.idx.msk [tilespmem:v8+s20+$0x0], $0xffff  }
0x379: {  	v54 =	vadd.s32 s9, v0;
	v57 =	vor.u32 v4, v24;
	v8 =	vor.u32 v2, v16;
	v22 =	vld.idx.msk [tilespmem:v9+s19+$0x0], $0xffff  }
0x37a: {  	v36 =	vor.u32 v2, v24;
	v56 =	vor.u32 v4, v16;
	v16 =	vor.u32 v3, v16;
	v19 =	vld.idx.msk [tilespmem:v10+s18+$0x0], $0xffff  }
0x37b: {  	v24 =	vor.u32 v3, v24;
	s17 =	simm.s32 $0x7;
	v20 =	vmul.f32 v20, v7;
	v9 =	vor.u32 v2, v17;
	v14 =	vld.idx.msk [tilespmem:v14+s20+$0x0], $0xffff  }
0x37c: {  	s8 =	simm.s32 $0xA;
	v34 =	vmul.f32 v34, v6;
	v52 =	vadd.s32 s17, v0;
	v17 =	vor.u32 v3, v17;
	v13 =	vld.idx.msk [tilespmem:v13+s19+$0x0], $0xffff  }
0x37d: {  	v32 =	vadd.s32 s8, v0;
	v10 =	vor.u32 v2, v15;
	v15 =	vor.u32 v3, v15;
	v50 =	vld.idx.msk [tilespmem:v11+s20+$0x0], $0xffff  }
0x37e: {  	v28 =	vand.u32 $0x3F, v52;
	v37 =	vor.u32 v4, v12;
	v12 =	vor.u32 v3, v12;
	v53 =	vld.idx.msk [tilespmem:v8+s20+$0x0], $0xffff  }
0x37f: {  	s10 =	simm.s32 $0xD;
	s13 =	simm.s32 $0xE;
	v25 =	vmul.f32 v25, v5;
	v38 =	vor.u32 v4, v28;
	v40 =	vor.u32 v3, v28;
	v16 =	vld.idx.msk [tilespmem:v16+s19+$0x0], $0xffff  }
0x380: {  	v28 =	vor.u32 v2, v28;
	v11 =	vadd.s32 s13, v0;
	s13 =	simm.s32 $0xB;
	v8 =	vadd.s32 s10, v0;
	v35 =	vld.idx.msk [tilespmem:v9+s20+$0x0], $0xffff  }
0x381: {  	v33 =	vadd.s32 s13, v0;
	v18 =	vmul.f32 v18, v5;
	v9 =	vand.u32 $0x3F, v11;
	v17 =	vld.idx.msk [tilespmem:v17+s19+$0x0], $0xffff  }
0x382: {  	v11 =	vand.u32 $0x3F, v54;
	v22 =	vmul.f32 v22, v7;
	v19 =	vmul.f32 v19, v6;
	v15 =	vld.idx.msk [tilespmem:v15+s19+$0x0], $0xffff  }
0x383: {  	v55 =	vld.idx.msk [tilespmem:v10+s20+$0x0], $0xffff;
	v10 =	vand.u32 $0x3F, v8;
	v14 =	vmul.f32 v14, v5;
	v13 =	vmul.f32 v13, v7  }
0x384: {  	v30 =	vld.idx.msk [tilespmem:v56+s18+$0x0], $0xffff;
	v19 =	vadd.f32 v22, v19;
	v22 =	vmul.f32 v27, v6;
	v29 =	vmul.f32 v53, v5  }
0x385: {  	v58 =	vld.idx.msk [tilespmem:v37+s18+$0x0], $0xffff;
	v8 =	vand.u32 $0x3F, v33;
	v16 =	vmul.f32 v16, v7;
	v35 =	vmul.f32 v35, v5  }
0x386: {  	v59 =	vld.idx.msk [tilespmem:v12+s19+$0x0], $0xffff;
	v18 =	vsub.f32 v19, v18;
	v19 =	vadd.f32 v20, v22;
	v17 =	vmul.f32 v17, v7  }
0x387: {  	v12 =	vor.u32 v2, v9;
	v22 =	vmul.f32 v23, v6;
	v15 =	vmul.f32 v15, v7  }
0x388: {  	v20 =	vld.idx.msk [tilespmem:v39+s18+$0x0], $0xffff;
	v18 =	vand.u32 $0x7FFFFFFF, v18;
	v19 =	vsub.f32 v19, v25;
	v17 =	vadd.f32 v17, v34  }
0x389: {  	v60 =	vld.idx.msk [tilespmem:v40+s19+$0x0], $0xffff;
	v31 =	vmul.f32 v55, v5;
	v18 =	vadd.f32 v18, v21;
	v21 =	vmul.f32 v30, v6  }
0x38a: {  	v23 =	vld.idx.msk [tilespmem:v38+s18+$0x0], $0xffff;
	v15 =	vadd.f32 v15, v22;
	v19 =	vand.u32 $0x7FFFFFFF, v19;
	v17 =	vsub.f32 v17, v35  }
0x38b: {  	v22 =	vmul.f32 v59, v7;
	v18 =	vadd.f32 v19, v18;
	v19 =	vmul.f32 v58, v6  }
0x38c: {  	v61 =	vld.idx.msk [tilespmem:v28+s20+$0x0], $0xffff;
	v15 =	vsub.f32 v15, v31;
	v16 =	vadd.f32 v16, v21;
	v17 =	vand.u32 $0x7FFFFFFF, v17  }
0x38d: {  	v26 =	vmul.f32 v50, v5;
	v17 =	vadd.f32 v17, v18;
	v18 =	vmul.f32 v20, v6  }
0x38e: {  	v15 =	vand.u32 $0x7FFFFFFF, v15;
	v16 =	vsub.f32 v16, v29;
	v19 =	vadd.f32 v22, v19  }
0x38f: {  	v21 =	vmul.f32 v60, v7;
	v20 =	vmul.f32 v23, v6;
	v15 =	vadd.f32 v15, v17  }
0x390: {  	v16 =	vand.u32 $0x7FFFFFFF, v16;
	v19 =	vsub.f32 v19, v26;
	v13 =	vadd.f32 v13, v18  }
0x391: {  	v22 =	vmul.f32 v61, v5;
	v17 =	vor.u32 v2, v10;
	v15 =	vadd.f32 v16, v15  }
0x392: {  	v20 =	vadd.f32 v21, v20;
	v18 =	vand.u32 $0x7FFFFFFF, v19;
	v23 =	vsub.f32 v13, v14  }
0x393: {  	v13 =	vld.idx.msk [tilespmem:v36+s20+$0x0], $0xffff;
	v16 =	vand.u32 $0x3F, v32;
	v19 =	vor.u32 v2, v11;
	v62 =	vadd.f32 v18, v15  }
0x394: {  	s17 =	simm.s32 $0x9;
	v14 =	vld.idx.msk [tilespmem:v57+s18+$0x0], $0xffff;
	v21 =	vsub.f32 v20, v22;
	v18 =	vor.u32 v2, v8;
	v63 =	vand.u32 $0x7FFFFFFF, v23  }
0x395: {  	s7 =	simm.s32 $0x10;
	v20 =	vor.u32 v2, v16;
	v15 =	vld.idx.msk [tilespmem:v24+s19+$0x0], $0xffff;
	v23 =	vadd.s32 s17, v0;
	v22 =	vadd.f32 v63, v62  }
.LBB2_15:
0x396: {  	p0 =	slt.u32 s7, $0x38;
	v23 =	vand.u32 $0x3F, v23;
	v24 =	vor.u32 v4, v8;
	v12 =	vld.idx.msk [tilespmem:v12+s20+$0x0], $0xffff;
	v21 =	vand.u32 $0x7FFFFFFF, v21  }
0x397: {  	v25 =	vadd.s32 s7, v0;
	s8 =	sadd.s32 $0x6, s7;
	s9 =	sadd.s32 $0x7, s12;
	s12 =	smov.u32 s7;
	v26 =	vor.u32 v2, v23;
	v17 =	vld.idx.msk [tilespmem:v17+s20+$0x0], $0xffff;
	v21 =	vadd.f32 v21, v22  }
0x398: {  	s10 =	sadd.s32 $0x4, s7;
	s13 =	sadd.s32 $0x5, s7;
	v22 =	vadd.s32 s8, v0;
	v27 =	vor.u32 v4, v23;
	v28 =	vadd.s32 s9, v0;
	v19 =	vld.idx.msk [tilespmem:v19+s20+$0x0], $0xffff  }
0x399: {  	s8 =	sadd.s32 $0x2, s7;
	s9 =	sadd.s32 $0x3, s7;
	v29 =	vadd.s32 s10, v0;
	v30 =	vadd.s32 s13, v0;
	v23 =	vor.u32 v3, v23;
	v18 =	vld.idx.msk [tilespmem:v18+s20+$0x0], $0xffff  }
0x39a: {  	v33 =	vor.u32 v4, v16;
	v31 =	vadd.s32 s8, v0;
	v32 =	vadd.s32 s9, v0;
	v20 =	vld.idx.msk [tilespmem:v20+s20+$0x0], $0xffff  }
0x39b: {  	v16 =	vor.u32 v3, v16;
	v25 =	vand.u32 $0x3F, v25;
	v28 =	vand.u32 $0x3F, v28;
	v24 =	vld.idx.msk [tilespmem:v24+s18+$0x0], $0xffff  }
0x39c: {  	v34 =	vor.u32 v3, v8;
	v30 =	vand.u32 $0x3F, v30;
	v22 =	vand.u32 $0x3F, v22;
	v26 =	vld.idx.msk [tilespmem:v26+s20+$0x0], $0xffff  }
0x39d: {  	v29 =	vand.u32 $0x3F, v29;
	v8 =	vand.u32 $0x3F, v32;
	v32 =	vor.u32 v4, v11;
	v27 =	vld.idx.msk [tilespmem:v27+s18+$0x0], $0xffff  }
0x39e: {  	v35 =	vor.u32 v4, v25;
	v36 =	vor.u32 v2, v25;
	v11 =	vor.u32 v3, v11;
	v23 =	vld.idx.msk [tilespmem:v23+s19+$0x0], $0xffff  }
0x39f: {  	v37 =	vor.u32 v4, v10;
	v25 =	vor.u32 v3, v25;
	v38 =	vor.u32 v4, v28;
	v33 =	vld.idx.msk [tilespmem:v33+s18+$0x0], $0xffff  }
0x3a0: {  	v10 =	vor.u32 v3, v10;
	v13 =	vmul.f32 v13, v5;
	v14 =	vmul.f32 v14, v6;
	v16 =	vld.idx.msk [tilespmem:v16+s19+$0x0], $0xffff  }
0x3a1: {  	v39 =	vor.u32 v4, v9;
	v15 =	vmul.f32 v15, v7;
	v40 =	vmul.f32 v12, v5;
	v34 =	vld.idx.msk [tilespmem:v34+s19+$0x0], $0xffff  }
0x3a2: {  	v9 =	vor.u32 v3, v9;
	v17 =	vmul.f32 v17, v5;
	v19 =	vmul.f32 v19, v5;
	v32 =	vld.idx.msk [tilespmem:v32+s18+$0x0], $0xffff  }
0x3a3: {  	v41 =	vor.u32 v3, v28;
	v18 =	vmul.f32 v18, v5;
	v20 =	vmul.f32 v20, v5;
	v11 =	vld.idx.msk [tilespmem:v11+s19+$0x0], $0xffff  }
0x3a4: {  	v12 =	vadd.f32 v15, v14;
	v14 =	vmul.f32 v27, v6;
	v15 =	vmul.f32 v23, v7;
	v23 =	vld.idx.msk [tilespmem:v37+s18+$0x0], $0xffff  }
0x3a5: {  	v28 =	vor.u32 v2, v28;
	v26 =	vmul.f32 v26, v5;
	v27 =	vmul.f32 v33, v6;
	v33 =	vld.idx.msk [tilespmem:v10+s19+$0x0], $0xffff  }
0x3a6: {  	v37 =	vsub.f32 v12, v13;
	v13 =	vadd.f32 v15, v14;
	v14 =	vmul.f32 v16, v7;
	v15 =	vld.idx.msk [tilespmem:v39+s18+$0x0], $0xffff  }
0x3a7: {  	v12 =	vor.u32 v2, v22;
	v16 =	vmul.f32 v24, v6;
	v24 =	vmul.f32 v34, v7;
	v34 =	vld.idx.msk [tilespmem:v9+s19+$0x0], $0xffff  }
0x3a8: {  	v10 =	vmovc v30;
	v37 =	vand.u32 $0x7FFFFFFF, v37;
	v13 =	vsub.f32 v13, v26;
	v14 =	vadd.f32 v14, v27;
	v26 =	vld.idx.msk [tilespmem:v38+s18+$0x0], $0xffff  }
0x3a9: {  	v21 =	vadd.f32 v37, v21;
	v27 =	vmul.f32 v32, v6;
	v30 =	vmul.f32 v11, v7;
	v32 =	vld.idx.msk [tilespmem:v41+s19+$0x0], $0xffff  }
0x3aa: {  	v9 =	vmovc v22;
	v16 =	vadd.f32 v24, v16;
	v11 =	vmovc v29;
	v13 =	vand.u32 $0x7FFFFFFF, v13;
	v14 =	vsub.f32 v14, v20  }
0x3ab: {  	v20 =	vmul.f32 v23, v6;
	v13 =	vadd.f32 v13, v21;
	v21 =	vmul.f32 v33, v7;
	v22 =	vld.idx.msk [tilespmem:v28+s20+$0x0], $0xffff  }
0x3ac: {  	v16 =	vsub.f32 v16, v18;
	v18 =	vadd.f32 v30, v27;
	v14 =	vand.u32 $0x7FFFFFFF, v14  }
0x3ad: {  	v13 =	vadd.f32 v14, v13;
	v14 =	vmul.f32 v15, v6;
	v15 =	vmul.f32 v34, v7  }
0x3ae: {  	v16 =	vand.u32 $0x7FFFFFFF, v16;
	v18 =	vsub.f32 v18, v19;
	v19 =	vadd.f32 v21, v20  }
0x3af: {  	v13 =	vadd.f32 v16, v13;
	v16 =	vmul.f32 v26, v6;
	v20 =	vmul.f32 v32, v7  }
0x3b0: {  	v18 =	vand.u32 $0x7FFFFFFF, v18;
	v19 =	vsub.f32 v19, v17;
	v14 =	vadd.f32 v15, v14  }
.Ltmp6:
0x3b1: {  	v17 =	vor.u32 v2, v10;
	v15 =	vadd.f32 v18, v13;
	v21 =	vmul.f32 v22, v5;
	(pc) =	sbr.rel @p0 .LBB2_15-.Ltmp6, $4  }
0x3b2: {  	v18 =	vand.u32 $0x7FFFFFFF, v19;
	v22 =	vsub.f32 v14, v40;
	v20 =	vadd.f32 v20, v16  }
0x3b3: {  	v16 =	vand.u32 $0x3F, v31;
	v19 =	vor.u32 v2, v11;
	v24 =	vadd.f32 v18, v15;
	v13 =	vld.idx.msk [tilespmem:v36+s20+$0x0], $0xffff  }
0x3b4: {  	s8 =	sadd.s32 $0x1, s7;
	v18 =	vor.u32 v2, v8;
	v22 =	vand.u32 $0x7FFFFFFF, v22;
	v21 =	vsub.f32 v20, v21;
	v14 =	vld.idx.msk [tilespmem:v35+s18+$0x0], $0xffff  }
0x3b5: {  	s7 =	sadd.s32 $0x8, s7;
	v23 =	vadd.s32 s8, v0;
	v20 =	vor.u32 v2, v16;
	v22 =	vadd.f32 v22, v24;
	v15 =	vld.idx.msk [tilespmem:v25+s19+$0x0], $0xffff  }
0x3b6: {  	_ =	sdelay $0x3  }
0x3b7: {  	v24 =	vor.u32 v4, v8;
	v12 =	vld.idx.msk [tilespmem:v12+s20+$0x0], $0xffff  }
0x3b8: {  	v23 =	vand.u32 $0x3F, v23;
	v17 =	vld.idx.msk [tilespmem:v17+s20+$0x0], $0xffff;
	v27 =	vor.u32 v4, v16  }
0x3b9: {  	v19 =	vld.idx.msk [tilespmem:v19+s20+$0x0], $0xffff;
	v26 =	vor.u32 v4, v23  }
0x3ba: {  	v18 =	vld.idx.msk [tilespmem:v18+s20+$0x0], $0xffff;
	v25 =	vor.u32 v2, v23;
	v23 =	vor.u32 v3, v23  }
0x3bb: {  	v20 =	vld.idx.msk [tilespmem:v20+s20+$0x0], $0xffff;
	v46 =	vor.u32 v3, v16  }
0x3bc: {  	v24 =	vld.idx.msk [tilespmem:v24+s18+$0x0], $0xffff  }
0x3bd: {  	v21 =	vand.u32 $0x7FFFFFFF, v21;
	v47 =	vor.u32 v3, v8;
	v27 =	vld.idx.msk [tilespmem:v27+s18+$0x0], $0xffff  }
0x3be: {  	v28 =	vor.u32 v4, v11;
	v49 =	vor.u32 v3, v11;
	v29 =	vor.u32 v4, v10;
	v26 =	vld.idx.msk [tilespmem:v26+s18+$0x0], $0xffff  }
0x3bf: {  	s7 =	sadd.s32 $0x7, s12;
	v50 =	vor.u32 v3, v10;
	v51 =	vor.u32 v4, v9;
	v52 =	vor.u32 v3, v9;
	v23 =	vld.idx.msk [tilespmem:v23+s19+$0x0], $0xffff  }
0x3c0: {  	v21 =	vadd.f32 v21, v22;
	v48 =	vadd.s32 s7, v0;
	v13 =	vmul.f32 v13, v5;
	v16 =	vld.idx.msk [tilespmem:v46+s19+$0x0], $0xffff  }
0x3c1: {  	v22 =	vand.u32 $0x3F, v48;
	v14 =	vmul.f32 v14, v6;
	v15 =	vmul.f32 v15, v7;
	v25 =	vld.idx.msk [tilespmem:v25+s20+$0x0], $0xffff  }
0x3c2: {  	v30 =	vor.u32 v4, v22;
	v12 =	vmul.f32 v12, v5;
	v8 =	vld.idx.msk [tilespmem:v47+s19+$0x0], $0xffff;
	v19 =	vmul.f32 v19, v5  }
0x3c3: {  	v17 =	vmul.f32 v17, v5;
	v28 =	vld.idx.msk [tilespmem:v28+s18+$0x0], $0xffff;
	v20 =	vmul.f32 v20, v5;
	v14 =	vadd.f32 v15, v14  }
0x3c4: {  	v3 =	vor.u32 v3, v22;
	v11 =	vld.idx.msk [tilespmem:v49+s19+$0x0], $0xffff;
	v53 =	vmul.f32 v26, v6;
	v23 =	vmul.f32 v23, v7  }
0x3c5: {  	v18 =	vmul.f32 v18, v5;
	v54 =	vld.idx.msk [tilespmem:v29+s18+$0x0], $0xffff;
	v13 =	vsub.f32 v14, v13;
	v27 =	vmul.f32 v27, v6  }
0x3c6: {  	v10 =	vld.idx.msk [tilespmem:v50+s19+$0x0], $0xffff;
	v56 =	vmul.f32 v16, v7;
	v25 =	vmul.f32 v25, v5;
	v55 =	vadd.f32 v23, v53  }
0x3c7: {  	v2 =	vor.u32 v2, v22;
	v4 =	vld.idx.msk [tilespmem:v51+s18+$0x0], $0xffff;
	v57 =	vmul.f32 v24, v6;
	v8 =	vmul.f32 v8, v7  }
0x3c8: {  	v9 =	vld.idx.msk [tilespmem:v52+s19+$0x0], $0xffff;
	v13 =	vand.u32 $0x7FFFFFFF, v13;
	v15 =	vadd.f32 v56, v27;
	v14 =	vsub.f32 v55, v25  }
0x3c9: {  	v59 =	vmul.f32 v28, v6;
	v11 =	vmul.f32 v11, v7;
	v13 =	vadd.f32 v13, v21  }
0x3ca: {  	v58 =	vld.idx.msk [tilespmem:v30+s18+$0x0], $0xffff;
	v8 =	vadd.f32 v8, v57;
	v15 =	vsub.f32 v15, v20;
	v14 =	vand.u32 $0x7FFFFFFF, v14  }
0x3cb: {  	v3 =	vld.idx.msk [tilespmem:v3+s19+$0x0], $0xffff;
	v60 =	vmul.f32 v54, v6;
	v10 =	vmul.f32 v10, v7;
	v13 =	vadd.f32 v14, v13  }
0x3cc: {  	v2 =	vld.idx.msk [tilespmem:v2+s20+$0x0], $0xffff;
	v11 =	vadd.f32 v11, v59;
	v8 =	vsub.f32 v8, v18;
	v15 =	vand.u32 $0x7FFFFFFF, v15  }
0x3cd: {  	v4 =	vmul.f32 v4, v6;
	v9 =	vmul.f32 v9, v7;
	v13 =	vadd.f32 v15, v13  }
0x3ce: {  	v10 =	vadd.f32 v10, v60;
	v11 =	vsub.f32 v11, v19;
	v8 =	vand.u32 $0x7FFFFFFF, v8  }
0x3cf: {  	v4 =	vadd.f32 v9, v4;
	v61 =	vmul.f32 v58, v6;
	v8 =	vadd.f32 v8, v13  }
0x3d0: {  	v3 =	vmul.f32 v3, v7;
	v10 =	vsub.f32 v10, v17;
	v62 =	vand.u32 $0x7FFFFFFF, v11  }
0x3d1: {  	v2 =	vmul.f32 v2, v5;
	v7 =	vadd.f32 v62, v8  }
0x3d2: {  	v4 =	vsub.f32 v4, v12;
	v3 =	vadd.f32 v3, v61;
	v63 =	vand.u32 $0x7FFFFFFF, v10  }
0x3d3: {  	v5 =	vadd.f32 v63, v7  }
0x3d4: {  	v4 =	vand.u32 $0x7FFFFFFF, v4;
	v2 =	vsub.f32 v3, v2  }
0x3d5: {  	v3 =	vadd.f32 v4, v5  }
0x3d6: {  	v2 =	vand.u32 $0x7FFFFFFF, v2  }
0x3d7: {  	s2 =	sor.u32 s5, s2;
	s0 =	sadd.s32 $0x1, s0;
	v2 =	vadd.f32 v2, v3  }
0x3d8: {  	s2 =	sshrl.u32 s2, $0x3;
	p0 =	sne.s32 s0, $0x10  }
.Ltmp7:
0x3d9: {  	s2 =	sadd.s32 s1, s2;
	[tilespmem:$0x18600] =	vst v2;
	(pc) =	sbr.rel @p0 .LBB2_2-.Ltmp7, $4  }
0x3da: {  	[hbm4b:s2+s3] =	stream.linear.scatter [tilespmem:s30], [sflag:$0x3], $0x10, $0x38;
	[tilespmem:$0x18680] =	vst v63  }
0x3db: {  	_ =	swait.ge [sflag:s11], $0x10  }
0x3dc: {  	[sflag:s11] =	ssyncset.done $0x0  }
0x3dd: {  	[sflag:s11] =	ssyncadd.s32 $0xFFFFFFF0  }
0x3de: {  	s2 =	rddreg [dreg:$0xa]  }
0x3df: {  	s0 =	rddreg [dreg:$0x9];
	s2 =	sadd.s32 $0x1, s2  }
0x3e0: {  	p0 =	sne.s32 s2, s0  }
.Ltmp8:
0x3e1: {  	_ = 	snop;
	(pc) =	sbr.rel @p0 .LBB2_1-.Ltmp8, $1  }
0x3e2: {  	_ =	sdelay $0x3  }
0x3e3: {  	_ =	sfence.sel $0x180000  }
0x3e4: {  	[bflag:$0x0] =	sbarrier.arrive $0xFFFF  }
0x3e5: {  	_ =	strace $0x90000047  }
0x3e6: {  	s0 =	stileid.u32;
	[bflag:$0x2] =	sbarrier.arrive $0xFFFF  }
0x3e7: {  	p0 =	sne.s32 s0, $0x0;
	s0 =	rddreg [dreg:$0x5]  }
0x3e8: {  	s0 =	sadd.s32 @!p0 $0x100000, s0  }
0x3e9: {  	[sflag:s0] =	ssyncadd.tile.s32 @!p0 $0x1;
	_ =	shalt  }
.Lfunc_end2:
_tile_overlayer_lowered:
.L_overlay_start_2:
0x3ea: {  	(tag) =	ssettag $0x2  }
0x3eb: {  	s0 =	rddreg [dreg:$0x0];
	s2 =	stileid.u32  }
0x3ec: {  	s1 =	rddreg [dreg:$0x1];
	p0 =	sne.s32 s2, $0x0  }
0x3ed: {  	s3 =	rddreg [dreg:$0x2];
	[bflag:$0x3] =	sbarrier.arrive $0xFFFF;
	s2 =	simm.s32 @!p0 $0x1C03  }
0x3ee: {  	[timem:s3], [sflag:s2] =	dma.local @!p0 [hbm:s0], s1  }
0x3ef: {  	s0 =	simm.s32 @!p0 $0x3  }
0x3f0: {  	_ =	swait.ge @!p0 [sflag:s0], s1  }
0x3f1: {  	s1 =	ssub.s32 @!p0 $0x0, s1;
	[sflag:s0] =	ssyncset.done @!p0 $0x0  }
0x3f2: {  	[sflag:s0] =	ssyncadd.s32 @!p0 s1  }
0x3f3: {  	[bflag:$0x3] =	sbarrier.arrive $0xFFFF  }
0x3f4: {  	_ =	shalt  }

</sc_bundles>
